<compile_context>
chip_gen: v7x
topology: tpu7x:2x2x1
jax: 0.10.2.dev20260603
libtpu: 0.0.44.dev20260713+nightly
codegen_flags: <defaults>
</compile_context>

<pallas_src>
import functools
import jax
import jax.numpy as jnp
from jax import lax
from jax.experimental import pallas as pl
from jax.experimental.pallas import tpu as pltpu
from jax.experimental.pallas import tpu_sc as plsc

N_NODES = 10000
E_EDGES = 320000
D = 128
DE = 16
NEG = 0.2

NW = 32
K = 128
CHUNKS = 80
CH0 = 118
CH1 = 2 * CHUNKS - CH0
PT = K * CHUNKS
EPAD = NW * PT
BN = 2048
BE = 4096
NDPAD = 10112
NDEN = 10240


def _proj_body(h_ref, ntf_ref, W_ref, as_ref, ad_ref, Wr_ref, b_ref,
               xs_ref, asout_ref, adp_ref, res_ref):
    h = h_ref[...]
    nt1 = ntf_ref[...]
    advals = []
    resvals = []
    for b in range(3):
        xs = jnp.dot(h, W_ref[b], preferred_element_type=jnp.float32)
        xs_ref[b] = xs
        asout_ref[b] = jnp.sum(xs * as_ref[b][None, :], axis=1)
        advals.append(jnp.sum(xs * ad_ref[b][None, :], axis=1))
        resvals.append(
            jnp.dot(h, Wr_ref[b], preferred_element_type=jnp.float32)
            + b_ref[b][None, :])
    nt = nt1[:, 0]
    adsel = jnp.where(nt == 0.0, advals[0],
                      jnp.where(nt == 1.0, advals[1], advals[2]))
    packed = (lax.bitcast_convert_type(adsel, jnp.int32) & ~3) | nt.astype(jnp.int32)
    adp_ref[...] = packed[:, None]
    res_ref[...] = jnp.where(
        nt1 == 0.0, resvals[0],
        jnp.where(nt1 == 1.0, resvals[1], resvals[2]))


def _alphae_body(ea_ref, We_ref, ae_ref, out_ref):
    ea = ea_ref[...]
    wvc = jnp.stack(
        [jnp.sum(We_ref[b] * ae_ref[b][None, :], axis=1) for b in range(3)],
        axis=1)
    i0 = lax.broadcasted_iota(jnp.int32, (128, 16), 0)
    i1 = lax.broadcasted_iota(jnp.int32, (128, 16), 1)
    s8 = jnp.where(i0 % 16 == i1, 1.0, 0.0)
    e0 = lax.broadcasted_iota(jnp.int32, (3, 24), 0)
    e1 = lax.broadcasted_iota(jnp.int32, (3, 24), 1)
    e3 = jnp.where(e1 // 8 == e0, 1.0, 0.0)
    m0 = lax.broadcasted_iota(jnp.int32, (128, 24), 0)
    m1 = lax.broadcasted_iota(jnp.int32, (128, 24), 1)
    mask = jnp.where(m0 // 16 == m1 % 8, 1.0, 0.0)
    wvband = jnp.dot(jnp.dot(s8, wvc, preferred_element_type=jnp.float32),
                     e3, preferred_element_type=jnp.float32)
    mv = wvband * mask
    out_ref[...] = jnp.dot(ea, mv,
                           preferred_element_type=jnp.float32)


def _combine_body(a_ref, d_ref, res_ref, out_ref):
    a = a_ref[0] + a_ref[1]
    den = d_ref[0, :, 0] + d_ref[1, :, 0] + 1e-16
    out_ref[...] = jnp.maximum(a * (1.0 / den)[:, None] + res_ref[...], 0.0)


_sc_mesh = plsc.VectorSubcoreMesh(core_axis_name="c", subcore_axis_name="s")


@functools.partial(
    pl.kernel,
    out_type=[jax.ShapeDtypeStruct((2, NDPAD, D), jnp.float32),
              jax.ShapeDtypeStruct((NDEN,), jnp.float32),
              jax.ShapeDtypeStruct((NDEN,), jnp.float32)],
    mesh=_sc_mesh,
    scratch_types=[
        pltpu.VMEM((N_NODES,), jnp.int32),
        pltpu.VMEM((2, K), jnp.int32),
        pltpu.VMEM((2, K), jnp.int32),
        pltpu.VMEM((16, 24), jnp.float32),
        pltpu.VMEM((16, 24), jnp.float32),
        pltpu.VMEM((K,), jnp.int32),
        pltpu.VMEM((K,), jnp.int32),
        pltpu.VMEM((K,), jnp.int32),
        pltpu.VMEM((K,), jnp.int32),
        pltpu.VMEM((K,), jnp.float32),
        pltpu.VMEM((K,), jnp.float32),
        pltpu.VMEM((K,), jnp.float32),
        pltpu.VMEM((K,), jnp.float32),
        pltpu.VMEM((K,), jnp.float32),
        pltpu.VMEM((K,), jnp.float32),
        pltpu.VMEM((K,), jnp.int32),
        pltpu.VMEM((K,), jnp.int32),
        pltpu.VMEM((K, D), jnp.float32),
        pltpu.VMEM((K, D), jnp.float32),
        pltpu.VMEM_SHARED((NDPAD, D), jnp.float32),
        pltpu.VMEM_SHARED((NDEN,), jnp.float32),
        pltpu.SemaphoreType.DMA,
        pltpu.SemaphoreType.DMA,
        pltpu.SemaphoreType.DMA,
        pltpu.SemaphoreType.DMA,
        pltpu.SemaphoreType.DMA,
        pltpu.SemaphoreType.DMA,
        pltpu.SemaphoreType.DMA,
        pltpu.SemaphoreType.DMA,
        pltpu.SemaphoreType.DMA,
    ],
    compiler_params=pltpu.CompilerParams(needs_layout_passes=False))
def _edge_kernel(xs_hbm, meta_hbm, aeg_hbm, asf_hbm, adp_hbm,
                 acc_out, den0_out, den1_out,
                 adp_v, meta_a, meta_b, aeg_a, aeg_b, idx_a, idx_b,
                 dst_a, dst_b,
                 al_a, al_b, as_a, as_b, ex_a, ex_b, sdst_a, sdst_b,
                 rows_a, rows_b, ACC, DEN,
                 semm, semr_a, semr_b, sema_a, sema_b,
                 semsc_a, semsc_b, semsd_a, semsd_b):
    c = lax.axis_index("c")
    s = lax.axis_index("s")
    nch = jnp.where(c == 0, CH0, CH1)
    racc = NDPAD // 16
    rden = NDEN // 16
    zv = jnp.zeros((16,), jnp.float32)

    def zero_body(e, carry):
        for j in range(D // 16):
            rows_a[e, pl.ds(j * 16, 16)] = zv
        return carry

    lax.fori_loop(0, K, zero_body, 0)
    for j in range(8):
        al_a[pl.ds(j * 16, 16)] = zv
    for t in range(pl.cdiv(racc, K)):
        sz = min(K, racc - t * K)
        pltpu.sync_copy(rows_a.at[pl.ds(0, sz)],
                        ACC.at[pl.ds(s * racc + t * K, sz)])
    for t in range(pl.cdiv(rden, K)):
        sz = min(K, rden - t * K)
        pltpu.sync_copy(al_a.at[pl.ds(0, sz)],
                        DEN.at[pl.ds(s * rden + t * K, sz)])
    pltpu.sync_copy(adp_hbm, adp_v)
    plsc.subcore_barrier()

    ebase = jnp.where(c == 0, s * (CH0 * K), (16 * CH0 + s * CH1) * K)
    ebase8 = jnp.where(c == 0, s * (CH0 * (K // 8)),
                       (16 * CH0 + s * CH1) * (K // 8))
    iota16 = lax.iota(jnp.int32, 16)

    bufs_a = (meta_a, idx_a, dst_a, al_a, as_a, ex_a, rows_a, sdst_a,
              semr_a, sema_a, semsc_a, semsd_a, aeg_a)
    bufs_b = (meta_b, idx_b, dst_b, al_b, as_b, ex_b, rows_b, sdst_b,
              semr_b, sema_b, semsc_b, semsd_b, aeg_b)

    lane8 = lax.iota(jnp.int32, 16) % 8
    lane_hi = lax.iota(jnp.int32, 16) // 8

    def alpha_phase(P, base):
        meta_v, idx_v, dst_v, al_v = P[0], P[1], P[2], P[3]
        aeg_v = P[12]
        for i in range(K // 16):
            sl = pl.ds(i * 16, 16)
            src16 = meta_v[0, sl]
            dst16 = meta_v[1, sl]
            pv = plsc.load_gather(adp_v, [dst16])
            b16 = pv & 3
            adv = plsc.bitcast(pv & ~3, jnp.float32)
            aev = plsc.load_gather(aeg_v, [lane_hi + 2 * i, b16 * 8 + lane8])
            idx_v[sl] = b16 * N_NODES + src16
            dst_v[sl] = dst16
            al_v[sl] = adv + aev

    def issue_gathers(P):
        pltpu.async_copy(xs_hbm.at[P[1]], P[6], P[8])
        pltpu.async_copy(asf_hbm.at[P[1]], P[4], P[9])

    def wait_gathers(P):
        pltpu.make_async_copy(asf_hbm.at[P[1]], P[4], P[9]).wait()
        pltpu.make_async_copy(xs_hbm.at[P[1]], P[6], P[8]).wait()

    def issue_scatters(P):
        pltpu.async_copy(P[6], ACC.at[P[7]], P[10], add=True)
        pltpu.async_copy(P[5], DEN.at[P[7]], P[11], add=True)

    def wait_scatters(P):
        pltpu.make_async_copy(P[6], ACC.at[P[7]], P[10]).wait()
        pltpu.make_async_copy(P[5], DEN.at[P[7]], P[11]).wait()

    pltpu.sync_copy(meta_hbm.at[:, pl.ds(ebase, K)], meta_a)
    pltpu.sync_copy(aeg_hbm.at[pl.ds(ebase8, K // 8)], aeg_a)
    alpha_phase(bufs_a, ebase)
    issue_gathers(bufs_a)
    pltpu.async_copy(meta_hbm.at[:, pl.ds(ebase + K, K)], meta_b, semm)
    pltpu.async_copy(aeg_hbm.at[pl.ds(ebase8 + K // 8, K // 8)], aeg_b, semm)

    def step(ci, P, Q):
        meta_v, idx_v, dst_v, al_v, as_v, ex_v, rows_v, sdst_v = P[:8]
        base = ebase + ci * K
        base8 = ebase8 + ci * (K // 8)

        @pl.when(ci < nch - 1)
        def _prefetch():
            pltpu.make_async_copy(
                meta_hbm.at[:, pl.ds(base + K, K)], Q[0], semm).wait()
            pltpu.make_async_copy(
                aeg_hbm.at[pl.ds(base8 + K // 8, K // 8)],
                Q[12], semm).wait()
            alpha_phase(Q, base + K)

            @pl.when(ci < nch - 2)
            def _meta_next():
                pltpu.async_copy(
                    meta_hbm.at[:, pl.ds(base + 2 * K, K)], meta_v, semm)
                pltpu.async_copy(
                    aeg_hbm.at[pl.ds(base8 + 2 * (K // 8), K // 8)],
                    P[12], semm)

        wait_gathers(P)

        @pl.when(ci >= 1)
        def _drain_scatter():
            wait_scatters(Q)

        @pl.when(ci < nch - 1)
        def _gathers_next():
            issue_gathers(Q)

        for i in range(K // 16):
            sl = pl.ds(i * 16, 16)
            al = al_v[sl] + as_v[sl]
            al = jnp.where(al >= 0.0, al, NEG * al)
            ex = jnp.exp(al)
            ge = base + i * 16 + iota16
            ex_v[sl] = jnp.where(ge < E_EDGES, ex, 0.0)
            sdst_v[sl] = dst_v[sl]

        def scale_body(e2, inner):
            for dd in range(2):
                e = e2 * 2 + dd
                exb = plsc.load_gather(ex_v, [lax.broadcast(e, (16,))])
                for j in range(D // 16):
                    sl = pl.ds(j * 16, 16)
                    rows_v[e, sl] = rows_v[e, sl] * exb
            return inner

        lax.fori_loop(0, K // 2, scale_body, 0)
        issue_scatters(P)

    def pair_body(t, carry):
        step(t * 2, bufs_a, bufs_b)
        step(t * 2 + 1, bufs_b, bufs_a)
        return carry

    lax.fori_loop(0, nch // 2, pair_body, 0)
    wait_scatters(bufs_b)
    plsc.subcore_barrier()
    pltpu.sync_copy(ACC.at[pl.ds(s * racc, racc)],
                    acc_out.at[c, pl.ds(s * racc, racc)])

    @pl.when(c == 0)
    def _wb_den0():
        pltpu.sync_copy(DEN.at[pl.ds(s * rden, rden)],
                        den0_out.at[pl.ds(s * rden, rden)])

    @pl.when(c == 1)
    def _wb_den1():
        pltpu.sync_copy(DEN.at[pl.ds(s * rden, rden)],
                        den1_out.at[pl.ds(s * rden, rden)])


def kernel(h, edge_index, edge_attr, node_type,
           W_var, as_var, ad_var, We_var, ae_var, Wr_var, b_var,
           W_red, as_red, ad_red, We_red, ae_red, Wr_red, b_red,
           W_irr, as_irr, ad_irr, We_irr, ae_irr, Wr_irr, b_irr):
    f32 = jnp.float32
    ntf = node_type.astype(f32)[:, None]
    Wstk = jnp.stack([W_var, W_red, W_irr])
    as_stk = jnp.stack([as_var, as_red, as_irr])
    ad_stk = jnp.stack([ad_var, ad_red, ad_irr])
    Wr_stk = jnp.stack([Wr_var, Wr_red, Wr_irr])
    b_stk = jnp.stack([b_var, b_red, b_irr])
    We_stk = jnp.stack([We_var, We_red, We_irr])
    ae_stk = jnp.stack([ae_var, ae_red, ae_irr])

    nblocks = pl.cdiv(N_NODES, BN)
    XS, AS, ADP, RES = pl.pallas_call(
        _proj_body,
        grid=(nblocks,),
        in_specs=[
            pl.BlockSpec((BN, D), lambda i: (i, 0)),
            pl.BlockSpec((BN, 1), lambda i: (i, 0)),
            pl.BlockSpec((3, D, D), lambda i: (0, 0, 0)),
            pl.BlockSpec((3, D), lambda i: (0, 0)),
            pl.BlockSpec((3, D), lambda i: (0, 0)),
            pl.BlockSpec((3, D, D), lambda i: (0, 0, 0)),
            pl.BlockSpec((3, D), lambda i: (0, 0)),
        ],
        out_specs=[
            pl.BlockSpec((3, BN, D), lambda i: (0, i, 0)),
            pl.BlockSpec((3, BN), lambda i: (0, i)),
            pl.BlockSpec((BN, 1), lambda i: (i, 0)),
            pl.BlockSpec((BN, D), lambda i: (i, 0)),
        ],
        out_shape=[
            jax.ShapeDtypeStruct((3, N_NODES, D), f32),
            jax.ShapeDtypeStruct((3, N_NODES), f32),
            jax.ShapeDtypeStruct((N_NODES, 1), jnp.int32),
            jax.ShapeDtypeStruct((N_NODES, D), f32),
        ],
    )(h, ntf, Wstk, as_stk, ad_stk, Wr_stk, b_stk)

    ea8 = edge_attr.reshape(E_EDGES // 8, 8 * DE)
    BR = 4096
    AEG = pl.pallas_call(
        _alphae_body,
        grid=(pl.cdiv(E_EDGES // 8, BR),),
        in_specs=[
            pl.BlockSpec((BR, 8 * DE), lambda i: (i, 0)),
            pl.BlockSpec((3, DE, D), lambda i: (0, 0, 0)),
            pl.BlockSpec((3, D), lambda i: (0, 0)),
        ],
        out_specs=pl.BlockSpec((BR, 24), lambda i: (i, 0)),
        out_shape=jax.ShapeDtypeStruct((EPAD // 8, 24), f32),
    )(ea8, We_stk, ae_stk)

    meta = jnp.pad(edge_index, ((0, 0), (0, EPAD - E_EDGES)))
    XSf = XS.reshape(3 * N_NODES, D)
    ASf = AS.reshape(3 * N_NODES)

    ACC2, DEN0, DEN1 = _edge_kernel(XSf, meta, AEG, ASf, ADP.reshape(N_NODES))
    DEN2 = jnp.stack([DEN0, DEN1])

    out = pl.pallas_call(
        _combine_body,
        grid=(nblocks,),
        in_specs=[
            pl.BlockSpec((2, BN, D), lambda i: (0, i, 0)),
            pl.BlockSpec((2, BN, 1), lambda i: (0, i, 0)),
            pl.BlockSpec((BN, D), lambda i: (i, 0)),
        ],
        out_specs=pl.BlockSpec((BN, D), lambda i: (i, 0)),
        out_shape=jax.ShapeDtypeStruct((N_NODES, D), f32),
    )(ACC2[:, :N_NODES], DEN2[:, :N_NODES, None], RES)
    return out

# --- scband reference (transcript-rebuilt; emitter-appended) ---
"""Pipeline reference for scband-cnf-processing-block-15040975470804 (READ-ONLY COPY).

The authoritative reference and input builder live on the scoring server;
editing this copy changes nothing except your own understanding.
"""

import jax, jax.numpy as jnp
import numpy as np

N = 10000
E = 320000
D = 128
DE = 16
NEG_SLOPE = 0.2


def _make_conv_params(key, name, inp):
    ks = jax.random.split(key, 7)
    inp[f"W_{name}"] = jax.random.normal(ks[0], (D, D), dtype=jnp.float32) * 0.1
    inp[f"as_{name}"] = jax.random.normal(ks[1], (D,), dtype=jnp.float32) * 0.1
    inp[f"ad_{name}"] = jax.random.normal(ks[2], (D,), dtype=jnp.float32) * 0.1
    inp[f"We_{name}"] = jax.random.normal(ks[3], (DE, D), dtype=jnp.float32) * 0.1
    inp[f"ae_{name}"] = jax.random.normal(ks[4], (D,), dtype=jnp.float32) * 0.1
    inp[f"Wr_{name}"] = jax.random.normal(ks[5], (D, D), dtype=jnp.float32) * 0.1
    inp[f"b_{name}"] = jnp.zeros((D,), dtype=jnp.float32)


def setup_inputs(seed: int = 0):
    key = jax.random.key(seed)
    ks = jax.random.split(key, 8)
    inp = {}
    inp["h"] = jax.random.normal(ks[0], (N, D), dtype=jnp.float32)
    inp["edge_index"] = jax.random.randint(ks[1], (2, E), 0, N, dtype=jnp.int32)
    inp["edge_attr"] = jax.random.normal(ks[2], (E, DE), dtype=jnp.float32)
    inp["node_type"] = jax.random.randint(ks[3], (N,), 0, 3, dtype=jnp.int32)
    _make_conv_params(ks[4], "var", inp)
    _make_conv_params(ks[5], "red", inp)
    _make_conv_params(ks[6], "irr", inp)
    return inp


def _gat_conv(x, edge_index, edge_attr, W, a_src, a_dst, We, a_e, Wres, b):
    # PyG GATConv, heads=1, concat=True, residual=True, edge_dim=DE
    src = edge_index[0]
    dst = edge_index[1]
    n = x.shape[0]
    xs = x @ W  # [N, D]
    alpha_src = jnp.sum(xs * a_src, axis=-1)  # [N]
    alpha_dst = jnp.sum(xs * a_dst, axis=-1)  # [N]
    ef = edge_attr @ We  # [E, D]
    alpha_e = jnp.sum(ef * a_e, axis=-1)  # [E]
    alpha = alpha_src[src] + alpha_dst[dst] + alpha_e  # [E]
    alpha = jax.nn.leaky_relu(alpha, NEG_SLOPE)
    # softmax over edges grouped by destination node
    amax = jax.ops.segment_max(alpha, dst, num_segments=n)
    amax = jnp.where(jnp.isfinite(amax), amax, 0.0)
    ex = jnp.exp(alpha - amax[dst])
    denom = jax.ops.segment_sum(ex, dst, num_segments=n)
    coef = ex / (denom[dst] + 1e-16)
    msg = xs[src] * coef[:, None]  # [E, D]
    out = jax.ops.segment_sum(msg, dst, num_segments=n)
    # residual projection + bias
    out = out + x @ Wres + b
    return out


def reference(h, edge_index, edge_attr, node_type,
              W_var, as_var, ad_var, We_var, ae_var, Wr_var, b_var,
              W_red, as_red, ad_red, We_red, ae_red, Wr_red, b_red,
              W_irr, as_irr, ad_irr, We_irr, ae_irr, Wr_irr, b_irr):
    out_var = _gat_conv(h, edge_index, edge_attr, W_var, as_var, ad_var, We_var, ae_var, Wr_var, b_var)
    out_red = _gat_conv(h, edge_index, edge_attr, W_red, as_red, ad_red, We_red, ae_red, Wr_red, b_red)
    out_irr = _gat_conv(h, edge_index, edge_attr, W_irr, as_irr, ad_irr, We_irr, ae_irr, Wr_irr, b_irr)
    nt = node_type[:, None]
    out = jnp.where(nt == 0, out_var, jnp.where(nt == 1, out_red, out_irr))
    return jax.nn.relu(out)

if __name__ == "__main__":
    import jax
    _d = setup_inputs()
    print(jax.jit(kernel)(*tuple(_d.values())))

</pallas_src>

<mosaic_0001>
#map = affine_map<(d0, d1) -> (0, 0)>
#map1 = affine_map<(d0, d1) -> (0)>
#map2 = affine_map<(d0, d1) -> (0, 0, 0)>
module attributes {stable_mosaic.version = 14 : i64} {
  func.func @_edge_kernel(%arg0: i32, %arg1: i32, %arg2: memref<30000x128xf32, #tpu.memory_space<hbm>>, %arg3: memref<2x327680xi32, #tpu.memory_space<hbm>>, %arg4: memref<40960x24xf32, #tpu.memory_space<hbm>>, %arg5: memref<30000xf32, #tpu.memory_space<hbm>>, %arg6: memref<10000xi32, #tpu.memory_space<hbm>>, %arg7: memref<2x10112x128xf32, #tpu.memory_space<hbm>>, %arg8: memref<10240xf32, #tpu.memory_space<hbm>>, %arg9: memref<10240xf32, #tpu.memory_space<hbm>>, %arg10: memref<10000xi32, #tpu.memory_space<vmem>>, %arg11: memref<2x128xi32, #tpu.memory_space<vmem>>, %arg12: memref<2x128xi32, #tpu.memory_space<vmem>>, %arg13: memref<16x24xf32, #tpu.memory_space<vmem>>, %arg14: memref<16x24xf32, #tpu.memory_space<vmem>>, %arg15: memref<128xi32, #tpu.memory_space<vmem>>, %arg16: memref<128xi32, #tpu.memory_space<vmem>>, %arg17: memref<128xi32, #tpu.memory_space<vmem>>, %arg18: memref<128xi32, #tpu.memory_space<vmem>>, %arg19: memref<128xf32, #tpu.memory_space<vmem>>, %arg20: memref<128xf32, #tpu.memory_space<vmem>>, %arg21: memref<128xf32, #tpu.memory_space<vmem>>, %arg22: memref<128xf32, #tpu.memory_space<vmem>>, %arg23: memref<128xf32, #tpu.memory_space<vmem>>, %arg24: memref<128xf32, #tpu.memory_space<vmem>>, %arg25: memref<128xi32, #tpu.memory_space<vmem>>, %arg26: memref<128xi32, #tpu.memory_space<vmem>>, %arg27: memref<128x128xf32, #tpu.memory_space<vmem>>, %arg28: memref<128x128xf32, #tpu.memory_space<vmem>>, %arg29: memref<10112x128xf32, #tpu.memory_space<vmem_shared>>, %arg30: memref<10240xf32, #tpu.memory_space<vmem_shared>>, %arg31: memref<!tpu.dma_semaphore, #tpu.memory_space<semaphore_mem>>, %arg32: memref<!tpu.dma_semaphore, #tpu.memory_space<semaphore_mem>>, %arg33: memref<!tpu.dma_semaphore, #tpu.memory_space<semaphore_mem>>, %arg34: memref<!tpu.dma_semaphore, #tpu.memory_space<semaphore_mem>>, %arg35: memref<!tpu.dma_semaphore, #tpu.memory_space<semaphore_mem>>, %arg36: memref<!tpu.dma_semaphore, #tpu.memory_space<semaphore_mem>>, %arg37: memref<!tpu.dma_semaphore, #tpu.memory_space<semaphore_mem>>, %arg38: memref<!tpu.dma_semaphore, #tpu.memory_space<semaphore_mem>>, %arg39: memref<!tpu.dma_semaphore, #tpu.memory_space<semaphore_mem>>) attributes {dimension_semantics = [#tpu.dimension_semantics<core_parallel>, #tpu.dimension_semantics<subcore_parallel>], iteration_bounds = array<i64: 2, 16>, scalar_prefetch = 0 : i64, scratch_operands = 30 : i64, tpu.core_type = #tpu.core_type<sc_vector_subcore>, window_params = [{transform_indices = #map}, {transform_indices = #map}, {transform_indices = #map}, {transform_indices = #map1}, {transform_indices = #map1}, {transform_indices = #map2}, {transform_indices = #map1}, {transform_indices = #map1}]} {
    %eq3A = arith.constant 0 : i32
    %eq3A_0 = arith.cmpi eq, %arg0, %eq3A : i32
    %jit3A = arith.constant 118 : i32
    %jit3A_1 = arith.constant 42 : i32
    %select_n3A = arith.select %eq3A_0, %jit3A, %jit3A_1 : i32
    %broadcast_in_dim3A = arith.constant 0.000000e+00 : f32
    %broadcast_in_dim3A_2 = vector.broadcast %broadcast_in_dim3A : f32 to vector<16xf32>
    %scan3A = arith.constant 0 : i32
    %scan3A_3 = arith.constant 0 : i32
    %scan3A_4 = arith.constant 128 : i32
    %scan3A_5 = arith.addi %scan3A_3, %scan3A_4 : i32
    %scan3A_6 = arith.constant 1 : i32
    scf.for %scan3A_474 = %scan3A_3 to %scan3A_5 step %scan3A_6  : i32 {
      %swap3A_475 = arith.index_cast %scan3A_474 : i32 to index
      %swap3A_476 = arith.constant 0 : index
      %swap3A_477 = tpu.vector_load %arg27[%swap3A_475, %swap3A_476] {strides = array<i32>} : memref<128x128xf32, #tpu.memory_space<vmem>>, vector<16xf32>,
      tpu.vector_store %arg27[%swap3A_475, %swap3A_476], %broadcast_in_dim3A_2 {strides = array<i32>} : memref<128x128xf32, #tpu.memory_space<vmem>>, vector<16xf32>,
      %swap3A_478 = arith.index_cast %scan3A_474 : i32 to index
      %swap3A_479 = arith.constant 16 : index
      %swap3A_480 = tpu.vector_load %arg27[%swap3A_478, %swap3A_479] {strides = array<i32>} : memref<128x128xf32, #tpu.memory_space<vmem>>, vector<16xf32>,
      tpu.vector_store %arg27[%swap3A_478, %swap3A_479], %broadcast_in_dim3A_2 {strides = array<i32>} : memref<128x128xf32, #tpu.memory_space<vmem>>, vector<16xf32>,
      %swap3A_481 = arith.index_cast %scan3A_474 : i32 to index
      %swap3A_482 = arith.constant 32 : index
      %swap3A_483 = tpu.vector_load %arg27[%swap3A_481, %swap3A_482] {strides = array<i32>} : memref<128x128xf32, #tpu.memory_space<vmem>>, vector<16xf32>,
      tpu.vector_store %arg27[%swap3A_481, %swap3A_482], %broadcast_in_dim3A_2 {strides = array<i32>} : memref<128x128xf32, #tpu.memory_space<vmem>>, vector<16xf32>,
      %swap3A_484 = arith.index_cast %scan3A_474 : i32 to index
      %swap3A_485 = arith.constant 48 : index
      %swap3A_486 = tpu.vector_load %arg27[%swap3A_484, %swap3A_485] {strides = array<i32>} : memref<128x128xf32, #tpu.memory_space<vmem>>, vector<16xf32>,
      tpu.vector_store %arg27[%swap3A_484, %swap3A_485], %broadcast_in_dim3A_2 {strides = array<i32>} : memref<128x128xf32, #tpu.memory_space<vmem>>, vector<16xf32>,
      %swap3A_487 = arith.index_cast %scan3A_474 : i32 to index
      %swap3A_488 = arith.constant 64 : index
      %swap3A_489 = tpu.vector_load %arg27[%swap3A_487, %swap3A_488] {strides = array<i32>} : memref<128x128xf32, #tpu.memory_space<vmem>>, vector<16xf32>,
      tpu.vector_store %arg27[%swap3A_487, %swap3A_488], %broadcast_in_dim3A_2 {strides = array<i32>} : memref<128x128xf32, #tpu.memory_space<vmem>>, vector<16xf32>,
      %swap3A_490 = arith.index_cast %scan3A_474 : i32 to index
      %swap3A_491 = arith.constant 80 : index
      %swap3A_492 = tpu.vector_load %arg27[%swap3A_490, %swap3A_491] {strides = array<i32>} : memref<128x128xf32, #tpu.memory_space<vmem>>, vector<16xf32>,
      tpu.vector_store %arg27[%swap3A_490, %swap3A_491], %broadcast_in_dim3A_2 {strides = array<i32>} : memref<128x128xf32, #tpu.memory_space<vmem>>, vector<16xf32>,
      %swap3A_493 = arith.index_cast %scan3A_474 : i32 to index
      %swap3A_494 = arith.constant 96 : index
      %swap3A_495 = tpu.vector_load %arg27[%swap3A_493, %swap3A_494] {strides = array<i32>} : memref<128x128xf32, #tpu.memory_space<vmem>>, vector<16xf32>,
      tpu.vector_store %arg27[%swap3A_493, %swap3A_494], %broadcast_in_dim3A_2 {strides = array<i32>} : memref<128x128xf32, #tpu.memory_space<vmem>>, vector<16xf32>,
      %swap3A_496 = arith.index_cast %scan3A_474 : i32 to index
      %swap3A_497 = arith.constant 112 : index
      %swap3A_498 = tpu.vector_load %arg27[%swap3A_496, %swap3A_497] {strides = array<i32>} : memref<128x128xf32, #tpu.memory_space<vmem>>, vector<16xf32>,
      tpu.vector_store %arg27[%swap3A_496, %swap3A_497], %broadcast_in_dim3A_2 {strides = array<i32>} : memref<128x128xf32, #tpu.memory_space<vmem>>, vector<16xf32>,
    }
    %scan3A_7 = arith.constant 128 : i32
    %swap3A = arith.constant 0 : index
    %swap3A_8 = tpu.vector_load %arg19[%swap3A] {strides = array<i32>} : memref<128xf32, #tpu.memory_space<vmem>>, vector<16xf32>,
    tpu.vector_store %arg19[%swap3A], %broadcast_in_dim3A_2 {strides = array<i32>} : memref<128xf32, #tpu.memory_space<vmem>>, vector<16xf32>,
    %swap3A_9 = arith.constant 16 : index
    %swap3A_10 = tpu.vector_load %arg19[%swap3A_9] {strides = array<i32>} : memref<128xf32, #tpu.memory_space<vmem>>, vector<16xf32>,
    tpu.vector_store %arg19[%swap3A_9], %broadcast_in_dim3A_2 {strides = array<i32>} : memref<128xf32, #tpu.memory_space<vmem>>, vector<16xf32>,
    %swap3A_11 = arith.constant 32 : index
    %swap3A_12 = tpu.vector_load %arg19[%swap3A_11] {strides = array<i32>} : memref<128xf32, #tpu.memory_space<vmem>>, vector<16xf32>,
    tpu.vector_store %arg19[%swap3A_11], %broadcast_in_dim3A_2 {strides = array<i32>} : memref<128xf32, #tpu.memory_space<vmem>>, vector<16xf32>,
    %swap3A_13 = arith.constant 48 : index
    %swap3A_14 = tpu.vector_load %arg19[%swap3A_13] {strides = array<i32>} : memref<128xf32, #tpu.memory_space<vmem>>, vector<16xf32>,
    tpu.vector_store %arg19[%swap3A_13], %broadcast_in_dim3A_2 {strides = array<i32>} : memref<128xf32, #tpu.memory_space<vmem>>, vector<16xf32>,
    %swap3A_15 = arith.constant 64 : index
    %swap3A_16 = tpu.vector_load %arg19[%swap3A_15] {strides = array<i32>} : memref<128xf32, #tpu.memory_space<vmem>>, vector<16xf32>,
    tpu.vector_store %arg19[%swap3A_15], %broadcast_in_dim3A_2 {strides = array<i32>} : memref<128xf32, #tpu.memory_space<vmem>>, vector<16xf32>,
    %swap3A_17 = arith.constant 80 : index
    %swap3A_18 = tpu.vector_load %arg19[%swap3A_17] {strides = array<i32>} : memref<128xf32, #tpu.memory_space<vmem>>, vector<16xf32>,
    tpu.vector_store %arg19[%swap3A_17], %broadcast_in_dim3A_2 {strides = array<i32>} : memref<128xf32, #tpu.memory_space<vmem>>, vector<16xf32>,
    %swap3A_19 = arith.constant 96 : index
    %swap3A_20 = tpu.vector_load %arg19[%swap3A_19] {strides = array<i32>} : memref<128xf32, #tpu.memory_space<vmem>>, vector<16xf32>,
    tpu.vector_store %arg19[%swap3A_19], %broadcast_in_dim3A_2 {strides = array<i32>} : memref<128xf32, #tpu.memory_space<vmem>>, vector<16xf32>,
    %swap3A_21 = arith.constant 112 : index
    %swap3A_22 = tpu.vector_load %arg19[%swap3A_21] {strides = array<i32>} : memref<128xf32, #tpu.memory_space<vmem>>, vector<16xf32>,
    tpu.vector_store %arg19[%swap3A_21], %broadcast_in_dim3A_2 {strides = array<i32>} : memref<128xf32, #tpu.memory_space<vmem>>, vector<16xf32>,
    %mul3A = arith.constant 632 : i32
    %mul3A_23 = arith.muli %arg1, %mul3A : i32
    %add3A = arith.constant 0 : i32
    %add3A_24 = arith.addi %mul3A_23, %add3A : i32
    "tpu.region"() ({
      %run_scoped3A = tpu.sem_alloc : memref<!tpu.dma_semaphore, #tpu.memory_space<semaphore_mem>>
      %dma_start3A_474 = arith.constant 0 : i32
      %dma_start3A_475 = arith.constant 0 : i32
      %dma_start3A_476 = tpu.memref_slice %arg27[%dma_start3A_474, %dma_start3A_475] : memref<128x128xf32, #tpu.memory_space<vmem>> -> memref<128x128xf32, #tpu.memory_space<vmem>>
      %dma_start3A_477 = arith.constant 0 : i32
      %dma_start3A_478 = tpu.memref_slice %arg29[%add3A_24, %dma_start3A_477] : memref<10112x128xf32, #tpu.memory_space<vmem_shared>> -> memref<128x128xf32, #tpu.memory_space<vmem_shared>>
      %dma_start3A_479 = arith.constant 0 : i32
      %dma_start3A_480 = tpu.memref_slice %arg29[%add3A_24, %dma_start3A_479] : memref<10112x128xf32, #tpu.memory_space<vmem_shared>> -> memref<128x128xf32, #tpu.memory_space<vmem_shared>>
      %dma_start3A_481 = arith.constant 0 : i32
      %dma_start3A_482 = arith.constant 0 : i32
      %dma_start3A_483 = tpu.memref_slice %arg27[%dma_start3A_481, %dma_start3A_482] : memref<128x128xf32, #tpu.memory_space<vmem>> -> memref<128x128xf32, #tpu.memory_space<vmem>>
      tpu.enqueue_dma source(%dma_start3A_483 : memref<128x128xf32, #tpu.memory_space<vmem>>) target(%dma_start3A_480 : memref<128x128xf32, #tpu.memory_space<vmem_shared>>) target_semaphore(%run_scoped3A : memref<!tpu.dma_semaphore, #tpu.memory_space<semaphore_mem>>)
      %dma_wait3A_484 = arith.constant 0 : i32
      %dma_wait3A_485 = arith.constant 0 : i32
      %dma_wait3A_486 = tpu.memref_slice %arg27[%dma_wait3A_484, %dma_wait3A_485] : memref<128x128xf32, #tpu.memory_space<vmem>> -> memref<128x128xf32, #tpu.memory_space<vmem>>
      %dma_wait3A_487 = arith.constant 0 : i32
      %dma_wait3A_488 = tpu.memref_slice %arg29[%add3A_24, %dma_wait3A_487] : memref<10112x128xf32, #tpu.memory_space<vmem_shared>> -> memref<128x128xf32, #tpu.memory_space<vmem_shared>>
      %dma_wait3A_489 = arith.constant 0 : i32
      %dma_wait3A_490 = tpu.memref_slice %arg29[%add3A_24, %dma_wait3A_489] : memref<10112x128xf32, #tpu.memory_space<vmem_shared>> -> memref<128x128xf32, #tpu.memory_space<vmem_shared>>
      %dma_wait3A_491 = arith.constant 0 : i32
      %dma_wait3A_492 = arith.constant 0 : i32
      %dma_wait3A_493 = tpu.memref_slice %arg27[%dma_wait3A_491, %dma_wait3A_492] : memref<128x128xf32, #tpu.memory_space<vmem>> -> memref<128x128xf32, #tpu.memory_space<vmem>>
      tpu.wait_dma2 semaphore(%run_scoped3A : memref<!tpu.dma_semaphore, #tpu.memory_space<semaphore_mem>>) src(%dma_wait3A_493 : memref<128x128xf32, #tpu.memory_space<vmem>>) dst(%dma_wait3A_490 : memref<128x128xf32, #tpu.memory_space<vmem_shared>>)
      tpu.yield
    }) : () -> ()
    %mul3A_25 = arith.constant 632 : i32
    %mul3A_26 = arith.muli %arg1, %mul3A_25 : i32
    %add3A_27 = arith.constant 128 : i32
    %add3A_28 = arith.addi %mul3A_26, %add3A_27 : i32
    "tpu.region"() ({
      %run_scoped3A = tpu.sem_alloc : memref<!tpu.dma_semaphore, #tpu.memory_space<semaphore_mem>>
      %dma_start3A_474 = arith.constant 0 : i32
      %dma_start3A_475 = arith.constant 0 : i32
      %dma_start3A_476 = tpu.memref_slice %arg27[%dma_start3A_474, %dma_start3A_475] : memref<128x128xf32, #tpu.memory_space<vmem>> -> memref<128x128xf32, #tpu.memory_space<vmem>>
      %dma_start3A_477 = arith.constant 0 : i32
      %dma_start3A_478 = tpu.memref_slice %arg29[%add3A_28, %dma_start3A_477] : memref<10112x128xf32, #tpu.memory_space<vmem_shared>> -> memref<128x128xf32, #tpu.memory_space<vmem_shared>>
      %dma_start3A_479 = arith.constant 0 : i32
      %dma_start3A_480 = tpu.memref_slice %arg29[%add3A_28, %dma_start3A_479] : memref<10112x128xf32, #tpu.memory_space<vmem_shared>> -> memref<128x128xf32, #tpu.memory_space<vmem_shared>>
      %dma_start3A_481 = arith.constant 0 : i32
      %dma_start3A_482 = arith.constant 0 : i32
      %dma_start3A_483 = tpu.memref_slice %arg27[%dma_start3A_481, %dma_start3A_482] : memref<128x128xf32, #tpu.memory_space<vmem>> -> memref<128x128xf32, #tpu.memory_space<vmem>>
      tpu.enqueue_dma source(%dma_start3A_483 : memref<128x128xf32, #tpu.memory_space<vmem>>) target(%dma_start3A_480 : memref<128x128xf32, #tpu.memory_space<vmem_shared>>) target_semaphore(%run_scoped3A : memref<!tpu.dma_semaphore, #tpu.memory_space<semaphore_mem>>)
      %dma_wait3A_484 = arith.constant 0 : i32
      %dma_wait3A_485 = arith.constant 0 : i32
      %dma_wait3A_486 = tpu.memref_slice %arg27[%dma_wait3A_484, %dma_wait3A_485] : memref<128x128xf32, #tpu.memory_space<vmem>> -> memref<128x128xf32, #tpu.memory_space<vmem>>
      %dma_wait3A_487 = arith.constant 0 : i32
      %dma_wait3A_488 = tpu.memref_slice %arg29[%add3A_28, %dma_wait3A_487] : memref<10112x128xf32, #tpu.memory_space<vmem_shared>> -> memref<128x128xf32, #tpu.memory_space<vmem_shared>>
      %dma_wait3A_489 = arith.constant 0 : i32
      %dma_wait3A_490 = tpu.memref_slice %arg29[%add3A_28, %dma_wait3A_489] : memref<10112x128xf32, #tpu.memory_space<vmem_shared>> -> memref<128x128xf32, #tpu.memory_space<vmem_shared>>
      %dma_wait3A_491 = arith.constant 0 : i32
      %dma_wait3A_492 = arith.constant 0 : i32
      %dma_wait3A_493 = tpu.memref_slice %arg27[%dma_wait3A_491, %dma_wait3A_492] : memref<128x128xf32, #tpu.memory_space<vmem>> -> memref<128x128xf32, #tpu.memory_space<vmem>>
      tpu.wait_dma2 semaphore(%run_scoped3A : memref<!tpu.dma_semaphore, #tpu.memory_space<semaphore_mem>>) src(%dma_wait3A_493 : memref<128x128xf32, #tpu.memory_space<vmem>>) dst(%dma_wait3A_490 : memref<128x128xf32, #tpu.memory_space<vmem_shared>>)
      tpu.yield
    }) : () -> ()
    %mul3A_29 = arith.constant 632 : i32
    %mul3A_30 = arith.muli %arg1, %mul3A_29 : i32
    %add3A_31 = arith.constant 256 : i32
    %add3A_32 = arith.addi %mul3A_30, %add3A_31 : i32
    "tpu.region"() ({
      %run_scoped3A = tpu.sem_alloc : memref<!tpu.dma_semaphore, #tpu.memory_space<semaphore_mem>>
      %dma_start3A_474 = arith.constant 0 : i32
      %dma_start3A_475 = arith.constant 0 : i32
      %dma_start3A_476 = tpu.memref_slice %arg27[%dma_start3A_474, %dma_start3A_475] : memref<128x128xf32, #tpu.memory_space<vmem>> -> memref<128x128xf32, #tpu.memory_space<vmem>>
      %dma_start3A_477 = arith.constant 0 : i32
      %dma_start3A_478 = tpu.memref_slice %arg29[%add3A_32, %dma_start3A_477] : memref<10112x128xf32, #tpu.memory_space<vmem_shared>> -> memref<128x128xf32, #tpu.memory_space<vmem_shared>>
      %dma_start3A_479 = arith.constant 0 : i32
      %dma_start3A_480 = tpu.memref_slice %arg29[%add3A_32, %dma_start3A_479] : memref<10112x128xf32, #tpu.memory_space<vmem_shared>> -> memref<128x128xf32, #tpu.memory_space<vmem_shared>>
      %dma_start3A_481 = arith.constant 0 : i32
      %dma_start3A_482 = arith.constant 0 : i32
      %dma_start3A_483 = tpu.memref_slice %arg27[%dma_start3A_481, %dma_start3A_482] : memref<128x128xf32, #tpu.memory_space<vmem>> -> memref<128x128xf32, #tpu.memory_space<vmem>>
      tpu.enqueue_dma source(%dma_start3A_483 : memref<128x128xf32, #tpu.memory_space<vmem>>) target(%dma_start3A_480 : memref<128x128xf32, #tpu.memory_space<vmem_shared>>) target_semaphore(%run_scoped3A : memref<!tpu.dma_semaphore, #tpu.memory_space<semaphore_mem>>)
      %dma_wait3A_484 = arith.constant 0 : i32
      %dma_wait3A_485 = arith.constant 0 : i32
      %dma_wait3A_486 = tpu.memref_slice %arg27[%dma_wait3A_484, %dma_wait3A_485] : memref<128x128xf32, #tpu.memory_space<vmem>> -> memref<128x128xf32, #tpu.memory_space<vmem>>
      %dma_wait3A_487 = arith.constant 0 : i32
      %dma_wait3A_488 = tpu.memref_slice %arg29[%add3A_32, %dma_wait3A_487] : memref<10112x128xf32, #tpu.memory_space<vmem_shared>> -> memref<128x128xf32, #tpu.memory_space<vmem_shared>>
      %dma_wait3A_489 = arith.constant 0 : i32
      %dma_wait3A_490 = tpu.memref_slice %arg29[%add3A_32, %dma_wait3A_489] : memref<10112x128xf32, #tpu.memory_space<vmem_shared>> -> memref<128x128xf32, #tpu.memory_space<vmem_shared>>
      %dma_wait3A_491 = arith.constant 0 : i32
      %dma_wait3A_492 = arith.constant 0 : i32
      %dma_wait3A_493 = tpu.memref_slice %arg27[%dma_wait3A_491, %dma_wait3A_492] : memref<128x128xf32, #tpu.memory_space<vmem>> -> memref<128x128xf32, #tpu.memory_space<vmem>>
      tpu.wait_dma2 semaphore(%run_scoped3A : memref<!tpu.dma_semaphore, #tpu.memory_space<semaphore_mem>>) src(%dma_wait3A_493 : memref<128x128xf32, #tpu.memory_space<vmem>>) dst(%dma_wait3A_490 : memref<128x128xf32, #tpu.memory_space<vmem_shared>>)
      tpu.yield
    }) : () -> ()
    %mul3A_33 = arith.constant 632 : i32
    %mul3A_34 = arith.muli %arg1, %mul3A_33 : i32
    %add3A_35 = arith.constant 384 : i32
    %add3A_36 = arith.addi %mul3A_34, %add3A_35 : i32
    "tpu.region"() ({
      %run_scoped3A = tpu.sem_alloc : memref<!tpu.dma_semaphore, #tpu.memory_space<semaphore_mem>>
      %dma_start3A_474 = arith.constant 0 : i32
      %dma_start3A_475 = arith.constant 0 : i32
      %dma_start3A_476 = tpu.memref_slice %arg27[%dma_start3A_474, %dma_start3A_475] : memref<128x128xf32, #tpu.memory_space<vmem>> -> memref<128x128xf32, #tpu.memory_space<vmem>>
      %dma_start3A_477 = arith.constant 0 : i32
      %dma_start3A_478 = tpu.memref_slice %arg29[%add3A_36, %dma_start3A_477] : memref<10112x128xf32, #tpu.memory_space<vmem_shared>> -> memref<128x128xf32, #tpu.memory_space<vmem_shared>>
      %dma_start3A_479 = arith.constant 0 : i32
      %dma_start3A_480 = tpu.memref_slice %arg29[%add3A_36, %dma_start3A_479] : memref<10112x128xf32, #tpu.memory_space<vmem_shared>> -> memref<128x128xf32, #tpu.memory_space<vmem_shared>>
      %dma_start3A_481 = arith.constant 0 : i32
      %dma_start3A_482 = arith.constant 0 : i32
      %dma_start3A_483 = tpu.memref_slice %arg27[%dma_start3A_481, %dma_start3A_482] : memref<128x128xf32, #tpu.memory_space<vmem>> -> memref<128x128xf32, #tpu.memory_space<vmem>>
      tpu.enqueue_dma source(%dma_start3A_483 : memref<128x128xf32, #tpu.memory_space<vmem>>) target(%dma_start3A_480 : memref<128x128xf32, #tpu.memory_space<vmem_shared>>) target_semaphore(%run_scoped3A : memref<!tpu.dma_semaphore, #tpu.memory_space<semaphore_mem>>)
      %dma_wait3A_484 = arith.constant 0 : i32
      %dma_wait3A_485 = arith.constant 0 : i32
      %dma_wait3A_486 = tpu.memref_slice %arg27[%dma_wait3A_484, %dma_wait3A_485] : memref<128x128xf32, #tpu.memory_space<vmem>> -> memref<128x128xf32, #tpu.memory_space<vmem>>
      %dma_wait3A_487 = arith.constant 0 : i32
      %dma_wait3A_488 = tpu.memref_slice %arg29[%add3A_36, %dma_wait3A_487] : memref<10112x128xf32, #tpu.memory_space<vmem_shared>> -> memref<128x128xf32, #tpu.memory_space<vmem_shared>>
      %dma_wait3A_489 = arith.constant 0 : i32
      %dma_wait3A_490 = tpu.memref_slice %arg29[%add3A_36, %dma_wait3A_489] : memref<10112x128xf32, #tpu.memory_space<vmem_shared>> -> memref<128x128xf32, #tpu.memory_space<vmem_shared>>
      %dma_wait3A_491 = arith.constant 0 : i32
      %dma_wait3A_492 = arith.constant 0 : i32
      %dma_wait3A_493 = tpu.memref_slice %arg27[%dma_wait3A_491, %dma_wait3A_492] : memref<128x128xf32, #tpu.memory_space<vmem>> -> memref<128x128xf32, #tpu.memory_space<vmem>>
      tpu.wait_dma2 semaphore(%run_scoped3A : memref<!tpu.dma_semaphore, #tpu.memory_space<semaphore_mem>>) src(%dma_wait3A_493 : memref<128x128xf32, #tpu.memory_space<vmem>>) dst(%dma_wait3A_490 : memref<128x128xf32, #tpu.memory_space<vmem_shared>>)
      tpu.yield
    }) : () -> ()
    %mul3A_37 = arith.constant 632 : i32
    %mul3A_38 = arith.muli %arg1, %mul3A_37 : i32
    %add3A_39 = arith.constant 512 : i32
    %add3A_40 = arith.addi %mul3A_38, %add3A_39 : i32
    "tpu.region"() ({
      %run_scoped3A = tpu.sem_alloc : memref<!tpu.dma_semaphore, #tpu.memory_space<semaphore_mem>>
      %dma_start3A_474 = arith.constant 0 : i32
      %dma_start3A_475 = arith.constant 0 : i32
      %dma_start3A_476 = tpu.memref_slice %arg27[%dma_start3A_474, %dma_start3A_475] : memref<128x128xf32, #tpu.memory_space<vmem>> -> memref<120x128xf32, #tpu.memory_space<vmem>>
      %dma_start3A_477 = arith.constant 0 : i32
      %dma_start3A_478 = tpu.memref_slice %arg29[%add3A_40, %dma_start3A_477] : memref<10112x128xf32, #tpu.memory_space<vmem_shared>> -> memref<120x128xf32, #tpu.memory_space<vmem_shared>>
      %dma_start3A_479 = arith.constant 0 : i32
      %dma_start3A_480 = tpu.memref_slice %arg29[%add3A_40, %dma_start3A_479] : memref<10112x128xf32, #tpu.memory_space<vmem_shared>> -> memref<120x128xf32, #tpu.memory_space<vmem_shared>>
      %dma_start3A_481 = arith.constant 0 : i32
      %dma_start3A_482 = arith.constant 0 : i32
      %dma_start3A_483 = tpu.memref_slice %arg27[%dma_start3A_481, %dma_start3A_482] : memref<128x128xf32, #tpu.memory_space<vmem>> -> memref<120x128xf32, #tpu.memory_space<vmem>>
      tpu.enqueue_dma source(%dma_start3A_483 : memref<120x128xf32, #tpu.memory_space<vmem>>) target(%dma_start3A_480 : memref<120x128xf32, #tpu.memory_space<vmem_shared>>) target_semaphore(%run_scoped3A : memref<!tpu.dma_semaphore, #tpu.memory_space<semaphore_mem>>)
      %dma_wait3A_484 = arith.constant 0 : i32
      %dma_wait3A_485 = arith.constant 0 : i32
      %dma_wait3A_486 = tpu.memref_slice %arg27[%dma_wait3A_484, %dma_wait3A_485] : memref<128x128xf32, #tpu.memory_space<vmem>> -> memref<120x128xf32, #tpu.memory_space<vmem>>
      %dma_wait3A_487 = arith.constant 0 : i32
      %dma_wait3A_488 = tpu.memref_slice %arg29[%add3A_40, %dma_wait3A_487] : memref<10112x128xf32, #tpu.memory_space<vmem_shared>> -> memref<120x128xf32, #tpu.memory_space<vmem_shared>>
      %dma_wait3A_489 = arith.constant 0 : i32
      %dma_wait3A_490 = tpu.memref_slice %arg29[%add3A_40, %dma_wait3A_489] : memref<10112x128xf32, #tpu.memory_space<vmem_shared>> -> memref<120x128xf32, #tpu.memory_space<vmem_shared>>
      %dma_wait3A_491 = arith.constant 0 : i32
      %dma_wait3A_492 = arith.constant 0 : i32
      %dma_wait3A_493 = tpu.memref_slice %arg27[%dma_wait3A_491, %dma_wait3A_492] : memref<128x128xf32, #tpu.memory_space<vmem>> -> memref<120x128xf32, #tpu.memory_space<vmem>>
      tpu.wait_dma2 semaphore(%run_scoped3A : memref<!tpu.dma_semaphore, #tpu.memory_space<semaphore_mem>>) src(%dma_wait3A_493 : memref<120x128xf32, #tpu.memory_space<vmem>>) dst(%dma_wait3A_490 : memref<120x128xf32, #tpu.memory_space<vmem_shared>>)
      tpu.yield
    }) : () -> ()
    %mul3A_41 = arith.constant 640 : i32
    %mul3A_42 = arith.muli %arg1, %mul3A_41 : i32
    %add3A_43 = arith.constant 0 : i32
    %add3A_44 = arith.addi %mul3A_42, %add3A_43 : i32
    "tpu.region"() ({
      %run_scoped3A = tpu.sem_alloc : memref<!tpu.dma_semaphore, #tpu.memory_space<semaphore_mem>>
      %dma_start3A_474 = arith.constant 0 : i32
      %dma_start3A_475 = tpu.memref_slice %arg19[%dma_start3A_474] : memref<128xf32, #tpu.memory_space<vmem>> -> memref<128xf32, #tpu.memory_space<vmem>>
      %dma_start3A_476 = tpu.memref_slice %arg30[%add3A_44] : memref<10240xf32, #tpu.memory_space<vmem_shared>> -> memref<128xf32, #tpu.memory_space<vmem_shared>>
      %dma_start3A_477 = tpu.memref_slice %arg30[%add3A_44] : memref<10240xf32, #tpu.memory_space<vmem_shared>> -> memref<128xf32, #tpu.memory_space<vmem_shared>>
      %dma_start3A_478 = arith.constant 0 : i32
      %dma_start3A_479 = tpu.memref_slice %arg19[%dma_start3A_478] : memref<128xf32, #tpu.memory_space<vmem>> -> memref<128xf32, #tpu.memory_space<vmem>>
      tpu.enqueue_dma source(%dma_start3A_479 : memref<128xf32, #tpu.memory_space<vmem>>) target(%dma_start3A_477 : memref<128xf32, #tpu.memory_space<vmem_shared>>) target_semaphore(%run_scoped3A : memref<!tpu.dma_semaphore, #tpu.memory_space<semaphore_mem>>)
      %dma_wait3A_480 = arith.constant 0 : i32
      %dma_wait3A_481 = tpu.memref_slice %arg19[%dma_wait3A_480] : memref<128xf32, #tpu.memory_space<vmem>> -> memref<128xf32, #tpu.memory_space<vmem>>
      %dma_wait3A_482 = tpu.memref_slice %arg30[%add3A_44] : memref<10240xf32, #tpu.memory_space<vmem_shared>> -> memref<128xf32, #tpu.memory_space<vmem_shared>>
      %dma_wait3A_483 = tpu.memref_slice %arg30[%add3A_44] : memref<10240xf32, #tpu.memory_space<vmem_shared>> -> memref<128xf32, #tpu.memory_space<vmem_shared>>
      %dma_wait3A_484 = arith.constant 0 : i32
      %dma_wait3A_485 = tpu.memref_slice %arg19[%dma_wait3A_484] : memref<128xf32, #tpu.memory_space<vmem>> -> memref<128xf32, #tpu.memory_space<vmem>>
      tpu.wait_dma2 semaphore(%run_scoped3A : memref<!tpu.dma_semaphore, #tpu.memory_space<semaphore_mem>>) src(%dma_wait3A_485 : memref<128xf32, #tpu.memory_space<vmem>>) dst(%dma_wait3A_483 : memref<128xf32, #tpu.memory_space<vmem_shared>>)
      tpu.yield
    }) : () -> ()
    %mul3A_45 = arith.constant 640 : i32
    %mul3A_46 = arith.muli %arg1, %mul3A_45 : i32
    %add3A_47 = arith.constant 128 : i32
    %add3A_48 = arith.addi %mul3A_46, %add3A_47 : i32
    "tpu.region"() ({
      %run_scoped3A = tpu.sem_alloc : memref<!tpu.dma_semaphore, #tpu.memory_space<semaphore_mem>>
      %dma_start3A_474 = arith.constant 0 : i32
      %dma_start3A_475 = tpu.memref_slice %arg19[%dma_start3A_474] : memref<128xf32, #tpu.memory_space<vmem>> -> memref<128xf32, #tpu.memory_space<vmem>>
      %dma_start3A_476 = tpu.memref_slice %arg30[%add3A_48] : memref<10240xf32, #tpu.memory_space<vmem_shared>> -> memref<128xf32, #tpu.memory_space<vmem_shared>>
      %dma_start3A_477 = tpu.memref_slice %arg30[%add3A_48] : memref<10240xf32, #tpu.memory_space<vmem_shared>> -> memref<128xf32, #tpu.memory_space<vmem_shared>>
      %dma_start3A_478 = arith.constant 0 : i32
      %dma_start3A_479 = tpu.memref_slice %arg19[%dma_start3A_478] : memref<128xf32, #tpu.memory_space<vmem>> -> memref<128xf32, #tpu.memory_space<vmem>>
      tpu.enqueue_dma source(%dma_start3A_479 : memref<128xf32, #tpu.memory_space<vmem>>) target(%dma_start3A_477 : memref<128xf32, #tpu.memory_space<vmem_shared>>) target_semaphore(%run_scoped3A : memref<!tpu.dma_semaphore, #tpu.memory_space<semaphore_mem>>)
      %dma_wait3A_480 = arith.constant 0 : i32
      %dma_wait3A_481 = tpu.memref_slice %arg19[%dma_wait3A_480] : memref<128xf32, #tpu.memory_space<vmem>> -> memref<128xf32, #tpu.memory_space<vmem>>
      %dma_wait3A_482 = tpu.memref_slice %arg30[%add3A_48] : memref<10240xf32, #tpu.memory_space<vmem_shared>> -> memref<128xf32, #tpu.memory_space<vmem_shared>>
      %dma_wait3A_483 = tpu.memref_slice %arg30[%add3A_48] : memref<10240xf32, #tpu.memory_space<vmem_shared>> -> memref<128xf32, #tpu.memory_space<vmem_shared>>
      %dma_wait3A_484 = arith.constant 0 : i32
      %dma_wait3A_485 = tpu.memref_slice %arg19[%dma_wait3A_484] : memref<128xf32, #tpu.memory_space<vmem>> -> memref<128xf32, #tpu.memory_space<vmem>>
      tpu.wait_dma2 semaphore(%run_scoped3A : memref<!tpu.dma_semaphore, #tpu.memory_space<semaphore_mem>>) src(%dma_wait3A_485 : memref<128xf32, #tpu.memory_space<vmem>>) dst(%dma_wait3A_483 : memref<128xf32, #tpu.memory_space<vmem_shared>>)
      tpu.yield
    }) : () -> ()
    %mul3A_49 = arith.constant 640 : i32
    %mul3A_50 = arith.muli %arg1, %mul3A_49 : i32
    %add3A_51 = arith.constant 256 : i32
    %add3A_52 = arith.addi %mul3A_50, %add3A_51 : i32
    "tpu.region"() ({
      %run_scoped3A = tpu.sem_alloc : memref<!tpu.dma_semaphore, #tpu.memory_space<semaphore_mem>>
      %dma_start3A_474 = arith.constant 0 : i32
      %dma_start3A_475 = tpu.memref_slice %arg19[%dma_start3A_474] : memref<128xf32, #tpu.memory_space<vmem>> -> memref<128xf32, #tpu.memory_space<vmem>>
      %dma_start3A_476 = tpu.memref_slice %arg30[%add3A_52] : memref<10240xf32, #tpu.memory_space<vmem_shared>> -> memref<128xf32, #tpu.memory_space<vmem_shared>>
      %dma_start3A_477 = tpu.memref_slice %arg30[%add3A_52] : memref<10240xf32, #tpu.memory_space<vmem_shared>> -> memref<128xf32, #tpu.memory_space<vmem_shared>>
      %dma_start3A_478 = arith.constant 0 : i32
      %dma_start3A_479 = tpu.memref_slice %arg19[%dma_start3A_478] : memref<128xf32, #tpu.memory_space<vmem>> -> memref<128xf32, #tpu.memory_space<vmem>>
      tpu.enqueue_dma source(%dma_start3A_479 : memref<128xf32, #tpu.memory_space<vmem>>) target(%dma_start3A_477 : memref<128xf32, #tpu.memory_space<vmem_shared>>) target_semaphore(%run_scoped3A : memref<!tpu.dma_semaphore, #tpu.memory_space<semaphore_mem>>)
      %dma_wait3A_480 = arith.constant 0 : i32
      %dma_wait3A_481 = tpu.memref_slice %arg19[%dma_wait3A_480] : memref<128xf32, #tpu.memory_space<vmem>> -> memref<128xf32, #tpu.memory_space<vmem>>
      %dma_wait3A_482 = tpu.memref_slice %arg30[%add3A_52] : memref<10240xf32, #tpu.memory_space<vmem_shared>> -> memref<128xf32, #tpu.memory_space<vmem_shared>>
      %dma_wait3A_483 = tpu.memref_slice %arg30[%add3A_52] : memref<10240xf32, #tpu.memory_space<vmem_shared>> -> memref<128xf32, #tpu.memory_space<vmem_shared>>
      %dma_wait3A_484 = arith.constant 0 : i32
      %dma_wait3A_485 = tpu.memref_slice %arg19[%dma_wait3A_484] : memref<128xf32, #tpu.memory_space<vmem>> -> memref<128xf32, #tpu.memory_space<vmem>>
      tpu.wait_dma2 semaphore(%run_scoped3A : memref<!tpu.dma_semaphore, #tpu.memory_space<semaphore_mem>>) src(%dma_wait3A_485 : memref<128xf32, #tpu.memory_space<vmem>>) dst(%dma_wait3A_483 : memref<128xf32, #tpu.memory_space<vmem_shared>>)
      tpu.yield
    }) : () -> ()
    %mul3A_53 = arith.constant 640 : i32
    %mul3A_54 = arith.muli %arg1, %mul3A_53 : i32
    %add3A_55 = arith.constant 384 : i32
    %add3A_56 = arith.addi %mul3A_54, %add3A_55 : i32
    "tpu.region"() ({
      %run_scoped3A = tpu.sem_alloc : memref<!tpu.dma_semaphore, #tpu.memory_space<semaphore_mem>>
      %dma_start3A_474 = arith.constant 0 : i32
      %dma_start3A_475 = tpu.memref_slice %arg19[%dma_start3A_474] : memref<128xf32, #tpu.memory_space<vmem>> -> memref<128xf32, #tpu.memory_space<vmem>>
      %dma_start3A_476 = tpu.memref_slice %arg30[%add3A_56] : memref<10240xf32, #tpu.memory_space<vmem_shared>> -> memref<128xf32, #tpu.memory_space<vmem_shared>>
      %dma_start3A_477 = tpu.memref_slice %arg30[%add3A_56] : memref<10240xf32, #tpu.memory_space<vmem_shared>> -> memref<128xf32, #tpu.memory_space<vmem_shared>>
      %dma_start3A_478 = arith.constant 0 : i32
      %dma_start3A_479 = tpu.memref_slice %arg19[%dma_start3A_478] : memref<128xf32, #tpu.memory_space<vmem>> -> memref<128xf32, #tpu.memory_space<vmem>>
      tpu.enqueue_dma source(%dma_start3A_479 : memref<128xf32, #tpu.memory_space<vmem>>) target(%dma_start3A_477 : memref<128xf32, #tpu.memory_space<vmem_shared>>) target_semaphore(%run_scoped3A : memref<!tpu.dma_semaphore, #tpu.memory_space<semaphore_mem>>)
      %dma_wait3A_480 = arith.constant 0 : i32
      %dma_wait3A_481 = tpu.memref_slice %arg19[%dma_wait3A_480] : memref<128xf32, #tpu.memory_space<vmem>> -> memref<128xf32, #tpu.memory_space<vmem>>
      %dma_wait3A_482 = tpu.memref_slice %arg30[%add3A_56] : memref<10240xf32, #tpu.memory_space<vmem_shared>> -> memref<128xf32, #tpu.memory_space<vmem_shared>>
      %dma_wait3A_483 = tpu.memref_slice %arg30[%add3A_56] : memref<10240xf32, #tpu.memory_space<vmem_shared>> -> memref<128xf32, #tpu.memory_space<vmem_shared>>
      %dma_wait3A_484 = arith.constant 0 : i32
      %dma_wait3A_485 = tpu.memref_slice %arg19[%dma_wait3A_484] : memref<128xf32, #tpu.memory_space<vmem>> -> memref<128xf32, #tpu.memory_space<vmem>>
      tpu.wait_dma2 semaphore(%run_scoped3A : memref<!tpu.dma_semaphore, #tpu.memory_space<semaphore_mem>>) src(%dma_wait3A_485 : memref<128xf32, #tpu.memory_space<vmem>>) dst(%dma_wait3A_483 : memref<128xf32, #tpu.memory_space<vmem_shared>>)
      tpu.yield
    }) : () -> ()
    %mul3A_57 = arith.constant 640 : i32
    %mul3A_58 = arith.muli %arg1, %mul3A_57 : i32
    %add3A_59 = arith.constant 512 : i32
    %add3A_60 = arith.addi %mul3A_58, %add3A_59 : i32
    "tpu.region"() ({
      %run_scoped3A = tpu.sem_alloc : memref<!tpu.dma_semaphore, #tpu.memory_space<semaphore_mem>>
      %dma_start3A_474 = arith.constant 0 : i32
      %dma_start3A_475 = tpu.memref_slice %arg19[%dma_start3A_474] : memref<128xf32, #tpu.memory_space<vmem>> -> memref<128xf32, #tpu.memory_space<vmem>>
      %dma_start3A_476 = tpu.memref_slice %arg30[%add3A_60] : memref<10240xf32, #tpu.memory_space<vmem_shared>> -> memref<128xf32, #tpu.memory_space<vmem_shared>>
      %dma_start3A_477 = tpu.memref_slice %arg30[%add3A_60] : memref<10240xf32, #tpu.memory_space<vmem_shared>> -> memref<128xf32, #tpu.memory_space<vmem_shared>>
      %dma_start3A_478 = arith.constant 0 : i32
      %dma_start3A_479 = tpu.memref_slice %arg19[%dma_start3A_478] : memref<128xf32, #tpu.memory_space<vmem>> -> memref<128xf32, #tpu.memory_space<vmem>>
      tpu.enqueue_dma source(%dma_start3A_479 : memref<128xf32, #tpu.memory_space<vmem>>) target(%dma_start3A_477 : memref<128xf32, #tpu.memory_space<vmem_shared>>) target_semaphore(%run_scoped3A : memref<!tpu.dma_semaphore, #tpu.memory_space<semaphore_mem>>)
      %dma_wait3A_480 = arith.constant 0 : i32
      %dma_wait3A_481 = tpu.memref_slice %arg19[%dma_wait3A_480] : memref<128xf32, #tpu.memory_space<vmem>> -> memref<128xf32, #tpu.memory_space<vmem>>
      %dma_wait3A_482 = tpu.memref_slice %arg30[%add3A_60] : memref<10240xf32, #tpu.memory_space<vmem_shared>> -> memref<128xf32, #tpu.memory_space<vmem_shared>>
      %dma_wait3A_483 = tpu.memref_slice %arg30[%add3A_60] : memref<10240xf32, #tpu.memory_space<vmem_shared>> -> memref<128xf32, #tpu.memory_space<vmem_shared>>
      %dma_wait3A_484 = arith.constant 0 : i32
      %dma_wait3A_485 = tpu.memref_slice %arg19[%dma_wait3A_484] : memref<128xf32, #tpu.memory_space<vmem>> -> memref<128xf32, #tpu.memory_space<vmem>>
      tpu.wait_dma2 semaphore(%run_scoped3A : memref<!tpu.dma_semaphore, #tpu.memory_space<semaphore_mem>>) src(%dma_wait3A_485 : memref<128xf32, #tpu.memory_space<vmem>>) dst(%dma_wait3A_483 : memref<128xf32, #tpu.memory_space<vmem_shared>>)
      tpu.yield
    }) : () -> ()
    "tpu.region"() ({
      %run_scoped3A = tpu.sem_alloc : memref<!tpu.dma_semaphore, #tpu.memory_space<semaphore_mem>>
      tpu.enqueue_dma source(%arg6 : memref<10000xi32, #tpu.memory_space<hbm>>) target(%arg10 : memref<10000xi32, #tpu.memory_space<vmem>>) target_semaphore(%run_scoped3A : memref<!tpu.dma_semaphore, #tpu.memory_space<semaphore_mem>>)
      tpu.wait_dma2 semaphore(%run_scoped3A : memref<!tpu.dma_semaphore, #tpu.memory_space<semaphore_mem>>) src(%arg6 : memref<10000xi32, #tpu.memory_space<hbm>>) dst(%arg10 : memref<10000xi32, #tpu.memory_space<vmem>>)
      tpu.yield
    }) : () -> ()
    %barrier3A = arith.constant 0 : index
    tpu.barrier barrier_id(%barrier3A)
    %eq3A_61 = arith.constant 0 : i32
    %eq3A_62 = arith.cmpi eq, %arg0, %eq3A_61 : i32
    %mul3A_63 = arith.constant 15104 : i32
    %mul3A_64 = arith.muli %arg1, %mul3A_63 : i32
    %mul3A_65 = arith.constant 42 : i32
    %mul3A_66 = arith.muli %arg1, %mul3A_65 : i32
    %add3A_67 = arith.constant 1888 : i32
    %add3A_68 = arith.addi %add3A_67, %mul3A_66 : i32
    %mul3A_69 = arith.constant 128 : i32
    %mul3A_70 = arith.muli %add3A_68, %mul3A_69 : i32
    %select_n3A_71 = arith.select %eq3A_62, %mul3A_64, %mul3A_70 : i32
    %eq3A_72 = arith.constant 0 : i32
    %eq3A_73 = arith.cmpi eq, %arg0, %eq3A_72 : i32
    %mul3A_74 = arith.constant 1888 : i32
    %mul3A_75 = arith.muli %arg1, %mul3A_74 : i32
    %mul3A_76 = arith.constant 42 : i32
    %mul3A_77 = arith.muli %arg1, %mul3A_76 : i32
    %add3A_78 = arith.constant 1888 : i32
    %add3A_79 = arith.addi %add3A_78, %mul3A_77 : i32
    %mul3A_80 = arith.constant 16 : i32
    %mul3A_81 = arith.muli %add3A_79, %mul3A_80 : i32
    %select_n3A_82 = arith.select %eq3A_73, %mul3A_75, %mul3A_81 : i32
    %iota3A = tpu.iota {dimensions = array<i32: 0>} : vector<16xi32>
    %iota3A_83 = tpu.iota {dimensions = array<i32: 0>} : vector<16xi32>
    %jit3A_84 = arith.constant 8 : i32
    %eq3A_85 = arith.constant 0 : i32
    %eq3A_86 = arith.cmpi eq, %jit3A_84, %eq3A_85 : i32
    %jit3A_87 = arith.constant 1 : i32
    %select_n3A_88 = arith.select %eq3A_86, %jit3A_87, %jit3A_84 : i32
    %rem3A = vector.broadcast %select_n3A_88 : i32 to vector<16xi32>
    %rem3A_89 = arith.remsi %iota3A_83, %rem3A : vector<16xi32>
    %ne3A = arith.constant 0 : i32
    %ne3A_90 = vector.broadcast %ne3A : i32 to vector<16xi32>
    %ne3A_91 = arith.cmpi ne, %rem3A_89, %ne3A_90 : vector<16xi32>
    %lt3A = arith.constant 0 : i32
    %lt3A_92 = vector.broadcast %lt3A : i32 to vector<16xi32>
    %lt3A_93 = arith.cmpi slt, %rem3A_89, %lt3A_92 : vector<16xi32>
    %lt3A_94 = arith.constant 0 : i32
    %lt3A_95 = arith.cmpi slt, %select_n3A_88, %lt3A_94 : i32
    %ne3A_96 = vector.broadcast %lt3A_95 : i1 to vector<16xi1>
    %ne3A_97 = vector.broadcast %ne3A_96 : vector<16xi1> to vector<16xi1>
    %ne3A_98 = arith.xori %lt3A_93, %ne3A_97 : vector<16xi1>
    %and3A = arith.andi %ne3A_98, %ne3A_91 : vector<16xi1>
    %add3A_99 = vector.broadcast %select_n3A_88 : i32 to vector<16xi32>
    %add3A_100 = arith.addi %rem3A_89, %add3A_99 : vector<16xi32>
    %select_n3A_101 = arith.select %and3A, %add3A_100, %rem3A_89 : vector<16xi1>, vector<16xi32>
    %iota3A_102 = tpu.iota {dimensions = array<i32: 0>} : vector<16xi32>
    %jit3A_103 = arith.constant 8 : i32
    %div3A = vector.broadcast %jit3A_103 : i32 to vector<16xi32>
    %div3A_104 = arith.divsi %iota3A_102, %div3A : vector<16xi32>
    %sign3A = arith.constant 0 : i32
    %sign3A_105 = vector.broadcast %sign3A : i32 to vector<16xi32>
    %sign3A_106 = arith.cmpi sgt, %iota3A_102, %sign3A_105 : vector<16xi32>
    %sign3A_107 = arith.extui %sign3A_106 : vector<16xi1> to vector<16xi32>
    %sign3A_108 = arith.constant 0 : i32
    %sign3A_109 = vector.broadcast %sign3A_108 : i32 to vector<16xi32>
    %sign3A_110 = arith.cmpi slt, %iota3A_102, %sign3A_109 : vector<16xi32>
    %sign3A_111 = arith.extui %sign3A_110 : vector<16xi1> to vector<16xi32>
    %sign3A_112 = arith.subi %sign3A_107, %sign3A_111 : vector<16xi32>
    %sign3A_113 = arith.constant 0 : i32
    %sign3A_114 = arith.cmpi sgt, %jit3A_103, %sign3A_113 : i32
    %sign3A_115 = arith.extui %sign3A_114 : i1 to i32
    %sign3A_116 = arith.constant 0 : i32
    %sign3A_117 = arith.cmpi slt, %jit3A_103, %sign3A_116 : i32
    %sign3A_118 = arith.extui %sign3A_117 : i1 to i32
    %sign3A_119 = arith.subi %sign3A_115, %sign3A_118 : i32
    %ne3A_120 = vector.broadcast %sign3A_119 : i32 to vector<16xi32>
    %ne3A_121 = arith.cmpi ne, %sign3A_112, %ne3A_120 : vector<16xi32>
    %rem3A_122 = vector.broadcast %jit3A_103 : i32 to vector<16xi32>
    %rem3A_123 = arith.remsi %iota3A_102, %rem3A_122 : vector<16xi32>
    %ne3A_124 = arith.constant 0 : i32
    %ne3A_125 = vector.broadcast %ne3A_124 : i32 to vector<16xi32>
    %ne3A_126 = arith.cmpi ne, %rem3A_123, %ne3A_125 : vector<16xi32>
    %and3A_127 = arith.andi %ne3A_121, %ne3A_126 : vector<16xi1>
    %sub3A = arith.constant 1 : i32
    %sub3A_128 = vector.broadcast %sub3A : i32 to vector<16xi32>
    %sub3A_129 = arith.subi %div3A_104, %sub3A_128 : vector<16xi32>
    %select_n3A_130 = arith.select %and3A_127, %sub3A_129, %div3A_104 : vector<16xi1>, vector<16xi32>
    "tpu.region"() ({
      %run_scoped3A = tpu.sem_alloc : memref<!tpu.dma_semaphore, #tpu.memory_space<semaphore_mem>>
      %dma_start3A_474 = arith.constant 0 : i32
      %dma_start3A_475 = tpu.memref_slice %arg3[%dma_start3A_474, %select_n3A_71] : memref<2x327680xi32, #tpu.memory_space<hbm>> -> memref<2x128xi32, #tpu.memory_space<hbm>>
      %dma_start3A_476 = arith.constant 0 : i32
      %dma_start3A_477 = tpu.memref_slice %arg3[%dma_start3A_476, %select_n3A_71] : memref<2x327680xi32, #tpu.memory_space<hbm>> -> memref<2x128xi32, #tpu.memory_space<hbm>>
      tpu.enqueue_dma source(%dma_start3A_477 : memref<2x128xi32, #tpu.memory_space<hbm>>) target(%arg11 : memref<2x128xi32, #tpu.memory_space<vmem>>) target_semaphore(%run_scoped3A : memref<!tpu.dma_semaphore, #tpu.memory_space<semaphore_mem>>)
      %dma_wait3A_478 = arith.constant 0 : i32
      %dma_wait3A_479 = tpu.memref_slice %arg3[%dma_wait3A_478, %select_n3A_71] : memref<2x327680xi32, #tpu.memory_space<hbm>> -> memref<2x128xi32, #tpu.memory_space<hbm>>
      %dma_wait3A_480 = arith.constant 0 : i32
      %dma_wait3A_481 = tpu.memref_slice %arg3[%dma_wait3A_480, %select_n3A_71] : memref<2x327680xi32, #tpu.memory_space<hbm>> -> memref<2x128xi32, #tpu.memory_space<hbm>>
      tpu.wait_dma2 semaphore(%run_scoped3A : memref<!tpu.dma_semaphore, #tpu.memory_space<semaphore_mem>>) src(%dma_wait3A_481 : memref<2x128xi32, #tpu.memory_space<hbm>>) dst(%arg11 : memref<2x128xi32, #tpu.memory_space<vmem>>)
      tpu.yield
    }) : () -> ()
    "tpu.region"() ({
      %run_scoped3A = tpu.sem_alloc : memref<!tpu.dma_semaphore, #tpu.memory_space<semaphore_mem>>
      %dma_start3A_474 = arith.constant 0 : i32
      %dma_start3A_475 = tpu.memref_slice %arg4[%select_n3A_82, %dma_start3A_474] : memref<40960x24xf32, #tpu.memory_space<hbm>> -> memref<16x24xf32, #tpu.memory_space<hbm>>
      %dma_start3A_476 = arith.constant 0 : i32
      %dma_start3A_477 = tpu.memref_slice %arg4[%select_n3A_82, %dma_start3A_476] : memref<40960x24xf32, #tpu.memory_space<hbm>> -> memref<16x24xf32, #tpu.memory_space<hbm>>
      tpu.enqueue_dma source(%dma_start3A_477 : memref<16x24xf32, #tpu.memory_space<hbm>>) target(%arg13 : memref<16x24xf32, #tpu.memory_space<vmem>>) target_semaphore(%run_scoped3A : memref<!tpu.dma_semaphore, #tpu.memory_space<semaphore_mem>>)
      %dma_wait3A_478 = arith.constant 0 : i32
      %dma_wait3A_479 = tpu.memref_slice %arg4[%select_n3A_82, %dma_wait3A_478] : memref<40960x24xf32, #tpu.memory_space<hbm>> -> memref<16x24xf32, #tpu.memory_space<hbm>>
      %dma_wait3A_480 = arith.constant 0 : i32
      %dma_wait3A_481 = tpu.memref_slice %arg4[%select_n3A_82, %dma_wait3A_480] : memref<40960x24xf32, #tpu.memory_space<hbm>> -> memref<16x24xf32, #tpu.memory_space<hbm>>
      tpu.wait_dma2 semaphore(%run_scoped3A : memref<!tpu.dma_semaphore, #tpu.memory_space<semaphore_mem>>) src(%dma_wait3A_481 : memref<16x24xf32, #tpu.memory_space<hbm>>) dst(%arg13 : memref<16x24xf32, #tpu.memory_space<vmem>>)
      tpu.yield
    }) : () -> ()
    %get3A = arith.constant 0 : i32
    %get3A_131 = arith.index_cast %get3A : i32 to index
    %get3A_132 = arith.constant 0 : index
    %get3A_133 = tpu.vector_load %arg11[%get3A_131, %get3A_132] {strides = array<i32>} : memref<2x128xi32, #tpu.memory_space<vmem>>, vector<16xi32>,
    %get3A_134 = arith.constant 1 : i32
    %get3A_135 = arith.index_cast %get3A_134 : i32 to index
    %get3A_136 = arith.constant 0 : index
    %get3A_137 = tpu.vector_load %arg11[%get3A_135, %get3A_136] {strides = array<i32>} : memref<2x128xi32, #tpu.memory_space<vmem>>, vector<16xi32>,
    %gather3A = tpu.vector_load_idx %arg10[%get3A_137] : memref<10000xi32, #tpu.memory_space<vmem>>[vector<16xi32>], vector<16xi32>,
    %and3A_138 = arith.constant 3 : i32
    %and3A_139 = vector.broadcast %and3A_138 : i32 to vector<16xi32>
    %and3A_140 = arith.andi %gather3A, %and3A_139 : vector<16xi32>
    %and3A_141 = arith.constant -4 : i32
    %and3A_142 = vector.broadcast %and3A_141 : i32 to vector<16xi32>
    %and3A_143 = arith.andi %gather3A, %and3A_142 : vector<16xi32>
    %bitcast3A = vector.bitcast %and3A_143 : vector<16xi32> to vector<16xf32>
    %add3A_144 = arith.constant 0 : i32
    %add3A_145 = vector.broadcast %add3A_144 : i32 to vector<16xi32>
    %add3A_146 = arith.addi %select_n3A_130, %add3A_145 : vector<16xi32>
    %mul3A_147 = arith.constant 8 : i32
    %mul3A_148 = vector.broadcast %mul3A_147 : i32 to vector<16xi32>
    %mul3A_149 = arith.muli %and3A_140, %mul3A_148 : vector<16xi32>
    %add3A_150 = arith.addi %mul3A_149, %select_n3A_101 : vector<16xi32>
    %gather3A_151 = tpu.vector_load_idx %arg13[%add3A_146, %add3A_150] : memref<16x24xf32, #tpu.memory_space<vmem>>[vector<16xi32>, vector<16xi32>], vector<16xf32>,
    %mul3A_152 = arith.constant 10000 : i32
    %mul3A_153 = vector.broadcast %mul3A_152 : i32 to vector<16xi32>
    %mul3A_154 = arith.muli %and3A_140, %mul3A_153 : vector<16xi32>
    %add3A_155 = arith.addi %mul3A_154, %get3A_133 : vector<16xi32>
    %swap3A_156 = arith.constant 0 : index
    %swap3A_157 = tpu.vector_load %arg15[%swap3A_156] {strides = array<i32>} : memref<128xi32, #tpu.memory_space<vmem>>, vector<16xi32>,
    tpu.vector_store %arg15[%swap3A_156], %add3A_155 {strides = array<i32>} : memref<128xi32, #tpu.memory_space<vmem>>, vector<16xi32>,
    %swap3A_158 = arith.constant 0 : index
    %swap3A_159 = tpu.vector_load %arg17[%swap3A_158] {strides = array<i32>} : memref<128xi32, #tpu.memory_space<vmem>>, vector<16xi32>,
    tpu.vector_store %arg17[%swap3A_158], %get3A_137 {strides = array<i32>} : memref<128xi32, #tpu.memory_space<vmem>>, vector<16xi32>,
    %add3A_160 = arith.addf %bitcast3A, %gather3A_151 : vector<16xf32>
    %swap3A_161 = arith.constant 0 : index
    %swap3A_162 = tpu.vector_load %arg19[%swap3A_161] {strides = array<i32>} : memref<128xf32, #tpu.memory_space<vmem>>, vector<16xf32>,
    tpu.vector_store %arg19[%swap3A_161], %add3A_160 {strides = array<i32>} : memref<128xf32, #tpu.memory_space<vmem>>, vector<16xf32>,
    %get3A_163 = arith.constant 0 : i32
    %get3A_164 = arith.index_cast %get3A_163 : i32 to index
    %get3A_165 = arith.constant 16 : index
    %get3A_166 = tpu.vector_load %arg11[%get3A_164, %get3A_165] {strides = array<i32>} : memref<2x128xi32, #tpu.memory_space<vmem>>, vector<16xi32>,
    %get3A_167 = arith.constant 1 : i32
    %get3A_168 = arith.index_cast %get3A_167 : i32 to index
    %get3A_169 = arith.constant 16 : index
    %get3A_170 = tpu.vector_load %arg11[%get3A_168, %get3A_169] {strides = array<i32>} : memref<2x128xi32, #tpu.memory_space<vmem>>, vector<16xi32>,
    %gather3A_171 = tpu.vector_load_idx %arg10[%get3A_170] : memref<10000xi32, #tpu.memory_space<vmem>>[vector<16xi32>], vector<16xi32>,
    %and3A_172 = arith.constant 3 : i32
    %and3A_173 = vector.broadcast %and3A_172 : i32 to vector<16xi32>
    %and3A_174 = arith.andi %gather3A_171, %and3A_173 : vector<16xi32>
    %and3A_175 = arith.constant -4 : i32
    %and3A_176 = vector.broadcast %and3A_175 : i32 to vector<16xi32>
    %and3A_177 = arith.andi %gather3A_171, %and3A_176 : vector<16xi32>
    %bitcast3A_178 = vector.bitcast %and3A_177 : vector<16xi32> to vector<16xf32>
    %add3A_179 = arith.constant 2 : i32
    %add3A_180 = vector.broadcast %add3A_179 : i32 to vector<16xi32>
    %add3A_181 = arith.addi %select_n3A_130, %add3A_180 : vector<16xi32>
    %mul3A_182 = arith.constant 8 : i32
    %mul3A_183 = vector.broadcast %mul3A_182 : i32 to vector<16xi32>
    %mul3A_184 = arith.muli %and3A_174, %mul3A_183 : vector<16xi32>
    %add3A_185 = arith.addi %mul3A_184, %select_n3A_101 : vector<16xi32>
    %gather3A_186 = tpu.vector_load_idx %arg13[%add3A_181, %add3A_185] : memref<16x24xf32, #tpu.memory_space<vmem>>[vector<16xi32>, vector<16xi32>], vector<16xf32>,
    %mul3A_187 = arith.constant 10000 : i32
    %mul3A_188 = vector.broadcast %mul3A_187 : i32 to vector<16xi32>
    %mul3A_189 = arith.muli %and3A_174, %mul3A_188 : vector<16xi32>
    %add3A_190 = arith.addi %mul3A_189, %get3A_166 : vector<16xi32>
    %swap3A_191 = arith.constant 16 : index
    %swap3A_192 = tpu.vector_load %arg15[%swap3A_191] {strides = array<i32>} : memref<128xi32, #tpu.memory_space<vmem>>, vector<16xi32>,
    tpu.vector_store %arg15[%swap3A_191], %add3A_190 {strides = array<i32>} : memref<128xi32, #tpu.memory_space<vmem>>, vector<16xi32>,
    %swap3A_193 = arith.constant 16 : index
    %swap3A_194 = tpu.vector_load %arg17[%swap3A_193] {strides = array<i32>} : memref<128xi32, #tpu.memory_space<vmem>>, vector<16xi32>,
    tpu.vector_store %arg17[%swap3A_193], %get3A_170 {strides = array<i32>} : memref<128xi32, #tpu.memory_space<vmem>>, vector<16xi32>,
    %add3A_195 = arith.addf %bitcast3A_178, %gather3A_186 : vector<16xf32>
    %swap3A_196 = arith.constant 16 : index
    %swap3A_197 = tpu.vector_load %arg19[%swap3A_196] {strides = array<i32>} : memref<128xf32, #tpu.memory_space<vmem>>, vector<16xf32>,
    tpu.vector_store %arg19[%swap3A_196], %add3A_195 {strides = array<i32>} : memref<128xf32, #tpu.memory_space<vmem>>, vector<16xf32>,
    %get3A_198 = arith.constant 0 : i32
    %get3A_199 = arith.index_cast %get3A_198 : i32 to index
    %get3A_200 = arith.constant 32 : index
    %get3A_201 = tpu.vector_load %arg11[%get3A_199, %get3A_200] {strides = array<i32>} : memref<2x128xi32, #tpu.memory_space<vmem>>, vector<16xi32>,
    %get3A_202 = arith.constant 1 : i32
    %get3A_203 = arith.index_cast %get3A_202 : i32 to index
    %get3A_204 = arith.constant 32 : index
    %get3A_205 = tpu.vector_load %arg11[%get3A_203, %get3A_204] {strides = array<i32>} : memref<2x128xi32, #tpu.memory_space<vmem>>, vector<16xi32>,
    %gather3A_206 = tpu.vector_load_idx %arg10[%get3A_205] : memref<10000xi32, #tpu.memory_space<vmem>>[vector<16xi32>], vector<16xi32>,
    %and3A_207 = arith.constant 3 : i32
    %and3A_208 = vector.broadcast %and3A_207 : i32 to vector<16xi32>
    %and3A_209 = arith.andi %gather3A_206, %and3A_208 : vector<16xi32>
    %and3A_210 = arith.constant -4 : i32
    %and3A_211 = vector.broadcast %and3A_210 : i32 to vector<16xi32>
    %and3A_212 = arith.andi %gather3A_206, %and3A_211 : vector<16xi32>
    %bitcast3A_213 = vector.bitcast %and3A_212 : vector<16xi32> to vector<16xf32>
    %add3A_214 = arith.constant 4 : i32
    %add3A_215 = vector.broadcast %add3A_214 : i32 to vector<16xi32>
    %add3A_216 = arith.addi %select_n3A_130, %add3A_215 : vector<16xi32>
    %mul3A_217 = arith.constant 8 : i32
    %mul3A_218 = vector.broadcast %mul3A_217 : i32 to vector<16xi32>
    %mul3A_219 = arith.muli %and3A_209, %mul3A_218 : vector<16xi32>
    %add3A_220 = arith.addi %mul3A_219, %select_n3A_101 : vector<16xi32>
    %gather3A_221 = tpu.vector_load_idx %arg13[%add3A_216, %add3A_220] : memref<16x24xf32, #tpu.memory_space<vmem>>[vector<16xi32>, vector<16xi32>], vector<16xf32>,
    %mul3A_222 = arith.constant 10000 : i32
    %mul3A_223 = vector.broadcast %mul3A_222 : i32 to vector<16xi32>
    %mul3A_224 = arith.muli %and3A_209, %mul3A_223 : vector<16xi32>
    %add3A_225 = arith.addi %mul3A_224, %get3A_201 : vector<16xi32>
    %swap3A_226 = arith.constant 32 : index
    %swap3A_227 = tpu.vector_load %arg15[%swap3A_226] {strides = array<i32>} : memref<128xi32, #tpu.memory_space<vmem>>, vector<16xi32>,
    tpu.vector_store %arg15[%swap3A_226], %add3A_225 {strides = array<i32>} : memref<128xi32, #tpu.memory_space<vmem>>, vector<16xi32>,
    %swap3A_228 = arith.constant 32 : index
    %swap3A_229 = tpu.vector_load %arg17[%swap3A_228] {strides = array<i32>} : memref<128xi32, #tpu.memory_space<vmem>>, vector<16xi32>,
    tpu.vector_store %arg17[%swap3A_228], %get3A_205 {strides = array<i32>} : memref<128xi32, #tpu.memory_space<vmem>>, vector<16xi32>,
    %add3A_230 = arith.addf %bitcast3A_213, %gather3A_221 : vector<16xf32>
    %swap3A_231 = arith.constant 32 : index
    %swap3A_232 = tpu.vector_load %arg19[%swap3A_231] {strides = array<i32>} : memref<128xf32, #tpu.memory_space<vmem>>, vector<16xf32>,
    tpu.vector_store %arg19[%swap3A_231], %add3A_230 {strides = array<i32>} : memref<128xf32, #tpu.memory_space<vmem>>, vector<16xf32>,
    %get3A_233 = arith.constant 0 : i32
    %get3A_234 = arith.index_cast %get3A_233 : i32 to index
    %get3A_235 = arith.constant 48 : index
    %get3A_236 = tpu.vector_load %arg11[%get3A_234, %get3A_235] {strides = array<i32>} : memref<2x128xi32, #tpu.memory_space<vmem>>, vector<16xi32>,
    %get3A_237 = arith.constant 1 : i32
    %get3A_238 = arith.index_cast %get3A_237 : i32 to index
    %get3A_239 = arith.constant 48 : index
    %get3A_240 = tpu.vector_load %arg11[%get3A_238, %get3A_239] {strides = array<i32>} : memref<2x128xi32, #tpu.memory_space<vmem>>, vector<16xi32>,
    %gather3A_241 = tpu.vector_load_idx %arg10[%get3A_240] : memref<10000xi32, #tpu.memory_space<vmem>>[vector<16xi32>], vector<16xi32>,
    %and3A_242 = arith.constant 3 : i32
    %and3A_243 = vector.broadcast %and3A_242 : i32 to vector<16xi32>
    %and3A_244 = arith.andi %gather3A_241, %and3A_243 : vector<16xi32>
    %and3A_245 = arith.constant -4 : i32
    %and3A_246 = vector.broadcast %and3A_245 : i32 to vector<16xi32>
    %and3A_247 = arith.andi %gather3A_241, %and3A_246 : vector<16xi32>
    %bitcast3A_248 = vector.bitcast %and3A_247 : vector<16xi32> to vector<16xf32>
    %add3A_249 = arith.constant 6 : i32
    %add3A_250 = vector.broadcast %add3A_249 : i32 to vector<16xi32>
    %add3A_251 = arith.addi %select_n3A_130, %add3A_250 : vector<16xi32>
    %mul3A_252 = arith.constant 8 : i32
    %mul3A_253 = vector.broadcast %mul3A_252 : i32 to vector<16xi32>
    %mul3A_254 = arith.muli %and3A_244, %mul3A_253 : vector<16xi32>
    %add3A_255 = arith.addi %mul3A_254, %select_n3A_101 : vector<16xi32>
    %gather3A_256 = tpu.vector_load_idx %arg13[%add3A_251, %add3A_255] : memref<16x24xf32, #tpu.memory_space<vmem>>[vector<16xi32>, vector<16xi32>], vector<16xf32>,
    %mul3A_257 = arith.constant 10000 : i32
    %mul3A_258 = vector.broadcast %mul3A_257 : i32 to vector<16xi32>
    %mul3A_259 = arith.muli %and3A_244, %mul3A_258 : vector<16xi32>
    %add3A_260 = arith.addi %mul3A_259, %get3A_236 : vector<16xi32>
    %swap3A_261 = arith.constant 48 : index
    %swap3A_262 = tpu.vector_load %arg15[%swap3A_261] {strides = array<i32>} : memref<128xi32, #tpu.memory_space<vmem>>, vector<16xi32>,
    tpu.vector_store %arg15[%swap3A_261], %add3A_260 {strides = array<i32>} : memref<128xi32, #tpu.memory_space<vmem>>, vector<16xi32>,
    %swap3A_263 = arith.constant 48 : index
    %swap3A_264 = tpu.vector_load %arg17[%swap3A_263] {strides = array<i32>} : memref<128xi32, #tpu.memory_space<vmem>>, vector<16xi32>,
    tpu.vector_store %arg17[%swap3A_263], %get3A_240 {strides = array<i32>} : memref<128xi32, #tpu.memory_space<vmem>>, vector<16xi32>,
    %add3A_265 = arith.addf %bitcast3A_248, %gather3A_256 : vector<16xf32>
    %swap3A_266 = arith.constant 48 : index
    %swap3A_267 = tpu.vector_load %arg19[%swap3A_266] {strides = array<i32>} : memref<128xf32, #tpu.memory_space<vmem>>, vector<16xf32>,
    tpu.vector_store %arg19[%swap3A_266], %add3A_265 {strides = array<i32>} : memref<128xf32, #tpu.memory_space<vmem>>, vector<16xf32>,
    %get3A_268 = arith.constant 0 : i32
    %get3A_269 = arith.index_cast %get3A_268 : i32 to index
    %get3A_270 = arith.constant 64 : index
    %get3A_271 = tpu.vector_load %arg11[%get3A_269, %get3A_270] {strides = array<i32>} : memref<2x128xi32, #tpu.memory_space<vmem>>, vector<16xi32>,
    %get3A_272 = arith.constant 1 : i32
    %get3A_273 = arith.index_cast %get3A_272 : i32 to index
    %get3A_274 = arith.constant 64 : index
    %get3A_275 = tpu.vector_load %arg11[%get3A_273, %get3A_274] {strides = array<i32>} : memref<2x128xi32, #tpu.memory_space<vmem>>, vector<16xi32>,
    %gather3A_276 = tpu.vector_load_idx %arg10[%get3A_275] : memref<10000xi32, #tpu.memory_space<vmem>>[vector<16xi32>], vector<16xi32>,
    %and3A_277 = arith.constant 3 : i32
    %and3A_278 = vector.broadcast %and3A_277 : i32 to vector<16xi32>
    %and3A_279 = arith.andi %gather3A_276, %and3A_278 : vector<16xi32>
    %and3A_280 = arith.constant -4 : i32
    %and3A_281 = vector.broadcast %and3A_280 : i32 to vector<16xi32>
    %and3A_282 = arith.andi %gather3A_276, %and3A_281 : vector<16xi32>
    %bitcast3A_283 = vector.bitcast %and3A_282 : vector<16xi32> to vector<16xf32>
    %add3A_284 = arith.constant 8 : i32
    %add3A_285 = vector.broadcast %add3A_284 : i32 to vector<16xi32>
    %add3A_286 = arith.addi %select_n3A_130, %add3A_285 : vector<16xi32>
    %mul3A_287 = arith.constant 8 : i32
    %mul3A_288 = vector.broadcast %mul3A_287 : i32 to vector<16xi32>
    %mul3A_289 = arith.muli %and3A_279, %mul3A_288 : vector<16xi32>
    %add3A_290 = arith.addi %mul3A_289, %select_n3A_101 : vector<16xi32>
    %gather3A_291 = tpu.vector_load_idx %arg13[%add3A_286, %add3A_290] : memref<16x24xf32, #tpu.memory_space<vmem>>[vector<16xi32>, vector<16xi32>], vector<16xf32>,
    %mul3A_292 = arith.constant 10000 : i32
    %mul3A_293 = vector.broadcast %mul3A_292 : i32 to vector<16xi32>
    %mul3A_294 = arith.muli %and3A_279, %mul3A_293 : vector<16xi32>
    %add3A_295 = arith.addi %mul3A_294, %get3A_271 : vector<16xi32>
    %swap3A_296 = arith.constant 64 : index
    %swap3A_297 = tpu.vector_load %arg15[%swap3A_296] {strides = array<i32>} : memref<128xi32, #tpu.memory_space<vmem>>, vector<16xi32>,
    tpu.vector_store %arg15[%swap3A_296], %add3A_295 {strides = array<i32>} : memref<128xi32, #tpu.memory_space<vmem>>, vector<16xi32>,
    %swap3A_298 = arith.constant 64 : index
    %swap3A_299 = tpu.vector_load %arg17[%swap3A_298] {strides = array<i32>} : memref<128xi32, #tpu.memory_space<vmem>>, vector<16xi32>,
    tpu.vector_store %arg17[%swap3A_298], %get3A_275 {strides = array<i32>} : memref<128xi32, #tpu.memory_space<vmem>>, vector<16xi32>,
    %add3A_300 = arith.addf %bitcast3A_283, %gather3A_291 : vector<16xf32>
    %swap3A_301 = arith.constant 64 : index
    %swap3A_302 = tpu.vector_load %arg19[%swap3A_301] {strides = array<i32>} : memref<128xf32, #tpu.memory_space<vmem>>, vector<16xf32>,
    tpu.vector_store %arg19[%swap3A_301], %add3A_300 {strides = array<i32>} : memref<128xf32, #tpu.memory_space<vmem>>, vector<16xf32>,
    %get3A_303 = arith.constant 0 : i32
    %get3A_304 = arith.index_cast %get3A_303 : i32 to index
    %get3A_305 = arith.constant 80 : index
    %get3A_306 = tpu.vector_load %arg11[%get3A_304, %get3A_305] {strides = array<i32>} : memref<2x128xi32, #tpu.memory_space<vmem>>, vector<16xi32>,
    %get3A_307 = arith.constant 1 : i32
    %get3A_308 = arith.index_cast %get3A_307 : i32 to index
    %get3A_309 = arith.constant 80 : index
    %get3A_310 = tpu.vector_load %arg11[%get3A_308, %get3A_309] {strides = array<i32>} : memref<2x128xi32, #tpu.memory_space<vmem>>, vector<16xi32>,
    %gather3A_311 = tpu.vector_load_idx %arg10[%get3A_310] : memref<10000xi32, #tpu.memory_space<vmem>>[vector<16xi32>], vector<16xi32>,
    %and3A_312 = arith.constant 3 : i32
    %and3A_313 = vector.broadcast %and3A_312 : i32 to vector<16xi32>
    %and3A_314 = arith.andi %gather3A_311, %and3A_313 : vector<16xi32>
    %and3A_315 = arith.constant -4 : i32
    %and3A_316 = vector.broadcast %and3A_315 : i32 to vector<16xi32>
    %and3A_317 = arith.andi %gather3A_311, %and3A_316 : vector<16xi32>
    %bitcast3A_318 = vector.bitcast %and3A_317 : vector<16xi32> to vector<16xf32>
    %add3A_319 = arith.constant 10 : i32
    %add3A_320 = vector.broadcast %add3A_319 : i32 to vector<16xi32>
    %add3A_321 = arith.addi %select_n3A_130, %add3A_320 : vector<16xi32>
    %mul3A_322 = arith.constant 8 : i32
    %mul3A_323 = vector.broadcast %mul3A_322 : i32 to vector<16xi32>
    %mul3A_324 = arith.muli %and3A_314, %mul3A_323 : vector<16xi32>
    %add3A_325 = arith.addi %mul3A_324, %select_n3A_101 : vector<16xi32>
    %gather3A_326 = tpu.vector_load_idx %arg13[%add3A_321, %add3A_325] : memref<16x24xf32, #tpu.memory_space<vmem>>[vector<16xi32>, vector<16xi32>], vector<16xf32>,
    %mul3A_327 = arith.constant 10000 : i32
    %mul3A_328 = vector.broadcast %mul3A_327 : i32 to vector<16xi32>
    %mul3A_329 = arith.muli %and3A_314, %mul3A_328 : vector<16xi32>
    %add3A_330 = arith.addi %mul3A_329, %get3A_306 : vector<16xi32>
    %swap3A_331 = arith.constant 80 : index
    %swap3A_332 = tpu.vector_load %arg15[%swap3A_331] {strides = array<i32>} : memref<128xi32, #tpu.memory_space<vmem>>, vector<16xi32>,
    tpu.vector_store %arg15[%swap3A_331], %add3A_330 {strides = array<i32>} : memref<128xi32, #tpu.memory_space<vmem>>, vector<16xi32>,
    %swap3A_333 = arith.constant 80 : index
    %swap3A_334 = tpu.vector_load %arg17[%swap3A_333] {strides = array<i32>} : memref<128xi32, #tpu.memory_space<vmem>>, vector<16xi32>,
    tpu.vector_store %arg17[%swap3A_333], %get3A_310 {strides = array<i32>} : memref<128xi32, #tpu.memory_space<vmem>>, vector<16xi32>,
    %add3A_335 = arith.addf %bitcast3A_318, %gather3A_326 : vector<16xf32>
    %swap3A_336 = arith.constant 80 : index
    %swap3A_337 = tpu.vector_load %arg19[%swap3A_336] {strides = array<i32>} : memref<128xf32, #tpu.memory_space<vmem>>, vector<16xf32>,
    tpu.vector_store %arg19[%swap3A_336], %add3A_335 {strides = array<i32>} : memref<128xf32, #tpu.memory_space<vmem>>, vector<16xf32>,
    %get3A_338 = arith.constant 0 : i32
    %get3A_339 = arith.index_cast %get3A_338 : i32 to index
    %get3A_340 = arith.constant 96 : index
    %get3A_341 = tpu.vector_load %arg11[%get3A_339, %get3A_340] {strides = array<i32>} : memref<2x128xi32, #tpu.memory_space<vmem>>, vector<16xi32>,
    %get3A_342 = arith.constant 1 : i32
    %get3A_343 = arith.index_cast %get3A_342 : i32 to index
    %get3A_344 = arith.constant 96 : index
    %get3A_345 = tpu.vector_load %arg11[%get3A_343, %get3A_344] {strides = array<i32>} : memref<2x128xi32, #tpu.memory_space<vmem>>, vector<16xi32>,
    %gather3A_346 = tpu.vector_load_idx %arg10[%get3A_345] : memref<10000xi32, #tpu.memory_space<vmem>>[vector<16xi32>], vector<16xi32>,
    %and3A_347 = arith.constant 3 : i32
    %and3A_348 = vector.broadcast %and3A_347 : i32 to vector<16xi32>
    %and3A_349 = arith.andi %gather3A_346, %and3A_348 : vector<16xi32>
    %and3A_350 = arith.constant -4 : i32
    %and3A_351 = vector.broadcast %and3A_350 : i32 to vector<16xi32>
    %and3A_352 = arith.andi %gather3A_346, %and3A_351 : vector<16xi32>
    %bitcast3A_353 = vector.bitcast %and3A_352 : vector<16xi32> to vector<16xf32>
    %add3A_354 = arith.constant 12 : i32
    %add3A_355 = vector.broadcast %add3A_354 : i32 to vector<16xi32>
    %add3A_356 = arith.addi %select_n3A_130, %add3A_355 : vector<16xi32>
    %mul3A_357 = arith.constant 8 : i32
    %mul3A_358 = vector.broadcast %mul3A_357 : i32 to vector<16xi32>
    %mul3A_359 = arith.muli %and3A_349, %mul3A_358 : vector<16xi32>
    %add3A_360 = arith.addi %mul3A_359, %select_n3A_101 : vector<16xi32>
    %gather3A_361 = tpu.vector_load_idx %arg13[%add3A_356, %add3A_360] : memref<16x24xf32, #tpu.memory_space<vmem>>[vector<16xi32>, vector<16xi32>], vector<16xf32>,
    %mul3A_362 = arith.constant 10000 : i32
    %mul3A_363 = vector.broadcast %mul3A_362 : i32 to vector<16xi32>
    %mul3A_364 = arith.muli %and3A_349, %mul3A_363 : vector<16xi32>
    %add3A_365 = arith.addi %mul3A_364, %get3A_341 : vector<16xi32>
    %swap3A_366 = arith.constant 96 : index
    %swap3A_367 = tpu.vector_load %arg15[%swap3A_366] {strides = array<i32>} : memref<128xi32, #tpu.memory_space<vmem>>, vector<16xi32>,
    tpu.vector_store %arg15[%swap3A_366], %add3A_365 {strides = array<i32>} : memref<128xi32, #tpu.memory_space<vmem>>, vector<16xi32>,
    %swap3A_368 = arith.constant 96 : index
    %swap3A_369 = tpu.vector_load %arg17[%swap3A_368] {strides = array<i32>} : memref<128xi32, #tpu.memory_space<vmem>>, vector<16xi32>,
    tpu.vector_store %arg17[%swap3A_368], %get3A_345 {strides = array<i32>} : memref<128xi32, #tpu.memory_space<vmem>>, vector<16xi32>,
    %add3A_370 = arith.addf %bitcast3A_353, %gather3A_361 : vector<16xf32>
    %swap3A_371 = arith.constant 96 : index
    %swap3A_372 = tpu.vector_load %arg19[%swap3A_371] {strides = array<i32>} : memref<128xf32, #tpu.memory_space<vmem>>, vector<16xf32>,
    tpu.vector_store %arg19[%swap3A_371], %add3A_370 {strides = array<i32>} : memref<128xf32, #tpu.memory_space<vmem>>, vector<16xf32>,
    %get3A_373 = arith.constant 0 : i32
    %get3A_374 = arith.index_cast %get3A_373 : i32 to index
    %get3A_375 = arith.constant 112 : index
    %get3A_376 = tpu.vector_load %arg11[%get3A_374, %get3A_375] {strides = array<i32>} : memref<2x128xi32, #tpu.memory_space<vmem>>, vector<16xi32>,
    %get3A_377 = arith.constant 1 : i32
    %get3A_378 = arith.index_cast %get3A_377 : i32 to index
    %get3A_379 = arith.constant 112 : index
    %get3A_380 = tpu.vector_load %arg11[%get3A_378, %get3A_379] {strides = array<i32>} : memref<2x128xi32, #tpu.memory_space<vmem>>, vector<16xi32>,
    %gather3A_381 = tpu.vector_load_idx %arg10[%get3A_380] : memref<10000xi32, #tpu.memory_space<vmem>>[vector<16xi32>], vector<16xi32>,
    %and3A_382 = arith.constant 3 : i32
    %and3A_383 = vector.broadcast %and3A_382 : i32 to vector<16xi32>
    %and3A_384 = arith.andi %gather3A_381, %and3A_383 : vector<16xi32>
    %and3A_385 = arith.constant -4 : i32
    %and3A_386 = vector.broadcast %and3A_385 : i32 to vector<16xi32>
    %and3A_387 = arith.andi %gather3A_381, %and3A_386 : vector<16xi32>
    %bitcast3A_388 = vector.bitcast %and3A_387 : vector<16xi32> to vector<16xf32>
    %add3A_389 = arith.constant 14 : i32
    %add3A_390 = vector.broadcast %add3A_389 : i32 to vector<16xi32>
    %add3A_391 = arith.addi %select_n3A_130, %add3A_390 : vector<16xi32>
    %mul3A_392 = arith.constant 8 : i32
    %mul3A_393 = vector.broadcast %mul3A_392 : i32 to vector<16xi32>
    %mul3A_394 = arith.muli %and3A_384, %mul3A_393 : vector<16xi32>
    %add3A_395 = arith.addi %mul3A_394, %select_n3A_101 : vector<16xi32>
    %gather3A_396 = tpu.vector_load_idx %arg13[%add3A_391, %add3A_395] : memref<16x24xf32, #tpu.memory_space<vmem>>[vector<16xi32>, vector<16xi32>], vector<16xf32>,
    %mul3A_397 = arith.constant 10000 : i32
    %mul3A_398 = vector.broadcast %mul3A_397 : i32 to vector<16xi32>
    %mul3A_399 = arith.muli %and3A_384, %mul3A_398 : vector<16xi32>
    %add3A_400 = arith.addi %mul3A_399, %get3A_376 : vector<16xi32>
    %swap3A_401 = arith.constant 112 : index
    %swap3A_402 = tpu.vector_load %arg15[%swap3A_401] {strides = array<i32>} : memref<128xi32, #tpu.memory_space<vmem>>, vector<16xi32>,
    tpu.vector_store %arg15[%swap3A_401], %add3A_400 {strides = array<i32>} : memref<128xi32, #tpu.memory_space<vmem>>, vector<16xi32>,
    %swap3A_403 = arith.constant 112 : index
    %swap3A_404 = tpu.vector_load %arg17[%swap3A_403] {strides = array<i32>} : memref<128xi32, #tpu.memory_space<vmem>>, vector<16xi32>,
    tpu.vector_store %arg17[%swap3A_403], %get3A_380 {strides = array<i32>} : memref<128xi32, #tpu.memory_space<vmem>>, vector<16xi32>,
    %add3A_405 = arith.addf %bitcast3A_388, %gather3A_396 : vector<16xf32>
    %swap3A_406 = arith.constant 112 : index
    %swap3A_407 = tpu.vector_load %arg19[%swap3A_406] {strides = array<i32>} : memref<128xf32, #tpu.memory_space<vmem>>, vector<16xf32>,
    tpu.vector_store %arg19[%swap3A_406], %add3A_405 {strides = array<i32>} : memref<128xf32, #tpu.memory_space<vmem>>, vector<16xf32>,
    %dma_start3A = arith.constant 0 : i32
    %dma_start3A_408 = arith.constant 0 : i32
    %dma_start3A_409 = tpu.memref_slice %arg2[%dma_start3A, %dma_start3A_408] : memref<30000x128xf32, #tpu.memory_space<hbm>> -> memref<30000x128xf32, #tpu.memory_space<hbm>>
    tpu.enqueue_indirect_dma source(%dma_start3A_409 : memref<30000x128xf32, #tpu.memory_space<hbm>>) target(%arg27 : memref<128x128xf32, #tpu.memory_space<vmem>>) offsets(%arg15 : memref<128xi32, #tpu.memory_space<vmem>>) semaphore(%arg32 : memref<!tpu.dma_semaphore, #tpu.memory_space<semaphore_mem>>)
    %dma_start3A_410 = arith.constant 0 : i32
    %dma_start3A_411 = tpu.memref_slice %arg5[%dma_start3A_410] : memref<30000xf32, #tpu.memory_space<hbm>> -> memref<30000xf32, #tpu.memory_space<hbm>>
    tpu.enqueue_indirect_dma source(%dma_start3A_411 : memref<30000xf32, #tpu.memory_space<hbm>>) target(%arg21 : memref<128xf32, #tpu.memory_space<vmem>>) offsets(%arg15 : memref<128xi32, #tpu.memory_space<vmem>>) semaphore(%arg34 : memref<!tpu.dma_semaphore, #tpu.memory_space<semaphore_mem>>)
    %add3A_412 = arith.constant 128 : i32
    %add3A_413 = arith.addi %select_n3A_71, %add3A_412 : i32
    %dma_start3A_414 = arith.constant 0 : i32
    %dma_start3A_415 = tpu.memref_slice %arg3[%dma_start3A_414, %add3A_413] : memref<2x327680xi32, #tpu.memory_space<hbm>> -> memref<2x128xi32, #tpu.memory_space<hbm>>
    %dma_start3A_416 = arith.constant 0 : i32
    %dma_start3A_417 = tpu.memref_slice %arg3[%dma_start3A_416, %add3A_413] : memref<2x327680xi32, #tpu.memory_space<hbm>> -> memref<2x128xi32, #tpu.memory_space<hbm>>
    tpu.enqueue_dma source(%dma_start3A_417 : memref<2x128xi32, #tpu.memory_space<hbm>>) target(%arg12 : memref<2x128xi32, #tpu.memory_space<vmem>>) target_semaphore(%arg31 : memref<!tpu.dma_semaphore, #tpu.memory_space<semaphore_mem>>)
    %add3A_418 = arith.constant 16 : i32
    %add3A_419 = arith.addi %select_n3A_82, %add3A_418 : i32
    %dma_start3A_420 = arith.constant 0 : i32
    %dma_start3A_421 = tpu.memref_slice %arg4[%add3A_419, %dma_start3A_420] : memref<40960x24xf32, #tpu.memory_space<hbm>> -> memref<16x24xf32, #tpu.memory_space<hbm>>
    %dma_start3A_422 = arith.constant 0 : i32
    %dma_start3A_423 = tpu.memref_slice %arg4[%add3A_419, %dma_start3A_422] : memref<40960x24xf32, #tpu.memory_space<hbm>> -> memref<16x24xf32, #tpu.memory_space<hbm>>
    tpu.enqueue_dma source(%dma_start3A_423 : memref<16x24xf32, #tpu.memory_space<hbm>>) target(%arg14 : memref<16x24xf32, #tpu.memory_space<vmem>>) target_semaphore(%arg31 : memref<!tpu.dma_semaphore, #tpu.memory_space<semaphore_mem>>)
    %jit3A_424 = arith.constant 2 : i32
    %div3A_425 = arith.divsi %select_n3A, %jit3A_424 : i32
    %sign3A_426 = arith.constant 0 : i32
    %sign3A_427 = arith.cmpi sgt, %select_n3A, %sign3A_426 : i32
    %sign3A_428 = arith.extui %sign3A_427 : i1 to i32
    %sign3A_429 = arith.constant 0 : i32
    %sign3A_430 = arith.cmpi slt, %select_n3A, %sign3A_429 : i32
    %sign3A_431 = arith.extui %sign3A_430 : i1 to i32
    %sign3A_432 = arith.subi %sign3A_428, %sign3A_431 : i32
    %sign3A_433 = arith.constant 0 : i32
    %sign3A_434 = arith.cmpi sgt, %jit3A_424, %sign3A_433 : i32
    %sign3A_435 = arith.extui %sign3A_434 : i1 to i32
    %sign3A_436 = arith.constant 0 : i32
    %sign3A_437 = arith.cmpi slt, %jit3A_424, %sign3A_436 : i32
    %sign3A_438 = arith.extui %sign3A_437 : i1 to i32
    %sign3A_439 = arith.subi %sign3A_435, %sign3A_438 : i32
    %ne3A_440 = arith.cmpi ne, %sign3A_432, %sign3A_439 : i32
    %rem3A_441 = arith.remsi %select_n3A, %jit3A_424 : i32
    %ne3A_442 = arith.constant 0 : i32
    %ne3A_443 = arith.cmpi ne, %rem3A_441, %ne3A_442 : i32
    %and3A_444 = arith.andi %ne3A_440, %ne3A_443 : i1
    %sub3A_445 = arith.constant 1 : i32
    %sub3A_446 = arith.subi %div3A_425, %sub3A_445 : i32
    %select_n3A_447 = arith.select %and3A_444, %sub3A_446, %div3A_425 : i32
    %while3A = arith.constant 0 : i32
    %while3A_448 = arith.constant 0 : i32
    %while3A_449 = arith.subi %select_n3A_447, %while3A_448 : i32
    %while3A_450 = arith.addi %while3A_448, %while3A_449 : i32
    %while3A_451 = arith.constant 1 : i32
    %while3A_452 = arith.divsi %while3A_449, %while3A_451 : i32
    %while3A_453 = arith.muli %while3A_452, %while3A_451 : i32
    %while3A_454 = arith.addi %while3A_448, %while3A_453 : i32
    %while3A_455 = arith.constant 1 : i32
    scf.for %while3A_474 = %while3A_448 to %while3A_454 step %while3A_455  : i32 {
      %mul3A_475 = arith.constant 2 : i32
      %mul3A_476 = arith.muli %while3A_474, %mul3A_475 : i32
      %mul3A_477 = arith.constant 128 : i32
      %mul3A_478 = arith.muli %mul3A_476, %mul3A_477 : i32
      %add3A_479 = arith.addi %select_n3A_71, %mul3A_478 : i32
      %mul3A_480 = arith.constant 16 : i32
      %mul3A_481 = arith.muli %mul3A_476, %mul3A_480 : i32
      %add3A_482 = arith.addi %select_n3A_82, %mul3A_481 : i32
      %sub3A_483 = arith.constant 1 : i32
      %sub3A_484 = arith.subi %select_n3A, %sub3A_483 : i32
      %lt3A_485 = arith.cmpi slt, %mul3A_476, %sub3A_484 : i32
      %convert_element_type3A_486 = arith.extui %lt3A_485 : i1 to i32
      %cond3A_487 = arith.constant 0 : i32
      %cond3A_488 = arith.cmpi ne, %convert_element_type3A_486, %cond3A_487 : i32
      scf.if %cond3A_488 {
        %add3A_1021 = arith.constant 128 : i32
        %add3A_1022 = arith.addi %add3A_479, %add3A_1021 : i32
        %dma_wait3A_1023 = arith.constant 0 : i32
        %dma_wait3A_1024 = tpu.memref_slice %arg3[%dma_wait3A_1023, %add3A_1022] : memref<2x327680xi32, #tpu.memory_space<hbm>> -> memref<2x128xi32, #tpu.memory_space<hbm>>
        %dma_wait3A_1025 = arith.constant 0 : i32
        %dma_wait3A_1026 = tpu.memref_slice %arg3[%dma_wait3A_1025, %add3A_1022] : memref<2x327680xi32, #tpu.memory_space<hbm>> -> memref<2x128xi32, #tpu.memory_space<hbm>>
        tpu.wait_dma2 semaphore(%arg31 : memref<!tpu.dma_semaphore, #tpu.memory_space<semaphore_mem>>) src(%dma_wait3A_1026 : memref<2x128xi32, #tpu.memory_space<hbm>>) dst(%arg12 : memref<2x128xi32, #tpu.memory_space<vmem>>)
        %add3A_1027 = arith.constant 16 : i32
        %add3A_1028 = arith.addi %add3A_482, %add3A_1027 : i32
        %dma_wait3A_1029 = arith.constant 0 : i32
        %dma_wait3A_1030 = tpu.memref_slice %arg4[%add3A_1028, %dma_wait3A_1029] : memref<40960x24xf32, #tpu.memory_space<hbm>> -> memref<16x24xf32, #tpu.memory_space<hbm>>
        %dma_wait3A_1031 = arith.constant 0 : i32
        %dma_wait3A_1032 = tpu.memref_slice %arg4[%add3A_1028, %dma_wait3A_1031] : memref<40960x24xf32, #tpu.memory_space<hbm>> -> memref<16x24xf32, #tpu.memory_space<hbm>>
        tpu.wait_dma2 semaphore(%arg31 : memref<!tpu.dma_semaphore, #tpu.memory_space<semaphore_mem>>) src(%dma_wait3A_1032 : memref<16x24xf32, #tpu.memory_space<hbm>>) dst(%arg14 : memref<16x24xf32, #tpu.memory_space<vmem>>)
        %add3A_1033 = arith.constant 128 : i32
        %add3A_1034 = arith.addi %add3A_479, %add3A_1033 : i32
        %get3A_1035 = arith.constant 0 : i32
        %get3A_1036 = arith.index_cast %get3A_1035 : i32 to index
        %get3A_1037 = arith.constant 0 : index
        %get3A_1038 = tpu.vector_load %arg12[%get3A_1036, %get3A_1037] {strides = array<i32>} : memref<2x128xi32, #tpu.memory_space<vmem>>, vector<16xi32>,
        %get3A_1039 = arith.constant 1 : i32
        %get3A_1040 = arith.index_cast %get3A_1039 : i32 to index
        %get3A_1041 = arith.constant 0 : index
        %get3A_1042 = tpu.vector_load %arg12[%get3A_1040, %get3A_1041] {strides = array<i32>} : memref<2x128xi32, #tpu.memory_space<vmem>>, vector<16xi32>,
        %gather3A_1043 = tpu.vector_load_idx %arg10[%get3A_1042] : memref<10000xi32, #tpu.memory_space<vmem>>[vector<16xi32>], vector<16xi32>,
        %and3A_1044 = arith.constant 3 : i32
        %and3A_1045 = vector.broadcast %and3A_1044 : i32 to vector<16xi32>
        %and3A_1046 = arith.andi %gather3A_1043, %and3A_1045 : vector<16xi32>
        %and3A_1047 = arith.constant -4 : i32
        %and3A_1048 = vector.broadcast %and3A_1047 : i32 to vector<16xi32>
        %and3A_1049 = arith.andi %gather3A_1043, %and3A_1048 : vector<16xi32>
        %bitcast3A_1050 = vector.bitcast %and3A_1049 : vector<16xi32> to vector<16xf32>
        %add3A_1051 = arith.constant 0 : i32
        %add3A_1052 = vector.broadcast %add3A_1051 : i32 to vector<16xi32>
        %add3A_1053 = arith.addi %select_n3A_130, %add3A_1052 : vector<16xi32>
        %mul3A_1054 = arith.constant 8 : i32
        %mul3A_1055 = vector.broadcast %mul3A_1054 : i32 to vector<16xi32>
        %mul3A_1056 = arith.muli %and3A_1046, %mul3A_1055 : vector<16xi32>
        %add3A_1057 = arith.addi %mul3A_1056, %select_n3A_101 : vector<16xi32>
        %gather3A_1058 = tpu.vector_load_idx %arg14[%add3A_1053, %add3A_1057] : memref<16x24xf32, #tpu.memory_space<vmem>>[vector<16xi32>, vector<16xi32>], vector<16xf32>,
        %mul3A_1059 = arith.constant 10000 : i32
        %mul3A_1060 = vector.broadcast %mul3A_1059 : i32 to vector<16xi32>
        %mul3A_1061 = arith.muli %and3A_1046, %mul3A_1060 : vector<16xi32>
        %add3A_1062 = arith.addi %mul3A_1061, %get3A_1038 : vector<16xi32>
        %swap3A_1063 = arith.constant 0 : index
        %swap3A_1064 = tpu.vector_load %arg16[%swap3A_1063] {strides = array<i32>} : memref<128xi32, #tpu.memory_space<vmem>>, vector<16xi32>,
        tpu.vector_store %arg16[%swap3A_1063], %add3A_1062 {strides = array<i32>} : memref<128xi32, #tpu.memory_space<vmem>>, vector<16xi32>,
        %swap3A_1065 = arith.constant 0 : index
        %swap3A_1066 = tpu.vector_load %arg18[%swap3A_1065] {strides = array<i32>} : memref<128xi32, #tpu.memory_space<vmem>>, vector<16xi32>,
        tpu.vector_store %arg18[%swap3A_1065], %get3A_1042 {strides = array<i32>} : memref<128xi32, #tpu.memory_space<vmem>>, vector<16xi32>,
        %add3A_1067 = arith.addf %bitcast3A_1050, %gather3A_1058 : vector<16xf32>
        %swap3A_1068 = arith.constant 0 : index
        %swap3A_1069 = tpu.vector_load %arg20[%swap3A_1068] {strides = array<i32>} : memref<128xf32, #tpu.memory_space<vmem>>, vector<16xf32>,
        tpu.vector_store %arg20[%swap3A_1068], %add3A_1067 {strides = array<i32>} : memref<128xf32, #tpu.memory_space<vmem>>, vector<16xf32>,
        %get3A_1070 = arith.constant 0 : i32
        %get3A_1071 = arith.index_cast %get3A_1070 : i32 to index
        %get3A_1072 = arith.constant 16 : index
        %get3A_1073 = tpu.vector_load %arg12[%get3A_1071, %get3A_1072] {strides = array<i32>} : memref<2x128xi32, #tpu.memory_space<vmem>>, vector<16xi32>,
        %get3A_1074 = arith.constant 1 : i32
        %get3A_1075 = arith.index_cast %get3A_1074 : i32 to index
        %get3A_1076 = arith.constant 16 : index
        %get3A_1077 = tpu.vector_load %arg12[%get3A_1075, %get3A_1076] {strides = array<i32>} : memref<2x128xi32, #tpu.memory_space<vmem>>, vector<16xi32>,
        %gather3A_1078 = tpu.vector_load_idx %arg10[%get3A_1077] : memref<10000xi32, #tpu.memory_space<vmem>>[vector<16xi32>], vector<16xi32>,
        %and3A_1079 = arith.constant 3 : i32
        %and3A_1080 = vector.broadcast %and3A_1079 : i32 to vector<16xi32>
        %and3A_1081 = arith.andi %gather3A_1078, %and3A_1080 : vector<16xi32>
        %and3A_1082 = arith.constant -4 : i32
        %and3A_1083 = vector.broadcast %and3A_1082 : i32 to vector<16xi32>
        %and3A_1084 = arith.andi %gather3A_1078, %and3A_1083 : vector<16xi32>
        %bitcast3A_1085 = vector.bitcast %and3A_1084 : vector<16xi32> to vector<16xf32>
        %add3A_1086 = arith.constant 2 : i32
        %add3A_1087 = vector.broadcast %add3A_1086 : i32 to vector<16xi32>
        %add3A_1088 = arith.addi %select_n3A_130, %add3A_1087 : vector<16xi32>
        %mul3A_1089 = arith.constant 8 : i32
        %mul3A_1090 = vector.broadcast %mul3A_1089 : i32 to vector<16xi32>
        %mul3A_1091 = arith.muli %and3A_1081, %mul3A_1090 : vector<16xi32>
        %add3A_1092 = arith.addi %mul3A_1091, %select_n3A_101 : vector<16xi32>
        %gather3A_1093 = tpu.vector_load_idx %arg14[%add3A_1088, %add3A_1092] : memref<16x24xf32, #tpu.memory_space<vmem>>[vector<16xi32>, vector<16xi32>], vector<16xf32>,
        %mul3A_1094 = arith.constant 10000 : i32
        %mul3A_1095 = vector.broadcast %mul3A_1094 : i32 to vector<16xi32>
        %mul3A_1096 = arith.muli %and3A_1081, %mul3A_1095 : vector<16xi32>
        %add3A_1097 = arith.addi %mul3A_1096, %get3A_1073 : vector<16xi32>
        %swap3A_1098 = arith.constant 16 : index
        %swap3A_1099 = tpu.vector_load %arg16[%swap3A_1098] {strides = array<i32>} : memref<128xi32, #tpu.memory_space<vmem>>, vector<16xi32>,
        tpu.vector_store %arg16[%swap3A_1098], %add3A_1097 {strides = array<i32>} : memref<128xi32, #tpu.memory_space<vmem>>, vector<16xi32>,
        %swap3A_1100 = arith.constant 16 : index
        %swap3A_1101 = tpu.vector_load %arg18[%swap3A_1100] {strides = array<i32>} : memref<128xi32, #tpu.memory_space<vmem>>, vector<16xi32>,
        tpu.vector_store %arg18[%swap3A_1100], %get3A_1077 {strides = array<i32>} : memref<128xi32, #tpu.memory_space<vmem>>, vector<16xi32>,
        %add3A_1102 = arith.addf %bitcast3A_1085, %gather3A_1093 : vector<16xf32>
        %swap3A_1103 = arith.constant 16 : index
        %swap3A_1104 = tpu.vector_load %arg20[%swap3A_1103] {strides = array<i32>} : memref<128xf32, #tpu.memory_space<vmem>>, vector<16xf32>,
        tpu.vector_store %arg20[%swap3A_1103], %add3A_1102 {strides = array<i32>} : memref<128xf32, #tpu.memory_space<vmem>>, vector<16xf32>,
        %get3A_1105 = arith.constant 0 : i32
        %get3A_1106 = arith.index_cast %get3A_1105 : i32 to index
        %get3A_1107 = arith.constant 32 : index
        %get3A_1108 = tpu.vector_load %arg12[%get3A_1106, %get3A_1107] {strides = array<i32>} : memref<2x128xi32, #tpu.memory_space<vmem>>, vector<16xi32>,
        %get3A_1109 = arith.constant 1 : i32
        %get3A_1110 = arith.index_cast %get3A_1109 : i32 to index
        %get3A_1111 = arith.constant 32 : index
        %get3A_1112 = tpu.vector_load %arg12[%get3A_1110, %get3A_1111] {strides = array<i32>} : memref<2x128xi32, #tpu.memory_space<vmem>>, vector<16xi32>,
        %gather3A_1113 = tpu.vector_load_idx %arg10[%get3A_1112] : memref<10000xi32, #tpu.memory_space<vmem>>[vector<16xi32>], vector<16xi32>,
        %and3A_1114 = arith.constant 3 : i32
        %and3A_1115 = vector.broadcast %and3A_1114 : i32 to vector<16xi32>
        %and3A_1116 = arith.andi %gather3A_1113, %and3A_1115 : vector<16xi32>
        %and3A_1117 = arith.constant -4 : i32
        %and3A_1118 = vector.broadcast %and3A_1117 : i32 to vector<16xi32>
        %and3A_1119 = arith.andi %gather3A_1113, %and3A_1118 : vector<16xi32>
        %bitcast3A_1120 = vector.bitcast %and3A_1119 : vector<16xi32> to vector<16xf32>
        %add3A_1121 = arith.constant 4 : i32
        %add3A_1122 = vector.broadcast %add3A_1121 : i32 to vector<16xi32>
        %add3A_1123 = arith.addi %select_n3A_130, %add3A_1122 : vector<16xi32>
        %mul3A_1124 = arith.constant 8 : i32
        %mul3A_1125 = vector.broadcast %mul3A_1124 : i32 to vector<16xi32>
        %mul3A_1126 = arith.muli %and3A_1116, %mul3A_1125 : vector<16xi32>
        %add3A_1127 = arith.addi %mul3A_1126, %select_n3A_101 : vector<16xi32>
        %gather3A_1128 = tpu.vector_load_idx %arg14[%add3A_1123, %add3A_1127] : memref<16x24xf32, #tpu.memory_space<vmem>>[vector<16xi32>, vector<16xi32>], vector<16xf32>,
        %mul3A_1129 = arith.constant 10000 : i32
        %mul3A_1130 = vector.broadcast %mul3A_1129 : i32 to vector<16xi32>
        %mul3A_1131 = arith.muli %and3A_1116, %mul3A_1130 : vector<16xi32>
        %add3A_1132 = arith.addi %mul3A_1131, %get3A_1108 : vector<16xi32>
        %swap3A_1133 = arith.constant 32 : index
        %swap3A_1134 = tpu.vector_load %arg16[%swap3A_1133] {strides = array<i32>} : memref<128xi32, #tpu.memory_space<vmem>>, vector<16xi32>,
        tpu.vector_store %arg16[%swap3A_1133], %add3A_1132 {strides = array<i32>} : memref<128xi32, #tpu.memory_space<vmem>>, vector<16xi32>,
        %swap3A_1135 = arith.constant 32 : index
        %swap3A_1136 = tpu.vector_load %arg18[%swap3A_1135] {strides = array<i32>} : memref<128xi32, #tpu.memory_space<vmem>>, vector<16xi32>,
        tpu.vector_store %arg18[%swap3A_1135], %get3A_1112 {strides = array<i32>} : memref<128xi32, #tpu.memory_space<vmem>>, vector<16xi32>,
        %add3A_1137 = arith.addf %bitcast3A_1120, %gather3A_1128 : vector<16xf32>
        %swap3A_1138 = arith.constant 32 : index
        %swap3A_1139 = tpu.vector_load %arg20[%swap3A_1138] {strides = array<i32>} : memref<128xf32, #tpu.memory_space<vmem>>, vector<16xf32>,
        tpu.vector_store %arg20[%swap3A_1138], %add3A_1137 {strides = array<i32>} : memref<128xf32, #tpu.memory_space<vmem>>, vector<16xf32>,
        %get3A_1140 = arith.constant 0 : i32
        %get3A_1141 = arith.index_cast %get3A_1140 : i32 to index
        %get3A_1142 = arith.constant 48 : index
        %get3A_1143 = tpu.vector_load %arg12[%get3A_1141, %get3A_1142] {strides = array<i32>} : memref<2x128xi32, #tpu.memory_space<vmem>>, vector<16xi32>,
        %get3A_1144 = arith.constant 1 : i32
        %get3A_1145 = arith.index_cast %get3A_1144 : i32 to index
        %get3A_1146 = arith.constant 48 : index
        %get3A_1147 = tpu.vector_load %arg12[%get3A_1145, %get3A_1146] {strides = array<i32>} : memref<2x128xi32, #tpu.memory_space<vmem>>, vector<16xi32>,
        %gather3A_1148 = tpu.vector_load_idx %arg10[%get3A_1147] : memref<10000xi32, #tpu.memory_space<vmem>>[vector<16xi32>], vector<16xi32>,
        %and3A_1149 = arith.constant 3 : i32
        %and3A_1150 = vector.broadcast %and3A_1149 : i32 to vector<16xi32>
        %and3A_1151 = arith.andi %gather3A_1148, %and3A_1150 : vector<16xi32>
        %and3A_1152 = arith.constant -4 : i32
        %and3A_1153 = vector.broadcast %and3A_1152 : i32 to vector<16xi32>
        %and3A_1154 = arith.andi %gather3A_1148, %and3A_1153 : vector<16xi32>
        %bitcast3A_1155 = vector.bitcast %and3A_1154 : vector<16xi32> to vector<16xf32>
        %add3A_1156 = arith.constant 6 : i32
        %add3A_1157 = vector.broadcast %add3A_1156 : i32 to vector<16xi32>
        %add3A_1158 = arith.addi %select_n3A_130, %add3A_1157 : vector<16xi32>
        %mul3A_1159 = arith.constant 8 : i32
        %mul3A_1160 = vector.broadcast %mul3A_1159 : i32 to vector<16xi32>
        %mul3A_1161 = arith.muli %and3A_1151, %mul3A_1160 : vector<16xi32>
        %add3A_1162 = arith.addi %mul3A_1161, %select_n3A_101 : vector<16xi32>
        %gather3A_1163 = tpu.vector_load_idx %arg14[%add3A_1158, %add3A_1162] : memref<16x24xf32, #tpu.memory_space<vmem>>[vector<16xi32>, vector<16xi32>], vector<16xf32>,
        %mul3A_1164 = arith.constant 10000 : i32
        %mul3A_1165 = vector.broadcast %mul3A_1164 : i32 to vector<16xi32>
        %mul3A_1166 = arith.muli %and3A_1151, %mul3A_1165 : vector<16xi32>
        %add3A_1167 = arith.addi %mul3A_1166, %get3A_1143 : vector<16xi32>
        %swap3A_1168 = arith.constant 48 : index
        %swap3A_1169 = tpu.vector_load %arg16[%swap3A_1168] {strides = array<i32>} : memref<128xi32, #tpu.memory_space<vmem>>, vector<16xi32>,
        tpu.vector_store %arg16[%swap3A_1168], %add3A_1167 {strides = array<i32>} : memref<128xi32, #tpu.memory_space<vmem>>, vector<16xi32>,
        %swap3A_1170 = arith.constant 48 : index
        %swap3A_1171 = tpu.vector_load %arg18[%swap3A_1170] {strides = array<i32>} : memref<128xi32, #tpu.memory_space<vmem>>, vector<16xi32>,
        tpu.vector_store %arg18[%swap3A_1170], %get3A_1147 {strides = array<i32>} : memref<128xi32, #tpu.memory_space<vmem>>, vector<16xi32>,
        %add3A_1172 = arith.addf %bitcast3A_1155, %gather3A_1163 : vector<16xf32>
        %swap3A_1173 = arith.constant 48 : index
        %swap3A_1174 = tpu.vector_load %arg20[%swap3A_1173] {strides = array<i32>} : memref<128xf32, #tpu.memory_space<vmem>>, vector<16xf32>,
        tpu.vector_store %arg20[%swap3A_1173], %add3A_1172 {strides = array<i32>} : memref<128xf32, #tpu.memory_space<vmem>>, vector<16xf32>,
        %get3A_1175 = arith.constant 0 : i32
        %get3A_1176 = arith.index_cast %get3A_1175 : i32 to index
        %get3A_1177 = arith.constant 64 : index
        %get3A_1178 = tpu.vector_load %arg12[%get3A_1176, %get3A_1177] {strides = array<i32>} : memref<2x128xi32, #tpu.memory_space<vmem>>, vector<16xi32>,
        %get3A_1179 = arith.constant 1 : i32
        %get3A_1180 = arith.index_cast %get3A_1179 : i32 to index
        %get3A_1181 = arith.constant 64 : index
        %get3A_1182 = tpu.vector_load %arg12[%get3A_1180, %get3A_1181] {strides = array<i32>} : memref<2x128xi32, #tpu.memory_space<vmem>>, vector<16xi32>,
        %gather3A_1183 = tpu.vector_load_idx %arg10[%get3A_1182] : memref<10000xi32, #tpu.memory_space<vmem>>[vector<16xi32>], vector<16xi32>,
        %and3A_1184 = arith.constant 3 : i32
        %and3A_1185 = vector.broadcast %and3A_1184 : i32 to vector<16xi32>
        %and3A_1186 = arith.andi %gather3A_1183, %and3A_1185 : vector<16xi32>
        %and3A_1187 = arith.constant -4 : i32
        %and3A_1188 = vector.broadcast %and3A_1187 : i32 to vector<16xi32>
        %and3A_1189 = arith.andi %gather3A_1183, %and3A_1188 : vector<16xi32>
        %bitcast3A_1190 = vector.bitcast %and3A_1189 : vector<16xi32> to vector<16xf32>
        %add3A_1191 = arith.constant 8 : i32
        %add3A_1192 = vector.broadcast %add3A_1191 : i32 to vector<16xi32>
        %add3A_1193 = arith.addi %select_n3A_130, %add3A_1192 : vector<16xi32>
        %mul3A_1194 = arith.constant 8 : i32
        %mul3A_1195 = vector.broadcast %mul3A_1194 : i32 to vector<16xi32>
        %mul3A_1196 = arith.muli %and3A_1186, %mul3A_1195 : vector<16xi32>
        %add3A_1197 = arith.addi %mul3A_1196, %select_n3A_101 : vector<16xi32>
        %gather3A_1198 = tpu.vector_load_idx %arg14[%add3A_1193, %add3A_1197] : memref<16x24xf32, #tpu.memory_space<vmem>>[vector<16xi32>, vector<16xi32>], vector<16xf32>,
        %mul3A_1199 = arith.constant 10000 : i32
        %mul3A_1200 = vector.broadcast %mul3A_1199 : i32 to vector<16xi32>
        %mul3A_1201 = arith.muli %and3A_1186, %mul3A_1200 : vector<16xi32>
        %add3A_1202 = arith.addi %mul3A_1201, %get3A_1178 : vector<16xi32>
        %swap3A_1203 = arith.constant 64 : index
        %swap3A_1204 = tpu.vector_load %arg16[%swap3A_1203] {strides = array<i32>} : memref<128xi32, #tpu.memory_space<vmem>>, vector<16xi32>,
        tpu.vector_store %arg16[%swap3A_1203], %add3A_1202 {strides = array<i32>} : memref<128xi32, #tpu.memory_space<vmem>>, vector<16xi32>,
        %swap3A_1205 = arith.constant 64 : index
        %swap3A_1206 = tpu.vector_load %arg18[%swap3A_1205] {strides = array<i32>} : memref<128xi32, #tpu.memory_space<vmem>>, vector<16xi32>,
        tpu.vector_store %arg18[%swap3A_1205], %get3A_1182 {strides = array<i32>} : memref<128xi32, #tpu.memory_space<vmem>>, vector<16xi32>,
        %add3A_1207 = arith.addf %bitcast3A_1190, %gather3A_1198 : vector<16xf32>
        %swap3A_1208 = arith.constant 64 : index
        %swap3A_1209 = tpu.vector_load %arg20[%swap3A_1208] {strides = array<i32>} : memref<128xf32, #tpu.memory_space<vmem>>, vector<16xf32>,
        tpu.vector_store %arg20[%swap3A_1208], %add3A_1207 {strides = array<i32>} : memref<128xf32, #tpu.memory_space<vmem>>, vector<16xf32>,
        %get3A_1210 = arith.constant 0 : i32
        %get3A_1211 = arith.index_cast %get3A_1210 : i32 to index
        %get3A_1212 = arith.constant 80 : index
        %get3A_1213 = tpu.vector_load %arg12[%get3A_1211, %get3A_1212] {strides = array<i32>} : memref<2x128xi32, #tpu.memory_space<vmem>>, vector<16xi32>,
        %get3A_1214 = arith.constant 1 : i32
        %get3A_1215 = arith.index_cast %get3A_1214 : i32 to index
        %get3A_1216 = arith.constant 80 : index
        %get3A_1217 = tpu.vector_load %arg12[%get3A_1215, %get3A_1216] {strides = array<i32>} : memref<2x128xi32, #tpu.memory_space<vmem>>, vector<16xi32>,
        %gather3A_1218 = tpu.vector_load_idx %arg10[%get3A_1217] : memref<10000xi32, #tpu.memory_space<vmem>>[vector<16xi32>], vector<16xi32>,
        %and3A_1219 = arith.constant 3 : i32
        %and3A_1220 = vector.broadcast %and3A_1219 : i32 to vector<16xi32>
        %and3A_1221 = arith.andi %gather3A_1218, %and3A_1220 : vector<16xi32>
        %and3A_1222 = arith.constant -4 : i32
        %and3A_1223 = vector.broadcast %and3A_1222 : i32 to vector<16xi32>
        %and3A_1224 = arith.andi %gather3A_1218, %and3A_1223 : vector<16xi32>
        %bitcast3A_1225 = vector.bitcast %and3A_1224 : vector<16xi32> to vector<16xf32>
        %add3A_1226 = arith.constant 10 : i32
        %add3A_1227 = vector.broadcast %add3A_1226 : i32 to vector<16xi32>
        %add3A_1228 = arith.addi %select_n3A_130, %add3A_1227 : vector<16xi32>
        %mul3A_1229 = arith.constant 8 : i32
        %mul3A_1230 = vector.broadcast %mul3A_1229 : i32 to vector<16xi32>
        %mul3A_1231 = arith.muli %and3A_1221, %mul3A_1230 : vector<16xi32>
        %add3A_1232 = arith.addi %mul3A_1231, %select_n3A_101 : vector<16xi32>
        %gather3A_1233 = tpu.vector_load_idx %arg14[%add3A_1228, %add3A_1232] : memref<16x24xf32, #tpu.memory_space<vmem>>[vector<16xi32>, vector<16xi32>], vector<16xf32>,
        %mul3A_1234 = arith.constant 10000 : i32
        %mul3A_1235 = vector.broadcast %mul3A_1234 : i32 to vector<16xi32>
        %mul3A_1236 = arith.muli %and3A_1221, %mul3A_1235 : vector<16xi32>
        %add3A_1237 = arith.addi %mul3A_1236, %get3A_1213 : vector<16xi32>
        %swap3A_1238 = arith.constant 80 : index
        %swap3A_1239 = tpu.vector_load %arg16[%swap3A_1238] {strides = array<i32>} : memref<128xi32, #tpu.memory_space<vmem>>, vector<16xi32>,
        tpu.vector_store %arg16[%swap3A_1238], %add3A_1237 {strides = array<i32>} : memref<128xi32, #tpu.memory_space<vmem>>, vector<16xi32>,
        %swap3A_1240 = arith.constant 80 : index
        %swap3A_1241 = tpu.vector_load %arg18[%swap3A_1240] {strides = array<i32>} : memref<128xi32, #tpu.memory_space<vmem>>, vector<16xi32>,
        tpu.vector_store %arg18[%swap3A_1240], %get3A_1217 {strides = array<i32>} : memref<128xi32, #tpu.memory_space<vmem>>, vector<16xi32>,
        %add3A_1242 = arith.addf %bitcast3A_1225, %gather3A_1233 : vector<16xf32>
        %swap3A_1243 = arith.constant 80 : index
        %swap3A_1244 = tpu.vector_load %arg20[%swap3A_1243] {strides = array<i32>} : memref<128xf32, #tpu.memory_space<vmem>>, vector<16xf32>,
        tpu.vector_store %arg20[%swap3A_1243], %add3A_1242 {strides = array<i32>} : memref<128xf32, #tpu.memory_space<vmem>>, vector<16xf32>,
        %get3A_1245 = arith.constant 0 : i32
        %get3A_1246 = arith.index_cast %get3A_1245 : i32 to index
        %get3A_1247 = arith.constant 96 : index
        %get3A_1248 = tpu.vector_load %arg12[%get3A_1246, %get3A_1247] {strides = array<i32>} : memref<2x128xi32, #tpu.memory_space<vmem>>, vector<16xi32>,
        %get3A_1249 = arith.constant 1 : i32
        %get3A_1250 = arith.index_cast %get3A_1249 : i32 to index
        %get3A_1251 = arith.constant 96 : index
        %get3A_1252 = tpu.vector_load %arg12[%get3A_1250, %get3A_1251] {strides = array<i32>} : memref<2x128xi32, #tpu.memory_space<vmem>>, vector<16xi32>,
        %gather3A_1253 = tpu.vector_load_idx %arg10[%get3A_1252] : memref<10000xi32, #tpu.memory_space<vmem>>[vector<16xi32>], vector<16xi32>,
        %and3A_1254 = arith.constant 3 : i32
        %and3A_1255 = vector.broadcast %and3A_1254 : i32 to vector<16xi32>
        %and3A_1256 = arith.andi %gather3A_1253, %and3A_1255 : vector<16xi32>
        %and3A_1257 = arith.constant -4 : i32
        %and3A_1258 = vector.broadcast %and3A_1257 : i32 to vector<16xi32>
        %and3A_1259 = arith.andi %gather3A_1253, %and3A_1258 : vector<16xi32>
        %bitcast3A_1260 = vector.bitcast %and3A_1259 : vector<16xi32> to vector<16xf32>
        %add3A_1261 = arith.constant 12 : i32
        %add3A_1262 = vector.broadcast %add3A_1261 : i32 to vector<16xi32>
        %add3A_1263 = arith.addi %select_n3A_130, %add3A_1262 : vector<16xi32>
        %mul3A_1264 = arith.constant 8 : i32
        %mul3A_1265 = vector.broadcast %mul3A_1264 : i32 to vector<16xi32>
        %mul3A_1266 = arith.muli %and3A_1256, %mul3A_1265 : vector<16xi32>
        %add3A_1267 = arith.addi %mul3A_1266, %select_n3A_101 : vector<16xi32>
        %gather3A_1268 = tpu.vector_load_idx %arg14[%add3A_1263, %add3A_1267] : memref<16x24xf32, #tpu.memory_space<vmem>>[vector<16xi32>, vector<16xi32>], vector<16xf32>,
        %mul3A_1269 = arith.constant 10000 : i32
        %mul3A_1270 = vector.broadcast %mul3A_1269 : i32 to vector<16xi32>
        %mul3A_1271 = arith.muli %and3A_1256, %mul3A_1270 : vector<16xi32>
        %add3A_1272 = arith.addi %mul3A_1271, %get3A_1248 : vector<16xi32>
        %swap3A_1273 = arith.constant 96 : index
        %swap3A_1274 = tpu.vector_load %arg16[%swap3A_1273] {strides = array<i32>} : memref<128xi32, #tpu.memory_space<vmem>>, vector<16xi32>,
        tpu.vector_store %arg16[%swap3A_1273], %add3A_1272 {strides = array<i32>} : memref<128xi32, #tpu.memory_space<vmem>>, vector<16xi32>,
        %swap3A_1275 = arith.constant 96 : index
        %swap3A_1276 = tpu.vector_load %arg18[%swap3A_1275] {strides = array<i32>} : memref<128xi32, #tpu.memory_space<vmem>>, vector<16xi32>,
        tpu.vector_store %arg18[%swap3A_1275], %get3A_1252 {strides = array<i32>} : memref<128xi32, #tpu.memory_space<vmem>>, vector<16xi32>,
        %add3A_1277 = arith.addf %bitcast3A_1260, %gather3A_1268 : vector<16xf32>
        %swap3A_1278 = arith.constant 96 : index
        %swap3A_1279 = tpu.vector_load %arg20[%swap3A_1278] {strides = array<i32>} : memref<128xf32, #tpu.memory_space<vmem>>, vector<16xf32>,
        tpu.vector_store %arg20[%swap3A_1278], %add3A_1277 {strides = array<i32>} : memref<128xf32, #tpu.memory_space<vmem>>, vector<16xf32>,
        %get3A_1280 = arith.constant 0 : i32
        %get3A_1281 = arith.index_cast %get3A_1280 : i32 to index
        %get3A_1282 = arith.constant 112 : index
        %get3A_1283 = tpu.vector_load %arg12[%get3A_1281, %get3A_1282] {strides = array<i32>} : memref<2x128xi32, #tpu.memory_space<vmem>>, vector<16xi32>,
        %get3A_1284 = arith.constant 1 : i32
        %get3A_1285 = arith.index_cast %get3A_1284 : i32 to index
        %get3A_1286 = arith.constant 112 : index
        %get3A_1287 = tpu.vector_load %arg12[%get3A_1285, %get3A_1286] {strides = array<i32>} : memref<2x128xi32, #tpu.memory_space<vmem>>, vector<16xi32>,
        %gather3A_1288 = tpu.vector_load_idx %arg10[%get3A_1287] : memref<10000xi32, #tpu.memory_space<vmem>>[vector<16xi32>], vector<16xi32>,
        %and3A_1289 = arith.constant 3 : i32
        %and3A_1290 = vector.broadcast %and3A_1289 : i32 to vector<16xi32>
        %and3A_1291 = arith.andi %gather3A_1288, %and3A_1290 : vector<16xi32>
        %and3A_1292 = arith.constant -4 : i32
        %and3A_1293 = vector.broadcast %and3A_1292 : i32 to vector<16xi32>
        %and3A_1294 = arith.andi %gather3A_1288, %and3A_1293 : vector<16xi32>
        %bitcast3A_1295 = vector.bitcast %and3A_1294 : vector<16xi32> to vector<16xf32>
        %add3A_1296 = arith.constant 14 : i32
        %add3A_1297 = vector.broadcast %add3A_1296 : i32 to vector<16xi32>
        %add3A_1298 = arith.addi %select_n3A_130, %add3A_1297 : vector<16xi32>
        %mul3A_1299 = arith.constant 8 : i32
        %mul3A_1300 = vector.broadcast %mul3A_1299 : i32 to vector<16xi32>
        %mul3A_1301 = arith.muli %and3A_1291, %mul3A_1300 : vector<16xi32>
        %add3A_1302 = arith.addi %mul3A_1301, %select_n3A_101 : vector<16xi32>
        %gather3A_1303 = tpu.vector_load_idx %arg14[%add3A_1298, %add3A_1302] : memref<16x24xf32, #tpu.memory_space<vmem>>[vector<16xi32>, vector<16xi32>], vector<16xf32>,
        %mul3A_1304 = arith.constant 10000 : i32
        %mul3A_1305 = vector.broadcast %mul3A_1304 : i32 to vector<16xi32>
        %mul3A_1306 = arith.muli %and3A_1291, %mul3A_1305 : vector<16xi32>
        %add3A_1307 = arith.addi %mul3A_1306, %get3A_1283 : vector<16xi32>
        %swap3A_1308 = arith.constant 112 : index
        %swap3A_1309 = tpu.vector_load %arg16[%swap3A_1308] {strides = array<i32>} : memref<128xi32, #tpu.memory_space<vmem>>, vector<16xi32>,
        tpu.vector_store %arg16[%swap3A_1308], %add3A_1307 {strides = array<i32>} : memref<128xi32, #tpu.memory_space<vmem>>, vector<16xi32>,
        %swap3A_1310 = arith.constant 112 : index
        %swap3A_1311 = tpu.vector_load %arg18[%swap3A_1310] {strides = array<i32>} : memref<128xi32, #tpu.memory_space<vmem>>, vector<16xi32>,
        tpu.vector_store %arg18[%swap3A_1310], %get3A_1287 {strides = array<i32>} : memref<128xi32, #tpu.memory_space<vmem>>, vector<16xi32>,
        %add3A_1312 = arith.addf %bitcast3A_1295, %gather3A_1303 : vector<16xf32>
        %swap3A_1313 = arith.constant 112 : index
        %swap3A_1314 = tpu.vector_load %arg20[%swap3A_1313] {strides = array<i32>} : memref<128xf32, #tpu.memory_space<vmem>>, vector<16xf32>,
        tpu.vector_store %arg20[%swap3A_1313], %add3A_1312 {strides = array<i32>} : memref<128xf32, #tpu.memory_space<vmem>>, vector<16xf32>,
        %sub3A_1315 = arith.constant 2 : i32
        %sub3A_1316 = arith.subi %select_n3A, %sub3A_1315 : i32
        %lt3A_1317 = arith.cmpi slt, %mul3A_476, %sub3A_1316 : i32
        %convert_element_type3A_1318 = arith.extui %lt3A_1317 : i1 to i32
        %cond3A_1319 = arith.constant 0 : i32
        %cond3A_1320 = arith.cmpi ne, %convert_element_type3A_1318, %cond3A_1319 : i32
        scf.if %cond3A_1320 {
          %add3A_1321 = arith.constant 256 : i32
          %add3A_1322 = arith.addi %add3A_479, %add3A_1321 : i32
          %dma_start3A_1323 = arith.constant 0 : i32
          %dma_start3A_1324 = tpu.memref_slice %arg3[%dma_start3A_1323, %add3A_1322] : memref<2x327680xi32, #tpu.memory_space<hbm>> -> memref<2x128xi32, #tpu.memory_space<hbm>>
          %dma_start3A_1325 = arith.constant 0 : i32
          %dma_start3A_1326 = tpu.memref_slice %arg3[%dma_start3A_1325, %add3A_1322] : memref<2x327680xi32, #tpu.memory_space<hbm>> -> memref<2x128xi32, #tpu.memory_space<hbm>>
          tpu.enqueue_dma source(%dma_start3A_1326 : memref<2x128xi32, #tpu.memory_space<hbm>>) target(%arg11 : memref<2x128xi32, #tpu.memory_space<vmem>>) target_semaphore(%arg31 : memref<!tpu.dma_semaphore, #tpu.memory_space<semaphore_mem>>)
          %add3A_1327 = arith.constant 32 : i32
          %add3A_1328 = arith.addi %add3A_482, %add3A_1327 : i32
          %dma_start3A_1329 = arith.constant 0 : i32
          %dma_start3A_1330 = tpu.memref_slice %arg4[%add3A_1328, %dma_start3A_1329] : memref<40960x24xf32, #tpu.memory_space<hbm>> -> memref<16x24xf32, #tpu.memory_space<hbm>>
          %dma_start3A_1331 = arith.constant 0 : i32
          %dma_start3A_1332 = tpu.memref_slice %arg4[%add3A_1328, %dma_start3A_1331] : memref<40960x24xf32, #tpu.memory_space<hbm>> -> memref<16x24xf32, #tpu.memory_space<hbm>>
          tpu.enqueue_dma source(%dma_start3A_1332 : memref<16x24xf32, #tpu.memory_space<hbm>>) target(%arg13 : memref<16x24xf32, #tpu.memory_space<vmem>>) target_semaphore(%arg31 : memref<!tpu.dma_semaphore, #tpu.memory_space<semaphore_mem>>)
        } else {
        }
      } else {
      }
      %dma_wait3A_489 = arith.constant 0 : i32
      %dma_wait3A_490 = tpu.memref_slice %arg5[%dma_wait3A_489] : memref<30000xf32, #tpu.memory_space<hbm>> -> memref<30000xf32, #tpu.memory_space<hbm>>
      tpu.wait_indirect_dma semaphore(%arg34 : memref<!tpu.dma_semaphore, #tpu.memory_space<semaphore_mem>>) src(%dma_wait3A_490 : memref<30000xf32, #tpu.memory_space<hbm>>) dst(%arg21 : memref<128xf32, #tpu.memory_space<vmem>>)
      %dma_wait3A_491 = arith.constant 0 : i32
      %dma_wait3A_492 = arith.constant 0 : i32
      %dma_wait3A_493 = tpu.memref_slice %arg2[%dma_wait3A_491, %dma_wait3A_492] : memref<30000x128xf32, #tpu.memory_space<hbm>> -> memref<30000x128xf32, #tpu.memory_space<hbm>>
      tpu.wait_indirect_dma semaphore(%arg32 : memref<!tpu.dma_semaphore, #tpu.memory_space<semaphore_mem>>) src(%dma_wait3A_493 : memref<30000x128xf32, #tpu.memory_space<hbm>>) dst(%arg27 : memref<128x128xf32, #tpu.memory_space<vmem>>)
      %ge3A = arith.constant 1 : i32
      %ge3A_494 = arith.cmpi sge, %mul3A_476, %ge3A : i32
      %convert_element_type3A_495 = arith.extui %ge3A_494 : i1 to i32
      %cond3A_496 = arith.constant 0 : i32
      %cond3A_497 = arith.cmpi ne, %convert_element_type3A_495, %cond3A_496 : i32
      scf.if %cond3A_497 {
        %dma_wait3A_1021 = arith.constant 0 : i32
        %dma_wait3A_1022 = arith.constant 0 : i32
        %dma_wait3A_1023 = tpu.memref_slice %arg29[%dma_wait3A_1021, %dma_wait3A_1022] : memref<10112x128xf32, #tpu.memory_space<vmem_shared>> -> memref<10112x128xf32, #tpu.memory_space<vmem_shared>>
        tpu.wait_indirect_dma semaphore(%arg37 : memref<!tpu.dma_semaphore, #tpu.memory_space<semaphore_mem>>) src(%arg28 : memref<128x128xf32, #tpu.memory_space<vmem>>) dst(%dma_wait3A_1023 : memref<10112x128xf32, #tpu.memory_space<vmem_shared>>)
        %dma_wait3A_1024 = arith.constant 0 : i32
        %dma_wait3A_1025 = tpu.memref_slice %arg30[%dma_wait3A_1024] : memref<10240xf32, #tpu.memory_space<vmem_shared>> -> memref<10240xf32, #tpu.memory_space<vmem_shared>>
        tpu.wait_indirect_dma semaphore(%arg39 : memref<!tpu.dma_semaphore, #tpu.memory_space<semaphore_mem>>) src(%arg24 : memref<128xf32, #tpu.memory_space<vmem>>) dst(%dma_wait3A_1025 : memref<10240xf32, #tpu.memory_space<vmem_shared>>)
      } else {
      }
      %sub3A_498 = arith.constant 1 : i32
      %sub3A_499 = arith.subi %select_n3A, %sub3A_498 : i32
      %lt3A_500 = arith.cmpi slt, %mul3A_476, %sub3A_499 : i32
      %convert_element_type3A_501 = arith.extui %lt3A_500 : i1 to i32
      %cond3A_502 = arith.constant 0 : i32
      %cond3A_503 = arith.cmpi ne, %convert_element_type3A_501, %cond3A_502 : i32
      scf.if %cond3A_503 {
        %dma_start3A_1021 = arith.constant 0 : i32
        %dma_start3A_1022 = arith.constant 0 : i32
        %dma_start3A_1023 = tpu.memref_slice %arg2[%dma_start3A_1021, %dma_start3A_1022] : memref<30000x128xf32, #tpu.memory_space<hbm>> -> memref<30000x128xf32, #tpu.memory_space<hbm>>
        tpu.enqueue_indirect_dma source(%dma_start3A_1023 : memref<30000x128xf32, #tpu.memory_space<hbm>>) target(%arg28 : memref<128x128xf32, #tpu.memory_space<vmem>>) offsets(%arg16 : memref<128xi32, #tpu.memory_space<vmem>>) semaphore(%arg33 : memref<!tpu.dma_semaphore, #tpu.memory_space<semaphore_mem>>)
        %dma_start3A_1024 = arith.constant 0 : i32
        %dma_start3A_1025 = tpu.memref_slice %arg5[%dma_start3A_1024] : memref<30000xf32, #tpu.memory_space<hbm>> -> memref<30000xf32, #tpu.memory_space<hbm>>
        tpu.enqueue_indirect_dma source(%dma_start3A_1025 : memref<30000xf32, #tpu.memory_space<hbm>>) target(%arg22 : memref<128xf32, #tpu.memory_space<vmem>>) offsets(%arg16 : memref<128xi32, #tpu.memory_space<vmem>>) semaphore(%arg35 : memref<!tpu.dma_semaphore, #tpu.memory_space<semaphore_mem>>)
      } else {
      }
      %get3A_504 = arith.constant 0 : index
      %get3A_505 = tpu.vector_load %arg19[%get3A_504] {strides = array<i32>} : memref<128xf32, #tpu.memory_space<vmem>>, vector<16xf32>,
      %get3A_506 = arith.constant 0 : index
      %get3A_507 = tpu.vector_load %arg21[%get3A_506] {strides = array<i32>} : memref<128xf32, #tpu.memory_space<vmem>>, vector<16xf32>,
      %add3A_508 = arith.addf %get3A_505, %get3A_507 : vector<16xf32>
      %ge3A_509 = arith.constant 0.000000e+00 : f32
      %ge3A_510 = vector.broadcast %ge3A_509 : f32 to vector<16xf32>
      %ge3A_511 = arith.cmpf oge, %add3A_508, %ge3A_510 : vector<16xf32>
      %mul3A_512 = arith.constant 2.000000e-01 : f32
      %mul3A_513 = vector.broadcast %mul3A_512 : f32 to vector<16xf32>
      %mul3A_514 = arith.mulf %mul3A_513, %add3A_508 : vector<16xf32>
      %select_n3A_515 = arith.select %ge3A_511, %add3A_508, %mul3A_514 : vector<16xi1>, vector<16xf32>
      %exp3A = math.exp %select_n3A_515 : vector<16xf32>
      %add3A_516 = arith.constant 0 : i32
      %add3A_517 = arith.addi %add3A_479, %add3A_516 : i32
      %add3A_518 = vector.broadcast %add3A_517 : i32 to vector<16xi32>
      %add3A_519 = arith.addi %add3A_518, %iota3A : vector<16xi32>
      %lt3A_520 = arith.constant 320000 : i32
      %lt3A_521 = vector.broadcast %lt3A_520 : i32 to vector<16xi32>
      %lt3A_522 = arith.cmpi slt, %add3A_519, %lt3A_521 : vector<16xi32>
      %jit3A_523 = arith.constant 0.000000e+00 : f32
      %broadcast_in_dim3A_524 = vector.broadcast %jit3A_523 : f32 to vector<16xf32>
      %select_n3A_525 = arith.select %lt3A_522, %exp3A, %broadcast_in_dim3A_524 : vector<16xi1>, vector<16xf32>
      %swap3A_526 = arith.constant 0 : index
      %swap3A_527 = tpu.vector_load %arg23[%swap3A_526] {strides = array<i32>} : memref<128xf32, #tpu.memory_space<vmem>>, vector<16xf32>,
      tpu.vector_store %arg23[%swap3A_526], %select_n3A_525 {strides = array<i32>} : memref<128xf32, #tpu.memory_space<vmem>>, vector<16xf32>,
      %get3A_528 = arith.constant 0 : index
      %get3A_529 = tpu.vector_load %arg17[%get3A_528] {strides = array<i32>} : memref<128xi32, #tpu.memory_space<vmem>>, vector<16xi32>,
      %swap3A_530 = arith.constant 0 : index
      %swap3A_531 = tpu.vector_load %arg25[%swap3A_530] {strides = array<i32>} : memref<128xi32, #tpu.memory_space<vmem>>, vector<16xi32>,
      tpu.vector_store %arg25[%swap3A_530], %get3A_529 {strides = array<i32>} : memref<128xi32, #tpu.memory_space<vmem>>, vector<16xi32>,
      %get3A_532 = arith.constant 16 : index
      %get3A_533 = tpu.vector_load %arg19[%get3A_532] {strides = array<i32>} : memref<128xf32, #tpu.memory_space<vmem>>, vector<16xf32>,
      %get3A_534 = arith.constant 16 : index
      %get3A_535 = tpu.vector_load %arg21[%get3A_534] {strides = array<i32>} : memref<128xf32, #tpu.memory_space<vmem>>, vector<16xf32>,
      %add3A_536 = arith.addf %get3A_533, %get3A_535 : vector<16xf32>
      %ge3A_537 = arith.constant 0.000000e+00 : f32
      %ge3A_538 = vector.broadcast %ge3A_537 : f32 to vector<16xf32>
      %ge3A_539 = arith.cmpf oge, %add3A_536, %ge3A_538 : vector<16xf32>
      %mul3A_540 = arith.constant 2.000000e-01 : f32
      %mul3A_541 = vector.broadcast %mul3A_540 : f32 to vector<16xf32>
      %mul3A_542 = arith.mulf %mul3A_541, %add3A_536 : vector<16xf32>
      %select_n3A_543 = arith.select %ge3A_539, %add3A_536, %mul3A_542 : vector<16xi1>, vector<16xf32>
      %exp3A_544 = math.exp %select_n3A_543 : vector<16xf32>
      %add3A_545 = arith.constant 16 : i32
      %add3A_546 = arith.addi %add3A_479, %add3A_545 : i32
      %add3A_547 = vector.broadcast %add3A_546 : i32 to vector<16xi32>
      %add3A_548 = arith.addi %add3A_547, %iota3A : vector<16xi32>
      %lt3A_549 = arith.constant 320000 : i32
      %lt3A_550 = vector.broadcast %lt3A_549 : i32 to vector<16xi32>
      %lt3A_551 = arith.cmpi slt, %add3A_548, %lt3A_550 : vector<16xi32>
      %jit3A_552 = arith.constant 0.000000e+00 : f32
      %broadcast_in_dim3A_553 = vector.broadcast %jit3A_552 : f32 to vector<16xf32>
      %select_n3A_554 = arith.select %lt3A_551, %exp3A_544, %broadcast_in_dim3A_553 : vector<16xi1>, vector<16xf32>
      %swap3A_555 = arith.constant 16 : index
      %swap3A_556 = tpu.vector_load %arg23[%swap3A_555] {strides = array<i32>} : memref<128xf32, #tpu.memory_space<vmem>>, vector<16xf32>,
      tpu.vector_store %arg23[%swap3A_555], %select_n3A_554 {strides = array<i32>} : memref<128xf32, #tpu.memory_space<vmem>>, vector<16xf32>,
      %get3A_557 = arith.constant 16 : index
      %get3A_558 = tpu.vector_load %arg17[%get3A_557] {strides = array<i32>} : memref<128xi32, #tpu.memory_space<vmem>>, vector<16xi32>,
      %swap3A_559 = arith.constant 16 : index
      %swap3A_560 = tpu.vector_load %arg25[%swap3A_559] {strides = array<i32>} : memref<128xi32, #tpu.memory_space<vmem>>, vector<16xi32>,
      tpu.vector_store %arg25[%swap3A_559], %get3A_558 {strides = array<i32>} : memref<128xi32, #tpu.memory_space<vmem>>, vector<16xi32>,
      %get3A_561 = arith.constant 32 : index
      %get3A_562 = tpu.vector_load %arg19[%get3A_561] {strides = array<i32>} : memref<128xf32, #tpu.memory_space<vmem>>, vector<16xf32>,
      %get3A_563 = arith.constant 32 : index
      %get3A_564 = tpu.vector_load %arg21[%get3A_563] {strides = array<i32>} : memref<128xf32, #tpu.memory_space<vmem>>, vector<16xf32>,
      %add3A_565 = arith.addf %get3A_562, %get3A_564 : vector<16xf32>
      %ge3A_566 = arith.constant 0.000000e+00 : f32
      %ge3A_567 = vector.broadcast %ge3A_566 : f32 to vector<16xf32>
      %ge3A_568 = arith.cmpf oge, %add3A_565, %ge3A_567 : vector<16xf32>
      %mul3A_569 = arith.constant 2.000000e-01 : f32
      %mul3A_570 = vector.broadcast %mul3A_569 : f32 to vector<16xf32>
      %mul3A_571 = arith.mulf %mul3A_570, %add3A_565 : vector<16xf32>
      %select_n3A_572 = arith.select %ge3A_568, %add3A_565, %mul3A_571 : vector<16xi1>, vector<16xf32>
      %exp3A_573 = math.exp %select_n3A_572 : vector<16xf32>
      %add3A_574 = arith.constant 32 : i32
      %add3A_575 = arith.addi %add3A_479, %add3A_574 : i32
      %add3A_576 = vector.broadcast %add3A_575 : i32 to vector<16xi32>
      %add3A_577 = arith.addi %add3A_576, %iota3A : vector<16xi32>
      %lt3A_578 = arith.constant 320000 : i32
      %lt3A_579 = vector.broadcast %lt3A_578 : i32 to vector<16xi32>
      %lt3A_580 = arith.cmpi slt, %add3A_577, %lt3A_579 : vector<16xi32>
      %jit3A_581 = arith.constant 0.000000e+00 : f32
      %broadcast_in_dim3A_582 = vector.broadcast %jit3A_581 : f32 to vector<16xf32>
      %select_n3A_583 = arith.select %lt3A_580, %exp3A_573, %broadcast_in_dim3A_582 : vector<16xi1>, vector<16xf32>
      %swap3A_584 = arith.constant 32 : index
      %swap3A_585 = tpu.vector_load %arg23[%swap3A_584] {strides = array<i32>} : memref<128xf32, #tpu.memory_space<vmem>>, vector<16xf32>,
      tpu.vector_store %arg23[%swap3A_584], %select_n3A_583 {strides = array<i32>} : memref<128xf32, #tpu.memory_space<vmem>>, vector<16xf32>,
      %get3A_586 = arith.constant 32 : index
      %get3A_587 = tpu.vector_load %arg17[%get3A_586] {strides = array<i32>} : memref<128xi32, #tpu.memory_space<vmem>>, vector<16xi32>,
      %swap3A_588 = arith.constant 32 : index
      %swap3A_589 = tpu.vector_load %arg25[%swap3A_588] {strides = array<i32>} : memref<128xi32, #tpu.memory_space<vmem>>, vector<16xi32>,
      tpu.vector_store %arg25[%swap3A_588], %get3A_587 {strides = array<i32>} : memref<128xi32, #tpu.memory_space<vmem>>, vector<16xi32>,
      %get3A_590 = arith.constant 48 : index
      %get3A_591 = tpu.vector_load %arg19[%get3A_590] {strides = array<i32>} : memref<128xf32, #tpu.memory_space<vmem>>, vector<16xf32>,
      %get3A_592 = arith.constant 48 : index
      %get3A_593 = tpu.vector_load %arg21[%get3A_592] {strides = array<i32>} : memref<128xf32, #tpu.memory_space<vmem>>, vector<16xf32>,
      %add3A_594 = arith.addf %get3A_591, %get3A_593 : vector<16xf32>
      %ge3A_595 = arith.constant 0.000000e+00 : f32
      %ge3A_596 = vector.broadcast %ge3A_595 : f32 to vector<16xf32>
      %ge3A_597 = arith.cmpf oge, %add3A_594, %ge3A_596 : vector<16xf32>
      %mul3A_598 = arith.constant 2.000000e-01 : f32
      %mul3A_599 = vector.broadcast %mul3A_598 : f32 to vector<16xf32>
      %mul3A_600 = arith.mulf %mul3A_599, %add3A_594 : vector<16xf32>
      %select_n3A_601 = arith.select %ge3A_597, %add3A_594, %mul3A_600 : vector<16xi1>, vector<16xf32>
      %exp3A_602 = math.exp %select_n3A_601 : vector<16xf32>
      %add3A_603 = arith.constant 48 : i32
      %add3A_604 = arith.addi %add3A_479, %add3A_603 : i32
      %add3A_605 = vector.broadcast %add3A_604 : i32 to vector<16xi32>
      %add3A_606 = arith.addi %add3A_605, %iota3A : vector<16xi32>
      %lt3A_607 = arith.constant 320000 : i32
      %lt3A_608 = vector.broadcast %lt3A_607 : i32 to vector<16xi32>
      %lt3A_609 = arith.cmpi slt, %add3A_606, %lt3A_608 : vector<16xi32>
      %jit3A_610 = arith.constant 0.000000e+00 : f32
      %broadcast_in_dim3A_611 = vector.broadcast %jit3A_610 : f32 to vector<16xf32>
      %select_n3A_612 = arith.select %lt3A_609, %exp3A_602, %broadcast_in_dim3A_611 : vector<16xi1>, vector<16xf32>
      %swap3A_613 = arith.constant 48 : index
      %swap3A_614 = tpu.vector_load %arg23[%swap3A_613] {strides = array<i32>} : memref<128xf32, #tpu.memory_space<vmem>>, vector<16xf32>,
      tpu.vector_store %arg23[%swap3A_613], %select_n3A_612 {strides = array<i32>} : memref<128xf32, #tpu.memory_space<vmem>>, vector<16xf32>,
      %get3A_615 = arith.constant 48 : index
      %get3A_616 = tpu.vector_load %arg17[%get3A_615] {strides = array<i32>} : memref<128xi32, #tpu.memory_space<vmem>>, vector<16xi32>,
      %swap3A_617 = arith.constant 48 : index
      %swap3A_618 = tpu.vector_load %arg25[%swap3A_617] {strides = array<i32>} : memref<128xi32, #tpu.memory_space<vmem>>, vector<16xi32>,
      tpu.vector_store %arg25[%swap3A_617], %get3A_616 {strides = array<i32>} : memref<128xi32, #tpu.memory_space<vmem>>, vector<16xi32>,
      %get3A_619 = arith.constant 64 : index
      %get3A_620 = tpu.vector_load %arg19[%get3A_619] {strides = array<i32>} : memref<128xf32, #tpu.memory_space<vmem>>, vector<16xf32>,
      %get3A_621 = arith.constant 64 : index
      %get3A_622 = tpu.vector_load %arg21[%get3A_621] {strides = array<i32>} : memref<128xf32, #tpu.memory_space<vmem>>, vector<16xf32>,
      %add3A_623 = arith.addf %get3A_620, %get3A_622 : vector<16xf32>
      %ge3A_624 = arith.constant 0.000000e+00 : f32
      %ge3A_625 = vector.broadcast %ge3A_624 : f32 to vector<16xf32>
      %ge3A_626 = arith.cmpf oge, %add3A_623, %ge3A_625 : vector<16xf32>
      %mul3A_627 = arith.constant 2.000000e-01 : f32
      %mul3A_628 = vector.broadcast %mul3A_627 : f32 to vector<16xf32>
      %mul3A_629 = arith.mulf %mul3A_628, %add3A_623 : vector<16xf32>
      %select_n3A_630 = arith.select %ge3A_626, %add3A_623, %mul3A_629 : vector<16xi1>, vector<16xf32>
      %exp3A_631 = math.exp %select_n3A_630 : vector<16xf32>
      %add3A_632 = arith.constant 64 : i32
      %add3A_633 = arith.addi %add3A_479, %add3A_632 : i32
      %add3A_634 = vector.broadcast %add3A_633 : i32 to vector<16xi32>
      %add3A_635 = arith.addi %add3A_634, %iota3A : vector<16xi32>
      %lt3A_636 = arith.constant 320000 : i32
      %lt3A_637 = vector.broadcast %lt3A_636 : i32 to vector<16xi32>
      %lt3A_638 = arith.cmpi slt, %add3A_635, %lt3A_637 : vector<16xi32>
      %jit3A_639 = arith.constant 0.000000e+00 : f32
      %broadcast_in_dim3A_640 = vector.broadcast %jit3A_639 : f32 to vector<16xf32>
      %select_n3A_641 = arith.select %lt3A_638, %exp3A_631, %broadcast_in_dim3A_640 : vector<16xi1>, vector<16xf32>
      %swap3A_642 = arith.constant 64 : index
      %swap3A_643 = tpu.vector_load %arg23[%swap3A_642] {strides = array<i32>} : memref<128xf32, #tpu.memory_space<vmem>>, vector<16xf32>,
      tpu.vector_store %arg23[%swap3A_642], %select_n3A_641 {strides = array<i32>} : memref<128xf32, #tpu.memory_space<vmem>>, vector<16xf32>,
      %get3A_644 = arith.constant 64 : index
      %get3A_645 = tpu.vector_load %arg17[%get3A_644] {strides = array<i32>} : memref<128xi32, #tpu.memory_space<vmem>>, vector<16xi32>,
      %swap3A_646 = arith.constant 64 : index
      %swap3A_647 = tpu.vector_load %arg25[%swap3A_646] {strides = array<i32>} : memref<128xi32, #tpu.memory_space<vmem>>, vector<16xi32>,
      tpu.vector_store %arg25[%swap3A_646], %get3A_645 {strides = array<i32>} : memref<128xi32, #tpu.memory_space<vmem>>, vector<16xi32>,
      %get3A_648 = arith.constant 80 : index
      %get3A_649 = tpu.vector_load %arg19[%get3A_648] {strides = array<i32>} : memref<128xf32, #tpu.memory_space<vmem>>, vector<16xf32>,
      %get3A_650 = arith.constant 80 : index
      %get3A_651 = tpu.vector_load %arg21[%get3A_650] {strides = array<i32>} : memref<128xf32, #tpu.memory_space<vmem>>, vector<16xf32>,
      %add3A_652 = arith.addf %get3A_649, %get3A_651 : vector<16xf32>
      %ge3A_653 = arith.constant 0.000000e+00 : f32
      %ge3A_654 = vector.broadcast %ge3A_653 : f32 to vector<16xf32>
      %ge3A_655 = arith.cmpf oge, %add3A_652, %ge3A_654 : vector<16xf32>
      %mul3A_656 = arith.constant 2.000000e-01 : f32
      %mul3A_657 = vector.broadcast %mul3A_656 : f32 to vector<16xf32>
      %mul3A_658 = arith.mulf %mul3A_657, %add3A_652 : vector<16xf32>
      %select_n3A_659 = arith.select %ge3A_655, %add3A_652, %mul3A_658 : vector<16xi1>, vector<16xf32>
      %exp3A_660 = math.exp %select_n3A_659 : vector<16xf32>
      %add3A_661 = arith.constant 80 : i32
      %add3A_662 = arith.addi %add3A_479, %add3A_661 : i32
      %add3A_663 = vector.broadcast %add3A_662 : i32 to vector<16xi32>
      %add3A_664 = arith.addi %add3A_663, %iota3A : vector<16xi32>
      %lt3A_665 = arith.constant 320000 : i32
      %lt3A_666 = vector.broadcast %lt3A_665 : i32 to vector<16xi32>
      %lt3A_667 = arith.cmpi slt, %add3A_664, %lt3A_666 : vector<16xi32>
      %jit3A_668 = arith.constant 0.000000e+00 : f32
      %broadcast_in_dim3A_669 = vector.broadcast %jit3A_668 : f32 to vector<16xf32>
      %select_n3A_670 = arith.select %lt3A_667, %exp3A_660, %broadcast_in_dim3A_669 : vector<16xi1>, vector<16xf32>
      %swap3A_671 = arith.constant 80 : index
      %swap3A_672 = tpu.vector_load %arg23[%swap3A_671] {strides = array<i32>} : memref<128xf32, #tpu.memory_space<vmem>>, vector<16xf32>,
      tpu.vector_store %arg23[%swap3A_671], %select_n3A_670 {strides = array<i32>} : memref<128xf32, #tpu.memory_space<vmem>>, vector<16xf32>,
      %get3A_673 = arith.constant 80 : index
      %get3A_674 = tpu.vector_load %arg17[%get3A_673] {strides = array<i32>} : memref<128xi32, #tpu.memory_space<vmem>>, vector<16xi32>,
      %swap3A_675 = arith.constant 80 : index
      %swap3A_676 = tpu.vector_load %arg25[%swap3A_675] {strides = array<i32>} : memref<128xi32, #tpu.memory_space<vmem>>, vector<16xi32>,
      tpu.vector_store %arg25[%swap3A_675], %get3A_674 {strides = array<i32>} : memref<128xi32, #tpu.memory_space<vmem>>, vector<16xi32>,
      %get3A_677 = arith.constant 96 : index
      %get3A_678 = tpu.vector_load %arg19[%get3A_677] {strides = array<i32>} : memref<128xf32, #tpu.memory_space<vmem>>, vector<16xf32>,
      %get3A_679 = arith.constant 96 : index
      %get3A_680 = tpu.vector_load %arg21[%get3A_679] {strides = array<i32>} : memref<128xf32, #tpu.memory_space<vmem>>, vector<16xf32>,
      %add3A_681 = arith.addf %get3A_678, %get3A_680 : vector<16xf32>
      %ge3A_682 = arith.constant 0.000000e+00 : f32
      %ge3A_683 = vector.broadcast %ge3A_682 : f32 to vector<16xf32>
      %ge3A_684 = arith.cmpf oge, %add3A_681, %ge3A_683 : vector<16xf32>
      %mul3A_685 = arith.constant 2.000000e-01 : f32
      %mul3A_686 = vector.broadcast %mul3A_685 : f32 to vector<16xf32>
      %mul3A_687 = arith.mulf %mul3A_686, %add3A_681 : vector<16xf32>
      %select_n3A_688 = arith.select %ge3A_684, %add3A_681, %mul3A_687 : vector<16xi1>, vector<16xf32>
      %exp3A_689 = math.exp %select_n3A_688 : vector<16xf32>
      %add3A_690 = arith.constant 96 : i32
      %add3A_691 = arith.addi %add3A_479, %add3A_690 : i32
      %add3A_692 = vector.broadcast %add3A_691 : i32 to vector<16xi32>
      %add3A_693 = arith.addi %add3A_692, %iota3A : vector<16xi32>
      %lt3A_694 = arith.constant 320000 : i32
      %lt3A_695 = vector.broadcast %lt3A_694 : i32 to vector<16xi32>
      %lt3A_696 = arith.cmpi slt, %add3A_693, %lt3A_695 : vector<16xi32>
      %jit3A_697 = arith.constant 0.000000e+00 : f32
      %broadcast_in_dim3A_698 = vector.broadcast %jit3A_697 : f32 to vector<16xf32>
      %select_n3A_699 = arith.select %lt3A_696, %exp3A_689, %broadcast_in_dim3A_698 : vector<16xi1>, vector<16xf32>
      %swap3A_700 = arith.constant 96 : index
      %swap3A_701 = tpu.vector_load %arg23[%swap3A_700] {strides = array<i32>} : memref<128xf32, #tpu.memory_space<vmem>>, vector<16xf32>,
      tpu.vector_store %arg23[%swap3A_700], %select_n3A_699 {strides = array<i32>} : memref<128xf32, #tpu.memory_space<vmem>>, vector<16xf32>,
      %get3A_702 = arith.constant 96 : index
      %get3A_703 = tpu.vector_load %arg17[%get3A_702] {strides = array<i32>} : memref<128xi32, #tpu.memory_space<vmem>>, vector<16xi32>,
      %swap3A_704 = arith.constant 96 : index
      %swap3A_705 = tpu.vector_load %arg25[%swap3A_704] {strides = array<i32>} : memref<128xi32, #tpu.memory_space<vmem>>, vector<16xi32>,
      tpu.vector_store %arg25[%swap3A_704], %get3A_703 {strides = array<i32>} : memref<128xi32, #tpu.memory_space<vmem>>, vector<16xi32>,
      %get3A_706 = arith.constant 112 : index
      %get3A_707 = tpu.vector_load %arg19[%get3A_706] {strides = array<i32>} : memref<128xf32, #tpu.memory_space<vmem>>, vector<16xf32>,
      %get3A_708 = arith.constant 112 : index
      %get3A_709 = tpu.vector_load %arg21[%get3A_708] {strides = array<i32>} : memref<128xf32, #tpu.memory_space<vmem>>, vector<16xf32>,
      %add3A_710 = arith.addf %get3A_707, %get3A_709 : vector<16xf32>
      %ge3A_711 = arith.constant 0.000000e+00 : f32
      %ge3A_712 = vector.broadcast %ge3A_711 : f32 to vector<16xf32>
      %ge3A_713 = arith.cmpf oge, %add3A_710, %ge3A_712 : vector<16xf32>
      %mul3A_714 = arith.constant 2.000000e-01 : f32
      %mul3A_715 = vector.broadcast %mul3A_714 : f32 to vector<16xf32>
      %mul3A_716 = arith.mulf %mul3A_715, %add3A_710 : vector<16xf32>
      %select_n3A_717 = arith.select %ge3A_713, %add3A_710, %mul3A_716 : vector<16xi1>, vector<16xf32>
      %exp3A_718 = math.exp %select_n3A_717 : vector<16xf32>
      %add3A_719 = arith.constant 112 : i32
      %add3A_720 = arith.addi %add3A_479, %add3A_719 : i32
      %add3A_721 = vector.broadcast %add3A_720 : i32 to vector<16xi32>
      %add3A_722 = arith.addi %add3A_721, %iota3A : vector<16xi32>
      %lt3A_723 = arith.constant 320000 : i32
      %lt3A_724 = vector.broadcast %lt3A_723 : i32 to vector<16xi32>
      %lt3A_725 = arith.cmpi slt, %add3A_722, %lt3A_724 : vector<16xi32>
      %jit3A_726 = arith.constant 0.000000e+00 : f32
      %broadcast_in_dim3A_727 = vector.broadcast %jit3A_726 : f32 to vector<16xf32>
      %select_n3A_728 = arith.select %lt3A_725, %exp3A_718, %broadcast_in_dim3A_727 : vector<16xi1>, vector<16xf32>
      %swap3A_729 = arith.constant 112 : index
      %swap3A_730 = tpu.vector_load %arg23[%swap3A_729] {strides = array<i32>} : memref<128xf32, #tpu.memory_space<vmem>>, vector<16xf32>,
      tpu.vector_store %arg23[%swap3A_729], %select_n3A_728 {strides = array<i32>} : memref<128xf32, #tpu.memory_space<vmem>>, vector<16xf32>,
      %get3A_731 = arith.constant 112 : index
      %get3A_732 = tpu.vector_load %arg17[%get3A_731] {strides = array<i32>} : memref<128xi32, #tpu.memory_space<vmem>>, vector<16xi32>,
      %swap3A_733 = arith.constant 112 : index
      %swap3A_734 = tpu.vector_load %arg25[%swap3A_733] {strides = array<i32>} : memref<128xi32, #tpu.memory_space<vmem>>, vector<16xi32>,
      tpu.vector_store %arg25[%swap3A_733], %get3A_732 {strides = array<i32>} : memref<128xi32, #tpu.memory_space<vmem>>, vector<16xi32>,
      %scan3A_735 = arith.constant 0 : i32
      %scan3A_736 = arith.constant 0 : i32
      %scan3A_737 = arith.constant 64 : i32
      %scan3A_738 = arith.addi %scan3A_736, %scan3A_737 : i32
      %scan3A_739 = arith.constant 1 : i32
      scf.for %scan3A_1021 = %scan3A_736 to %scan3A_738 step %scan3A_739  : i32 {
        %mul3A_1022 = arith.constant 2 : i32
        %mul3A_1023 = arith.muli %scan3A_1021, %mul3A_1022 : i32
        %add3A_1024 = arith.constant 0 : i32
        %add3A_1025 = arith.addi %mul3A_1023, %add3A_1024 : i32
        %broadcast_in_dim3A_1026 = vector.broadcast %add3A_1025 : i32 to vector<16xi32>
        %gather3A_1027 = tpu.vector_load_idx %arg23[%broadcast_in_dim3A_1026] : memref<128xf32, #tpu.memory_space<vmem>>[vector<16xi32>], vector<16xf32>,
        %get3A_1028 = arith.index_cast %add3A_1025 : i32 to index
        %get3A_1029 = arith.constant 0 : index
        %get3A_1030 = tpu.vector_load %arg27[%get3A_1028, %get3A_1029] {strides = array<i32>} : memref<128x128xf32, #tpu.memory_space<vmem>>, vector<16xf32>,
        %mul3A_1031 = arith.mulf %get3A_1030, %gather3A_1027 : vector<16xf32>
        %swap3A_1032 = arith.index_cast %add3A_1025 : i32 to index
        %swap3A_1033 = arith.constant 0 : index
        %swap3A_1034 = tpu.vector_load %arg27[%swap3A_1032, %swap3A_1033] {strides = array<i32>} : memref<128x128xf32, #tpu.memory_space<vmem>>, vector<16xf32>,
        tpu.vector_store %arg27[%swap3A_1032, %swap3A_1033], %mul3A_1031 {strides = array<i32>} : memref<128x128xf32, #tpu.memory_space<vmem>>, vector<16xf32>,
        %get3A_1035 = arith.index_cast %add3A_1025 : i32 to index
        %get3A_1036 = arith.constant 16 : index
        %get3A_1037 = tpu.vector_load %arg27[%get3A_1035, %get3A_1036] {strides = array<i32>} : memref<128x128xf32, #tpu.memory_space<vmem>>, vector<16xf32>,
        %mul3A_1038 = arith.mulf %get3A_1037, %gather3A_1027 : vector<16xf32>
        %swap3A_1039 = arith.index_cast %add3A_1025 : i32 to index
        %swap3A_1040 = arith.constant 16 : index
        %swap3A_1041 = tpu.vector_load %arg27[%swap3A_1039, %swap3A_1040] {strides = array<i32>} : memref<128x128xf32, #tpu.memory_space<vmem>>, vector<16xf32>,
        tpu.vector_store %arg27[%swap3A_1039, %swap3A_1040], %mul3A_1038 {strides = array<i32>} : memref<128x128xf32, #tpu.memory_space<vmem>>, vector<16xf32>,
        %get3A_1042 = arith.index_cast %add3A_1025 : i32 to index
        %get3A_1043 = arith.constant 32 : index
        %get3A_1044 = tpu.vector_load %arg27[%get3A_1042, %get3A_1043] {strides = array<i32>} : memref<128x128xf32, #tpu.memory_space<vmem>>, vector<16xf32>,
        %mul3A_1045 = arith.mulf %get3A_1044, %gather3A_1027 : vector<16xf32>
        %swap3A_1046 = arith.index_cast %add3A_1025 : i32 to index
        %swap3A_1047 = arith.constant 32 : index
        %swap3A_1048 = tpu.vector_load %arg27[%swap3A_1046, %swap3A_1047] {strides = array<i32>} : memref<128x128xf32, #tpu.memory_space<vmem>>, vector<16xf32>,
        tpu.vector_store %arg27[%swap3A_1046, %swap3A_1047], %mul3A_1045 {strides = array<i32>} : memref<128x128xf32, #tpu.memory_space<vmem>>, vector<16xf32>,
        %get3A_1049 = arith.index_cast %add3A_1025 : i32 to index
        %get3A_1050 = arith.constant 48 : index
        %get3A_1051 = tpu.vector_load %arg27[%get3A_1049, %get3A_1050] {strides = array<i32>} : memref<128x128xf32, #tpu.memory_space<vmem>>, vector<16xf32>,
        %mul3A_1052 = arith.mulf %get3A_1051, %gather3A_1027 : vector<16xf32>
        %swap3A_1053 = arith.index_cast %add3A_1025 : i32 to index
        %swap3A_1054 = arith.constant 48 : index
        %swap3A_1055 = tpu.vector_load %arg27[%swap3A_1053, %swap3A_1054] {strides = array<i32>} : memref<128x128xf32, #tpu.memory_space<vmem>>, vector<16xf32>,
        tpu.vector_store %arg27[%swap3A_1053, %swap3A_1054], %mul3A_1052 {strides = array<i32>} : memref<128x128xf32, #tpu.memory_space<vmem>>, vector<16xf32>,
        %get3A_1056 = arith.index_cast %add3A_1025 : i32 to index
        %get3A_1057 = arith.constant 64 : index
        %get3A_1058 = tpu.vector_load %arg27[%get3A_1056, %get3A_1057] {strides = array<i32>} : memref<128x128xf32, #tpu.memory_space<vmem>>, vector<16xf32>,
        %mul3A_1059 = arith.mulf %get3A_1058, %gather3A_1027 : vector<16xf32>
        %swap3A_1060 = arith.index_cast %add3A_1025 : i32 to index
        %swap3A_1061 = arith.constant 64 : index
        %swap3A_1062 = tpu.vector_load %arg27[%swap3A_1060, %swap3A_1061] {strides = array<i32>} : memref<128x128xf32, #tpu.memory_space<vmem>>, vector<16xf32>,
        tpu.vector_store %arg27[%swap3A_1060, %swap3A_1061], %mul3A_1059 {strides = array<i32>} : memref<128x128xf32, #tpu.memory_space<vmem>>, vector<16xf32>,
        %get3A_1063 = arith.index_cast %add3A_1025 : i32 to index
        %get3A_1064 = arith.constant 80 : index
        %get3A_1065 = tpu.vector_load %arg27[%get3A_1063, %get3A_1064] {strides = array<i32>} : memref<128x128xf32, #tpu.memory_space<vmem>>, vector<16xf32>,
        %mul3A_1066 = arith.mulf %get3A_1065, %gather3A_1027 : vector<16xf32>
        %swap3A_1067 = arith.index_cast %add3A_1025 : i32 to index
        %swap3A_1068 = arith.constant 80 : index
        %swap3A_1069 = tpu.vector_load %arg27[%swap3A_1067, %swap3A_1068] {strides = array<i32>} : memref<128x128xf32, #tpu.memory_space<vmem>>, vector<16xf32>,
        tpu.vector_store %arg27[%swap3A_1067, %swap3A_1068], %mul3A_1066 {strides = array<i32>} : memref<128x128xf32, #tpu.memory_space<vmem>>, vector<16xf32>,
        %get3A_1070 = arith.index_cast %add3A_1025 : i32 to index
        %get3A_1071 = arith.constant 96 : index
        %get3A_1072 = tpu.vector_load %arg27[%get3A_1070, %get3A_1071] {strides = array<i32>} : memref<128x128xf32, #tpu.memory_space<vmem>>, vector<16xf32>,
        %mul3A_1073 = arith.mulf %get3A_1072, %gather3A_1027 : vector<16xf32>
        %swap3A_1074 = arith.index_cast %add3A_1025 : i32 to index
        %swap3A_1075 = arith.constant 96 : index
        %swap3A_1076 = tpu.vector_load %arg27[%swap3A_1074, %swap3A_1075] {strides = array<i32>} : memref<128x128xf32, #tpu.memory_space<vmem>>, vector<16xf32>,
        tpu.vector_store %arg27[%swap3A_1074, %swap3A_1075], %mul3A_1073 {strides = array<i32>} : memref<128x128xf32, #tpu.memory_space<vmem>>, vector<16xf32>,
        %get3A_1077 = arith.index_cast %add3A_1025 : i32 to index
        %get3A_1078 = arith.constant 112 : index
        %get3A_1079 = tpu.vector_load %arg27[%get3A_1077, %get3A_1078] {strides = array<i32>} : memref<128x128xf32, #tpu.memory_space<vmem>>, vector<16xf32>,
        %mul3A_1080 = arith.mulf %get3A_1079, %gather3A_1027 : vector<16xf32>
        %swap3A_1081 = arith.index_cast %add3A_1025 : i32 to index
        %swap3A_1082 = arith.constant 112 : index
        %swap3A_1083 = tpu.vector_load %arg27[%swap3A_1081, %swap3A_1082] {strides = array<i32>} : memref<128x128xf32, #tpu.memory_space<vmem>>, vector<16xf32>,
        tpu.vector_store %arg27[%swap3A_1081, %swap3A_1082], %mul3A_1080 {strides = array<i32>} : memref<128x128xf32, #tpu.memory_space<vmem>>, vector<16xf32>,
        %mul3A_1084 = arith.constant 2 : i32
        %mul3A_1085 = arith.muli %scan3A_1021, %mul3A_1084 : i32
        %add3A_1086 = arith.constant 1 : i32
        %add3A_1087 = arith.addi %mul3A_1085, %add3A_1086 : i32
        %broadcast_in_dim3A_1088 = vector.broadcast %add3A_1087 : i32 to vector<16xi32>
        %gather3A_1089 = tpu.vector_load_idx %arg23[%broadcast_in_dim3A_1088] : memref<128xf32, #tpu.memory_space<vmem>>[vector<16xi32>], vector<16xf32>,
        %get3A_1090 = arith.index_cast %add3A_1087 : i32 to index
        %get3A_1091 = arith.constant 0 : index
        %get3A_1092 = tpu.vector_load %arg27[%get3A_1090, %get3A_1091] {strides = array<i32>} : memref<128x128xf32, #tpu.memory_space<vmem>>, vector<16xf32>,
        %mul3A_1093 = arith.mulf %get3A_1092, %gather3A_1089 : vector<16xf32>
        %swap3A_1094 = arith.index_cast %add3A_1087 : i32 to index
        %swap3A_1095 = arith.constant 0 : index
        %swap3A_1096 = tpu.vector_load %arg27[%swap3A_1094, %swap3A_1095] {strides = array<i32>} : memref<128x128xf32, #tpu.memory_space<vmem>>, vector<16xf32>,
        tpu.vector_store %arg27[%swap3A_1094, %swap3A_1095], %mul3A_1093 {strides = array<i32>} : memref<128x128xf32, #tpu.memory_space<vmem>>, vector<16xf32>,
        %get3A_1097 = arith.index_cast %add3A_1087 : i32 to index
        %get3A_1098 = arith.constant 16 : index
        %get3A_1099 = tpu.vector_load %arg27[%get3A_1097, %get3A_1098] {strides = array<i32>} : memref<128x128xf32, #tpu.memory_space<vmem>>, vector<16xf32>,
        %mul3A_1100 = arith.mulf %get3A_1099, %gather3A_1089 : vector<16xf32>
        %swap3A_1101 = arith.index_cast %add3A_1087 : i32 to index
        %swap3A_1102 = arith.constant 16 : index
        %swap3A_1103 = tpu.vector_load %arg27[%swap3A_1101, %swap3A_1102] {strides = array<i32>} : memref<128x128xf32, #tpu.memory_space<vmem>>, vector<16xf32>,
        tpu.vector_store %arg27[%swap3A_1101, %swap3A_1102], %mul3A_1100 {strides = array<i32>} : memref<128x128xf32, #tpu.memory_space<vmem>>, vector<16xf32>,
        %get3A_1104 = arith.index_cast %add3A_1087 : i32 to index
        %get3A_1105 = arith.constant 32 : index
        %get3A_1106 = tpu.vector_load %arg27[%get3A_1104, %get3A_1105] {strides = array<i32>} : memref<128x128xf32, #tpu.memory_space<vmem>>, vector<16xf32>,
        %mul3A_1107 = arith.mulf %get3A_1106, %gather3A_1089 : vector<16xf32>
        %swap3A_1108 = arith.index_cast %add3A_1087 : i32 to index
        %swap3A_1109 = arith.constant 32 : index
        %swap3A_1110 = tpu.vector_load %arg27[%swap3A_1108, %swap3A_1109] {strides = array<i32>} : memref<128x128xf32, #tpu.memory_space<vmem>>, vector<16xf32>,
        tpu.vector_store %arg27[%swap3A_1108, %swap3A_1109], %mul3A_1107 {strides = array<i32>} : memref<128x128xf32, #tpu.memory_space<vmem>>, vector<16xf32>,
        %get3A_1111 = arith.index_cast %add3A_1087 : i32 to index
        %get3A_1112 = arith.constant 48 : index
        %get3A_1113 = tpu.vector_load %arg27[%get3A_1111, %get3A_1112] {strides = array<i32>} : memref<128x128xf32, #tpu.memory_space<vmem>>, vector<16xf32>,
        %mul3A_1114 = arith.mulf %get3A_1113, %gather3A_1089 : vector<16xf32>
        %swap3A_1115 = arith.index_cast %add3A_1087 : i32 to index
        %swap3A_1116 = arith.constant 48 : index
        %swap3A_1117 = tpu.vector_load %arg27[%swap3A_1115, %swap3A_1116] {strides = array<i32>} : memref<128x128xf32, #tpu.memory_space<vmem>>, vector<16xf32>,
        tpu.vector_store %arg27[%swap3A_1115, %swap3A_1116], %mul3A_1114 {strides = array<i32>} : memref<128x128xf32, #tpu.memory_space<vmem>>, vector<16xf32>,
        %get3A_1118 = arith.index_cast %add3A_1087 : i32 to index
        %get3A_1119 = arith.constant 64 : index
        %get3A_1120 = tpu.vector_load %arg27[%get3A_1118, %get3A_1119] {strides = array<i32>} : memref<128x128xf32, #tpu.memory_space<vmem>>, vector<16xf32>,
        %mul3A_1121 = arith.mulf %get3A_1120, %gather3A_1089 : vector<16xf32>
        %swap3A_1122 = arith.index_cast %add3A_1087 : i32 to index
        %swap3A_1123 = arith.constant 64 : index
        %swap3A_1124 = tpu.vector_load %arg27[%swap3A_1122, %swap3A_1123] {strides = array<i32>} : memref<128x128xf32, #tpu.memory_space<vmem>>, vector<16xf32>,
        tpu.vector_store %arg27[%swap3A_1122, %swap3A_1123], %mul3A_1121 {strides = array<i32>} : memref<128x128xf32, #tpu.memory_space<vmem>>, vector<16xf32>,
        %get3A_1125 = arith.index_cast %add3A_1087 : i32 to index
        %get3A_1126 = arith.constant 80 : index
        %get3A_1127 = tpu.vector_load %arg27[%get3A_1125, %get3A_1126] {strides = array<i32>} : memref<128x128xf32, #tpu.memory_space<vmem>>, vector<16xf32>,
        %mul3A_1128 = arith.mulf %get3A_1127, %gather3A_1089 : vector<16xf32>
        %swap3A_1129 = arith.index_cast %add3A_1087 : i32 to index
        %swap3A_1130 = arith.constant 80 : index
        %swap3A_1131 = tpu.vector_load %arg27[%swap3A_1129, %swap3A_1130] {strides = array<i32>} : memref<128x128xf32, #tpu.memory_space<vmem>>, vector<16xf32>,
        tpu.vector_store %arg27[%swap3A_1129, %swap3A_1130], %mul3A_1128 {strides = array<i32>} : memref<128x128xf32, #tpu.memory_space<vmem>>, vector<16xf32>,
        %get3A_1132 = arith.index_cast %add3A_1087 : i32 to index
        %get3A_1133 = arith.constant 96 : index
        %get3A_1134 = tpu.vector_load %arg27[%get3A_1132, %get3A_1133] {strides = array<i32>} : memref<128x128xf32, #tpu.memory_space<vmem>>, vector<16xf32>,
        %mul3A_1135 = arith.mulf %get3A_1134, %gather3A_1089 : vector<16xf32>
        %swap3A_1136 = arith.index_cast %add3A_1087 : i32 to index
        %swap3A_1137 = arith.constant 96 : index
        %swap3A_1138 = tpu.vector_load %arg27[%swap3A_1136, %swap3A_1137] {strides = array<i32>} : memref<128x128xf32, #tpu.memory_space<vmem>>, vector<16xf32>,
        tpu.vector_store %arg27[%swap3A_1136, %swap3A_1137], %mul3A_1135 {strides = array<i32>} : memref<128x128xf32, #tpu.memory_space<vmem>>, vector<16xf32>,
        %get3A_1139 = arith.index_cast %add3A_1087 : i32 to index
        %get3A_1140 = arith.constant 112 : index
        %get3A_1141 = tpu.vector_load %arg27[%get3A_1139, %get3A_1140] {strides = array<i32>} : memref<128x128xf32, #tpu.memory_space<vmem>>, vector<16xf32>,
        %mul3A_1142 = arith.mulf %get3A_1141, %gather3A_1089 : vector<16xf32>
        %swap3A_1143 = arith.index_cast %add3A_1087 : i32 to index
        %swap3A_1144 = arith.constant 112 : index
        %swap3A_1145 = tpu.vector_load %arg27[%swap3A_1143, %swap3A_1144] {strides = array<i32>} : memref<128x128xf32, #tpu.memory_space<vmem>>, vector<16xf32>,
        tpu.vector_store %arg27[%swap3A_1143, %swap3A_1144], %mul3A_1142 {strides = array<i32>} : memref<128x128xf32, #tpu.memory_space<vmem>>, vector<16xf32>,
      }
      %scan3A_740 = arith.constant 64 : i32
      %dma_start3A_741 = arith.constant 0 : i32
      %dma_start3A_742 = arith.constant 0 : i32
      %dma_start3A_743 = tpu.memref_slice %arg29[%dma_start3A_741, %dma_start3A_742] : memref<10112x128xf32, #tpu.memory_space<vmem_shared>> -> memref<10112x128xf32, #tpu.memory_space<vmem_shared>>
      tpu.enqueue_indirect_dma source(%arg27 : memref<128x128xf32, #tpu.memory_space<vmem>>) target(%dma_start3A_743 : memref<10112x128xf32, #tpu.memory_space<vmem_shared>>) offsets(%arg25 : memref<128xi32, #tpu.memory_space<vmem>>) semaphore(%arg36 : memref<!tpu.dma_semaphore, #tpu.memory_space<semaphore_mem>>) {add = true}
      %dma_start3A_744 = arith.constant 0 : i32
      %dma_start3A_745 = tpu.memref_slice %arg30[%dma_start3A_744] : memref<10240xf32, #tpu.memory_space<vmem_shared>> -> memref<10240xf32, #tpu.memory_space<vmem_shared>>
      tpu.enqueue_indirect_dma source(%arg23 : memref<128xf32, #tpu.memory_space<vmem>>) target(%dma_start3A_745 : memref<10240xf32, #tpu.memory_space<vmem_shared>>) offsets(%arg25 : memref<128xi32, #tpu.memory_space<vmem>>) semaphore(%arg38 : memref<!tpu.dma_semaphore, #tpu.memory_space<semaphore_mem>>) {add = true}
      %mul3A_746 = arith.constant 2 : i32
      %mul3A_747 = arith.muli %while3A_474, %mul3A_746 : i32
      %add3A_748 = arith.constant 1 : i32
      %add3A_749 = arith.addi %mul3A_747, %add3A_748 : i32
      %mul3A_750 = arith.constant 128 : i32
      %mul3A_751 = arith.muli %add3A_749, %mul3A_750 : i32
      %add3A_752 = arith.addi %select_n3A_71, %mul3A_751 : i32
      %mul3A_753 = arith.constant 16 : i32
      %mul3A_754 = arith.muli %add3A_749, %mul3A_753 : i32
      %add3A_755 = arith.addi %select_n3A_82, %mul3A_754 : i32
      %sub3A_756 = arith.constant 1 : i32
      %sub3A_757 = arith.subi %select_n3A, %sub3A_756 : i32
      %lt3A_758 = arith.cmpi slt, %add3A_749, %sub3A_757 : i32
      %convert_element_type3A_759 = arith.extui %lt3A_758 : i1 to i32
      %cond3A_760 = arith.constant 0 : i32
      %cond3A_761 = arith.cmpi ne, %convert_element_type3A_759, %cond3A_760 : i32
      scf.if %cond3A_761 {
        %add3A_1021 = arith.constant 128 : i32
        %add3A_1022 = arith.addi %add3A_752, %add3A_1021 : i32
        %dma_wait3A_1023 = arith.constant 0 : i32
        %dma_wait3A_1024 = tpu.memref_slice %arg3[%dma_wait3A_1023, %add3A_1022] : memref<2x327680xi32, #tpu.memory_space<hbm>> -> memref<2x128xi32, #tpu.memory_space<hbm>>
        %dma_wait3A_1025 = arith.constant 0 : i32
        %dma_wait3A_1026 = tpu.memref_slice %arg3[%dma_wait3A_1025, %add3A_1022] : memref<2x327680xi32, #tpu.memory_space<hbm>> -> memref<2x128xi32, #tpu.memory_space<hbm>>
        tpu.wait_dma2 semaphore(%arg31 : memref<!tpu.dma_semaphore, #tpu.memory_space<semaphore_mem>>) src(%dma_wait3A_1026 : memref<2x128xi32, #tpu.memory_space<hbm>>) dst(%arg11 : memref<2x128xi32, #tpu.memory_space<vmem>>)
        %add3A_1027 = arith.constant 16 : i32
        %add3A_1028 = arith.addi %add3A_755, %add3A_1027 : i32
        %dma_wait3A_1029 = arith.constant 0 : i32
        %dma_wait3A_1030 = tpu.memref_slice %arg4[%add3A_1028, %dma_wait3A_1029] : memref<40960x24xf32, #tpu.memory_space<hbm>> -> memref<16x24xf32, #tpu.memory_space<hbm>>
        %dma_wait3A_1031 = arith.constant 0 : i32
        %dma_wait3A_1032 = tpu.memref_slice %arg4[%add3A_1028, %dma_wait3A_1031] : memref<40960x24xf32, #tpu.memory_space<hbm>> -> memref<16x24xf32, #tpu.memory_space<hbm>>
        tpu.wait_dma2 semaphore(%arg31 : memref<!tpu.dma_semaphore, #tpu.memory_space<semaphore_mem>>) src(%dma_wait3A_1032 : memref<16x24xf32, #tpu.memory_space<hbm>>) dst(%arg13 : memref<16x24xf32, #tpu.memory_space<vmem>>)
        %add3A_1033 = arith.constant 128 : i32
        %add3A_1034 = arith.addi %add3A_752, %add3A_1033 : i32
        %get3A_1035 = arith.constant 0 : i32
        %get3A_1036 = arith.index_cast %get3A_1035 : i32 to index
        %get3A_1037 = arith.constant 0 : index
        %get3A_1038 = tpu.vector_load %arg11[%get3A_1036, %get3A_1037] {strides = array<i32>} : memref<2x128xi32, #tpu.memory_space<vmem>>, vector<16xi32>,
        %get3A_1039 = arith.constant 1 : i32
        %get3A_1040 = arith.index_cast %get3A_1039 : i32 to index
        %get3A_1041 = arith.constant 0 : index
        %get3A_1042 = tpu.vector_load %arg11[%get3A_1040, %get3A_1041] {strides = array<i32>} : memref<2x128xi32, #tpu.memory_space<vmem>>, vector<16xi32>,
        %gather3A_1043 = tpu.vector_load_idx %arg10[%get3A_1042] : memref<10000xi32, #tpu.memory_space<vmem>>[vector<16xi32>], vector<16xi32>,
        %and3A_1044 = arith.constant 3 : i32
        %and3A_1045 = vector.broadcast %and3A_1044 : i32 to vector<16xi32>
        %and3A_1046 = arith.andi %gather3A_1043, %and3A_1045 : vector<16xi32>
        %and3A_1047 = arith.constant -4 : i32
        %and3A_1048 = vector.broadcast %and3A_1047 : i32 to vector<16xi32>
        %and3A_1049 = arith.andi %gather3A_1043, %and3A_1048 : vector<16xi32>
        %bitcast3A_1050 = vector.bitcast %and3A_1049 : vector<16xi32> to vector<16xf32>
        %add3A_1051 = arith.constant 0 : i32
        %add3A_1052 = vector.broadcast %add3A_1051 : i32 to vector<16xi32>
        %add3A_1053 = arith.addi %select_n3A_130, %add3A_1052 : vector<16xi32>
        %mul3A_1054 = arith.constant 8 : i32
        %mul3A_1055 = vector.broadcast %mul3A_1054 : i32 to vector<16xi32>
        %mul3A_1056 = arith.muli %and3A_1046, %mul3A_1055 : vector<16xi32>
        %add3A_1057 = arith.addi %mul3A_1056, %select_n3A_101 : vector<16xi32>
        %gather3A_1058 = tpu.vector_load_idx %arg13[%add3A_1053, %add3A_1057] : memref<16x24xf32, #tpu.memory_space<vmem>>[vector<16xi32>, vector<16xi32>], vector<16xf32>,
        %mul3A_1059 = arith.constant 10000 : i32
        %mul3A_1060 = vector.broadcast %mul3A_1059 : i32 to vector<16xi32>
        %mul3A_1061 = arith.muli %and3A_1046, %mul3A_1060 : vector<16xi32>
        %add3A_1062 = arith.addi %mul3A_1061, %get3A_1038 : vector<16xi32>
        %swap3A_1063 = arith.constant 0 : index
        %swap3A_1064 = tpu.vector_load %arg15[%swap3A_1063] {strides = array<i32>} : memref<128xi32, #tpu.memory_space<vmem>>, vector<16xi32>,
        tpu.vector_store %arg15[%swap3A_1063], %add3A_1062 {strides = array<i32>} : memref<128xi32, #tpu.memory_space<vmem>>, vector<16xi32>,
        %swap3A_1065 = arith.constant 0 : index
        %swap3A_1066 = tpu.vector_load %arg17[%swap3A_1065] {strides = array<i32>} : memref<128xi32, #tpu.memory_space<vmem>>, vector<16xi32>,
        tpu.vector_store %arg17[%swap3A_1065], %get3A_1042 {strides = array<i32>} : memref<128xi32, #tpu.memory_space<vmem>>, vector<16xi32>,
        %add3A_1067 = arith.addf %bitcast3A_1050, %gather3A_1058 : vector<16xf32>
        %swap3A_1068 = arith.constant 0 : index
        %swap3A_1069 = tpu.vector_load %arg19[%swap3A_1068] {strides = array<i32>} : memref<128xf32, #tpu.memory_space<vmem>>, vector<16xf32>,
        tpu.vector_store %arg19[%swap3A_1068], %add3A_1067 {strides = array<i32>} : memref<128xf32, #tpu.memory_space<vmem>>, vector<16xf32>,
        %get3A_1070 = arith.constant 0 : i32
        %get3A_1071 = arith.index_cast %get3A_1070 : i32 to index
        %get3A_1072 = arith.constant 16 : index
        %get3A_1073 = tpu.vector_load %arg11[%get3A_1071, %get3A_1072] {strides = array<i32>} : memref<2x128xi32, #tpu.memory_space<vmem>>, vector<16xi32>,
        %get3A_1074 = arith.constant 1 : i32
        %get3A_1075 = arith.index_cast %get3A_1074 : i32 to index
        %get3A_1076 = arith.constant 16 : index
        %get3A_1077 = tpu.vector_load %arg11[%get3A_1075, %get3A_1076] {strides = array<i32>} : memref<2x128xi32, #tpu.memory_space<vmem>>, vector<16xi32>,
        %gather3A_1078 = tpu.vector_load_idx %arg10[%get3A_1077] : memref<10000xi32, #tpu.memory_space<vmem>>[vector<16xi32>], vector<16xi32>,
        %and3A_1079 = arith.constant 3 : i32
        %and3A_1080 = vector.broadcast %and3A_1079 : i32 to vector<16xi32>
        %and3A_1081 = arith.andi %gather3A_1078, %and3A_1080 : vector<16xi32>
        %and3A_1082 = arith.constant -4 : i32
        %and3A_1083 = vector.broadcast %and3A_1082 : i32 to vector<16xi32>
        %and3A_1084 = arith.andi %gather3A_1078, %and3A_1083 : vector<16xi32>
        %bitcast3A_1085 = vector.bitcast %and3A_1084 : vector<16xi32> to vector<16xf32>
        %add3A_1086 = arith.constant 2 : i32
        %add3A_1087 = vector.broadcast %add3A_1086 : i32 to vector<16xi32>
        %add3A_1088 = arith.addi %select_n3A_130, %add3A_1087 : vector<16xi32>
        %mul3A_1089 = arith.constant 8 : i32
        %mul3A_1090 = vector.broadcast %mul3A_1089 : i32 to vector<16xi32>
        %mul3A_1091 = arith.muli %and3A_1081, %mul3A_1090 : vector<16xi32>
        %add3A_1092 = arith.addi %mul3A_1091, %select_n3A_101 : vector<16xi32>
        %gather3A_1093 = tpu.vector_load_idx %arg13[%add3A_1088, %add3A_1092] : memref<16x24xf32, #tpu.memory_space<vmem>>[vector<16xi32>, vector<16xi32>], vector<16xf32>,
        %mul3A_1094 = arith.constant 10000 : i32
        %mul3A_1095 = vector.broadcast %mul3A_1094 : i32 to vector<16xi32>
        %mul3A_1096 = arith.muli %and3A_1081, %mul3A_1095 : vector<16xi32>
        %add3A_1097 = arith.addi %mul3A_1096, %get3A_1073 : vector<16xi32>
        %swap3A_1098 = arith.constant 16 : index
        %swap3A_1099 = tpu.vector_load %arg15[%swap3A_1098] {strides = array<i32>} : memref<128xi32, #tpu.memory_space<vmem>>, vector<16xi32>,
        tpu.vector_store %arg15[%swap3A_1098], %add3A_1097 {strides = array<i32>} : memref<128xi32, #tpu.memory_space<vmem>>, vector<16xi32>,
        %swap3A_1100 = arith.constant 16 : index
        %swap3A_1101 = tpu.vector_load %arg17[%swap3A_1100] {strides = array<i32>} : memref<128xi32, #tpu.memory_space<vmem>>, vector<16xi32>,
        tpu.vector_store %arg17[%swap3A_1100], %get3A_1077 {strides = array<i32>} : memref<128xi32, #tpu.memory_space<vmem>>, vector<16xi32>,
        %add3A_1102 = arith.addf %bitcast3A_1085, %gather3A_1093 : vector<16xf32>
        %swap3A_1103 = arith.constant 16 : index
        %swap3A_1104 = tpu.vector_load %arg19[%swap3A_1103] {strides = array<i32>} : memref<128xf32, #tpu.memory_space<vmem>>, vector<16xf32>,
        tpu.vector_store %arg19[%swap3A_1103], %add3A_1102 {strides = array<i32>} : memref<128xf32, #tpu.memory_space<vmem>>, vector<16xf32>,
        %get3A_1105 = arith.constant 0 : i32
        %get3A_1106 = arith.index_cast %get3A_1105 : i32 to index
        %get3A_1107 = arith.constant 32 : index
        %get3A_1108 = tpu.vector_load %arg11[%get3A_1106, %get3A_1107] {strides = array<i32>} : memref<2x128xi32, #tpu.memory_space<vmem>>, vector<16xi32>,
        %get3A_1109 = arith.constant 1 : i32
        %get3A_1110 = arith.index_cast %get3A_1109 : i32 to index
        %get3A_1111 = arith.constant 32 : index
        %get3A_1112 = tpu.vector_load %arg11[%get3A_1110, %get3A_1111] {strides = array<i32>} : memref<2x128xi32, #tpu.memory_space<vmem>>, vector<16xi32>,
        %gather3A_1113 = tpu.vector_load_idx %arg10[%get3A_1112] : memref<10000xi32, #tpu.memory_space<vmem>>[vector<16xi32>], vector<16xi32>,
        %and3A_1114 = arith.constant 3 : i32
        %and3A_1115 = vector.broadcast %and3A_1114 : i32 to vector<16xi32>
        %and3A_1116 = arith.andi %gather3A_1113, %and3A_1115 : vector<16xi32>
        %and3A_1117 = arith.constant -4 : i32
        %and3A_1118 = vector.broadcast %and3A_1117 : i32 to vector<16xi32>
        %and3A_1119 = arith.andi %gather3A_1113, %and3A_1118 : vector<16xi32>
        %bitcast3A_1120 = vector.bitcast %and3A_1119 : vector<16xi32> to vector<16xf32>
        %add3A_1121 = arith.constant 4 : i32
        %add3A_1122 = vector.broadcast %add3A_1121 : i32 to vector<16xi32>
        %add3A_1123 = arith.addi %select_n3A_130, %add3A_1122 : vector<16xi32>
        %mul3A_1124 = arith.constant 8 : i32
        %mul3A_1125 = vector.broadcast %mul3A_1124 : i32 to vector<16xi32>
        %mul3A_1126 = arith.muli %and3A_1116, %mul3A_1125 : vector<16xi32>
        %add3A_1127 = arith.addi %mul3A_1126, %select_n3A_101 : vector<16xi32>
        %gather3A_1128 = tpu.vector_load_idx %arg13[%add3A_1123, %add3A_1127] : memref<16x24xf32, #tpu.memory_space<vmem>>[vector<16xi32>, vector<16xi32>], vector<16xf32>,
        %mul3A_1129 = arith.constant 10000 : i32
        %mul3A_1130 = vector.broadcast %mul3A_1129 : i32 to vector<16xi32>
        %mul3A_1131 = arith.muli %and3A_1116, %mul3A_1130 : vector<16xi32>
        %add3A_1132 = arith.addi %mul3A_1131, %get3A_1108 : vector<16xi32>
        %swap3A_1133 = arith.constant 32 : index
        %swap3A_1134 = tpu.vector_load %arg15[%swap3A_1133] {strides = array<i32>} : memref<128xi32, #tpu.memory_space<vmem>>, vector<16xi32>,
        tpu.vector_store %arg15[%swap3A_1133], %add3A_1132 {strides = array<i32>} : memref<128xi32, #tpu.memory_space<vmem>>, vector<16xi32>,
        %swap3A_1135 = arith.constant 32 : index
        %swap3A_1136 = tpu.vector_load %arg17[%swap3A_1135] {strides = array<i32>} : memref<128xi32, #tpu.memory_space<vmem>>, vector<16xi32>,
        tpu.vector_store %arg17[%swap3A_1135], %get3A_1112 {strides = array<i32>} : memref<128xi32, #tpu.memory_space<vmem>>, vector<16xi32>,
        %add3A_1137 = arith.addf %bitcast3A_1120, %gather3A_1128 : vector<16xf32>
        %swap3A_1138 = arith.constant 32 : index
        %swap3A_1139 = tpu.vector_load %arg19[%swap3A_1138] {strides = array<i32>} : memref<128xf32, #tpu.memory_space<vmem>>, vector<16xf32>,
        tpu.vector_store %arg19[%swap3A_1138], %add3A_1137 {strides = array<i32>} : memref<128xf32, #tpu.memory_space<vmem>>, vector<16xf32>,
        %get3A_1140 = arith.constant 0 : i32
        %get3A_1141 = arith.index_cast %get3A_1140 : i32 to index
        %get3A_1142 = arith.constant 48 : index
        %get3A_1143 = tpu.vector_load %arg11[%get3A_1141, %get3A_1142] {strides = array<i32>} : memref<2x128xi32, #tpu.memory_space<vmem>>, vector<16xi32>,
        %get3A_1144 = arith.constant 1 : i32
        %get3A_1145 = arith.index_cast %get3A_1144 : i32 to index
        %get3A_1146 = arith.constant 48 : index
        %get3A_1147 = tpu.vector_load %arg11[%get3A_1145, %get3A_1146] {strides = array<i32>} : memref<2x128xi32, #tpu.memory_space<vmem>>, vector<16xi32>,
        %gather3A_1148 = tpu.vector_load_idx %arg10[%get3A_1147] : memref<10000xi32, #tpu.memory_space<vmem>>[vector<16xi32>], vector<16xi32>,
        %and3A_1149 = arith.constant 3 : i32
        %and3A_1150 = vector.broadcast %and3A_1149 : i32 to vector<16xi32>
        %and3A_1151 = arith.andi %gather3A_1148, %and3A_1150 : vector<16xi32>
        %and3A_1152 = arith.constant -4 : i32
        %and3A_1153 = vector.broadcast %and3A_1152 : i32 to vector<16xi32>
        %and3A_1154 = arith.andi %gather3A_1148, %and3A_1153 : vector<16xi32>
        %bitcast3A_1155 = vector.bitcast %and3A_1154 : vector<16xi32> to vector<16xf32>
        %add3A_1156 = arith.constant 6 : i32
        %add3A_1157 = vector.broadcast %add3A_1156 : i32 to vector<16xi32>
        %add3A_1158 = arith.addi %select_n3A_130, %add3A_1157 : vector<16xi32>
        %mul3A_1159 = arith.constant 8 : i32
        %mul3A_1160 = vector.broadcast %mul3A_1159 : i32 to vector<16xi32>
        %mul3A_1161 = arith.muli %and3A_1151, %mul3A_1160 : vector<16xi32>
        %add3A_1162 = arith.addi %mul3A_1161, %select_n3A_101 : vector<16xi32>
        %gather3A_1163 = tpu.vector_load_idx %arg13[%add3A_1158, %add3A_1162] : memref<16x24xf32, #tpu.memory_space<vmem>>[vector<16xi32>, vector<16xi32>], vector<16xf32>,
        %mul3A_1164 = arith.constant 10000 : i32
        %mul3A_1165 = vector.broadcast %mul3A_1164 : i32 to vector<16xi32>
        %mul3A_1166 = arith.muli %and3A_1151, %mul3A_1165 : vector<16xi32>
        %add3A_1167 = arith.addi %mul3A_1166, %get3A_1143 : vector<16xi32>
        %swap3A_1168 = arith.constant 48 : index
        %swap3A_1169 = tpu.vector_load %arg15[%swap3A_1168] {strides = array<i32>} : memref<128xi32, #tpu.memory_space<vmem>>, vector<16xi32>,
        tpu.vector_store %arg15[%swap3A_1168], %add3A_1167 {strides = array<i32>} : memref<128xi32, #tpu.memory_space<vmem>>, vector<16xi32>,
        %swap3A_1170 = arith.constant 48 : index
        %swap3A_1171 = tpu.vector_load %arg17[%swap3A_1170] {strides = array<i32>} : memref<128xi32, #tpu.memory_space<vmem>>, vector<16xi32>,
        tpu.vector_store %arg17[%swap3A_1170], %get3A_1147 {strides = array<i32>} : memref<128xi32, #tpu.memory_space<vmem>>, vector<16xi32>,
        %add3A_1172 = arith.addf %bitcast3A_1155, %gather3A_1163 : vector<16xf32>
        %swap3A_1173 = arith.constant 48 : index
        %swap3A_1174 = tpu.vector_load %arg19[%swap3A_1173] {strides = array<i32>} : memref<128xf32, #tpu.memory_space<vmem>>, vector<16xf32>,
        tpu.vector_store %arg19[%swap3A_1173], %add3A_1172 {strides = array<i32>} : memref<128xf32, #tpu.memory_space<vmem>>, vector<16xf32>,
        %get3A_1175 = arith.constant 0 : i32
        %get3A_1176 = arith.index_cast %get3A_1175 : i32 to index
        %get3A_1177 = arith.constant 64 : index
        %get3A_1178 = tpu.vector_load %arg11[%get3A_1176, %get3A_1177] {strides = array<i32>} : memref<2x128xi32, #tpu.memory_space<vmem>>, vector<16xi32>,
        %get3A_1179 = arith.constant 1 : i32
        %get3A_1180 = arith.index_cast %get3A_1179 : i32 to index
        %get3A_1181 = arith.constant 64 : index
        %get3A_1182 = tpu.vector_load %arg11[%get3A_1180, %get3A_1181] {strides = array<i32>} : memref<2x128xi32, #tpu.memory_space<vmem>>, vector<16xi32>,
        %gather3A_1183 = tpu.vector_load_idx %arg10[%get3A_1182] : memref<10000xi32, #tpu.memory_space<vmem>>[vector<16xi32>], vector<16xi32>,
        %and3A_1184 = arith.constant 3 : i32
        %and3A_1185 = vector.broadcast %and3A_1184 : i32 to vector<16xi32>
        %and3A_1186 = arith.andi %gather3A_1183, %and3A_1185 : vector<16xi32>
        %and3A_1187 = arith.constant -4 : i32
        %and3A_1188 = vector.broadcast %and3A_1187 : i32 to vector<16xi32>
        %and3A_1189 = arith.andi %gather3A_1183, %and3A_1188 : vector<16xi32>
        %bitcast3A_1190 = vector.bitcast %and3A_1189 : vector<16xi32> to vector<16xf32>
        %add3A_1191 = arith.constant 8 : i32
        %add3A_1192 = vector.broadcast %add3A_1191 : i32 to vector<16xi32>
        %add3A_1193 = arith.addi %select_n3A_130, %add3A_1192 : vector<16xi32>
        %mul3A_1194 = arith.constant 8 : i32
        %mul3A_1195 = vector.broadcast %mul3A_1194 : i32 to vector<16xi32>
        %mul3A_1196 = arith.muli %and3A_1186, %mul3A_1195 : vector<16xi32>
        %add3A_1197 = arith.addi %mul3A_1196, %select_n3A_101 : vector<16xi32>
        %gather3A_1198 = tpu.vector_load_idx %arg13[%add3A_1193, %add3A_1197] : memref<16x24xf32, #tpu.memory_space<vmem>>[vector<16xi32>, vector<16xi32>], vector<16xf32>,
        %mul3A_1199 = arith.constant 10000 : i32
        %mul3A_1200 = vector.broadcast %mul3A_1199 : i32 to vector<16xi32>
        %mul3A_1201 = arith.muli %and3A_1186, %mul3A_1200 : vector<16xi32>
        %add3A_1202 = arith.addi %mul3A_1201, %get3A_1178 : vector<16xi32>
        %swap3A_1203 = arith.constant 64 : index
        %swap3A_1204 = tpu.vector_load %arg15[%swap3A_1203] {strides = array<i32>} : memref<128xi32, #tpu.memory_space<vmem>>, vector<16xi32>,
        tpu.vector_store %arg15[%swap3A_1203], %add3A_1202 {strides = array<i32>} : memref<128xi32, #tpu.memory_space<vmem>>, vector<16xi32>,
        %swap3A_1205 = arith.constant 64 : index
        %swap3A_1206 = tpu.vector_load %arg17[%swap3A_1205] {strides = array<i32>} : memref<128xi32, #tpu.memory_space<vmem>>, vector<16xi32>,
        tpu.vector_store %arg17[%swap3A_1205], %get3A_1182 {strides = array<i32>} : memref<128xi32, #tpu.memory_space<vmem>>, vector<16xi32>,
        %add3A_1207 = arith.addf %bitcast3A_1190, %gather3A_1198 : vector<16xf32>
        %swap3A_1208 = arith.constant 64 : index
        %swap3A_1209 = tpu.vector_load %arg19[%swap3A_1208] {strides = array<i32>} : memref<128xf32, #tpu.memory_space<vmem>>, vector<16xf32>,
        tpu.vector_store %arg19[%swap3A_1208], %add3A_1207 {strides = array<i32>} : memref<128xf32, #tpu.memory_space<vmem>>, vector<16xf32>,
        %get3A_1210 = arith.constant 0 : i32
        %get3A_1211 = arith.index_cast %get3A_1210 : i32 to index
        %get3A_1212 = arith.constant 80 : index
        %get3A_1213 = tpu.vector_load %arg11[%get3A_1211, %get3A_1212] {strides = array<i32>} : memref<2x128xi32, #tpu.memory_space<vmem>>, vector<16xi32>,
        %get3A_1214 = arith.constant 1 : i32
        %get3A_1215 = arith.index_cast %get3A_1214 : i32 to index
        %get3A_1216 = arith.constant 80 : index
        %get3A_1217 = tpu.vector_load %arg11[%get3A_1215, %get3A_1216] {strides = array<i32>} : memref<2x128xi32, #tpu.memory_space<vmem>>, vector<16xi32>,
        %gather3A_1218 = tpu.vector_load_idx %arg10[%get3A_1217] : memref<10000xi32, #tpu.memory_space<vmem>>[vector<16xi32>], vector<16xi32>,
        %and3A_1219 = arith.constant 3 : i32
        %and3A_1220 = vector.broadcast %and3A_1219 : i32 to vector<16xi32>
        %and3A_1221 = arith.andi %gather3A_1218, %and3A_1220 : vector<16xi32>
        %and3A_1222 = arith.constant -4 : i32
        %and3A_1223 = vector.broadcast %and3A_1222 : i32 to vector<16xi32>
        %and3A_1224 = arith.andi %gather3A_1218, %and3A_1223 : vector<16xi32>
        %bitcast3A_1225 = vector.bitcast %and3A_1224 : vector<16xi32> to vector<16xf32>
        %add3A_1226 = arith.constant 10 : i32
        %add3A_1227 = vector.broadcast %add3A_1226 : i32 to vector<16xi32>
        %add3A_1228 = arith.addi %select_n3A_130, %add3A_1227 : vector<16xi32>
        %mul3A_1229 = arith.constant 8 : i32
        %mul3A_1230 = vector.broadcast %mul3A_1229 : i32 to vector<16xi32>
        %mul3A_1231 = arith.muli %and3A_1221, %mul3A_1230 : vector<16xi32>
        %add3A_1232 = arith.addi %mul3A_1231, %select_n3A_101 : vector<16xi32>
        %gather3A_1233 = tpu.vector_load_idx %arg13[%add3A_1228, %add3A_1232] : memref<16x24xf32, #tpu.memory_space<vmem>>[vector<16xi32>, vector<16xi32>], vector<16xf32>,
        %mul3A_1234 = arith.constant 10000 : i32
        %mul3A_1235 = vector.broadcast %mul3A_1234 : i32 to vector<16xi32>
        %mul3A_1236 = arith.muli %and3A_1221, %mul3A_1235 : vector<16xi32>
        %add3A_1237 = arith.addi %mul3A_1236, %get3A_1213 : vector<16xi32>
        %swap3A_1238 = arith.constant 80 : index
        %swap3A_1239 = tpu.vector_load %arg15[%swap3A_1238] {strides = array<i32>} : memref<128xi32, #tpu.memory_space<vmem>>, vector<16xi32>,
        tpu.vector_store %arg15[%swap3A_1238], %add3A_1237 {strides = array<i32>} : memref<128xi32, #tpu.memory_space<vmem>>, vector<16xi32>,
        %swap3A_1240 = arith.constant 80 : index
        %swap3A_1241 = tpu.vector_load %arg17[%swap3A_1240] {strides = array<i32>} : memref<128xi32, #tpu.memory_space<vmem>>, vector<16xi32>,
        tpu.vector_store %arg17[%swap3A_1240], %get3A_1217 {strides = array<i32>} : memref<128xi32, #tpu.memory_space<vmem>>, vector<16xi32>,
        %add3A_1242 = arith.addf %bitcast3A_1225, %gather3A_1233 : vector<16xf32>
        %swap3A_1243 = arith.constant 80 : index
        %swap3A_1244 = tpu.vector_load %arg19[%swap3A_1243] {strides = array<i32>} : memref<128xf32, #tpu.memory_space<vmem>>, vector<16xf32>,
        tpu.vector_store %arg19[%swap3A_1243], %add3A_1242 {strides = array<i32>} : memref<128xf32, #tpu.memory_space<vmem>>, vector<16xf32>,
        %get3A_1245 = arith.constant 0 : i32
        %get3A_1246 = arith.index_cast %get3A_1245 : i32 to index
        %get3A_1247 = arith.constant 96 : index
        %get3A_1248 = tpu.vector_load %arg11[%get3A_1246, %get3A_1247] {strides = array<i32>} : memref<2x128xi32, #tpu.memory_space<vmem>>, vector<16xi32>,
        %get3A_1249 = arith.constant 1 : i32
        %get3A_1250 = arith.index_cast %get3A_1249 : i32 to index
        %get3A_1251 = arith.constant 96 : index
        %get3A_1252 = tpu.vector_load %arg11[%get3A_1250, %get3A_1251] {strides = array<i32>} : memref<2x128xi32, #tpu.memory_space<vmem>>, vector<16xi32>,
        %gather3A_1253 = tpu.vector_load_idx %arg10[%get3A_1252] : memref<10000xi32, #tpu.memory_space<vmem>>[vector<16xi32>], vector<16xi32>,
        %and3A_1254 = arith.constant 3 : i32
        %and3A_1255 = vector.broadcast %and3A_1254 : i32 to vector<16xi32>
        %and3A_1256 = arith.andi %gather3A_1253, %and3A_1255 : vector<16xi32>
        %and3A_1257 = arith.constant -4 : i32
        %and3A_1258 = vector.broadcast %and3A_1257 : i32 to vector<16xi32>
        %and3A_1259 = arith.andi %gather3A_1253, %and3A_1258 : vector<16xi32>
        %bitcast3A_1260 = vector.bitcast %and3A_1259 : vector<16xi32> to vector<16xf32>
        %add3A_1261 = arith.constant 12 : i32
        %add3A_1262 = vector.broadcast %add3A_1261 : i32 to vector<16xi32>
        %add3A_1263 = arith.addi %select_n3A_130, %add3A_1262 : vector<16xi32>
        %mul3A_1264 = arith.constant 8 : i32
        %mul3A_1265 = vector.broadcast %mul3A_1264 : i32 to vector<16xi32>
        %mul3A_1266 = arith.muli %and3A_1256, %mul3A_1265 : vector<16xi32>
        %add3A_1267 = arith.addi %mul3A_1266, %select_n3A_101 : vector<16xi32>
        %gather3A_1268 = tpu.vector_load_idx %arg13[%add3A_1263, %add3A_1267] : memref<16x24xf32, #tpu.memory_space<vmem>>[vector<16xi32>, vector<16xi32>], vector<16xf32>,
        %mul3A_1269 = arith.constant 10000 : i32
        %mul3A_1270 = vector.broadcast %mul3A_1269 : i32 to vector<16xi32>
        %mul3A_1271 = arith.muli %and3A_1256, %mul3A_1270 : vector<16xi32>
        %add3A_1272 = arith.addi %mul3A_1271, %get3A_1248 : vector<16xi32>
        %swap3A_1273 = arith.constant 96 : index
        %swap3A_1274 = tpu.vector_load %arg15[%swap3A_1273] {strides = array<i32>} : memref<128xi32, #tpu.memory_space<vmem>>, vector<16xi32>,
        tpu.vector_store %arg15[%swap3A_1273], %add3A_1272 {strides = array<i32>} : memref<128xi32, #tpu.memory_space<vmem>>, vector<16xi32>,
        %swap3A_1275 = arith.constant 96 : index
        %swap3A_1276 = tpu.vector_load %arg17[%swap3A_1275] {strides = array<i32>} : memref<128xi32, #tpu.memory_space<vmem>>, vector<16xi32>,
        tpu.vector_store %arg17[%swap3A_1275], %get3A_1252 {strides = array<i32>} : memref<128xi32, #tpu.memory_space<vmem>>, vector<16xi32>,
        %add3A_1277 = arith.addf %bitcast3A_1260, %gather3A_1268 : vector<16xf32>
        %swap3A_1278 = arith.constant 96 : index
        %swap3A_1279 = tpu.vector_load %arg19[%swap3A_1278] {strides = array<i32>} : memref<128xf32, #tpu.memory_space<vmem>>, vector<16xf32>,
        tpu.vector_store %arg19[%swap3A_1278], %add3A_1277 {strides = array<i32>} : memref<128xf32, #tpu.memory_space<vmem>>, vector<16xf32>,
        %get3A_1280 = arith.constant 0 : i32
        %get3A_1281 = arith.index_cast %get3A_1280 : i32 to index
        %get3A_1282 = arith.constant 112 : index
        %get3A_1283 = tpu.vector_load %arg11[%get3A_1281, %get3A_1282] {strides = array<i32>} : memref<2x128xi32, #tpu.memory_space<vmem>>, vector<16xi32>,
        %get3A_1284 = arith.constant 1 : i32
        %get3A_1285 = arith.index_cast %get3A_1284 : i32 to index
        %get3A_1286 = arith.constant 112 : index
        %get3A_1287 = tpu.vector_load %arg11[%get3A_1285, %get3A_1286] {strides = array<i32>} : memref<2x128xi32, #tpu.memory_space<vmem>>, vector<16xi32>,
        %gather3A_1288 = tpu.vector_load_idx %arg10[%get3A_1287] : memref<10000xi32, #tpu.memory_space<vmem>>[vector<16xi32>], vector<16xi32>,
        %and3A_1289 = arith.constant 3 : i32
        %and3A_1290 = vector.broadcast %and3A_1289 : i32 to vector<16xi32>
        %and3A_1291 = arith.andi %gather3A_1288, %and3A_1290 : vector<16xi32>
        %and3A_1292 = arith.constant -4 : i32
        %and3A_1293 = vector.broadcast %and3A_1292 : i32 to vector<16xi32>
        %and3A_1294 = arith.andi %gather3A_1288, %and3A_1293 : vector<16xi32>
        %bitcast3A_1295 = vector.bitcast %and3A_1294 : vector<16xi32> to vector<16xf32>
        %add3A_1296 = arith.constant 14 : i32
        %add3A_1297 = vector.broadcast %add3A_1296 : i32 to vector<16xi32>
        %add3A_1298 = arith.addi %select_n3A_130, %add3A_1297 : vector<16xi32>
        %mul3A_1299 = arith.constant 8 : i32
        %mul3A_1300 = vector.broadcast %mul3A_1299 : i32 to vector<16xi32>
        %mul3A_1301 = arith.muli %and3A_1291, %mul3A_1300 : vector<16xi32>
        %add3A_1302 = arith.addi %mul3A_1301, %select_n3A_101 : vector<16xi32>
        %gather3A_1303 = tpu.vector_load_idx %arg13[%add3A_1298, %add3A_1302] : memref<16x24xf32, #tpu.memory_space<vmem>>[vector<16xi32>, vector<16xi32>], vector<16xf32>,
        %mul3A_1304 = arith.constant 10000 : i32
        %mul3A_1305 = vector.broadcast %mul3A_1304 : i32 to vector<16xi32>
        %mul3A_1306 = arith.muli %and3A_1291, %mul3A_1305 : vector<16xi32>
        %add3A_1307 = arith.addi %mul3A_1306, %get3A_1283 : vector<16xi32>
        %swap3A_1308 = arith.constant 112 : index
        %swap3A_1309 = tpu.vector_load %arg15[%swap3A_1308] {strides = array<i32>} : memref<128xi32, #tpu.memory_space<vmem>>, vector<16xi32>,
        tpu.vector_store %arg15[%swap3A_1308], %add3A_1307 {strides = array<i32>} : memref<128xi32, #tpu.memory_space<vmem>>, vector<16xi32>,
        %swap3A_1310 = arith.constant 112 : index
        %swap3A_1311 = tpu.vector_load %arg17[%swap3A_1310] {strides = array<i32>} : memref<128xi32, #tpu.memory_space<vmem>>, vector<16xi32>,
        tpu.vector_store %arg17[%swap3A_1310], %get3A_1287 {strides = array<i32>} : memref<128xi32, #tpu.memory_space<vmem>>, vector<16xi32>,
        %add3A_1312 = arith.addf %bitcast3A_1295, %gather3A_1303 : vector<16xf32>
        %swap3A_1313 = arith.constant 112 : index
        %swap3A_1314 = tpu.vector_load %arg19[%swap3A_1313] {strides = array<i32>} : memref<128xf32, #tpu.memory_space<vmem>>, vector<16xf32>,
        tpu.vector_store %arg19[%swap3A_1313], %add3A_1312 {strides = array<i32>} : memref<128xf32, #tpu.memory_space<vmem>>, vector<16xf32>,
        %sub3A_1315 = arith.constant 2 : i32
        %sub3A_1316 = arith.subi %select_n3A, %sub3A_1315 : i32
        %lt3A_1317 = arith.cmpi slt, %add3A_749, %sub3A_1316 : i32
        %convert_element_type3A_1318 = arith.extui %lt3A_1317 : i1 to i32
        %cond3A_1319 = arith.constant 0 : i32
        %cond3A_1320 = arith.cmpi ne, %convert_element_type3A_1318, %cond3A_1319 : i32
        scf.if %cond3A_1320 {
          %add3A_1321 = arith.constant 256 : i32
          %add3A_1322 = arith.addi %add3A_752, %add3A_1321 : i32
          %dma_start3A_1323 = arith.constant 0 : i32
          %dma_start3A_1324 = tpu.memref_slice %arg3[%dma_start3A_1323, %add3A_1322] : memref<2x327680xi32, #tpu.memory_space<hbm>> -> memref<2x128xi32, #tpu.memory_space<hbm>>
          %dma_start3A_1325 = arith.constant 0 : i32
          %dma_start3A_1326 = tpu.memref_slice %arg3[%dma_start3A_1325, %add3A_1322] : memref<2x327680xi32, #tpu.memory_space<hbm>> -> memref<2x128xi32, #tpu.memory_space<hbm>>
          tpu.enqueue_dma source(%dma_start3A_1326 : memref<2x128xi32, #tpu.memory_space<hbm>>) target(%arg12 : memref<2x128xi32, #tpu.memory_space<vmem>>) target_semaphore(%arg31 : memref<!tpu.dma_semaphore, #tpu.memory_space<semaphore_mem>>)
          %add3A_1327 = arith.constant 32 : i32
          %add3A_1328 = arith.addi %add3A_755, %add3A_1327 : i32
          %dma_start3A_1329 = arith.constant 0 : i32
          %dma_start3A_1330 = tpu.memref_slice %arg4[%add3A_1328, %dma_start3A_1329] : memref<40960x24xf32, #tpu.memory_space<hbm>> -> memref<16x24xf32, #tpu.memory_space<hbm>>
          %dma_start3A_1331 = arith.constant 0 : i32
          %dma_start3A_1332 = tpu.memref_slice %arg4[%add3A_1328, %dma_start3A_1331] : memref<40960x24xf32, #tpu.memory_space<hbm>> -> memref<16x24xf32, #tpu.memory_space<hbm>>
          tpu.enqueue_dma source(%dma_start3A_1332 : memref<16x24xf32, #tpu.memory_space<hbm>>) target(%arg14 : memref<16x24xf32, #tpu.memory_space<vmem>>) target_semaphore(%arg31 : memref<!tpu.dma_semaphore, #tpu.memory_space<semaphore_mem>>)
        } else {
        }
      } else {
      }
      %dma_wait3A_762 = arith.constant 0 : i32
      %dma_wait3A_763 = tpu.memref_slice %arg5[%dma_wait3A_762] : memref<30000xf32, #tpu.memory_space<hbm>> -> memref<30000xf32, #tpu.memory_space<hbm>>
      tpu.wait_indirect_dma semaphore(%arg35 : memref<!tpu.dma_semaphore, #tpu.memory_space<semaphore_mem>>) src(%dma_wait3A_763 : memref<30000xf32, #tpu.memory_space<hbm>>) dst(%arg22 : memref<128xf32, #tpu.memory_space<vmem>>)
      %dma_wait3A_764 = arith.constant 0 : i32
      %dma_wait3A_765 = arith.constant 0 : i32
      %dma_wait3A_766 = tpu.memref_slice %arg2[%dma_wait3A_764, %dma_wait3A_765] : memref<30000x128xf32, #tpu.memory_space<hbm>> -> memref<30000x128xf32, #tpu.memory_space<hbm>>
      tpu.wait_indirect_dma semaphore(%arg33 : memref<!tpu.dma_semaphore, #tpu.memory_space<semaphore_mem>>) src(%dma_wait3A_766 : memref<30000x128xf32, #tpu.memory_space<hbm>>) dst(%arg28 : memref<128x128xf32, #tpu.memory_space<vmem>>)
      %ge3A_767 = arith.constant 1 : i32
      %ge3A_768 = arith.cmpi sge, %add3A_749, %ge3A_767 : i32
      %convert_element_type3A_769 = arith.extui %ge3A_768 : i1 to i32
      %cond3A_770 = arith.constant 0 : i32
      %cond3A_771 = arith.cmpi ne, %convert_element_type3A_769, %cond3A_770 : i32
      scf.if %cond3A_771 {
        %dma_wait3A_1021 = arith.constant 0 : i32
        %dma_wait3A_1022 = arith.constant 0 : i32
        %dma_wait3A_1023 = tpu.memref_slice %arg29[%dma_wait3A_1021, %dma_wait3A_1022] : memref<10112x128xf32, #tpu.memory_space<vmem_shared>> -> memref<10112x128xf32, #tpu.memory_space<vmem_shared>>
        tpu.wait_indirect_dma semaphore(%arg36 : memref<!tpu.dma_semaphore, #tpu.memory_space<semaphore_mem>>) src(%arg27 : memref<128x128xf32, #tpu.memory_space<vmem>>) dst(%dma_wait3A_1023 : memref<10112x128xf32, #tpu.memory_space<vmem_shared>>)
        %dma_wait3A_1024 = arith.constant 0 : i32
        %dma_wait3A_1025 = tpu.memref_slice %arg30[%dma_wait3A_1024] : memref<10240xf32, #tpu.memory_space<vmem_shared>> -> memref<10240xf32, #tpu.memory_space<vmem_shared>>
        tpu.wait_indirect_dma semaphore(%arg38 : memref<!tpu.dma_semaphore, #tpu.memory_space<semaphore_mem>>) src(%arg23 : memref<128xf32, #tpu.memory_space<vmem>>) dst(%dma_wait3A_1025 : memref<10240xf32, #tpu.memory_space<vmem_shared>>)
      } else {
      }
      %sub3A_772 = arith.constant 1 : i32
      %sub3A_773 = arith.subi %select_n3A, %sub3A_772 : i32
      %lt3A_774 = arith.cmpi slt, %add3A_749, %sub3A_773 : i32
      %convert_element_type3A_775 = arith.extui %lt3A_774 : i1 to i32
      %cond3A_776 = arith.constant 0 : i32
      %cond3A_777 = arith.cmpi ne, %convert_element_type3A_775, %cond3A_776 : i32
      scf.if %cond3A_777 {
        %dma_start3A_1021 = arith.constant 0 : i32
        %dma_start3A_1022 = arith.constant 0 : i32
        %dma_start3A_1023 = tpu.memref_slice %arg2[%dma_start3A_1021, %dma_start3A_1022] : memref<30000x128xf32, #tpu.memory_space<hbm>> -> memref<30000x128xf32, #tpu.memory_space<hbm>>
        tpu.enqueue_indirect_dma source(%dma_start3A_1023 : memref<30000x128xf32, #tpu.memory_space<hbm>>) target(%arg27 : memref<128x128xf32, #tpu.memory_space<vmem>>) offsets(%arg15 : memref<128xi32, #tpu.memory_space<vmem>>) semaphore(%arg32 : memref<!tpu.dma_semaphore, #tpu.memory_space<semaphore_mem>>)
        %dma_start3A_1024 = arith.constant 0 : i32
        %dma_start3A_1025 = tpu.memref_slice %arg5[%dma_start3A_1024] : memref<30000xf32, #tpu.memory_space<hbm>> -> memref<30000xf32, #tpu.memory_space<hbm>>
        tpu.enqueue_indirect_dma source(%dma_start3A_1025 : memref<30000xf32, #tpu.memory_space<hbm>>) target(%arg21 : memref<128xf32, #tpu.memory_space<vmem>>) offsets(%arg15 : memref<128xi32, #tpu.memory_space<vmem>>) semaphore(%arg34 : memref<!tpu.dma_semaphore, #tpu.memory_space<semaphore_mem>>)
      } else {
      }
      %get3A_778 = arith.constant 0 : index
      %get3A_779 = tpu.vector_load %arg20[%get3A_778] {strides = array<i32>} : memref<128xf32, #tpu.memory_space<vmem>>, vector<16xf32>,
      %get3A_780 = arith.constant 0 : index
      %get3A_781 = tpu.vector_load %arg22[%get3A_780] {strides = array<i32>} : memref<128xf32, #tpu.memory_space<vmem>>, vector<16xf32>,
      %add3A_782 = arith.addf %get3A_779, %get3A_781 : vector<16xf32>
      %ge3A_783 = arith.constant 0.000000e+00 : f32
      %ge3A_784 = vector.broadcast %ge3A_783 : f32 to vector<16xf32>
      %ge3A_785 = arith.cmpf oge, %add3A_782, %ge3A_784 : vector<16xf32>
      %mul3A_786 = arith.constant 2.000000e-01 : f32
      %mul3A_787 = vector.broadcast %mul3A_786 : f32 to vector<16xf32>
      %mul3A_788 = arith.mulf %mul3A_787, %add3A_782 : vector<16xf32>
      %select_n3A_789 = arith.select %ge3A_785, %add3A_782, %mul3A_788 : vector<16xi1>, vector<16xf32>
      %exp3A_790 = math.exp %select_n3A_789 : vector<16xf32>
      %add3A_791 = arith.constant 0 : i32
      %add3A_792 = arith.addi %add3A_752, %add3A_791 : i32
      %add3A_793 = vector.broadcast %add3A_792 : i32 to vector<16xi32>
      %add3A_794 = arith.addi %add3A_793, %iota3A : vector<16xi32>
      %lt3A_795 = arith.constant 320000 : i32
      %lt3A_796 = vector.broadcast %lt3A_795 : i32 to vector<16xi32>
      %lt3A_797 = arith.cmpi slt, %add3A_794, %lt3A_796 : vector<16xi32>
      %jit3A_798 = arith.constant 0.000000e+00 : f32
      %broadcast_in_dim3A_799 = vector.broadcast %jit3A_798 : f32 to vector<16xf32>
      %select_n3A_800 = arith.select %lt3A_797, %exp3A_790, %broadcast_in_dim3A_799 : vector<16xi1>, vector<16xf32>
      %swap3A_801 = arith.constant 0 : index
      %swap3A_802 = tpu.vector_load %arg24[%swap3A_801] {strides = array<i32>} : memref<128xf32, #tpu.memory_space<vmem>>, vector<16xf32>,
      tpu.vector_store %arg24[%swap3A_801], %select_n3A_800 {strides = array<i32>} : memref<128xf32, #tpu.memory_space<vmem>>, vector<16xf32>,
      %get3A_803 = arith.constant 0 : index
      %get3A_804 = tpu.vector_load %arg18[%get3A_803] {strides = array<i32>} : memref<128xi32, #tpu.memory_space<vmem>>, vector<16xi32>,
      %swap3A_805 = arith.constant 0 : index
      %swap3A_806 = tpu.vector_load %arg26[%swap3A_805] {strides = array<i32>} : memref<128xi32, #tpu.memory_space<vmem>>, vector<16xi32>,
      tpu.vector_store %arg26[%swap3A_805], %get3A_804 {strides = array<i32>} : memref<128xi32, #tpu.memory_space<vmem>>, vector<16xi32>,
      %get3A_807 = arith.constant 16 : index
      %get3A_808 = tpu.vector_load %arg20[%get3A_807] {strides = array<i32>} : memref<128xf32, #tpu.memory_space<vmem>>, vector<16xf32>,
      %get3A_809 = arith.constant 16 : index
      %get3A_810 = tpu.vector_load %arg22[%get3A_809] {strides = array<i32>} : memref<128xf32, #tpu.memory_space<vmem>>, vector<16xf32>,
      %add3A_811 = arith.addf %get3A_808, %get3A_810 : vector<16xf32>
      %ge3A_812 = arith.constant 0.000000e+00 : f32
      %ge3A_813 = vector.broadcast %ge3A_812 : f32 to vector<16xf32>
      %ge3A_814 = arith.cmpf oge, %add3A_811, %ge3A_813 : vector<16xf32>
      %mul3A_815 = arith.constant 2.000000e-01 : f32
      %mul3A_816 = vector.broadcast %mul3A_815 : f32 to vector<16xf32>
      %mul3A_817 = arith.mulf %mul3A_816, %add3A_811 : vector<16xf32>
      %select_n3A_818 = arith.select %ge3A_814, %add3A_811, %mul3A_817 : vector<16xi1>, vector<16xf32>
      %exp3A_819 = math.exp %select_n3A_818 : vector<16xf32>
      %add3A_820 = arith.constant 16 : i32
      %add3A_821 = arith.addi %add3A_752, %add3A_820 : i32
      %add3A_822 = vector.broadcast %add3A_821 : i32 to vector<16xi32>
      %add3A_823 = arith.addi %add3A_822, %iota3A : vector<16xi32>
      %lt3A_824 = arith.constant 320000 : i32
      %lt3A_825 = vector.broadcast %lt3A_824 : i32 to vector<16xi32>
      %lt3A_826 = arith.cmpi slt, %add3A_823, %lt3A_825 : vector<16xi32>
      %jit3A_827 = arith.constant 0.000000e+00 : f32
      %broadcast_in_dim3A_828 = vector.broadcast %jit3A_827 : f32 to vector<16xf32>
      %select_n3A_829 = arith.select %lt3A_826, %exp3A_819, %broadcast_in_dim3A_828 : vector<16xi1>, vector<16xf32>
      %swap3A_830 = arith.constant 16 : index
      %swap3A_831 = tpu.vector_load %arg24[%swap3A_830] {strides = array<i32>} : memref<128xf32, #tpu.memory_space<vmem>>, vector<16xf32>,
      tpu.vector_store %arg24[%swap3A_830], %select_n3A_829 {strides = array<i32>} : memref<128xf32, #tpu.memory_space<vmem>>, vector<16xf32>,
      %get3A_832 = arith.constant 16 : index
      %get3A_833 = tpu.vector_load %arg18[%get3A_832] {strides = array<i32>} : memref<128xi32, #tpu.memory_space<vmem>>, vector<16xi32>,
      %swap3A_834 = arith.constant 16 : index
      %swap3A_835 = tpu.vector_load %arg26[%swap3A_834] {strides = array<i32>} : memref<128xi32, #tpu.memory_space<vmem>>, vector<16xi32>,
      tpu.vector_store %arg26[%swap3A_834], %get3A_833 {strides = array<i32>} : memref<128xi32, #tpu.memory_space<vmem>>, vector<16xi32>,
      %get3A_836 = arith.constant 32 : index
      %get3A_837 = tpu.vector_load %arg20[%get3A_836] {strides = array<i32>} : memref<128xf32, #tpu.memory_space<vmem>>, vector<16xf32>,
      %get3A_838 = arith.constant 32 : index
      %get3A_839 = tpu.vector_load %arg22[%get3A_838] {strides = array<i32>} : memref<128xf32, #tpu.memory_space<vmem>>, vector<16xf32>,
      %add3A_840 = arith.addf %get3A_837, %get3A_839 : vector<16xf32>
      %ge3A_841 = arith.constant 0.000000e+00 : f32
      %ge3A_842 = vector.broadcast %ge3A_841 : f32 to vector<16xf32>
      %ge3A_843 = arith.cmpf oge, %add3A_840, %ge3A_842 : vector<16xf32>
      %mul3A_844 = arith.constant 2.000000e-01 : f32
      %mul3A_845 = vector.broadcast %mul3A_844 : f32 to vector<16xf32>
      %mul3A_846 = arith.mulf %mul3A_845, %add3A_840 : vector<16xf32>
      %select_n3A_847 = arith.select %ge3A_843, %add3A_840, %mul3A_846 : vector<16xi1>, vector<16xf32>
      %exp3A_848 = math.exp %select_n3A_847 : vector<16xf32>
      %add3A_849 = arith.constant 32 : i32
      %add3A_850 = arith.addi %add3A_752, %add3A_849 : i32
      %add3A_851 = vector.broadcast %add3A_850 : i32 to vector<16xi32>
      %add3A_852 = arith.addi %add3A_851, %iota3A : vector<16xi32>
      %lt3A_853 = arith.constant 320000 : i32
      %lt3A_854 = vector.broadcast %lt3A_853 : i32 to vector<16xi32>
      %lt3A_855 = arith.cmpi slt, %add3A_852, %lt3A_854 : vector<16xi32>
      %jit3A_856 = arith.constant 0.000000e+00 : f32
      %broadcast_in_dim3A_857 = vector.broadcast %jit3A_856 : f32 to vector<16xf32>
      %select_n3A_858 = arith.select %lt3A_855, %exp3A_848, %broadcast_in_dim3A_857 : vector<16xi1>, vector<16xf32>
      %swap3A_859 = arith.constant 32 : index
      %swap3A_860 = tpu.vector_load %arg24[%swap3A_859] {strides = array<i32>} : memref<128xf32, #tpu.memory_space<vmem>>, vector<16xf32>,
      tpu.vector_store %arg24[%swap3A_859], %select_n3A_858 {strides = array<i32>} : memref<128xf32, #tpu.memory_space<vmem>>, vector<16xf32>,
      %get3A_861 = arith.constant 32 : index
      %get3A_862 = tpu.vector_load %arg18[%get3A_861] {strides = array<i32>} : memref<128xi32, #tpu.memory_space<vmem>>, vector<16xi32>,
      %swap3A_863 = arith.constant 32 : index
      %swap3A_864 = tpu.vector_load %arg26[%swap3A_863] {strides = array<i32>} : memref<128xi32, #tpu.memory_space<vmem>>, vector<16xi32>,
      tpu.vector_store %arg26[%swap3A_863], %get3A_862 {strides = array<i32>} : memref<128xi32, #tpu.memory_space<vmem>>, vector<16xi32>,
      %get3A_865 = arith.constant 48 : index
      %get3A_866 = tpu.vector_load %arg20[%get3A_865] {strides = array<i32>} : memref<128xf32, #tpu.memory_space<vmem>>, vector<16xf32>,
      %get3A_867 = arith.constant 48 : index
      %get3A_868 = tpu.vector_load %arg22[%get3A_867] {strides = array<i32>} : memref<128xf32, #tpu.memory_space<vmem>>, vector<16xf32>,
      %add3A_869 = arith.addf %get3A_866, %get3A_868 : vector<16xf32>
      %ge3A_870 = arith.constant 0.000000e+00 : f32
      %ge3A_871 = vector.broadcast %ge3A_870 : f32 to vector<16xf32>
      %ge3A_872 = arith.cmpf oge, %add3A_869, %ge3A_871 : vector<16xf32>
      %mul3A_873 = arith.constant 2.000000e-01 : f32
      %mul3A_874 = vector.broadcast %mul3A_873 : f32 to vector<16xf32>
      %mul3A_875 = arith.mulf %mul3A_874, %add3A_869 : vector<16xf32>
      %select_n3A_876 = arith.select %ge3A_872, %add3A_869, %mul3A_875 : vector<16xi1>, vector<16xf32>
      %exp3A_877 = math.exp %select_n3A_876 : vector<16xf32>
      %add3A_878 = arith.constant 48 : i32
      %add3A_879 = arith.addi %add3A_752, %add3A_878 : i32
      %add3A_880 = vector.broadcast %add3A_879 : i32 to vector<16xi32>
      %add3A_881 = arith.addi %add3A_880, %iota3A : vector<16xi32>
      %lt3A_882 = arith.constant 320000 : i32
      %lt3A_883 = vector.broadcast %lt3A_882 : i32 to vector<16xi32>
      %lt3A_884 = arith.cmpi slt, %add3A_881, %lt3A_883 : vector<16xi32>
      %jit3A_885 = arith.constant 0.000000e+00 : f32
      %broadcast_in_dim3A_886 = vector.broadcast %jit3A_885 : f32 to vector<16xf32>
      %select_n3A_887 = arith.select %lt3A_884, %exp3A_877, %broadcast_in_dim3A_886 : vector<16xi1>, vector<16xf32>
      %swap3A_888 = arith.constant 48 : index
      %swap3A_889 = tpu.vector_load %arg24[%swap3A_888] {strides = array<i32>} : memref<128xf32, #tpu.memory_space<vmem>>, vector<16xf32>,
      tpu.vector_store %arg24[%swap3A_888], %select_n3A_887 {strides = array<i32>} : memref<128xf32, #tpu.memory_space<vmem>>, vector<16xf32>,
      %get3A_890 = arith.constant 48 : index
      %get3A_891 = tpu.vector_load %arg18[%get3A_890] {strides = array<i32>} : memref<128xi32, #tpu.memory_space<vmem>>, vector<16xi32>,
      %swap3A_892 = arith.constant 48 : index
      %swap3A_893 = tpu.vector_load %arg26[%swap3A_892] {strides = array<i32>} : memref<128xi32, #tpu.memory_space<vmem>>, vector<16xi32>,
      tpu.vector_store %arg26[%swap3A_892], %get3A_891 {strides = array<i32>} : memref<128xi32, #tpu.memory_space<vmem>>, vector<16xi32>,
      %get3A_894 = arith.constant 64 : index
      %get3A_895 = tpu.vector_load %arg20[%get3A_894] {strides = array<i32>} : memref<128xf32, #tpu.memory_space<vmem>>, vector<16xf32>,
      %get3A_896 = arith.constant 64 : index
      %get3A_897 = tpu.vector_load %arg22[%get3A_896] {strides = array<i32>} : memref<128xf32, #tpu.memory_space<vmem>>, vector<16xf32>,
      %add3A_898 = arith.addf %get3A_895, %get3A_897 : vector<16xf32>
      %ge3A_899 = arith.constant 0.000000e+00 : f32
      %ge3A_900 = vector.broadcast %ge3A_899 : f32 to vector<16xf32>
      %ge3A_901 = arith.cmpf oge, %add3A_898, %ge3A_900 : vector<16xf32>
      %mul3A_902 = arith.constant 2.000000e-01 : f32
      %mul3A_903 = vector.broadcast %mul3A_902 : f32 to vector<16xf32>
      %mul3A_904 = arith.mulf %mul3A_903, %add3A_898 : vector<16xf32>
      %select_n3A_905 = arith.select %ge3A_901, %add3A_898, %mul3A_904 : vector<16xi1>, vector<16xf32>
      %exp3A_906 = math.exp %select_n3A_905 : vector<16xf32>
      %add3A_907 = arith.constant 64 : i32
      %add3A_908 = arith.addi %add3A_752, %add3A_907 : i32
      %add3A_909 = vector.broadcast %add3A_908 : i32 to vector<16xi32>
      %add3A_910 = arith.addi %add3A_909, %iota3A : vector<16xi32>
      %lt3A_911 = arith.constant 320000 : i32
      %lt3A_912 = vector.broadcast %lt3A_911 : i32 to vector<16xi32>
      %lt3A_913 = arith.cmpi slt, %add3A_910, %lt3A_912 : vector<16xi32>
      %jit3A_914 = arith.constant 0.000000e+00 : f32
      %broadcast_in_dim3A_915 = vector.broadcast %jit3A_914 : f32 to vector<16xf32>
      %select_n3A_916 = arith.select %lt3A_913, %exp3A_906, %broadcast_in_dim3A_915 : vector<16xi1>, vector<16xf32>
      %swap3A_917 = arith.constant 64 : index
      %swap3A_918 = tpu.vector_load %arg24[%swap3A_917] {strides = array<i32>} : memref<128xf32, #tpu.memory_space<vmem>>, vector<16xf32>,
      tpu.vector_store %arg24[%swap3A_917], %select_n3A_916 {strides = array<i32>} : memref<128xf32, #tpu.memory_space<vmem>>, vector<16xf32>,
      %get3A_919 = arith.constant 64 : index
      %get3A_920 = tpu.vector_load %arg18[%get3A_919] {strides = array<i32>} : memref<128xi32, #tpu.memory_space<vmem>>, vector<16xi32>,
      %swap3A_921 = arith.constant 64 : index
      %swap3A_922 = tpu.vector_load %arg26[%swap3A_921] {strides = array<i32>} : memref<128xi32, #tpu.memory_space<vmem>>, vector<16xi32>,
      tpu.vector_store %arg26[%swap3A_921], %get3A_920 {strides = array<i32>} : memref<128xi32, #tpu.memory_space<vmem>>, vector<16xi32>,
      %get3A_923 = arith.constant 80 : index
      %get3A_924 = tpu.vector_load %arg20[%get3A_923] {strides = array<i32>} : memref<128xf32, #tpu.memory_space<vmem>>, vector<16xf32>,
      %get3A_925 = arith.constant 80 : index
      %get3A_926 = tpu.vector_load %arg22[%get3A_925] {strides = array<i32>} : memref<128xf32, #tpu.memory_space<vmem>>, vector<16xf32>,
      %add3A_927 = arith.addf %get3A_924, %get3A_926 : vector<16xf32>
      %ge3A_928 = arith.constant 0.000000e+00 : f32
      %ge3A_929 = vector.broadcast %ge3A_928 : f32 to vector<16xf32>
      %ge3A_930 = arith.cmpf oge, %add3A_927, %ge3A_929 : vector<16xf32>
      %mul3A_931 = arith.constant 2.000000e-01 : f32
      %mul3A_932 = vector.broadcast %mul3A_931 : f32 to vector<16xf32>
      %mul3A_933 = arith.mulf %mul3A_932, %add3A_927 : vector<16xf32>
      %select_n3A_934 = arith.select %ge3A_930, %add3A_927, %mul3A_933 : vector<16xi1>, vector<16xf32>
      %exp3A_935 = math.exp %select_n3A_934 : vector<16xf32>
      %add3A_936 = arith.constant 80 : i32
      %add3A_937 = arith.addi %add3A_752, %add3A_936 : i32
      %add3A_938 = vector.broadcast %add3A_937 : i32 to vector<16xi32>
      %add3A_939 = arith.addi %add3A_938, %iota3A : vector<16xi32>
      %lt3A_940 = arith.constant 320000 : i32
      %lt3A_941 = vector.broadcast %lt3A_940 : i32 to vector<16xi32>
      %lt3A_942 = arith.cmpi slt, %add3A_939, %lt3A_941 : vector<16xi32>
      %jit3A_943 = arith.constant 0.000000e+00 : f32
      %broadcast_in_dim3A_944 = vector.broadcast %jit3A_943 : f32 to vector<16xf32>
      %select_n3A_945 = arith.select %lt3A_942, %exp3A_935, %broadcast_in_dim3A_944 : vector<16xi1>, vector<16xf32>
      %swap3A_946 = arith.constant 80 : index
      %swap3A_947 = tpu.vector_load %arg24[%swap3A_946] {strides = array<i32>} : memref<128xf32, #tpu.memory_space<vmem>>, vector<16xf32>,
      tpu.vector_store %arg24[%swap3A_946], %select_n3A_945 {strides = array<i32>} : memref<128xf32, #tpu.memory_space<vmem>>, vector<16xf32>,
      %get3A_948 = arith.constant 80 : index
      %get3A_949 = tpu.vector_load %arg18[%get3A_948] {strides = array<i32>} : memref<128xi32, #tpu.memory_space<vmem>>, vector<16xi32>,
      %swap3A_950 = arith.constant 80 : index
      %swap3A_951 = tpu.vector_load %arg26[%swap3A_950] {strides = array<i32>} : memref<128xi32, #tpu.memory_space<vmem>>, vector<16xi32>,
      tpu.vector_store %arg26[%swap3A_950], %get3A_949 {strides = array<i32>} : memref<128xi32, #tpu.memory_space<vmem>>, vector<16xi32>,
      %get3A_952 = arith.constant 96 : index
      %get3A_953 = tpu.vector_load %arg20[%get3A_952] {strides = array<i32>} : memref<128xf32, #tpu.memory_space<vmem>>, vector<16xf32>,
      %get3A_954 = arith.constant 96 : index
      %get3A_955 = tpu.vector_load %arg22[%get3A_954] {strides = array<i32>} : memref<128xf32, #tpu.memory_space<vmem>>, vector<16xf32>,
      %add3A_956 = arith.addf %get3A_953, %get3A_955 : vector<16xf32>
      %ge3A_957 = arith.constant 0.000000e+00 : f32
      %ge3A_958 = vector.broadcast %ge3A_957 : f32 to vector<16xf32>
      %ge3A_959 = arith.cmpf oge, %add3A_956, %ge3A_958 : vector<16xf32>
      %mul3A_960 = arith.constant 2.000000e-01 : f32
      %mul3A_961 = vector.broadcast %mul3A_960 : f32 to vector<16xf32>
      %mul3A_962 = arith.mulf %mul3A_961, %add3A_956 : vector<16xf32>
      %select_n3A_963 = arith.select %ge3A_959, %add3A_956, %mul3A_962 : vector<16xi1>, vector<16xf32>
      %exp3A_964 = math.exp %select_n3A_963 : vector<16xf32>
      %add3A_965 = arith.constant 96 : i32
      %add3A_966 = arith.addi %add3A_752, %add3A_965 : i32
      %add3A_967 = vector.broadcast %add3A_966 : i32 to vector<16xi32>
      %add3A_968 = arith.addi %add3A_967, %iota3A : vector<16xi32>
      %lt3A_969 = arith.constant 320000 : i32
      %lt3A_970 = vector.broadcast %lt3A_969 : i32 to vector<16xi32>
      %lt3A_971 = arith.cmpi slt, %add3A_968, %lt3A_970 : vector<16xi32>
      %jit3A_972 = arith.constant 0.000000e+00 : f32
      %broadcast_in_dim3A_973 = vector.broadcast %jit3A_972 : f32 to vector<16xf32>
      %select_n3A_974 = arith.select %lt3A_971, %exp3A_964, %broadcast_in_dim3A_973 : vector<16xi1>, vector<16xf32>
      %swap3A_975 = arith.constant 96 : index
      %swap3A_976 = tpu.vector_load %arg24[%swap3A_975] {strides = array<i32>} : memref<128xf32, #tpu.memory_space<vmem>>, vector<16xf32>,
      tpu.vector_store %arg24[%swap3A_975], %select_n3A_974 {strides = array<i32>} : memref<128xf32, #tpu.memory_space<vmem>>, vector<16xf32>,
      %get3A_977 = arith.constant 96 : index
      %get3A_978 = tpu.vector_load %arg18[%get3A_977] {strides = array<i32>} : memref<128xi32, #tpu.memory_space<vmem>>, vector<16xi32>,
      %swap3A_979 = arith.constant 96 : index
      %swap3A_980 = tpu.vector_load %arg26[%swap3A_979] {strides = array<i32>} : memref<128xi32, #tpu.memory_space<vmem>>, vector<16xi32>,
      tpu.vector_store %arg26[%swap3A_979], %get3A_978 {strides = array<i32>} : memref<128xi32, #tpu.memory_space<vmem>>, vector<16xi32>,
      %get3A_981 = arith.constant 112 : index
      %get3A_982 = tpu.vector_load %arg20[%get3A_981] {strides = array<i32>} : memref<128xf32, #tpu.memory_space<vmem>>, vector<16xf32>,
      %get3A_983 = arith.constant 112 : index
      %get3A_984 = tpu.vector_load %arg22[%get3A_983] {strides = array<i32>} : memref<128xf32, #tpu.memory_space<vmem>>, vector<16xf32>,
      %add3A_985 = arith.addf %get3A_982, %get3A_984 : vector<16xf32>
      %ge3A_986 = arith.constant 0.000000e+00 : f32
      %ge3A_987 = vector.broadcast %ge3A_986 : f32 to vector<16xf32>
      %ge3A_988 = arith.cmpf oge, %add3A_985, %ge3A_987 : vector<16xf32>
      %mul3A_989 = arith.constant 2.000000e-01 : f32
      %mul3A_990 = vector.broadcast %mul3A_989 : f32 to vector<16xf32>
      %mul3A_991 = arith.mulf %mul3A_990, %add3A_985 : vector<16xf32>
      %select_n3A_992 = arith.select %ge3A_988, %add3A_985, %mul3A_991 : vector<16xi1>, vector<16xf32>
      %exp3A_993 = math.exp %select_n3A_992 : vector<16xf32>
      %add3A_994 = arith.constant 112 : i32
      %add3A_995 = arith.addi %add3A_752, %add3A_994 : i32
      %add3A_996 = vector.broadcast %add3A_995 : i32 to vector<16xi32>
      %add3A_997 = arith.addi %add3A_996, %iota3A : vector<16xi32>
      %lt3A_998 = arith.constant 320000 : i32
      %lt3A_999 = vector.broadcast %lt3A_998 : i32 to vector<16xi32>
      %lt3A_1000 = arith.cmpi slt, %add3A_997, %lt3A_999 : vector<16xi32>
      %jit3A_1001 = arith.constant 0.000000e+00 : f32
      %broadcast_in_dim3A_1002 = vector.broadcast %jit3A_1001 : f32 to vector<16xf32>
      %select_n3A_1003 = arith.select %lt3A_1000, %exp3A_993, %broadcast_in_dim3A_1002 : vector<16xi1>, vector<16xf32>
      %swap3A_1004 = arith.constant 112 : index
      %swap3A_1005 = tpu.vector_load %arg24[%swap3A_1004] {strides = array<i32>} : memref<128xf32, #tpu.memory_space<vmem>>, vector<16xf32>,
      tpu.vector_store %arg24[%swap3A_1004], %select_n3A_1003 {strides = array<i32>} : memref<128xf32, #tpu.memory_space<vmem>>, vector<16xf32>,
      %get3A_1006 = arith.constant 112 : index
      %get3A_1007 = tpu.vector_load %arg18[%get3A_1006] {strides = array<i32>} : memref<128xi32, #tpu.memory_space<vmem>>, vector<16xi32>,
      %swap3A_1008 = arith.constant 112 : index
      %swap3A_1009 = tpu.vector_load %arg26[%swap3A_1008] {strides = array<i32>} : memref<128xi32, #tpu.memory_space<vmem>>, vector<16xi32>,
      tpu.vector_store %arg26[%swap3A_1008], %get3A_1007 {strides = array<i32>} : memref<128xi32, #tpu.memory_space<vmem>>, vector<16xi32>,
      %scan3A_1010 = arith.constant 0 : i32
      %scan3A_1011 = arith.constant 0 : i32
      %scan3A_1012 = arith.constant 64 : i32
      %scan3A_1013 = arith.addi %scan3A_1011, %scan3A_1012 : i32
      %scan3A_1014 = arith.constant 1 : i32
      scf.for %scan3A_1021 = %scan3A_1011 to %scan3A_1013 step %scan3A_1014  : i32 {
        %mul3A_1022 = arith.constant 2 : i32
        %mul3A_1023 = arith.muli %scan3A_1021, %mul3A_1022 : i32
        %add3A_1024 = arith.constant 0 : i32
        %add3A_1025 = arith.addi %mul3A_1023, %add3A_1024 : i32
        %broadcast_in_dim3A_1026 = vector.broadcast %add3A_1025 : i32 to vector<16xi32>
        %gather3A_1027 = tpu.vector_load_idx %arg24[%broadcast_in_dim3A_1026] : memref<128xf32, #tpu.memory_space<vmem>>[vector<16xi32>], vector<16xf32>,
        %get3A_1028 = arith.index_cast %add3A_1025 : i32 to index
        %get3A_1029 = arith.constant 0 : index
        %get3A_1030 = tpu.vector_load %arg28[%get3A_1028, %get3A_1029] {strides = array<i32>} : memref<128x128xf32, #tpu.memory_space<vmem>>, vector<16xf32>,
        %mul3A_1031 = arith.mulf %get3A_1030, %gather3A_1027 : vector<16xf32>
        %swap3A_1032 = arith.index_cast %add3A_1025 : i32 to index
        %swap3A_1033 = arith.constant 0 : index
        %swap3A_1034 = tpu.vector_load %arg28[%swap3A_1032, %swap3A_1033] {strides = array<i32>} : memref<128x128xf32, #tpu.memory_space<vmem>>, vector<16xf32>,
        tpu.vector_store %arg28[%swap3A_1032, %swap3A_1033], %mul3A_1031 {strides = array<i32>} : memref<128x128xf32, #tpu.memory_space<vmem>>, vector<16xf32>,
        %get3A_1035 = arith.index_cast %add3A_1025 : i32 to index
        %get3A_1036 = arith.constant 16 : index
        %get3A_1037 = tpu.vector_load %arg28[%get3A_1035, %get3A_1036] {strides = array<i32>} : memref<128x128xf32, #tpu.memory_space<vmem>>, vector<16xf32>,
        %mul3A_1038 = arith.mulf %get3A_1037, %gather3A_1027 : vector<16xf32>
        %swap3A_1039 = arith.index_cast %add3A_1025 : i32 to index
        %swap3A_1040 = arith.constant 16 : index
        %swap3A_1041 = tpu.vector_load %arg28[%swap3A_1039, %swap3A_1040] {strides = array<i32>} : memref<128x128xf32, #tpu.memory_space<vmem>>, vector<16xf32>,
        tpu.vector_store %arg28[%swap3A_1039, %swap3A_1040], %mul3A_1038 {strides = array<i32>} : memref<128x128xf32, #tpu.memory_space<vmem>>, vector<16xf32>,
        %get3A_1042 = arith.index_cast %add3A_1025 : i32 to index
        %get3A_1043 = arith.constant 32 : index
        %get3A_1044 = tpu.vector_load %arg28[%get3A_1042, %get3A_1043] {strides = array<i32>} : memref<128x128xf32, #tpu.memory_space<vmem>>, vector<16xf32>,
        %mul3A_1045 = arith.mulf %get3A_1044, %gather3A_1027 : vector<16xf32>
        %swap3A_1046 = arith.index_cast %add3A_1025 : i32 to index
        %swap3A_1047 = arith.constant 32 : index
        %swap3A_1048 = tpu.vector_load %arg28[%swap3A_1046, %swap3A_1047] {strides = array<i32>} : memref<128x128xf32, #tpu.memory_space<vmem>>, vector<16xf32>,
        tpu.vector_store %arg28[%swap3A_1046, %swap3A_1047], %mul3A_1045 {strides = array<i32>} : memref<128x128xf32, #tpu.memory_space<vmem>>, vector<16xf32>,
        %get3A_1049 = arith.index_cast %add3A_1025 : i32 to index
        %get3A_1050 = arith.constant 48 : index
        %get3A_1051 = tpu.vector_load %arg28[%get3A_1049, %get3A_1050] {strides = array<i32>} : memref<128x128xf32, #tpu.memory_space<vmem>>, vector<16xf32>,
        %mul3A_1052 = arith.mulf %get3A_1051, %gather3A_1027 : vector<16xf32>
        %swap3A_1053 = arith.index_cast %add3A_1025 : i32 to index
        %swap3A_1054 = arith.constant 48 : index
        %swap3A_1055 = tpu.vector_load %arg28[%swap3A_1053, %swap3A_1054] {strides = array<i32>} : memref<128x128xf32, #tpu.memory_space<vmem>>, vector<16xf32>,
        tpu.vector_store %arg28[%swap3A_1053, %swap3A_1054], %mul3A_1052 {strides = array<i32>} : memref<128x128xf32, #tpu.memory_space<vmem>>, vector<16xf32>,
        %get3A_1056 = arith.index_cast %add3A_1025 : i32 to index
        %get3A_1057 = arith.constant 64 : index
        %get3A_1058 = tpu.vector_load %arg28[%get3A_1056, %get3A_1057] {strides = array<i32>} : memref<128x128xf32, #tpu.memory_space<vmem>>, vector<16xf32>,
        %mul3A_1059 = arith.mulf %get3A_1058, %gather3A_1027 : vector<16xf32>
        %swap3A_1060 = arith.index_cast %add3A_1025 : i32 to index
        %swap3A_1061 = arith.constant 64 : index
        %swap3A_1062 = tpu.vector_load %arg28[%swap3A_1060, %swap3A_1061] {strides = array<i32>} : memref<128x128xf32, #tpu.memory_space<vmem>>, vector<16xf32>,
        tpu.vector_store %arg28[%swap3A_1060, %swap3A_1061], %mul3A_1059 {strides = array<i32>} : memref<128x128xf32, #tpu.memory_space<vmem>>, vector<16xf32>,
        %get3A_1063 = arith.index_cast %add3A_1025 : i32 to index
        %get3A_1064 = arith.constant 80 : index
        %get3A_1065 = tpu.vector_load %arg28[%get3A_1063, %get3A_1064] {strides = array<i32>} : memref<128x128xf32, #tpu.memory_space<vmem>>, vector<16xf32>,
        %mul3A_1066 = arith.mulf %get3A_1065, %gather3A_1027 : vector<16xf32>
        %swap3A_1067 = arith.index_cast %add3A_1025 : i32 to index
        %swap3A_1068 = arith.constant 80 : index
        %swap3A_1069 = tpu.vector_load %arg28[%swap3A_1067, %swap3A_1068] {strides = array<i32>} : memref<128x128xf32, #tpu.memory_space<vmem>>, vector<16xf32>,
        tpu.vector_store %arg28[%swap3A_1067, %swap3A_1068], %mul3A_1066 {strides = array<i32>} : memref<128x128xf32, #tpu.memory_space<vmem>>, vector<16xf32>,
        %get3A_1070 = arith.index_cast %add3A_1025 : i32 to index
        %get3A_1071 = arith.constant 96 : index
        %get3A_1072 = tpu.vector_load %arg28[%get3A_1070, %get3A_1071] {strides = array<i32>} : memref<128x128xf32, #tpu.memory_space<vmem>>, vector<16xf32>,
        %mul3A_1073 = arith.mulf %get3A_1072, %gather3A_1027 : vector<16xf32>
        %swap3A_1074 = arith.index_cast %add3A_1025 : i32 to index
        %swap3A_1075 = arith.constant 96 : index
        %swap3A_1076 = tpu.vector_load %arg28[%swap3A_1074, %swap3A_1075] {strides = array<i32>} : memref<128x128xf32, #tpu.memory_space<vmem>>, vector<16xf32>,
        tpu.vector_store %arg28[%swap3A_1074, %swap3A_1075], %mul3A_1073 {strides = array<i32>} : memref<128x128xf32, #tpu.memory_space<vmem>>, vector<16xf32>,
        %get3A_1077 = arith.index_cast %add3A_1025 : i32 to index
        %get3A_1078 = arith.constant 112 : index
        %get3A_1079 = tpu.vector_load %arg28[%get3A_1077, %get3A_1078] {strides = array<i32>} : memref<128x128xf32, #tpu.memory_space<vmem>>, vector<16xf32>,
        %mul3A_1080 = arith.mulf %get3A_1079, %gather3A_1027 : vector<16xf32>
        %swap3A_1081 = arith.index_cast %add3A_1025 : i32 to index
        %swap3A_1082 = arith.constant 112 : index
        %swap3A_1083 = tpu.vector_load %arg28[%swap3A_1081, %swap3A_1082] {strides = array<i32>} : memref<128x128xf32, #tpu.memory_space<vmem>>, vector<16xf32>,
        tpu.vector_store %arg28[%swap3A_1081, %swap3A_1082], %mul3A_1080 {strides = array<i32>} : memref<128x128xf32, #tpu.memory_space<vmem>>, vector<16xf32>,
        %mul3A_1084 = arith.constant 2 : i32
        %mul3A_1085 = arith.muli %scan3A_1021, %mul3A_1084 : i32
        %add3A_1086 = arith.constant 1 : i32
        %add3A_1087 = arith.addi %mul3A_1085, %add3A_1086 : i32
        %broadcast_in_dim3A_1088 = vector.broadcast %add3A_1087 : i32 to vector<16xi32>
        %gather3A_1089 = tpu.vector_load_idx %arg24[%broadcast_in_dim3A_1088] : memref<128xf32, #tpu.memory_space<vmem>>[vector<16xi32>], vector<16xf32>,
        %get3A_1090 = arith.index_cast %add3A_1087 : i32 to index
        %get3A_1091 = arith.constant 0 : index
        %get3A_1092 = tpu.vector_load %arg28[%get3A_1090, %get3A_1091] {strides = array<i32>} : memref<128x128xf32, #tpu.memory_space<vmem>>, vector<16xf32>,
        %mul3A_1093 = arith.mulf %get3A_1092, %gather3A_1089 : vector<16xf32>
        %swap3A_1094 = arith.index_cast %add3A_1087 : i32 to index
        %swap3A_1095 = arith.constant 0 : index
        %swap3A_1096 = tpu.vector_load %arg28[%swap3A_1094, %swap3A_1095] {strides = array<i32>} : memref<128x128xf32, #tpu.memory_space<vmem>>, vector<16xf32>,
        tpu.vector_store %arg28[%swap3A_1094, %swap3A_1095], %mul3A_1093 {strides = array<i32>} : memref<128x128xf32, #tpu.memory_space<vmem>>, vector<16xf32>,
        %get3A_1097 = arith.index_cast %add3A_1087 : i32 to index
        %get3A_1098 = arith.constant 16 : index
        %get3A_1099 = tpu.vector_load %arg28[%get3A_1097, %get3A_1098] {strides = array<i32>} : memref<128x128xf32, #tpu.memory_space<vmem>>, vector<16xf32>,
        %mul3A_1100 = arith.mulf %get3A_1099, %gather3A_1089 : vector<16xf32>
        %swap3A_1101 = arith.index_cast %add3A_1087 : i32 to index
        %swap3A_1102 = arith.constant 16 : index
        %swap3A_1103 = tpu.vector_load %arg28[%swap3A_1101, %swap3A_1102] {strides = array<i32>} : memref<128x128xf32, #tpu.memory_space<vmem>>, vector<16xf32>,
        tpu.vector_store %arg28[%swap3A_1101, %swap3A_1102], %mul3A_1100 {strides = array<i32>} : memref<128x128xf32, #tpu.memory_space<vmem>>, vector<16xf32>,
        %get3A_1104 = arith.index_cast %add3A_1087 : i32 to index
        %get3A_1105 = arith.constant 32 : index
        %get3A_1106 = tpu.vector_load %arg28[%get3A_1104, %get3A_1105] {strides = array<i32>} : memref<128x128xf32, #tpu.memory_space<vmem>>, vector<16xf32>,
        %mul3A_1107 = arith.mulf %get3A_1106, %gather3A_1089 : vector<16xf32>
        %swap3A_1108 = arith.index_cast %add3A_1087 : i32 to index
        %swap3A_1109 = arith.constant 32 : index
        %swap3A_1110 = tpu.vector_load %arg28[%swap3A_1108, %swap3A_1109] {strides = array<i32>} : memref<128x128xf32, #tpu.memory_space<vmem>>, vector<16xf32>,
        tpu.vector_store %arg28[%swap3A_1108, %swap3A_1109], %mul3A_1107 {strides = array<i32>} : memref<128x128xf32, #tpu.memory_space<vmem>>, vector<16xf32>,
        %get3A_1111 = arith.index_cast %add3A_1087 : i32 to index
        %get3A_1112 = arith.constant 48 : index
        %get3A_1113 = tpu.vector_load %arg28[%get3A_1111, %get3A_1112] {strides = array<i32>} : memref<128x128xf32, #tpu.memory_space<vmem>>, vector<16xf32>,
        %mul3A_1114 = arith.mulf %get3A_1113, %gather3A_1089 : vector<16xf32>
        %swap3A_1115 = arith.index_cast %add3A_1087 : i32 to index
        %swap3A_1116 = arith.constant 48 : index
        %swap3A_1117 = tpu.vector_load %arg28[%swap3A_1115, %swap3A_1116] {strides = array<i32>} : memref<128x128xf32, #tpu.memory_space<vmem>>, vector<16xf32>,
        tpu.vector_store %arg28[%swap3A_1115, %swap3A_1116], %mul3A_1114 {strides = array<i32>} : memref<128x128xf32, #tpu.memory_space<vmem>>, vector<16xf32>,
        %get3A_1118 = arith.index_cast %add3A_1087 : i32 to index
        %get3A_1119 = arith.constant 64 : index
        %get3A_1120 = tpu.vector_load %arg28[%get3A_1118, %get3A_1119] {strides = array<i32>} : memref<128x128xf32, #tpu.memory_space<vmem>>, vector<16xf32>,
        %mul3A_1121 = arith.mulf %get3A_1120, %gather3A_1089 : vector<16xf32>
        %swap3A_1122 = arith.index_cast %add3A_1087 : i32 to index
        %swap3A_1123 = arith.constant 64 : index
        %swap3A_1124 = tpu.vector_load %arg28[%swap3A_1122, %swap3A_1123] {strides = array<i32>} : memref<128x128xf32, #tpu.memory_space<vmem>>, vector<16xf32>,
        tpu.vector_store %arg28[%swap3A_1122, %swap3A_1123], %mul3A_1121 {strides = array<i32>} : memref<128x128xf32, #tpu.memory_space<vmem>>, vector<16xf32>,
        %get3A_1125 = arith.index_cast %add3A_1087 : i32 to index
        %get3A_1126 = arith.constant 80 : index
        %get3A_1127 = tpu.vector_load %arg28[%get3A_1125, %get3A_1126] {strides = array<i32>} : memref<128x128xf32, #tpu.memory_space<vmem>>, vector<16xf32>,
        %mul3A_1128 = arith.mulf %get3A_1127, %gather3A_1089 : vector<16xf32>
        %swap3A_1129 = arith.index_cast %add3A_1087 : i32 to index
        %swap3A_1130 = arith.constant 80 : index
        %swap3A_1131 = tpu.vector_load %arg28[%swap3A_1129, %swap3A_1130] {strides = array<i32>} : memref<128x128xf32, #tpu.memory_space<vmem>>, vector<16xf32>,
        tpu.vector_store %arg28[%swap3A_1129, %swap3A_1130], %mul3A_1128 {strides = array<i32>} : memref<128x128xf32, #tpu.memory_space<vmem>>, vector<16xf32>,
        %get3A_1132 = arith.index_cast %add3A_1087 : i32 to index
        %get3A_1133 = arith.constant 96 : index
        %get3A_1134 = tpu.vector_load %arg28[%get3A_1132, %get3A_1133] {strides = array<i32>} : memref<128x128xf32, #tpu.memory_space<vmem>>, vector<16xf32>,
        %mul3A_1135 = arith.mulf %get3A_1134, %gather3A_1089 : vector<16xf32>
        %swap3A_1136 = arith.index_cast %add3A_1087 : i32 to index
        %swap3A_1137 = arith.constant 96 : index
        %swap3A_1138 = tpu.vector_load %arg28[%swap3A_1136, %swap3A_1137] {strides = array<i32>} : memref<128x128xf32, #tpu.memory_space<vmem>>, vector<16xf32>,
        tpu.vector_store %arg28[%swap3A_1136, %swap3A_1137], %mul3A_1135 {strides = array<i32>} : memref<128x128xf32, #tpu.memory_space<vmem>>, vector<16xf32>,
        %get3A_1139 = arith.index_cast %add3A_1087 : i32 to index
        %get3A_1140 = arith.constant 112 : index
        %get3A_1141 = tpu.vector_load %arg28[%get3A_1139, %get3A_1140] {strides = array<i32>} : memref<128x128xf32, #tpu.memory_space<vmem>>, vector<16xf32>,
        %mul3A_1142 = arith.mulf %get3A_1141, %gather3A_1089 : vector<16xf32>
        %swap3A_1143 = arith.index_cast %add3A_1087 : i32 to index
        %swap3A_1144 = arith.constant 112 : index
        %swap3A_1145 = tpu.vector_load %arg28[%swap3A_1143, %swap3A_1144] {strides = array<i32>} : memref<128x128xf32, #tpu.memory_space<vmem>>, vector<16xf32>,
        tpu.vector_store %arg28[%swap3A_1143, %swap3A_1144], %mul3A_1142 {strides = array<i32>} : memref<128x128xf32, #tpu.memory_space<vmem>>, vector<16xf32>,
      }
      %scan3A_1015 = arith.constant 64 : i32
      %dma_start3A_1016 = arith.constant 0 : i32
      %dma_start3A_1017 = arith.constant 0 : i32
      %dma_start3A_1018 = tpu.memref_slice %arg29[%dma_start3A_1016, %dma_start3A_1017] : memref<10112x128xf32, #tpu.memory_space<vmem_shared>> -> memref<10112x128xf32, #tpu.memory_space<vmem_shared>>
      tpu.enqueue_indirect_dma source(%arg28 : memref<128x128xf32, #tpu.memory_space<vmem>>) target(%dma_start3A_1018 : memref<10112x128xf32, #tpu.memory_space<vmem_shared>>) offsets(%arg26 : memref<128xi32, #tpu.memory_space<vmem>>) semaphore(%arg37 : memref<!tpu.dma_semaphore, #tpu.memory_space<semaphore_mem>>) {add = true}
      %dma_start3A_1019 = arith.constant 0 : i32
      %dma_start3A_1020 = tpu.memref_slice %arg30[%dma_start3A_1019] : memref<10240xf32, #tpu.memory_space<vmem_shared>> -> memref<10240xf32, #tpu.memory_space<vmem_shared>>
      tpu.enqueue_indirect_dma source(%arg24 : memref<128xf32, #tpu.memory_space<vmem>>) target(%dma_start3A_1020 : memref<10240xf32, #tpu.memory_space<vmem_shared>>) offsets(%arg26 : memref<128xi32, #tpu.memory_space<vmem>>) semaphore(%arg39 : memref<!tpu.dma_semaphore, #tpu.memory_space<semaphore_mem>>) {add = true}
    }
    %while3A_456 = arith.constant 1 : i32
    scf.for %while3A_474 = %while3A_454 to %while3A_450 step %while3A_456  : i32 {
      %mul3A_475 = arith.constant 2 : i32
      %mul3A_476 = arith.muli %while3A_474, %mul3A_475 : i32
      %mul3A_477 = arith.constant 128 : i32
      %mul3A_478 = arith.muli %mul3A_476, %mul3A_477 : i32
      %add3A_479 = arith.addi %select_n3A_71, %mul3A_478 : i32
      %mul3A_480 = arith.constant 16 : i32
      %mul3A_481 = arith.muli %mul3A_476, %mul3A_480 : i32
      %add3A_482 = arith.addi %select_n3A_82, %mul3A_481 : i32
      %sub3A_483 = arith.constant 1 : i32
      %sub3A_484 = arith.subi %select_n3A, %sub3A_483 : i32
      %lt3A_485 = arith.cmpi slt, %mul3A_476, %sub3A_484 : i32
      %convert_element_type3A_486 = arith.extui %lt3A_485 : i1 to i32
      %cond3A_487 = arith.constant 0 : i32
      %cond3A_488 = arith.cmpi ne, %convert_element_type3A_486, %cond3A_487 : i32
      scf.if %cond3A_488 {
        %add3A_1021 = arith.constant 128 : i32
        %add3A_1022 = arith.addi %add3A_479, %add3A_1021 : i32
        %dma_wait3A_1023 = arith.constant 0 : i32
        %dma_wait3A_1024 = tpu.memref_slice %arg3[%dma_wait3A_1023, %add3A_1022] : memref<2x327680xi32, #tpu.memory_space<hbm>> -> memref<2x128xi32, #tpu.memory_space<hbm>>
        %dma_wait3A_1025 = arith.constant 0 : i32
        %dma_wait3A_1026 = tpu.memref_slice %arg3[%dma_wait3A_1025, %add3A_1022] : memref<2x327680xi32, #tpu.memory_space<hbm>> -> memref<2x128xi32, #tpu.memory_space<hbm>>
        tpu.wait_dma2 semaphore(%arg31 : memref<!tpu.dma_semaphore, #tpu.memory_space<semaphore_mem>>) src(%dma_wait3A_1026 : memref<2x128xi32, #tpu.memory_space<hbm>>) dst(%arg12 : memref<2x128xi32, #tpu.memory_space<vmem>>)
        %add3A_1027 = arith.constant 16 : i32
        %add3A_1028 = arith.addi %add3A_482, %add3A_1027 : i32
        %dma_wait3A_1029 = arith.constant 0 : i32
        %dma_wait3A_1030 = tpu.memref_slice %arg4[%add3A_1028, %dma_wait3A_1029] : memref<40960x24xf32, #tpu.memory_space<hbm>> -> memref<16x24xf32, #tpu.memory_space<hbm>>
        %dma_wait3A_1031 = arith.constant 0 : i32
        %dma_wait3A_1032 = tpu.memref_slice %arg4[%add3A_1028, %dma_wait3A_1031] : memref<40960x24xf32, #tpu.memory_space<hbm>> -> memref<16x24xf32, #tpu.memory_space<hbm>>
        tpu.wait_dma2 semaphore(%arg31 : memref<!tpu.dma_semaphore, #tpu.memory_space<semaphore_mem>>) src(%dma_wait3A_1032 : memref<16x24xf32, #tpu.memory_space<hbm>>) dst(%arg14 : memref<16x24xf32, #tpu.memory_space<vmem>>)
        %add3A_1033 = arith.constant 128 : i32
        %add3A_1034 = arith.addi %add3A_479, %add3A_1033 : i32
        %get3A_1035 = arith.constant 0 : i32
        %get3A_1036 = arith.index_cast %get3A_1035 : i32 to index
        %get3A_1037 = arith.constant 0 : index
        %get3A_1038 = tpu.vector_load %arg12[%get3A_1036, %get3A_1037] {strides = array<i32>} : memref<2x128xi32, #tpu.memory_space<vmem>>, vector<16xi32>,
        %get3A_1039 = arith.constant 1 : i32
        %get3A_1040 = arith.index_cast %get3A_1039 : i32 to index
        %get3A_1041 = arith.constant 0 : index
        %get3A_1042 = tpu.vector_load %arg12[%get3A_1040, %get3A_1041] {strides = array<i32>} : memref<2x128xi32, #tpu.memory_space<vmem>>, vector<16xi32>,
        %gather3A_1043 = tpu.vector_load_idx %arg10[%get3A_1042] : memref<10000xi32, #tpu.memory_space<vmem>>[vector<16xi32>], vector<16xi32>,
        %and3A_1044 = arith.constant 3 : i32
        %and3A_1045 = vector.broadcast %and3A_1044 : i32 to vector<16xi32>
        %and3A_1046 = arith.andi %gather3A_1043, %and3A_1045 : vector<16xi32>
        %and3A_1047 = arith.constant -4 : i32
        %and3A_1048 = vector.broadcast %and3A_1047 : i32 to vector<16xi32>
        %and3A_1049 = arith.andi %gather3A_1043, %and3A_1048 : vector<16xi32>
        %bitcast3A_1050 = vector.bitcast %and3A_1049 : vector<16xi32> to vector<16xf32>
        %add3A_1051 = arith.constant 0 : i32
        %add3A_1052 = vector.broadcast %add3A_1051 : i32 to vector<16xi32>
        %add3A_1053 = arith.addi %select_n3A_130, %add3A_1052 : vector<16xi32>
        %mul3A_1054 = arith.constant 8 : i32
        %mul3A_1055 = vector.broadcast %mul3A_1054 : i32 to vector<16xi32>
        %mul3A_1056 = arith.muli %and3A_1046, %mul3A_1055 : vector<16xi32>
        %add3A_1057 = arith.addi %mul3A_1056, %select_n3A_101 : vector<16xi32>
        %gather3A_1058 = tpu.vector_load_idx %arg14[%add3A_1053, %add3A_1057] : memref<16x24xf32, #tpu.memory_space<vmem>>[vector<16xi32>, vector<16xi32>], vector<16xf32>,
        %mul3A_1059 = arith.constant 10000 : i32
        %mul3A_1060 = vector.broadcast %mul3A_1059 : i32 to vector<16xi32>
        %mul3A_1061 = arith.muli %and3A_1046, %mul3A_1060 : vector<16xi32>
        %add3A_1062 = arith.addi %mul3A_1061, %get3A_1038 : vector<16xi32>
        %swap3A_1063 = arith.constant 0 : index
        %swap3A_1064 = tpu.vector_load %arg16[%swap3A_1063] {strides = array<i32>} : memref<128xi32, #tpu.memory_space<vmem>>, vector<16xi32>,
        tpu.vector_store %arg16[%swap3A_1063], %add3A_1062 {strides = array<i32>} : memref<128xi32, #tpu.memory_space<vmem>>, vector<16xi32>,
        %swap3A_1065 = arith.constant 0 : index
        %swap3A_1066 = tpu.vector_load %arg18[%swap3A_1065] {strides = array<i32>} : memref<128xi32, #tpu.memory_space<vmem>>, vector<16xi32>,
        tpu.vector_store %arg18[%swap3A_1065], %get3A_1042 {strides = array<i32>} : memref<128xi32, #tpu.memory_space<vmem>>, vector<16xi32>,
        %add3A_1067 = arith.addf %bitcast3A_1050, %gather3A_1058 : vector<16xf32>
        %swap3A_1068 = arith.constant 0 : index
        %swap3A_1069 = tpu.vector_load %arg20[%swap3A_1068] {strides = array<i32>} : memref<128xf32, #tpu.memory_space<vmem>>, vector<16xf32>,
        tpu.vector_store %arg20[%swap3A_1068], %add3A_1067 {strides = array<i32>} : memref<128xf32, #tpu.memory_space<vmem>>, vector<16xf32>,
        %get3A_1070 = arith.constant 0 : i32
        %get3A_1071 = arith.index_cast %get3A_1070 : i32 to index
        %get3A_1072 = arith.constant 16 : index
        %get3A_1073 = tpu.vector_load %arg12[%get3A_1071, %get3A_1072] {strides = array<i32>} : memref<2x128xi32, #tpu.memory_space<vmem>>, vector<16xi32>,
        %get3A_1074 = arith.constant 1 : i32
        %get3A_1075 = arith.index_cast %get3A_1074 : i32 to index
        %get3A_1076 = arith.constant 16 : index
        %get3A_1077 = tpu.vector_load %arg12[%get3A_1075, %get3A_1076] {strides = array<i32>} : memref<2x128xi32, #tpu.memory_space<vmem>>, vector<16xi32>,
        %gather3A_1078 = tpu.vector_load_idx %arg10[%get3A_1077] : memref<10000xi32, #tpu.memory_space<vmem>>[vector<16xi32>], vector<16xi32>,
        %and3A_1079 = arith.constant 3 : i32
        %and3A_1080 = vector.broadcast %and3A_1079 : i32 to vector<16xi32>
        %and3A_1081 = arith.andi %gather3A_1078, %and3A_1080 : vector<16xi32>
        %and3A_1082 = arith.constant -4 : i32
        %and3A_1083 = vector.broadcast %and3A_1082 : i32 to vector<16xi32>
        %and3A_1084 = arith.andi %gather3A_1078, %and3A_1083 : vector<16xi32>
        %bitcast3A_1085 = vector.bitcast %and3A_1084 : vector<16xi32> to vector<16xf32>
        %add3A_1086 = arith.constant 2 : i32
        %add3A_1087 = vector.broadcast %add3A_1086 : i32 to vector<16xi32>
        %add3A_1088 = arith.addi %select_n3A_130, %add3A_1087 : vector<16xi32>
        %mul3A_1089 = arith.constant 8 : i32
        %mul3A_1090 = vector.broadcast %mul3A_1089 : i32 to vector<16xi32>
        %mul3A_1091 = arith.muli %and3A_1081, %mul3A_1090 : vector<16xi32>
        %add3A_1092 = arith.addi %mul3A_1091, %select_n3A_101 : vector<16xi32>
        %gather3A_1093 = tpu.vector_load_idx %arg14[%add3A_1088, %add3A_1092] : memref<16x24xf32, #tpu.memory_space<vmem>>[vector<16xi32>, vector<16xi32>], vector<16xf32>,
        %mul3A_1094 = arith.constant 10000 : i32
        %mul3A_1095 = vector.broadcast %mul3A_1094 : i32 to vector<16xi32>
        %mul3A_1096 = arith.muli %and3A_1081, %mul3A_1095 : vector<16xi32>
        %add3A_1097 = arith.addi %mul3A_1096, %get3A_1073 : vector<16xi32>
        %swap3A_1098 = arith.constant 16 : index
        %swap3A_1099 = tpu.vector_load %arg16[%swap3A_1098] {strides = array<i32>} : memref<128xi32, #tpu.memory_space<vmem>>, vector<16xi32>,
        tpu.vector_store %arg16[%swap3A_1098], %add3A_1097 {strides = array<i32>} : memref<128xi32, #tpu.memory_space<vmem>>, vector<16xi32>,
        %swap3A_1100 = arith.constant 16 : index
        %swap3A_1101 = tpu.vector_load %arg18[%swap3A_1100] {strides = array<i32>} : memref<128xi32, #tpu.memory_space<vmem>>, vector<16xi32>,
        tpu.vector_store %arg18[%swap3A_1100], %get3A_1077 {strides = array<i32>} : memref<128xi32, #tpu.memory_space<vmem>>, vector<16xi32>,
        %add3A_1102 = arith.addf %bitcast3A_1085, %gather3A_1093 : vector<16xf32>
        %swap3A_1103 = arith.constant 16 : index
        %swap3A_1104 = tpu.vector_load %arg20[%swap3A_1103] {strides = array<i32>} : memref<128xf32, #tpu.memory_space<vmem>>, vector<16xf32>,
        tpu.vector_store %arg20[%swap3A_1103], %add3A_1102 {strides = array<i32>} : memref<128xf32, #tpu.memory_space<vmem>>, vector<16xf32>,
        %get3A_1105 = arith.constant 0 : i32
        %get3A_1106 = arith.index_cast %get3A_1105 : i32 to index
        %get3A_1107 = arith.constant 32 : index
        %get3A_1108 = tpu.vector_load %arg12[%get3A_1106, %get3A_1107] {strides = array<i32>} : memref<2x128xi32, #tpu.memory_space<vmem>>, vector<16xi32>,
        %get3A_1109 = arith.constant 1 : i32
        %get3A_1110 = arith.index_cast %get3A_1109 : i32 to index
        %get3A_1111 = arith.constant 32 : index
        %get3A_1112 = tpu.vector_load %arg12[%get3A_1110, %get3A_1111] {strides = array<i32>} : memref<2x128xi32, #tpu.memory_space<vmem>>, vector<16xi32>,
        %gather3A_1113 = tpu.vector_load_idx %arg10[%get3A_1112] : memref<10000xi32, #tpu.memory_space<vmem>>[vector<16xi32>], vector<16xi32>,
        %and3A_1114 = arith.constant 3 : i32
        %and3A_1115 = vector.broadcast %and3A_1114 : i32 to vector<16xi32>
        %and3A_1116 = arith.andi %gather3A_1113, %and3A_1115 : vector<16xi32>
        %and3A_1117 = arith.constant -4 : i32
        %and3A_1118 = vector.broadcast %and3A_1117 : i32 to vector<16xi32>
        %and3A_1119 = arith.andi %gather3A_1113, %and3A_1118 : vector<16xi32>
        %bitcast3A_1120 = vector.bitcast %and3A_1119 : vector<16xi32> to vector<16xf32>
        %add3A_1121 = arith.constant 4 : i32
        %add3A_1122 = vector.broadcast %add3A_1121 : i32 to vector<16xi32>
        %add3A_1123 = arith.addi %select_n3A_130, %add3A_1122 : vector<16xi32>
        %mul3A_1124 = arith.constant 8 : i32
        %mul3A_1125 = vector.broadcast %mul3A_1124 : i32 to vector<16xi32>
        %mul3A_1126 = arith.muli %and3A_1116, %mul3A_1125 : vector<16xi32>
        %add3A_1127 = arith.addi %mul3A_1126, %select_n3A_101 : vector<16xi32>
        %gather3A_1128 = tpu.vector_load_idx %arg14[%add3A_1123, %add3A_1127] : memref<16x24xf32, #tpu.memory_space<vmem>>[vector<16xi32>, vector<16xi32>], vector<16xf32>,
        %mul3A_1129 = arith.constant 10000 : i32
        %mul3A_1130 = vector.broadcast %mul3A_1129 : i32 to vector<16xi32>
        %mul3A_1131 = arith.muli %and3A_1116, %mul3A_1130 : vector<16xi32>
        %add3A_1132 = arith.addi %mul3A_1131, %get3A_1108 : vector<16xi32>
        %swap3A_1133 = arith.constant 32 : index
        %swap3A_1134 = tpu.vector_load %arg16[%swap3A_1133] {strides = array<i32>} : memref<128xi32, #tpu.memory_space<vmem>>, vector<16xi32>,
        tpu.vector_store %arg16[%swap3A_1133], %add3A_1132 {strides = array<i32>} : memref<128xi32, #tpu.memory_space<vmem>>, vector<16xi32>,
        %swap3A_1135 = arith.constant 32 : index
        %swap3A_1136 = tpu.vector_load %arg18[%swap3A_1135] {strides = array<i32>} : memref<128xi32, #tpu.memory_space<vmem>>, vector<16xi32>,
        tpu.vector_store %arg18[%swap3A_1135], %get3A_1112 {strides = array<i32>} : memref<128xi32, #tpu.memory_space<vmem>>, vector<16xi32>,
        %add3A_1137 = arith.addf %bitcast3A_1120, %gather3A_1128 : vector<16xf32>
        %swap3A_1138 = arith.constant 32 : index
        %swap3A_1139 = tpu.vector_load %arg20[%swap3A_1138] {strides = array<i32>} : memref<128xf32, #tpu.memory_space<vmem>>, vector<16xf32>,
        tpu.vector_store %arg20[%swap3A_1138], %add3A_1137 {strides = array<i32>} : memref<128xf32, #tpu.memory_space<vmem>>, vector<16xf32>,
        %get3A_1140 = arith.constant 0 : i32
        %get3A_1141 = arith.index_cast %get3A_1140 : i32 to index
        %get3A_1142 = arith.constant 48 : index
        %get3A_1143 = tpu.vector_load %arg12[%get3A_1141, %get3A_1142] {strides = array<i32>} : memref<2x128xi32, #tpu.memory_space<vmem>>, vector<16xi32>,
        %get3A_1144 = arith.constant 1 : i32
        %get3A_1145 = arith.index_cast %get3A_1144 : i32 to index
        %get3A_1146 = arith.constant 48 : index
        %get3A_1147 = tpu.vector_load %arg12[%get3A_1145, %get3A_1146] {strides = array<i32>} : memref<2x128xi32, #tpu.memory_space<vmem>>, vector<16xi32>,
        %gather3A_1148 = tpu.vector_load_idx %arg10[%get3A_1147] : memref<10000xi32, #tpu.memory_space<vmem>>[vector<16xi32>], vector<16xi32>,
        %and3A_1149 = arith.constant 3 : i32
        %and3A_1150 = vector.broadcast %and3A_1149 : i32 to vector<16xi32>
        %and3A_1151 = arith.andi %gather3A_1148, %and3A_1150 : vector<16xi32>
        %and3A_1152 = arith.constant -4 : i32
        %and3A_1153 = vector.broadcast %and3A_1152 : i32 to vector<16xi32>
        %and3A_1154 = arith.andi %gather3A_1148, %and3A_1153 : vector<16xi32>
        %bitcast3A_1155 = vector.bitcast %and3A_1154 : vector<16xi32> to vector<16xf32>
        %add3A_1156 = arith.constant 6 : i32
        %add3A_1157 = vector.broadcast %add3A_1156 : i32 to vector<16xi32>
        %add3A_1158 = arith.addi %select_n3A_130, %add3A_1157 : vector<16xi32>
        %mul3A_1159 = arith.constant 8 : i32
        %mul3A_1160 = vector.broadcast %mul3A_1159 : i32 to vector<16xi32>
        %mul3A_1161 = arith.muli %and3A_1151, %mul3A_1160 : vector<16xi32>
        %add3A_1162 = arith.addi %mul3A_1161, %select_n3A_101 : vector<16xi32>
        %gather3A_1163 = tpu.vector_load_idx %arg14[%add3A_1158, %add3A_1162] : memref<16x24xf32, #tpu.memory_space<vmem>>[vector<16xi32>, vector<16xi32>], vector<16xf32>,
        %mul3A_1164 = arith.constant 10000 : i32
        %mul3A_1165 = vector.broadcast %mul3A_1164 : i32 to vector<16xi32>
        %mul3A_1166 = arith.muli %and3A_1151, %mul3A_1165 : vector<16xi32>
        %add3A_1167 = arith.addi %mul3A_1166, %get3A_1143 : vector<16xi32>
        %swap3A_1168 = arith.constant 48 : index
        %swap3A_1169 = tpu.vector_load %arg16[%swap3A_1168] {strides = array<i32>} : memref<128xi32, #tpu.memory_space<vmem>>, vector<16xi32>,
        tpu.vector_store %arg16[%swap3A_1168], %add3A_1167 {strides = array<i32>} : memref<128xi32, #tpu.memory_space<vmem>>, vector<16xi32>,
        %swap3A_1170 = arith.constant 48 : index
        %swap3A_1171 = tpu.vector_load %arg18[%swap3A_1170] {strides = array<i32>} : memref<128xi32, #tpu.memory_space<vmem>>, vector<16xi32>,
        tpu.vector_store %arg18[%swap3A_1170], %get3A_1147 {strides = array<i32>} : memref<128xi32, #tpu.memory_space<vmem>>, vector<16xi32>,
        %add3A_1172 = arith.addf %bitcast3A_1155, %gather3A_1163 : vector<16xf32>
        %swap3A_1173 = arith.constant 48 : index
        %swap3A_1174 = tpu.vector_load %arg20[%swap3A_1173] {strides = array<i32>} : memref<128xf32, #tpu.memory_space<vmem>>, vector<16xf32>,
        tpu.vector_store %arg20[%swap3A_1173], %add3A_1172 {strides = array<i32>} : memref<128xf32, #tpu.memory_space<vmem>>, vector<16xf32>,
        %get3A_1175 = arith.constant 0 : i32
        %get3A_1176 = arith.index_cast %get3A_1175 : i32 to index
        %get3A_1177 = arith.constant 64 : index
        %get3A_1178 = tpu.vector_load %arg12[%get3A_1176, %get3A_1177] {strides = array<i32>} : memref<2x128xi32, #tpu.memory_space<vmem>>, vector<16xi32>,
        %get3A_1179 = arith.constant 1 : i32
        %get3A_1180 = arith.index_cast %get3A_1179 : i32 to index
        %get3A_1181 = arith.constant 64 : index
        %get3A_1182 = tpu.vector_load %arg12[%get3A_1180, %get3A_1181] {strides = array<i32>} : memref<2x128xi32, #tpu.memory_space<vmem>>, vector<16xi32>,
        %gather3A_1183 = tpu.vector_load_idx %arg10[%get3A_1182] : memref<10000xi32, #tpu.memory_space<vmem>>[vector<16xi32>], vector<16xi32>,
        %and3A_1184 = arith.constant 3 : i32
        %and3A_1185 = vector.broadcast %and3A_1184 : i32 to vector<16xi32>
        %and3A_1186 = arith.andi %gather3A_1183, %and3A_1185 : vector<16xi32>
        %and3A_1187 = arith.constant -4 : i32
        %and3A_1188 = vector.broadcast %and3A_1187 : i32 to vector<16xi32>
        %and3A_1189 = arith.andi %gather3A_1183, %and3A_1188 : vector<16xi32>
        %bitcast3A_1190 = vector.bitcast %and3A_1189 : vector<16xi32> to vector<16xf32>
        %add3A_1191 = arith.constant 8 : i32
        %add3A_1192 = vector.broadcast %add3A_1191 : i32 to vector<16xi32>
        %add3A_1193 = arith.addi %select_n3A_130, %add3A_1192 : vector<16xi32>
        %mul3A_1194 = arith.constant 8 : i32
        %mul3A_1195 = vector.broadcast %mul3A_1194 : i32 to vector<16xi32>
        %mul3A_1196 = arith.muli %and3A_1186, %mul3A_1195 : vector<16xi32>
        %add3A_1197 = arith.addi %mul3A_1196, %select_n3A_101 : vector<16xi32>
        %gather3A_1198 = tpu.vector_load_idx %arg14[%add3A_1193, %add3A_1197] : memref<16x24xf32, #tpu.memory_space<vmem>>[vector<16xi32>, vector<16xi32>], vector<16xf32>,
        %mul3A_1199 = arith.constant 10000 : i32
        %mul3A_1200 = vector.broadcast %mul3A_1199 : i32 to vector<16xi32>
        %mul3A_1201 = arith.muli %and3A_1186, %mul3A_1200 : vector<16xi32>
        %add3A_1202 = arith.addi %mul3A_1201, %get3A_1178 : vector<16xi32>
        %swap3A_1203 = arith.constant 64 : index
        %swap3A_1204 = tpu.vector_load %arg16[%swap3A_1203] {strides = array<i32>} : memref<128xi32, #tpu.memory_space<vmem>>, vector<16xi32>,
        tpu.vector_store %arg16[%swap3A_1203], %add3A_1202 {strides = array<i32>} : memref<128xi32, #tpu.memory_space<vmem>>, vector<16xi32>,
        %swap3A_1205 = arith.constant 64 : index
        %swap3A_1206 = tpu.vector_load %arg18[%swap3A_1205] {strides = array<i32>} : memref<128xi32, #tpu.memory_space<vmem>>, vector<16xi32>,
        tpu.vector_store %arg18[%swap3A_1205], %get3A_1182 {strides = array<i32>} : memref<128xi32, #tpu.memory_space<vmem>>, vector<16xi32>,
        %add3A_1207 = arith.addf %bitcast3A_1190, %gather3A_1198 : vector<16xf32>
        %swap3A_1208 = arith.constant 64 : index
        %swap3A_1209 = tpu.vector_load %arg20[%swap3A_1208] {strides = array<i32>} : memref<128xf32, #tpu.memory_space<vmem>>, vector<16xf32>,
        tpu.vector_store %arg20[%swap3A_1208], %add3A_1207 {strides = array<i32>} : memref<128xf32, #tpu.memory_space<vmem>>, vector<16xf32>,
        %get3A_1210 = arith.constant 0 : i32
        %get3A_1211 = arith.index_cast %get3A_1210 : i32 to index
        %get3A_1212 = arith.constant 80 : index
        %get3A_1213 = tpu.vector_load %arg12[%get3A_1211, %get3A_1212] {strides = array<i32>} : memref<2x128xi32, #tpu.memory_space<vmem>>, vector<16xi32>,
        %get3A_1214 = arith.constant 1 : i32
        %get3A_1215 = arith.index_cast %get3A_1214 : i32 to index
        %get3A_1216 = arith.constant 80 : index
        %get3A_1217 = tpu.vector_load %arg12[%get3A_1215, %get3A_1216] {strides = array<i32>} : memref<2x128xi32, #tpu.memory_space<vmem>>, vector<16xi32>,
        %gather3A_1218 = tpu.vector_load_idx %arg10[%get3A_1217] : memref<10000xi32, #tpu.memory_space<vmem>>[vector<16xi32>], vector<16xi32>,
        %and3A_1219 = arith.constant 3 : i32
        %and3A_1220 = vector.broadcast %and3A_1219 : i32 to vector<16xi32>
        %and3A_1221 = arith.andi %gather3A_1218, %and3A_1220 : vector<16xi32>
        %and3A_1222 = arith.constant -4 : i32
        %and3A_1223 = vector.broadcast %and3A_1222 : i32 to vector<16xi32>
        %and3A_1224 = arith.andi %gather3A_1218, %and3A_1223 : vector<16xi32>
        %bitcast3A_1225 = vector.bitcast %and3A_1224 : vector<16xi32> to vector<16xf32>
        %add3A_1226 = arith.constant 10 : i32
        %add3A_1227 = vector.broadcast %add3A_1226 : i32 to vector<16xi32>
        %add3A_1228 = arith.addi %select_n3A_130, %add3A_1227 : vector<16xi32>
        %mul3A_1229 = arith.constant 8 : i32
        %mul3A_1230 = vector.broadcast %mul3A_1229 : i32 to vector<16xi32>
        %mul3A_1231 = arith.muli %and3A_1221, %mul3A_1230 : vector<16xi32>
        %add3A_1232 = arith.addi %mul3A_1231, %select_n3A_101 : vector<16xi32>
        %gather3A_1233 = tpu.vector_load_idx %arg14[%add3A_1228, %add3A_1232] : memref<16x24xf32, #tpu.memory_space<vmem>>[vector<16xi32>, vector<16xi32>], vector<16xf32>,
        %mul3A_1234 = arith.constant 10000 : i32
        %mul3A_1235 = vector.broadcast %mul3A_1234 : i32 to vector<16xi32>
        %mul3A_1236 = arith.muli %and3A_1221, %mul3A_1235 : vector<16xi32>
        %add3A_1237 = arith.addi %mul3A_1236, %get3A_1213 : vector<16xi32>
        %swap3A_1238 = arith.constant 80 : index
        %swap3A_1239 = tpu.vector_load %arg16[%swap3A_1238] {strides = array<i32>} : memref<128xi32, #tpu.memory_space<vmem>>, vector<16xi32>,
        tpu.vector_store %arg16[%swap3A_1238], %add3A_1237 {strides = array<i32>} : memref<128xi32, #tpu.memory_space<vmem>>, vector<16xi32>,
        %swap3A_1240 = arith.constant 80 : index
        %swap3A_1241 = tpu.vector_load %arg18[%swap3A_1240] {strides = array<i32>} : memref<128xi32, #tpu.memory_space<vmem>>, vector<16xi32>,
        tpu.vector_store %arg18[%swap3A_1240], %get3A_1217 {strides = array<i32>} : memref<128xi32, #tpu.memory_space<vmem>>, vector<16xi32>,
        %add3A_1242 = arith.addf %bitcast3A_1225, %gather3A_1233 : vector<16xf32>
        %swap3A_1243 = arith.constant 80 : index
        %swap3A_1244 = tpu.vector_load %arg20[%swap3A_1243] {strides = array<i32>} : memref<128xf32, #tpu.memory_space<vmem>>, vector<16xf32>,
        tpu.vector_store %arg20[%swap3A_1243], %add3A_1242 {strides = array<i32>} : memref<128xf32, #tpu.memory_space<vmem>>, vector<16xf32>,
        %get3A_1245 = arith.constant 0 : i32
        %get3A_1246 = arith.index_cast %get3A_1245 : i32 to index
        %get3A_1247 = arith.constant 96 : index
        %get3A_1248 = tpu.vector_load %arg12[%get3A_1246, %get3A_1247] {strides = array<i32>} : memref<2x128xi32, #tpu.memory_space<vmem>>, vector<16xi32>,
        %get3A_1249 = arith.constant 1 : i32
        %get3A_1250 = arith.index_cast %get3A_1249 : i32 to index
        %get3A_1251 = arith.constant 96 : index
        %get3A_1252 = tpu.vector_load %arg12[%get3A_1250, %get3A_1251] {strides = array<i32>} : memref<2x128xi32, #tpu.memory_space<vmem>>, vector<16xi32>,
        %gather3A_1253 = tpu.vector_load_idx %arg10[%get3A_1252] : memref<10000xi32, #tpu.memory_space<vmem>>[vector<16xi32>], vector<16xi32>,
        %and3A_1254 = arith.constant 3 : i32
        %and3A_1255 = vector.broadcast %and3A_1254 : i32 to vector<16xi32>
        %and3A_1256 = arith.andi %gather3A_1253, %and3A_1255 : vector<16xi32>
        %and3A_1257 = arith.constant -4 : i32
        %and3A_1258 = vector.broadcast %and3A_1257 : i32 to vector<16xi32>
        %and3A_1259 = arith.andi %gather3A_1253, %and3A_1258 : vector<16xi32>
        %bitcast3A_1260 = vector.bitcast %and3A_1259 : vector<16xi32> to vector<16xf32>
        %add3A_1261 = arith.constant 12 : i32
        %add3A_1262 = vector.broadcast %add3A_1261 : i32 to vector<16xi32>
        %add3A_1263 = arith.addi %select_n3A_130, %add3A_1262 : vector<16xi32>
        %mul3A_1264 = arith.constant 8 : i32
        %mul3A_1265 = vector.broadcast %mul3A_1264 : i32 to vector<16xi32>
        %mul3A_1266 = arith.muli %and3A_1256, %mul3A_1265 : vector<16xi32>
        %add3A_1267 = arith.addi %mul3A_1266, %select_n3A_101 : vector<16xi32>
        %gather3A_1268 = tpu.vector_load_idx %arg14[%add3A_1263, %add3A_1267] : memref<16x24xf32, #tpu.memory_space<vmem>>[vector<16xi32>, vector<16xi32>], vector<16xf32>,
        %mul3A_1269 = arith.constant 10000 : i32
        %mul3A_1270 = vector.broadcast %mul3A_1269 : i32 to vector<16xi32>
        %mul3A_1271 = arith.muli %and3A_1256, %mul3A_1270 : vector<16xi32>
        %add3A_1272 = arith.addi %mul3A_1271, %get3A_1248 : vector<16xi32>
        %swap3A_1273 = arith.constant 96 : index
        %swap3A_1274 = tpu.vector_load %arg16[%swap3A_1273] {strides = array<i32>} : memref<128xi32, #tpu.memory_space<vmem>>, vector<16xi32>,
        tpu.vector_store %arg16[%swap3A_1273], %add3A_1272 {strides = array<i32>} : memref<128xi32, #tpu.memory_space<vmem>>, vector<16xi32>,
        %swap3A_1275 = arith.constant 96 : index
        %swap3A_1276 = tpu.vector_load %arg18[%swap3A_1275] {strides = array<i32>} : memref<128xi32, #tpu.memory_space<vmem>>, vector<16xi32>,
        tpu.vector_store %arg18[%swap3A_1275], %get3A_1252 {strides = array<i32>} : memref<128xi32, #tpu.memory_space<vmem>>, vector<16xi32>,
        %add3A_1277 = arith.addf %bitcast3A_1260, %gather3A_1268 : vector<16xf32>
        %swap3A_1278 = arith.constant 96 : index
        %swap3A_1279 = tpu.vector_load %arg20[%swap3A_1278] {strides = array<i32>} : memref<128xf32, #tpu.memory_space<vmem>>, vector<16xf32>,
        tpu.vector_store %arg20[%swap3A_1278], %add3A_1277 {strides = array<i32>} : memref<128xf32, #tpu.memory_space<vmem>>, vector<16xf32>,
        %get3A_1280 = arith.constant 0 : i32
        %get3A_1281 = arith.index_cast %get3A_1280 : i32 to index
        %get3A_1282 = arith.constant 112 : index
        %get3A_1283 = tpu.vector_load %arg12[%get3A_1281, %get3A_1282] {strides = array<i32>} : memref<2x128xi32, #tpu.memory_space<vmem>>, vector<16xi32>,
        %get3A_1284 = arith.constant 1 : i32
        %get3A_1285 = arith.index_cast %get3A_1284 : i32 to index
        %get3A_1286 = arith.constant 112 : index
        %get3A_1287 = tpu.vector_load %arg12[%get3A_1285, %get3A_1286] {strides = array<i32>} : memref<2x128xi32, #tpu.memory_space<vmem>>, vector<16xi32>,
        %gather3A_1288 = tpu.vector_load_idx %arg10[%get3A_1287] : memref<10000xi32, #tpu.memory_space<vmem>>[vector<16xi32>], vector<16xi32>,
        %and3A_1289 = arith.constant 3 : i32
        %and3A_1290 = vector.broadcast %and3A_1289 : i32 to vector<16xi32>
        %and3A_1291 = arith.andi %gather3A_1288, %and3A_1290 : vector<16xi32>
        %and3A_1292 = arith.constant -4 : i32
        %and3A_1293 = vector.broadcast %and3A_1292 : i32 to vector<16xi32>
        %and3A_1294 = arith.andi %gather3A_1288, %and3A_1293 : vector<16xi32>
        %bitcast3A_1295 = vector.bitcast %and3A_1294 : vector<16xi32> to vector<16xf32>
        %add3A_1296 = arith.constant 14 : i32
        %add3A_1297 = vector.broadcast %add3A_1296 : i32 to vector<16xi32>
        %add3A_1298 = arith.addi %select_n3A_130, %add3A_1297 : vector<16xi32>
        %mul3A_1299 = arith.constant 8 : i32
        %mul3A_1300 = vector.broadcast %mul3A_1299 : i32 to vector<16xi32>
        %mul3A_1301 = arith.muli %and3A_1291, %mul3A_1300 : vector<16xi32>
        %add3A_1302 = arith.addi %mul3A_1301, %select_n3A_101 : vector<16xi32>
        %gather3A_1303 = tpu.vector_load_idx %arg14[%add3A_1298, %add3A_1302] : memref<16x24xf32, #tpu.memory_space<vmem>>[vector<16xi32>, vector<16xi32>], vector<16xf32>,
        %mul3A_1304 = arith.constant 10000 : i32
        %mul3A_1305 = vector.broadcast %mul3A_1304 : i32 to vector<16xi32>
        %mul3A_1306 = arith.muli %and3A_1291, %mul3A_1305 : vector<16xi32>
        %add3A_1307 = arith.addi %mul3A_1306, %get3A_1283 : vector<16xi32>
        %swap3A_1308 = arith.constant 112 : index
        %swap3A_1309 = tpu.vector_load %arg16[%swap3A_1308] {strides = array<i32>} : memref<128xi32, #tpu.memory_space<vmem>>, vector<16xi32>,
        tpu.vector_store %arg16[%swap3A_1308], %add3A_1307 {strides = array<i32>} : memref<128xi32, #tpu.memory_space<vmem>>, vector<16xi32>,
        %swap3A_1310 = arith.constant 112 : index
        %swap3A_1311 = tpu.vector_load %arg18[%swap3A_1310] {strides = array<i32>} : memref<128xi32, #tpu.memory_space<vmem>>, vector<16xi32>,
        tpu.vector_store %arg18[%swap3A_1310], %get3A_1287 {strides = array<i32>} : memref<128xi32, #tpu.memory_space<vmem>>, vector<16xi32>,
        %add3A_1312 = arith.addf %bitcast3A_1295, %gather3A_1303 : vector<16xf32>
        %swap3A_1313 = arith.constant 112 : index
        %swap3A_1314 = tpu.vector_load %arg20[%swap3A_1313] {strides = array<i32>} : memref<128xf32, #tpu.memory_space<vmem>>, vector<16xf32>,
        tpu.vector_store %arg20[%swap3A_1313], %add3A_1312 {strides = array<i32>} : memref<128xf32, #tpu.memory_space<vmem>>, vector<16xf32>,
        %sub3A_1315 = arith.constant 2 : i32
        %sub3A_1316 = arith.subi %select_n3A, %sub3A_1315 : i32
        %lt3A_1317 = arith.cmpi slt, %mul3A_476, %sub3A_1316 : i32
        %convert_element_type3A_1318 = arith.extui %lt3A_1317 : i1 to i32
        %cond3A_1319 = arith.constant 0 : i32
        %cond3A_1320 = arith.cmpi ne, %convert_element_type3A_1318, %cond3A_1319 : i32
        scf.if %cond3A_1320 {
          %add3A_1321 = arith.constant 256 : i32
          %add3A_1322 = arith.addi %add3A_479, %add3A_1321 : i32
          %dma_start3A_1323 = arith.constant 0 : i32
          %dma_start3A_1324 = tpu.memref_slice %arg3[%dma_start3A_1323, %add3A_1322] : memref<2x327680xi32, #tpu.memory_space<hbm>> -> memref<2x128xi32, #tpu.memory_space<hbm>>
          %dma_start3A_1325 = arith.constant 0 : i32
          %dma_start3A_1326 = tpu.memref_slice %arg3[%dma_start3A_1325, %add3A_1322] : memref<2x327680xi32, #tpu.memory_space<hbm>> -> memref<2x128xi32, #tpu.memory_space<hbm>>
          tpu.enqueue_dma source(%dma_start3A_1326 : memref<2x128xi32, #tpu.memory_space<hbm>>) target(%arg11 : memref<2x128xi32, #tpu.memory_space<vmem>>) target_semaphore(%arg31 : memref<!tpu.dma_semaphore, #tpu.memory_space<semaphore_mem>>)
          %add3A_1327 = arith.constant 32 : i32
          %add3A_1328 = arith.addi %add3A_482, %add3A_1327 : i32
          %dma_start3A_1329 = arith.constant 0 : i32
          %dma_start3A_1330 = tpu.memref_slice %arg4[%add3A_1328, %dma_start3A_1329] : memref<40960x24xf32, #tpu.memory_space<hbm>> -> memref<16x24xf32, #tpu.memory_space<hbm>>
          %dma_start3A_1331 = arith.constant 0 : i32
          %dma_start3A_1332 = tpu.memref_slice %arg4[%add3A_1328, %dma_start3A_1331] : memref<40960x24xf32, #tpu.memory_space<hbm>> -> memref<16x24xf32, #tpu.memory_space<hbm>>
          tpu.enqueue_dma source(%dma_start3A_1332 : memref<16x24xf32, #tpu.memory_space<hbm>>) target(%arg13 : memref<16x24xf32, #tpu.memory_space<vmem>>) target_semaphore(%arg31 : memref<!tpu.dma_semaphore, #tpu.memory_space<semaphore_mem>>)
        } else {
        }
      } else {
      }
      %dma_wait3A_489 = arith.constant 0 : i32
      %dma_wait3A_490 = tpu.memref_slice %arg5[%dma_wait3A_489] : memref<30000xf32, #tpu.memory_space<hbm>> -> memref<30000xf32, #tpu.memory_space<hbm>>
      tpu.wait_indirect_dma semaphore(%arg34 : memref<!tpu.dma_semaphore, #tpu.memory_space<semaphore_mem>>) src(%dma_wait3A_490 : memref<30000xf32, #tpu.memory_space<hbm>>) dst(%arg21 : memref<128xf32, #tpu.memory_space<vmem>>)
      %dma_wait3A_491 = arith.constant 0 : i32
      %dma_wait3A_492 = arith.constant 0 : i32
      %dma_wait3A_493 = tpu.memref_slice %arg2[%dma_wait3A_491, %dma_wait3A_492] : memref<30000x128xf32, #tpu.memory_space<hbm>> -> memref<30000x128xf32, #tpu.memory_space<hbm>>
      tpu.wait_indirect_dma semaphore(%arg32 : memref<!tpu.dma_semaphore, #tpu.memory_space<semaphore_mem>>) src(%dma_wait3A_493 : memref<30000x128xf32, #tpu.memory_space<hbm>>) dst(%arg27 : memref<128x128xf32, #tpu.memory_space<vmem>>)
      %ge3A = arith.constant 1 : i32
      %ge3A_494 = arith.cmpi sge, %mul3A_476, %ge3A : i32
      %convert_element_type3A_495 = arith.extui %ge3A_494 : i1 to i32
      %cond3A_496 = arith.constant 0 : i32
      %cond3A_497 = arith.cmpi ne, %convert_element_type3A_495, %cond3A_496 : i32
      scf.if %cond3A_497 {
        %dma_wait3A_1021 = arith.constant 0 : i32
        %dma_wait3A_1022 = arith.constant 0 : i32
        %dma_wait3A_1023 = tpu.memref_slice %arg29[%dma_wait3A_1021, %dma_wait3A_1022] : memref<10112x128xf32, #tpu.memory_space<vmem_shared>> -> memref<10112x128xf32, #tpu.memory_space<vmem_shared>>
        tpu.wait_indirect_dma semaphore(%arg37 : memref<!tpu.dma_semaphore, #tpu.memory_space<semaphore_mem>>) src(%arg28 : memref<128x128xf32, #tpu.memory_space<vmem>>) dst(%dma_wait3A_1023 : memref<10112x128xf32, #tpu.memory_space<vmem_shared>>)
        %dma_wait3A_1024 = arith.constant 0 : i32
        %dma_wait3A_1025 = tpu.memref_slice %arg30[%dma_wait3A_1024] : memref<10240xf32, #tpu.memory_space<vmem_shared>> -> memref<10240xf32, #tpu.memory_space<vmem_shared>>
        tpu.wait_indirect_dma semaphore(%arg39 : memref<!tpu.dma_semaphore, #tpu.memory_space<semaphore_mem>>) src(%arg24 : memref<128xf32, #tpu.memory_space<vmem>>) dst(%dma_wait3A_1025 : memref<10240xf32, #tpu.memory_space<vmem_shared>>)
      } else {
      }
      %sub3A_498 = arith.constant 1 : i32
      %sub3A_499 = arith.subi %select_n3A, %sub3A_498 : i32
      %lt3A_500 = arith.cmpi slt, %mul3A_476, %sub3A_499 : i32
      %convert_element_type3A_501 = arith.extui %lt3A_500 : i1 to i32
      %cond3A_502 = arith.constant 0 : i32
      %cond3A_503 = arith.cmpi ne, %convert_element_type3A_501, %cond3A_502 : i32
      scf.if %cond3A_503 {
        %dma_start3A_1021 = arith.constant 0 : i32
        %dma_start3A_1022 = arith.constant 0 : i32
        %dma_start3A_1023 = tpu.memref_slice %arg2[%dma_start3A_1021, %dma_start3A_1022] : memref<30000x128xf32, #tpu.memory_space<hbm>> -> memref<30000x128xf32, #tpu.memory_space<hbm>>
        tpu.enqueue_indirect_dma source(%dma_start3A_1023 : memref<30000x128xf32, #tpu.memory_space<hbm>>) target(%arg28 : memref<128x128xf32, #tpu.memory_space<vmem>>) offsets(%arg16 : memref<128xi32, #tpu.memory_space<vmem>>) semaphore(%arg33 : memref<!tpu.dma_semaphore, #tpu.memory_space<semaphore_mem>>)
        %dma_start3A_1024 = arith.constant 0 : i32
        %dma_start3A_1025 = tpu.memref_slice %arg5[%dma_start3A_1024] : memref<30000xf32, #tpu.memory_space<hbm>> -> memref<30000xf32, #tpu.memory_space<hbm>>
        tpu.enqueue_indirect_dma source(%dma_start3A_1025 : memref<30000xf32, #tpu.memory_space<hbm>>) target(%arg22 : memref<128xf32, #tpu.memory_space<vmem>>) offsets(%arg16 : memref<128xi32, #tpu.memory_space<vmem>>) semaphore(%arg35 : memref<!tpu.dma_semaphore, #tpu.memory_space<semaphore_mem>>)
      } else {
      }
      %get3A_504 = arith.constant 0 : index
      %get3A_505 = tpu.vector_load %arg19[%get3A_504] {strides = array<i32>} : memref<128xf32, #tpu.memory_space<vmem>>, vector<16xf32>,
      %get3A_506 = arith.constant 0 : index
      %get3A_507 = tpu.vector_load %arg21[%get3A_506] {strides = array<i32>} : memref<128xf32, #tpu.memory_space<vmem>>, vector<16xf32>,
      %add3A_508 = arith.addf %get3A_505, %get3A_507 : vector<16xf32>
      %ge3A_509 = arith.constant 0.000000e+00 : f32
      %ge3A_510 = vector.broadcast %ge3A_509 : f32 to vector<16xf32>
      %ge3A_511 = arith.cmpf oge, %add3A_508, %ge3A_510 : vector<16xf32>
      %mul3A_512 = arith.constant 2.000000e-01 : f32
      %mul3A_513 = vector.broadcast %mul3A_512 : f32 to vector<16xf32>
      %mul3A_514 = arith.mulf %mul3A_513, %add3A_508 : vector<16xf32>
      %select_n3A_515 = arith.select %ge3A_511, %add3A_508, %mul3A_514 : vector<16xi1>, vector<16xf32>
      %exp3A = math.exp %select_n3A_515 : vector<16xf32>
      %add3A_516 = arith.constant 0 : i32
      %add3A_517 = arith.addi %add3A_479, %add3A_516 : i32
      %add3A_518 = vector.broadcast %add3A_517 : i32 to vector<16xi32>
      %add3A_519 = arith.addi %add3A_518, %iota3A : vector<16xi32>
      %lt3A_520 = arith.constant 320000 : i32
      %lt3A_521 = vector.broadcast %lt3A_520 : i32 to vector<16xi32>
      %lt3A_522 = arith.cmpi slt, %add3A_519, %lt3A_521 : vector<16xi32>
      %jit3A_523 = arith.constant 0.000000e+00 : f32
      %broadcast_in_dim3A_524 = vector.broadcast %jit3A_523 : f32 to vector<16xf32>
      %select_n3A_525 = arith.select %lt3A_522, %exp3A, %broadcast_in_dim3A_524 : vector<16xi1>, vector<16xf32>
      %swap3A_526 = arith.constant 0 : index
      %swap3A_527 = tpu.vector_load %arg23[%swap3A_526] {strides = array<i32>} : memref<128xf32, #tpu.memory_space<vmem>>, vector<16xf32>,
      tpu.vector_store %arg23[%swap3A_526], %select_n3A_525 {strides = array<i32>} : memref<128xf32, #tpu.memory_space<vmem>>, vector<16xf32>,
      %get3A_528 = arith.constant 0 : index
      %get3A_529 = tpu.vector_load %arg17[%get3A_528] {strides = array<i32>} : memref<128xi32, #tpu.memory_space<vmem>>, vector<16xi32>,
      %swap3A_530 = arith.constant 0 : index
      %swap3A_531 = tpu.vector_load %arg25[%swap3A_530] {strides = array<i32>} : memref<128xi32, #tpu.memory_space<vmem>>, vector<16xi32>,
      tpu.vector_store %arg25[%swap3A_530], %get3A_529 {strides = array<i32>} : memref<128xi32, #tpu.memory_space<vmem>>, vector<16xi32>,
      %get3A_532 = arith.constant 16 : index
      %get3A_533 = tpu.vector_load %arg19[%get3A_532] {strides = array<i32>} : memref<128xf32, #tpu.memory_space<vmem>>, vector<16xf32>,
      %get3A_534 = arith.constant 16 : index
      %get3A_535 = tpu.vector_load %arg21[%get3A_534] {strides = array<i32>} : memref<128xf32, #tpu.memory_space<vmem>>, vector<16xf32>,
      %add3A_536 = arith.addf %get3A_533, %get3A_535 : vector<16xf32>
      %ge3A_537 = arith.constant 0.000000e+00 : f32
      %ge3A_538 = vector.broadcast %ge3A_537 : f32 to vector<16xf32>
      %ge3A_539 = arith.cmpf oge, %add3A_536, %ge3A_538 : vector<16xf32>
      %mul3A_540 = arith.constant 2.000000e-01 : f32
      %mul3A_541 = vector.broadcast %mul3A_540 : f32 to vector<16xf32>
      %mul3A_542 = arith.mulf %mul3A_541, %add3A_536 : vector<16xf32>
      %select_n3A_543 = arith.select %ge3A_539, %add3A_536, %mul3A_542 : vector<16xi1>, vector<16xf32>
      %exp3A_544 = math.exp %select_n3A_543 : vector<16xf32>
      %add3A_545 = arith.constant 16 : i32
      %add3A_546 = arith.addi %add3A_479, %add3A_545 : i32
      %add3A_547 = vector.broadcast %add3A_546 : i32 to vector<16xi32>
      %add3A_548 = arith.addi %add3A_547, %iota3A : vector<16xi32>
      %lt3A_549 = arith.constant 320000 : i32
      %lt3A_550 = vector.broadcast %lt3A_549 : i32 to vector<16xi32>
      %lt3A_551 = arith.cmpi slt, %add3A_548, %lt3A_550 : vector<16xi32>
      %jit3A_552 = arith.constant 0.000000e+00 : f32
      %broadcast_in_dim3A_553 = vector.broadcast %jit3A_552 : f32 to vector<16xf32>
      %select_n3A_554 = arith.select %lt3A_551, %exp3A_544, %broadcast_in_dim3A_553 : vector<16xi1>, vector<16xf32>
      %swap3A_555 = arith.constant 16 : index
      %swap3A_556 = tpu.vector_load %arg23[%swap3A_555] {strides = array<i32>} : memref<128xf32, #tpu.memory_space<vmem>>, vector<16xf32>,
      tpu.vector_store %arg23[%swap3A_555], %select_n3A_554 {strides = array<i32>} : memref<128xf32, #tpu.memory_space<vmem>>, vector<16xf32>,
      %get3A_557 = arith.constant 16 : index
      %get3A_558 = tpu.vector_load %arg17[%get3A_557] {strides = array<i32>} : memref<128xi32, #tpu.memory_space<vmem>>, vector<16xi32>,
      %swap3A_559 = arith.constant 16 : index
      %swap3A_560 = tpu.vector_load %arg25[%swap3A_559] {strides = array<i32>} : memref<128xi32, #tpu.memory_space<vmem>>, vector<16xi32>,
      tpu.vector_store %arg25[%swap3A_559], %get3A_558 {strides = array<i32>} : memref<128xi32, #tpu.memory_space<vmem>>, vector<16xi32>,
      %get3A_561 = arith.constant 32 : index
      %get3A_562 = tpu.vector_load %arg19[%get3A_561] {strides = array<i32>} : memref<128xf32, #tpu.memory_space<vmem>>, vector<16xf32>,
      %get3A_563 = arith.constant 32 : index
      %get3A_564 = tpu.vector_load %arg21[%get3A_563] {strides = array<i32>} : memref<128xf32, #tpu.memory_space<vmem>>, vector<16xf32>,
      %add3A_565 = arith.addf %get3A_562, %get3A_564 : vector<16xf32>
      %ge3A_566 = arith.constant 0.000000e+00 : f32
      %ge3A_567 = vector.broadcast %ge3A_566 : f32 to vector<16xf32>
      %ge3A_568 = arith.cmpf oge, %add3A_565, %ge3A_567 : vector<16xf32>
      %mul3A_569 = arith.constant 2.000000e-01 : f32
      %mul3A_570 = vector.broadcast %mul3A_569 : f32 to vector<16xf32>
      %mul3A_571 = arith.mulf %mul3A_570, %add3A_565 : vector<16xf32>
      %select_n3A_572 = arith.select %ge3A_568, %add3A_565, %mul3A_571 : vector<16xi1>, vector<16xf32>
      %exp3A_573 = math.exp %select_n3A_572 : vector<16xf32>
      %add3A_574 = arith.constant 32 : i32
      %add3A_575 = arith.addi %add3A_479, %add3A_574 : i32
      %add3A_576 = vector.broadcast %add3A_575 : i32 to vector<16xi32>
      %add3A_577 = arith.addi %add3A_576, %iota3A : vector<16xi32>
      %lt3A_578 = arith.constant 320000 : i32
      %lt3A_579 = vector.broadcast %lt3A_578 : i32 to vector<16xi32>
      %lt3A_580 = arith.cmpi slt, %add3A_577, %lt3A_579 : vector<16xi32>
      %jit3A_581 = arith.constant 0.000000e+00 : f32
      %broadcast_in_dim3A_582 = vector.broadcast %jit3A_581 : f32 to vector<16xf32>
      %select_n3A_583 = arith.select %lt3A_580, %exp3A_573, %broadcast_in_dim3A_582 : vector<16xi1>, vector<16xf32>
      %swap3A_584 = arith.constant 32 : index
      %swap3A_585 = tpu.vector_load %arg23[%swap3A_584] {strides = array<i32>} : memref<128xf32, #tpu.memory_space<vmem>>, vector<16xf32>,
      tpu.vector_store %arg23[%swap3A_584], %select_n3A_583 {strides = array<i32>} : memref<128xf32, #tpu.memory_space<vmem>>, vector<16xf32>,
      %get3A_586 = arith.constant 32 : index
      %get3A_587 = tpu.vector_load %arg17[%get3A_586] {strides = array<i32>} : memref<128xi32, #tpu.memory_space<vmem>>, vector<16xi32>,
      %swap3A_588 = arith.constant 32 : index
      %swap3A_589 = tpu.vector_load %arg25[%swap3A_588] {strides = array<i32>} : memref<128xi32, #tpu.memory_space<vmem>>, vector<16xi32>,
      tpu.vector_store %arg25[%swap3A_588], %get3A_587 {strides = array<i32>} : memref<128xi32, #tpu.memory_space<vmem>>, vector<16xi32>,
      %get3A_590 = arith.constant 48 : index
      %get3A_591 = tpu.vector_load %arg19[%get3A_590] {strides = array<i32>} : memref<128xf32, #tpu.memory_space<vmem>>, vector<16xf32>,
      %get3A_592 = arith.constant 48 : index
      %get3A_593 = tpu.vector_load %arg21[%get3A_592] {strides = array<i32>} : memref<128xf32, #tpu.memory_space<vmem>>, vector<16xf32>,
      %add3A_594 = arith.addf %get3A_591, %get3A_593 : vector<16xf32>
      %ge3A_595 = arith.constant 0.000000e+00 : f32
      %ge3A_596 = vector.broadcast %ge3A_595 : f32 to vector<16xf32>
      %ge3A_597 = arith.cmpf oge, %add3A_594, %ge3A_596 : vector<16xf32>
      %mul3A_598 = arith.constant 2.000000e-01 : f32
      %mul3A_599 = vector.broadcast %mul3A_598 : f32 to vector<16xf32>
      %mul3A_600 = arith.mulf %mul3A_599, %add3A_594 : vector<16xf32>
      %select_n3A_601 = arith.select %ge3A_597, %add3A_594, %mul3A_600 : vector<16xi1>, vector<16xf32>
      %exp3A_602 = math.exp %select_n3A_601 : vector<16xf32>
      %add3A_603 = arith.constant 48 : i32
      %add3A_604 = arith.addi %add3A_479, %add3A_603 : i32
      %add3A_605 = vector.broadcast %add3A_604 : i32 to vector<16xi32>
      %add3A_606 = arith.addi %add3A_605, %iota3A : vector<16xi32>
      %lt3A_607 = arith.constant 320000 : i32
      %lt3A_608 = vector.broadcast %lt3A_607 : i32 to vector<16xi32>
      %lt3A_609 = arith.cmpi slt, %add3A_606, %lt3A_608 : vector<16xi32>
      %jit3A_610 = arith.constant 0.000000e+00 : f32
      %broadcast_in_dim3A_611 = vector.broadcast %jit3A_610 : f32 to vector<16xf32>
      %select_n3A_612 = arith.select %lt3A_609, %exp3A_602, %broadcast_in_dim3A_611 : vector<16xi1>, vector<16xf32>
      %swap3A_613 = arith.constant 48 : index
      %swap3A_614 = tpu.vector_load %arg23[%swap3A_613] {strides = array<i32>} : memref<128xf32, #tpu.memory_space<vmem>>, vector<16xf32>,
      tpu.vector_store %arg23[%swap3A_613], %select_n3A_612 {strides = array<i32>} : memref<128xf32, #tpu.memory_space<vmem>>, vector<16xf32>,
      %get3A_615 = arith.constant 48 : index
      %get3A_616 = tpu.vector_load %arg17[%get3A_615] {strides = array<i32>} : memref<128xi32, #tpu.memory_space<vmem>>, vector<16xi32>,
      %swap3A_617 = arith.constant 48 : index
      %swap3A_618 = tpu.vector_load %arg25[%swap3A_617] {strides = array<i32>} : memref<128xi32, #tpu.memory_space<vmem>>, vector<16xi32>,
      tpu.vector_store %arg25[%swap3A_617], %get3A_616 {strides = array<i32>} : memref<128xi32, #tpu.memory_space<vmem>>, vector<16xi32>,
      %get3A_619 = arith.constant 64 : index
      %get3A_620 = tpu.vector_load %arg19[%get3A_619] {strides = array<i32>} : memref<128xf32, #tpu.memory_space<vmem>>, vector<16xf32>,
      %get3A_621 = arith.constant 64 : index
      %get3A_622 = tpu.vector_load %arg21[%get3A_621] {strides = array<i32>} : memref<128xf32, #tpu.memory_space<vmem>>, vector<16xf32>,
      %add3A_623 = arith.addf %get3A_620, %get3A_622 : vector<16xf32>
      %ge3A_624 = arith.constant 0.000000e+00 : f32
      %ge3A_625 = vector.broadcast %ge3A_624 : f32 to vector<16xf32>
      %ge3A_626 = arith.cmpf oge, %add3A_623, %ge3A_625 : vector<16xf32>
      %mul3A_627 = arith.constant 2.000000e-01 : f32
      %mul3A_628 = vector.broadcast %mul3A_627 : f32 to vector<16xf32>
      %mul3A_629 = arith.mulf %mul3A_628, %add3A_623 : vector<16xf32>
      %select_n3A_630 = arith.select %ge3A_626, %add3A_623, %mul3A_629 : vector<16xi1>, vector<16xf32>
      %exp3A_631 = math.exp %select_n3A_630 : vector<16xf32>
      %add3A_632 = arith.constant 64 : i32
      %add3A_633 = arith.addi %add3A_479, %add3A_632 : i32
      %add3A_634 = vector.broadcast %add3A_633 : i32 to vector<16xi32>
      %add3A_635 = arith.addi %add3A_634, %iota3A : vector<16xi32>
      %lt3A_636 = arith.constant 320000 : i32
      %lt3A_637 = vector.broadcast %lt3A_636 : i32 to vector<16xi32>
      %lt3A_638 = arith.cmpi slt, %add3A_635, %lt3A_637 : vector<16xi32>
      %jit3A_639 = arith.constant 0.000000e+00 : f32
      %broadcast_in_dim3A_640 = vector.broadcast %jit3A_639 : f32 to vector<16xf32>
      %select_n3A_641 = arith.select %lt3A_638, %exp3A_631, %broadcast_in_dim3A_640 : vector<16xi1>, vector<16xf32>
      %swap3A_642 = arith.constant 64 : index
      %swap3A_643 = tpu.vector_load %arg23[%swap3A_642] {strides = array<i32>} : memref<128xf32, #tpu.memory_space<vmem>>, vector<16xf32>,
      tpu.vector_store %arg23[%swap3A_642], %select_n3A_641 {strides = array<i32>} : memref<128xf32, #tpu.memory_space<vmem>>, vector<16xf32>,
      %get3A_644 = arith.constant 64 : index
      %get3A_645 = tpu.vector_load %arg17[%get3A_644] {strides = array<i32>} : memref<128xi32, #tpu.memory_space<vmem>>, vector<16xi32>,
      %swap3A_646 = arith.constant 64 : index
      %swap3A_647 = tpu.vector_load %arg25[%swap3A_646] {strides = array<i32>} : memref<128xi32, #tpu.memory_space<vmem>>, vector<16xi32>,
      tpu.vector_store %arg25[%swap3A_646], %get3A_645 {strides = array<i32>} : memref<128xi32, #tpu.memory_space<vmem>>, vector<16xi32>,
      %get3A_648 = arith.constant 80 : index
      %get3A_649 = tpu.vector_load %arg19[%get3A_648] {strides = array<i32>} : memref<128xf32, #tpu.memory_space<vmem>>, vector<16xf32>,
      %get3A_650 = arith.constant 80 : index
      %get3A_651 = tpu.vector_load %arg21[%get3A_650] {strides = array<i32>} : memref<128xf32, #tpu.memory_space<vmem>>, vector<16xf32>,
      %add3A_652 = arith.addf %get3A_649, %get3A_651 : vector<16xf32>
      %ge3A_653 = arith.constant 0.000000e+00 : f32
      %ge3A_654 = vector.broadcast %ge3A_653 : f32 to vector<16xf32>
      %ge3A_655 = arith.cmpf oge, %add3A_652, %ge3A_654 : vector<16xf32>
      %mul3A_656 = arith.constant 2.000000e-01 : f32
      %mul3A_657 = vector.broadcast %mul3A_656 : f32 to vector<16xf32>
      %mul3A_658 = arith.mulf %mul3A_657, %add3A_652 : vector<16xf32>
      %select_n3A_659 = arith.select %ge3A_655, %add3A_652, %mul3A_658 : vector<16xi1>, vector<16xf32>
      %exp3A_660 = math.exp %select_n3A_659 : vector<16xf32>
      %add3A_661 = arith.constant 80 : i32
      %add3A_662 = arith.addi %add3A_479, %add3A_661 : i32
      %add3A_663 = vector.broadcast %add3A_662 : i32 to vector<16xi32>
      %add3A_664 = arith.addi %add3A_663, %iota3A : vector<16xi32>
      %lt3A_665 = arith.constant 320000 : i32
      %lt3A_666 = vector.broadcast %lt3A_665 : i32 to vector<16xi32>
      %lt3A_667 = arith.cmpi slt, %add3A_664, %lt3A_666 : vector<16xi32>
      %jit3A_668 = arith.constant 0.000000e+00 : f32
      %broadcast_in_dim3A_669 = vector.broadcast %jit3A_668 : f32 to vector<16xf32>
      %select_n3A_670 = arith.select %lt3A_667, %exp3A_660, %broadcast_in_dim3A_669 : vector<16xi1>, vector<16xf32>
      %swap3A_671 = arith.constant 80 : index
      %swap3A_672 = tpu.vector_load %arg23[%swap3A_671] {strides = array<i32>} : memref<128xf32, #tpu.memory_space<vmem>>, vector<16xf32>,
      tpu.vector_store %arg23[%swap3A_671], %select_n3A_670 {strides = array<i32>} : memref<128xf32, #tpu.memory_space<vmem>>, vector<16xf32>,
      %get3A_673 = arith.constant 80 : index
      %get3A_674 = tpu.vector_load %arg17[%get3A_673] {strides = array<i32>} : memref<128xi32, #tpu.memory_space<vmem>>, vector<16xi32>,
      %swap3A_675 = arith.constant 80 : index
      %swap3A_676 = tpu.vector_load %arg25[%swap3A_675] {strides = array<i32>} : memref<128xi32, #tpu.memory_space<vmem>>, vector<16xi32>,
      tpu.vector_store %arg25[%swap3A_675], %get3A_674 {strides = array<i32>} : memref<128xi32, #tpu.memory_space<vmem>>, vector<16xi32>,
      %get3A_677 = arith.constant 96 : index
      %get3A_678 = tpu.vector_load %arg19[%get3A_677] {strides = array<i32>} : memref<128xf32, #tpu.memory_space<vmem>>, vector<16xf32>,
      %get3A_679 = arith.constant 96 : index
      %get3A_680 = tpu.vector_load %arg21[%get3A_679] {strides = array<i32>} : memref<128xf32, #tpu.memory_space<vmem>>, vector<16xf32>,
      %add3A_681 = arith.addf %get3A_678, %get3A_680 : vector<16xf32>
      %ge3A_682 = arith.constant 0.000000e+00 : f32
      %ge3A_683 = vector.broadcast %ge3A_682 : f32 to vector<16xf32>
      %ge3A_684 = arith.cmpf oge, %add3A_681, %ge3A_683 : vector<16xf32>
      %mul3A_685 = arith.constant 2.000000e-01 : f32
      %mul3A_686 = vector.broadcast %mul3A_685 : f32 to vector<16xf32>
      %mul3A_687 = arith.mulf %mul3A_686, %add3A_681 : vector<16xf32>
      %select_n3A_688 = arith.select %ge3A_684, %add3A_681, %mul3A_687 : vector<16xi1>, vector<16xf32>
      %exp3A_689 = math.exp %select_n3A_688 : vector<16xf32>
      %add3A_690 = arith.constant 96 : i32
      %add3A_691 = arith.addi %add3A_479, %add3A_690 : i32
      %add3A_692 = vector.broadcast %add3A_691 : i32 to vector<16xi32>
      %add3A_693 = arith.addi %add3A_692, %iota3A : vector<16xi32>
      %lt3A_694 = arith.constant 320000 : i32
      %lt3A_695 = vector.broadcast %lt3A_694 : i32 to vector<16xi32>
      %lt3A_696 = arith.cmpi slt, %add3A_693, %lt3A_695 : vector<16xi32>
      %jit3A_697 = arith.constant 0.000000e+00 : f32
      %broadcast_in_dim3A_698 = vector.broadcast %jit3A_697 : f32 to vector<16xf32>
      %select_n3A_699 = arith.select %lt3A_696, %exp3A_689, %broadcast_in_dim3A_698 : vector<16xi1>, vector<16xf32>
      %swap3A_700 = arith.constant 96 : index
      %swap3A_701 = tpu.vector_load %arg23[%swap3A_700] {strides = array<i32>} : memref<128xf32, #tpu.memory_space<vmem>>, vector<16xf32>,
      tpu.vector_store %arg23[%swap3A_700], %select_n3A_699 {strides = array<i32>} : memref<128xf32, #tpu.memory_space<vmem>>, vector<16xf32>,
      %get3A_702 = arith.constant 96 : index
      %get3A_703 = tpu.vector_load %arg17[%get3A_702] {strides = array<i32>} : memref<128xi32, #tpu.memory_space<vmem>>, vector<16xi32>,
      %swap3A_704 = arith.constant 96 : index
      %swap3A_705 = tpu.vector_load %arg25[%swap3A_704] {strides = array<i32>} : memref<128xi32, #tpu.memory_space<vmem>>, vector<16xi32>,
      tpu.vector_store %arg25[%swap3A_704], %get3A_703 {strides = array<i32>} : memref<128xi32, #tpu.memory_space<vmem>>, vector<16xi32>,
      %get3A_706 = arith.constant 112 : index
      %get3A_707 = tpu.vector_load %arg19[%get3A_706] {strides = array<i32>} : memref<128xf32, #tpu.memory_space<vmem>>, vector<16xf32>,
      %get3A_708 = arith.constant 112 : index
      %get3A_709 = tpu.vector_load %arg21[%get3A_708] {strides = array<i32>} : memref<128xf32, #tpu.memory_space<vmem>>, vector<16xf32>,
      %add3A_710 = arith.addf %get3A_707, %get3A_709 : vector<16xf32>
      %ge3A_711 = arith.constant 0.000000e+00 : f32
      %ge3A_712 = vector.broadcast %ge3A_711 : f32 to vector<16xf32>
      %ge3A_713 = arith.cmpf oge, %add3A_710, %ge3A_712 : vector<16xf32>
      %mul3A_714 = arith.constant 2.000000e-01 : f32
      %mul3A_715 = vector.broadcast %mul3A_714 : f32 to vector<16xf32>
      %mul3A_716 = arith.mulf %mul3A_715, %add3A_710 : vector<16xf32>
      %select_n3A_717 = arith.select %ge3A_713, %add3A_710, %mul3A_716 : vector<16xi1>, vector<16xf32>
      %exp3A_718 = math.exp %select_n3A_717 : vector<16xf32>
      %add3A_719 = arith.constant 112 : i32
      %add3A_720 = arith.addi %add3A_479, %add3A_719 : i32
      %add3A_721 = vector.broadcast %add3A_720 : i32 to vector<16xi32>
      %add3A_722 = arith.addi %add3A_721, %iota3A : vector<16xi32>
      %lt3A_723 = arith.constant 320000 : i32
      %lt3A_724 = vector.broadcast %lt3A_723 : i32 to vector<16xi32>
      %lt3A_725 = arith.cmpi slt, %add3A_722, %lt3A_724 : vector<16xi32>
      %jit3A_726 = arith.constant 0.000000e+00 : f32
      %broadcast_in_dim3A_727 = vector.broadcast %jit3A_726 : f32 to vector<16xf32>
      %select_n3A_728 = arith.select %lt3A_725, %exp3A_718, %broadcast_in_dim3A_727 : vector<16xi1>, vector<16xf32>
      %swap3A_729 = arith.constant 112 : index
      %swap3A_730 = tpu.vector_load %arg23[%swap3A_729] {strides = array<i32>} : memref<128xf32, #tpu.memory_space<vmem>>, vector<16xf32>,
      tpu.vector_store %arg23[%swap3A_729], %select_n3A_728 {strides = array<i32>} : memref<128xf32, #tpu.memory_space<vmem>>, vector<16xf32>,
      %get3A_731 = arith.constant 112 : index
      %get3A_732 = tpu.vector_load %arg17[%get3A_731] {strides = array<i32>} : memref<128xi32, #tpu.memory_space<vmem>>, vector<16xi32>,
      %swap3A_733 = arith.constant 112 : index
      %swap3A_734 = tpu.vector_load %arg25[%swap3A_733] {strides = array<i32>} : memref<128xi32, #tpu.memory_space<vmem>>, vector<16xi32>,
      tpu.vector_store %arg25[%swap3A_733], %get3A_732 {strides = array<i32>} : memref<128xi32, #tpu.memory_space<vmem>>, vector<16xi32>,
      %scan3A_735 = arith.constant 0 : i32
      %scan3A_736 = arith.constant 0 : i32
      %scan3A_737 = arith.constant 64 : i32
      %scan3A_738 = arith.addi %scan3A_736, %scan3A_737 : i32
      %scan3A_739 = arith.constant 1 : i32
      scf.for %scan3A_1021 = %scan3A_736 to %scan3A_738 step %scan3A_739  : i32 {
        %mul3A_1022 = arith.constant 2 : i32
        %mul3A_1023 = arith.muli %scan3A_1021, %mul3A_1022 : i32
        %add3A_1024 = arith.constant 0 : i32
        %add3A_1025 = arith.addi %mul3A_1023, %add3A_1024 : i32
        %broadcast_in_dim3A_1026 = vector.broadcast %add3A_1025 : i32 to vector<16xi32>
        %gather3A_1027 = tpu.vector_load_idx %arg23[%broadcast_in_dim3A_1026] : memref<128xf32, #tpu.memory_space<vmem>>[vector<16xi32>], vector<16xf32>,
        %get3A_1028 = arith.index_cast %add3A_1025 : i32 to index
        %get3A_1029 = arith.constant 0 : index
        %get3A_1030 = tpu.vector_load %arg27[%get3A_1028, %get3A_1029] {strides = array<i32>} : memref<128x128xf32, #tpu.memory_space<vmem>>, vector<16xf32>,
        %mul3A_1031 = arith.mulf %get3A_1030, %gather3A_1027 : vector<16xf32>
        %swap3A_1032 = arith.index_cast %add3A_1025 : i32 to index
        %swap3A_1033 = arith.constant 0 : index
        %swap3A_1034 = tpu.vector_load %arg27[%swap3A_1032, %swap3A_1033] {strides = array<i32>} : memref<128x128xf32, #tpu.memory_space<vmem>>, vector<16xf32>,
        tpu.vector_store %arg27[%swap3A_1032, %swap3A_1033], %mul3A_1031 {strides = array<i32>} : memref<128x128xf32, #tpu.memory_space<vmem>>, vector<16xf32>,
        %get3A_1035 = arith.index_cast %add3A_1025 : i32 to index
        %get3A_1036 = arith.constant 16 : index
        %get3A_1037 = tpu.vector_load %arg27[%get3A_1035, %get3A_1036] {strides = array<i32>} : memref<128x128xf32, #tpu.memory_space<vmem>>, vector<16xf32>,
        %mul3A_1038 = arith.mulf %get3A_1037, %gather3A_1027 : vector<16xf32>
        %swap3A_1039 = arith.index_cast %add3A_1025 : i32 to index
        %swap3A_1040 = arith.constant 16 : index
        %swap3A_1041 = tpu.vector_load %arg27[%swap3A_1039, %swap3A_1040] {strides = array<i32>} : memref<128x128xf32, #tpu.memory_space<vmem>>, vector<16xf32>,
        tpu.vector_store %arg27[%swap3A_1039, %swap3A_1040], %mul3A_1038 {strides = array<i32>} : memref<128x128xf32, #tpu.memory_space<vmem>>, vector<16xf32>,
        %get3A_1042 = arith.index_cast %add3A_1025 : i32 to index
        %get3A_1043 = arith.constant 32 : index
        %get3A_1044 = tpu.vector_load %arg27[%get3A_1042, %get3A_1043] {strides = array<i32>} : memref<128x128xf32, #tpu.memory_space<vmem>>, vector<16xf32>,
        %mul3A_1045 = arith.mulf %get3A_1044, %gather3A_1027 : vector<16xf32>
        %swap3A_1046 = arith.index_cast %add3A_1025 : i32 to index
        %swap3A_1047 = arith.constant 32 : index
        %swap3A_1048 = tpu.vector_load %arg27[%swap3A_1046, %swap3A_1047] {strides = array<i32>} : memref<128x128xf32, #tpu.memory_space<vmem>>, vector<16xf32>,
        tpu.vector_store %arg27[%swap3A_1046, %swap3A_1047], %mul3A_1045 {strides = array<i32>} : memref<128x128xf32, #tpu.memory_space<vmem>>, vector<16xf32>,
        %get3A_1049 = arith.index_cast %add3A_1025 : i32 to index
        %get3A_1050 = arith.constant 48 : index
        %get3A_1051 = tpu.vector_load %arg27[%get3A_1049, %get3A_1050] {strides = array<i32>} : memref<128x128xf32, #tpu.memory_space<vmem>>, vector<16xf32>,
        %mul3A_1052 = arith.mulf %get3A_1051, %gather3A_1027 : vector<16xf32>
        %swap3A_1053 = arith.index_cast %add3A_1025 : i32 to index
        %swap3A_1054 = arith.constant 48 : index
        %swap3A_1055 = tpu.vector_load %arg27[%swap3A_1053, %swap3A_1054] {strides = array<i32>} : memref<128x128xf32, #tpu.memory_space<vmem>>, vector<16xf32>,
        tpu.vector_store %arg27[%swap3A_1053, %swap3A_1054], %mul3A_1052 {strides = array<i32>} : memref<128x128xf32, #tpu.memory_space<vmem>>, vector<16xf32>,
        %get3A_1056 = arith.index_cast %add3A_1025 : i32 to index
        %get3A_1057 = arith.constant 64 : index
        %get3A_1058 = tpu.vector_load %arg27[%get3A_1056, %get3A_1057] {strides = array<i32>} : memref<128x128xf32, #tpu.memory_space<vmem>>, vector<16xf32>,
        %mul3A_1059 = arith.mulf %get3A_1058, %gather3A_1027 : vector<16xf32>
        %swap3A_1060 = arith.index_cast %add3A_1025 : i32 to index
        %swap3A_1061 = arith.constant 64 : index
        %swap3A_1062 = tpu.vector_load %arg27[%swap3A_1060, %swap3A_1061] {strides = array<i32>} : memref<128x128xf32, #tpu.memory_space<vmem>>, vector<16xf32>,
        tpu.vector_store %arg27[%swap3A_1060, %swap3A_1061], %mul3A_1059 {strides = array<i32>} : memref<128x128xf32, #tpu.memory_space<vmem>>, vector<16xf32>,
        %get3A_1063 = arith.index_cast %add3A_1025 : i32 to index
        %get3A_1064 = arith.constant 80 : index
        %get3A_1065 = tpu.vector_load %arg27[%get3A_1063, %get3A_1064] {strides = array<i32>} : memref<128x128xf32, #tpu.memory_space<vmem>>, vector<16xf32>,
        %mul3A_1066 = arith.mulf %get3A_1065, %gather3A_1027 : vector<16xf32>
        %swap3A_1067 = arith.index_cast %add3A_1025 : i32 to index
        %swap3A_1068 = arith.constant 80 : index
        %swap3A_1069 = tpu.vector_load %arg27[%swap3A_1067, %swap3A_1068] {strides = array<i32>} : memref<128x128xf32, #tpu.memory_space<vmem>>, vector<16xf32>,
        tpu.vector_store %arg27[%swap3A_1067, %swap3A_1068], %mul3A_1066 {strides = array<i32>} : memref<128x128xf32, #tpu.memory_space<vmem>>, vector<16xf32>,
        %get3A_1070 = arith.index_cast %add3A_1025 : i32 to index
        %get3A_1071 = arith.constant 96 : index
        %get3A_1072 = tpu.vector_load %arg27[%get3A_1070, %get3A_1071] {strides = array<i32>} : memref<128x128xf32, #tpu.memory_space<vmem>>, vector<16xf32>,
        %mul3A_1073 = arith.mulf %get3A_1072, %gather3A_1027 : vector<16xf32>
        %swap3A_1074 = arith.index_cast %add3A_1025 : i32 to index
        %swap3A_1075 = arith.constant 96 : index
        %swap3A_1076 = tpu.vector_load %arg27[%swap3A_1074, %swap3A_1075] {strides = array<i32>} : memref<128x128xf32, #tpu.memory_space<vmem>>, vector<16xf32>,
        tpu.vector_store %arg27[%swap3A_1074, %swap3A_1075], %mul3A_1073 {strides = array<i32>} : memref<128x128xf32, #tpu.memory_space<vmem>>, vector<16xf32>,
        %get3A_1077 = arith.index_cast %add3A_1025 : i32 to index
        %get3A_1078 = arith.constant 112 : index
        %get3A_1079 = tpu.vector_load %arg27[%get3A_1077, %get3A_1078] {strides = array<i32>} : memref<128x128xf32, #tpu.memory_space<vmem>>, vector<16xf32>,
        %mul3A_1080 = arith.mulf %get3A_1079, %gather3A_1027 : vector<16xf32>
        %swap3A_1081 = arith.index_cast %add3A_1025 : i32 to index
        %swap3A_1082 = arith.constant 112 : index
        %swap3A_1083 = tpu.vector_load %arg27[%swap3A_1081, %swap3A_1082] {strides = array<i32>} : memref<128x128xf32, #tpu.memory_space<vmem>>, vector<16xf32>,
        tpu.vector_store %arg27[%swap3A_1081, %swap3A_1082], %mul3A_1080 {strides = array<i32>} : memref<128x128xf32, #tpu.memory_space<vmem>>, vector<16xf32>,
        %mul3A_1084 = arith.constant 2 : i32
        %mul3A_1085 = arith.muli %scan3A_1021, %mul3A_1084 : i32
        %add3A_1086 = arith.constant 1 : i32
        %add3A_1087 = arith.addi %mul3A_1085, %add3A_1086 : i32
        %broadcast_in_dim3A_1088 = vector.broadcast %add3A_1087 : i32 to vector<16xi32>
        %gather3A_1089 = tpu.vector_load_idx %arg23[%broadcast_in_dim3A_1088] : memref<128xf32, #tpu.memory_space<vmem>>[vector<16xi32>], vector<16xf32>,
        %get3A_1090 = arith.index_cast %add3A_1087 : i32 to index
        %get3A_1091 = arith.constant 0 : index
        %get3A_1092 = tpu.vector_load %arg27[%get3A_1090, %get3A_1091] {strides = array<i32>} : memref<128x128xf32, #tpu.memory_space<vmem>>, vector<16xf32>,
        %mul3A_1093 = arith.mulf %get3A_1092, %gather3A_1089 : vector<16xf32>
        %swap3A_1094 = arith.index_cast %add3A_1087 : i32 to index
        %swap3A_1095 = arith.constant 0 : index
        %swap3A_1096 = tpu.vector_load %arg27[%swap3A_1094, %swap3A_1095] {strides = array<i32>} : memref<128x128xf32, #tpu.memory_space<vmem>>, vector<16xf32>,
        tpu.vector_store %arg27[%swap3A_1094, %swap3A_1095], %mul3A_1093 {strides = array<i32>} : memref<128x128xf32, #tpu.memory_space<vmem>>, vector<16xf32>,
        %get3A_1097 = arith.index_cast %add3A_1087 : i32 to index
        %get3A_1098 = arith.constant 16 : index
        %get3A_1099 = tpu.vector_load %arg27[%get3A_1097, %get3A_1098] {strides = array<i32>} : memref<128x128xf32, #tpu.memory_space<vmem>>, vector<16xf32>,
        %mul3A_1100 = arith.mulf %get3A_1099, %gather3A_1089 : vector<16xf32>
        %swap3A_1101 = arith.index_cast %add3A_1087 : i32 to index
        %swap3A_1102 = arith.constant 16 : index
        %swap3A_1103 = tpu.vector_load %arg27[%swap3A_1101, %swap3A_1102] {strides = array<i32>} : memref<128x128xf32, #tpu.memory_space<vmem>>, vector<16xf32>,
        tpu.vector_store %arg27[%swap3A_1101, %swap3A_1102], %mul3A_1100 {strides = array<i32>} : memref<128x128xf32, #tpu.memory_space<vmem>>, vector<16xf32>,
        %get3A_1104 = arith.index_cast %add3A_1087 : i32 to index
        %get3A_1105 = arith.constant 32 : index
        %get3A_1106 = tpu.vector_load %arg27[%get3A_1104, %get3A_1105] {strides = array<i32>} : memref<128x128xf32, #tpu.memory_space<vmem>>, vector<16xf32>,
        %mul3A_1107 = arith.mulf %get3A_1106, %gather3A_1089 : vector<16xf32>
        %swap3A_1108 = arith.index_cast %add3A_1087 : i32 to index
        %swap3A_1109 = arith.constant 32 : index
        %swap3A_1110 = tpu.vector_load %arg27[%swap3A_1108, %swap3A_1109] {strides = array<i32>} : memref<128x128xf32, #tpu.memory_space<vmem>>, vector<16xf32>,
        tpu.vector_store %arg27[%swap3A_1108, %swap3A_1109], %mul3A_1107 {strides = array<i32>} : memref<128x128xf32, #tpu.memory_space<vmem>>, vector<16xf32>,
        %get3A_1111 = arith.index_cast %add3A_1087 : i32 to index
        %get3A_1112 = arith.constant 48 : index
        %get3A_1113 = tpu.vector_load %arg27[%get3A_1111, %get3A_1112] {strides = array<i32>} : memref<128x128xf32, #tpu.memory_space<vmem>>, vector<16xf32>,
        %mul3A_1114 = arith.mulf %get3A_1113, %gather3A_1089 : vector<16xf32>
        %swap3A_1115 = arith.index_cast %add3A_1087 : i32 to index
        %swap3A_1116 = arith.constant 48 : index
        %swap3A_1117 = tpu.vector_load %arg27[%swap3A_1115, %swap3A_1116] {strides = array<i32>} : memref<128x128xf32, #tpu.memory_space<vmem>>, vector<16xf32>,
        tpu.vector_store %arg27[%swap3A_1115, %swap3A_1116], %mul3A_1114 {strides = array<i32>} : memref<128x128xf32, #tpu.memory_space<vmem>>, vector<16xf32>,
        %get3A_1118 = arith.index_cast %add3A_1087 : i32 to index
        %get3A_1119 = arith.constant 64 : index
        %get3A_1120 = tpu.vector_load %arg27[%get3A_1118, %get3A_1119] {strides = array<i32>} : memref<128x128xf32, #tpu.memory_space<vmem>>, vector<16xf32>,
        %mul3A_1121 = arith.mulf %get3A_1120, %gather3A_1089 : vector<16xf32>
        %swap3A_1122 = arith.index_cast %add3A_1087 : i32 to index
        %swap3A_1123 = arith.constant 64 : index
        %swap3A_1124 = tpu.vector_load %arg27[%swap3A_1122, %swap3A_1123] {strides = array<i32>} : memref<128x128xf32, #tpu.memory_space<vmem>>, vector<16xf32>,
        tpu.vector_store %arg27[%swap3A_1122, %swap3A_1123], %mul3A_1121 {strides = array<i32>} : memref<128x128xf32, #tpu.memory_space<vmem>>, vector<16xf32>,
        %get3A_1125 = arith.index_cast %add3A_1087 : i32 to index
        %get3A_1126 = arith.constant 80 : index
        %get3A_1127 = tpu.vector_load %arg27[%get3A_1125, %get3A_1126] {strides = array<i32>} : memref<128x128xf32, #tpu.memory_space<vmem>>, vector<16xf32>,
        %mul3A_1128 = arith.mulf %get3A_1127, %gather3A_1089 : vector<16xf32>
        %swap3A_1129 = arith.index_cast %add3A_1087 : i32 to index
        %swap3A_1130 = arith.constant 80 : index
        %swap3A_1131 = tpu.vector_load %arg27[%swap3A_1129, %swap3A_1130] {strides = array<i32>} : memref<128x128xf32, #tpu.memory_space<vmem>>, vector<16xf32>,
        tpu.vector_store %arg27[%swap3A_1129, %swap3A_1130], %mul3A_1128 {strides = array<i32>} : memref<128x128xf32, #tpu.memory_space<vmem>>, vector<16xf32>,
        %get3A_1132 = arith.index_cast %add3A_1087 : i32 to index
        %get3A_1133 = arith.constant 96 : index
        %get3A_1134 = tpu.vector_load %arg27[%get3A_1132, %get3A_1133] {strides = array<i32>} : memref<128x128xf32, #tpu.memory_space<vmem>>, vector<16xf32>,
        %mul3A_1135 = arith.mulf %get3A_1134, %gather3A_1089 : vector<16xf32>
        %swap3A_1136 = arith.index_cast %add3A_1087 : i32 to index
        %swap3A_1137 = arith.constant 96 : index
        %swap3A_1138 = tpu.vector_load %arg27[%swap3A_1136, %swap3A_1137] {strides = array<i32>} : memref<128x128xf32, #tpu.memory_space<vmem>>, vector<16xf32>,
        tpu.vector_store %arg27[%swap3A_1136, %swap3A_1137], %mul3A_1135 {strides = array<i32>} : memref<128x128xf32, #tpu.memory_space<vmem>>, vector<16xf32>,
        %get3A_1139 = arith.index_cast %add3A_1087 : i32 to index
        %get3A_1140 = arith.constant 112 : index
        %get3A_1141 = tpu.vector_load %arg27[%get3A_1139, %get3A_1140] {strides = array<i32>} : memref<128x128xf32, #tpu.memory_space<vmem>>, vector<16xf32>,
        %mul3A_1142 = arith.mulf %get3A_1141, %gather3A_1089 : vector<16xf32>
        %swap3A_1143 = arith.index_cast %add3A_1087 : i32 to index
        %swap3A_1144 = arith.constant 112 : index
        %swap3A_1145 = tpu.vector_load %arg27[%swap3A_1143, %swap3A_1144] {strides = array<i32>} : memref<128x128xf32, #tpu.memory_space<vmem>>, vector<16xf32>,
        tpu.vector_store %arg27[%swap3A_1143, %swap3A_1144], %mul3A_1142 {strides = array<i32>} : memref<128x128xf32, #tpu.memory_space<vmem>>, vector<16xf32>,
      }
      %scan3A_740 = arith.constant 64 : i32
      %dma_start3A_741 = arith.constant 0 : i32
      %dma_start3A_742 = arith.constant 0 : i32
      %dma_start3A_743 = tpu.memref_slice %arg29[%dma_start3A_741, %dma_start3A_742] : memref<10112x128xf32, #tpu.memory_space<vmem_shared>> -> memref<10112x128xf32, #tpu.memory_space<vmem_shared>>
      tpu.enqueue_indirect_dma source(%arg27 : memref<128x128xf32, #tpu.memory_space<vmem>>) target(%dma_start3A_743 : memref<10112x128xf32, #tpu.memory_space<vmem_shared>>) offsets(%arg25 : memref<128xi32, #tpu.memory_space<vmem>>) semaphore(%arg36 : memref<!tpu.dma_semaphore, #tpu.memory_space<semaphore_mem>>) {add = true}
      %dma_start3A_744 = arith.constant 0 : i32
      %dma_start3A_745 = tpu.memref_slice %arg30[%dma_start3A_744] : memref<10240xf32, #tpu.memory_space<vmem_shared>> -> memref<10240xf32, #tpu.memory_space<vmem_shared>>
      tpu.enqueue_indirect_dma source(%arg23 : memref<128xf32, #tpu.memory_space<vmem>>) target(%dma_start3A_745 : memref<10240xf32, #tpu.memory_space<vmem_shared>>) offsets(%arg25 : memref<128xi32, #tpu.memory_space<vmem>>) semaphore(%arg38 : memref<!tpu.dma_semaphore, #tpu.memory_space<semaphore_mem>>) {add = true}
      %mul3A_746 = arith.constant 2 : i32
      %mul3A_747 = arith.muli %while3A_474, %mul3A_746 : i32
      %add3A_748 = arith.constant 1 : i32
      %add3A_749 = arith.addi %mul3A_747, %add3A_748 : i32
      %mul3A_750 = arith.constant 128 : i32
      %mul3A_751 = arith.muli %add3A_749, %mul3A_750 : i32
      %add3A_752 = arith.addi %select_n3A_71, %mul3A_751 : i32
      %mul3A_753 = arith.constant 16 : i32
      %mul3A_754 = arith.muli %add3A_749, %mul3A_753 : i32
      %add3A_755 = arith.addi %select_n3A_82, %mul3A_754 : i32
      %sub3A_756 = arith.constant 1 : i32
      %sub3A_757 = arith.subi %select_n3A, %sub3A_756 : i32
      %lt3A_758 = arith.cmpi slt, %add3A_749, %sub3A_757 : i32
      %convert_element_type3A_759 = arith.extui %lt3A_758 : i1 to i32
      %cond3A_760 = arith.constant 0 : i32
      %cond3A_761 = arith.cmpi ne, %convert_element_type3A_759, %cond3A_760 : i32
      scf.if %cond3A_761 {
        %add3A_1021 = arith.constant 128 : i32
        %add3A_1022 = arith.addi %add3A_752, %add3A_1021 : i32
        %dma_wait3A_1023 = arith.constant 0 : i32
        %dma_wait3A_1024 = tpu.memref_slice %arg3[%dma_wait3A_1023, %add3A_1022] : memref<2x327680xi32, #tpu.memory_space<hbm>> -> memref<2x128xi32, #tpu.memory_space<hbm>>
        %dma_wait3A_1025 = arith.constant 0 : i32
        %dma_wait3A_1026 = tpu.memref_slice %arg3[%dma_wait3A_1025, %add3A_1022] : memref<2x327680xi32, #tpu.memory_space<hbm>> -> memref<2x128xi32, #tpu.memory_space<hbm>>
        tpu.wait_dma2 semaphore(%arg31 : memref<!tpu.dma_semaphore, #tpu.memory_space<semaphore_mem>>) src(%dma_wait3A_1026 : memref<2x128xi32, #tpu.memory_space<hbm>>) dst(%arg11 : memref<2x128xi32, #tpu.memory_space<vmem>>)
        %add3A_1027 = arith.constant 16 : i32
        %add3A_1028 = arith.addi %add3A_755, %add3A_1027 : i32
        %dma_wait3A_1029 = arith.constant 0 : i32
        %dma_wait3A_1030 = tpu.memref_slice %arg4[%add3A_1028, %dma_wait3A_1029] : memref<40960x24xf32, #tpu.memory_space<hbm>> -> memref<16x24xf32, #tpu.memory_space<hbm>>
        %dma_wait3A_1031 = arith.constant 0 : i32
        %dma_wait3A_1032 = tpu.memref_slice %arg4[%add3A_1028, %dma_wait3A_1031] : memref<40960x24xf32, #tpu.memory_space<hbm>> -> memref<16x24xf32, #tpu.memory_space<hbm>>
        tpu.wait_dma2 semaphore(%arg31 : memref<!tpu.dma_semaphore, #tpu.memory_space<semaphore_mem>>) src(%dma_wait3A_1032 : memref<16x24xf32, #tpu.memory_space<hbm>>) dst(%arg13 : memref<16x24xf32, #tpu.memory_space<vmem>>)
        %add3A_1033 = arith.constant 128 : i32
        %add3A_1034 = arith.addi %add3A_752, %add3A_1033 : i32
        %get3A_1035 = arith.constant 0 : i32
        %get3A_1036 = arith.index_cast %get3A_1035 : i32 to index
        %get3A_1037 = arith.constant 0 : index
        %get3A_1038 = tpu.vector_load %arg11[%get3A_1036, %get3A_1037] {strides = array<i32>} : memref<2x128xi32, #tpu.memory_space<vmem>>, vector<16xi32>,
        %get3A_1039 = arith.constant 1 : i32
        %get3A_1040 = arith.index_cast %get3A_1039 : i32 to index
        %get3A_1041 = arith.constant 0 : index
        %get3A_1042 = tpu.vector_load %arg11[%get3A_1040, %get3A_1041] {strides = array<i32>} : memref<2x128xi32, #tpu.memory_space<vmem>>, vector<16xi32>,
        %gather3A_1043 = tpu.vector_load_idx %arg10[%get3A_1042] : memref<10000xi32, #tpu.memory_space<vmem>>[vector<16xi32>], vector<16xi32>,
        %and3A_1044 = arith.constant 3 : i32
        %and3A_1045 = vector.broadcast %and3A_1044 : i32 to vector<16xi32>
        %and3A_1046 = arith.andi %gather3A_1043, %and3A_1045 : vector<16xi32>
        %and3A_1047 = arith.constant -4 : i32
        %and3A_1048 = vector.broadcast %and3A_1047 : i32 to vector<16xi32>
        %and3A_1049 = arith.andi %gather3A_1043, %and3A_1048 : vector<16xi32>
        %bitcast3A_1050 = vector.bitcast %and3A_1049 : vector<16xi32> to vector<16xf32>
        %add3A_1051 = arith.constant 0 : i32
        %add3A_1052 = vector.broadcast %add3A_1051 : i32 to vector<16xi32>
        %add3A_1053 = arith.addi %select_n3A_130, %add3A_1052 : vector<16xi32>
        %mul3A_1054 = arith.constant 8 : i32
        %mul3A_1055 = vector.broadcast %mul3A_1054 : i32 to vector<16xi32>
        %mul3A_1056 = arith.muli %and3A_1046, %mul3A_1055 : vector<16xi32>
        %add3A_1057 = arith.addi %mul3A_1056, %select_n3A_101 : vector<16xi32>
        %gather3A_1058 = tpu.vector_load_idx %arg13[%add3A_1053, %add3A_1057] : memref<16x24xf32, #tpu.memory_space<vmem>>[vector<16xi32>, vector<16xi32>], vector<16xf32>,
        %mul3A_1059 = arith.constant 10000 : i32
        %mul3A_1060 = vector.broadcast %mul3A_1059 : i32 to vector<16xi32>
        %mul3A_1061 = arith.muli %and3A_1046, %mul3A_1060 : vector<16xi32>
        %add3A_1062 = arith.addi %mul3A_1061, %get3A_1038 : vector<16xi32>
        %swap3A_1063 = arith.constant 0 : index
        %swap3A_1064 = tpu.vector_load %arg15[%swap3A_1063] {strides = array<i32>} : memref<128xi32, #tpu.memory_space<vmem>>, vector<16xi32>,
        tpu.vector_store %arg15[%swap3A_1063], %add3A_1062 {strides = array<i32>} : memref<128xi32, #tpu.memory_space<vmem>>, vector<16xi32>,
        %swap3A_1065 = arith.constant 0 : index
        %swap3A_1066 = tpu.vector_load %arg17[%swap3A_1065] {strides = array<i32>} : memref<128xi32, #tpu.memory_space<vmem>>, vector<16xi32>,
        tpu.vector_store %arg17[%swap3A_1065], %get3A_1042 {strides = array<i32>} : memref<128xi32, #tpu.memory_space<vmem>>, vector<16xi32>,
        %add3A_1067 = arith.addf %bitcast3A_1050, %gather3A_1058 : vector<16xf32>
        %swap3A_1068 = arith.constant 0 : index
        %swap3A_1069 = tpu.vector_load %arg19[%swap3A_1068] {strides = array<i32>} : memref<128xf32, #tpu.memory_space<vmem>>, vector<16xf32>,
        tpu.vector_store %arg19[%swap3A_1068], %add3A_1067 {strides = array<i32>} : memref<128xf32, #tpu.memory_space<vmem>>, vector<16xf32>,
        %get3A_1070 = arith.constant 0 : i32
        %get3A_1071 = arith.index_cast %get3A_1070 : i32 to index
        %get3A_1072 = arith.constant 16 : index
        %get3A_1073 = tpu.vector_load %arg11[%get3A_1071, %get3A_1072] {strides = array<i32>} : memref<2x128xi32, #tpu.memory_space<vmem>>, vector<16xi32>,
        %get3A_1074 = arith.constant 1 : i32
        %get3A_1075 = arith.index_cast %get3A_1074 : i32 to index
        %get3A_1076 = arith.constant 16 : index
        %get3A_1077 = tpu.vector_load %arg11[%get3A_1075, %get3A_1076] {strides = array<i32>} : memref<2x128xi32, #tpu.memory_space<vmem>>, vector<16xi32>,
        %gather3A_1078 = tpu.vector_load_idx %arg10[%get3A_1077] : memref<10000xi32, #tpu.memory_space<vmem>>[vector<16xi32>], vector<16xi32>,
        %and3A_1079 = arith.constant 3 : i32
        %and3A_1080 = vector.broadcast %and3A_1079 : i32 to vector<16xi32>
        %and3A_1081 = arith.andi %gather3A_1078, %and3A_1080 : vector<16xi32>
        %and3A_1082 = arith.constant -4 : i32
        %and3A_1083 = vector.broadcast %and3A_1082 : i32 to vector<16xi32>
        %and3A_1084 = arith.andi %gather3A_1078, %and3A_1083 : vector<16xi32>
        %bitcast3A_1085 = vector.bitcast %and3A_1084 : vector<16xi32> to vector<16xf32>
        %add3A_1086 = arith.constant 2 : i32
        %add3A_1087 = vector.broadcast %add3A_1086 : i32 to vector<16xi32>
        %add3A_1088 = arith.addi %select_n3A_130, %add3A_1087 : vector<16xi32>
        %mul3A_1089 = arith.constant 8 : i32
        %mul3A_1090 = vector.broadcast %mul3A_1089 : i32 to vector<16xi32>
        %mul3A_1091 = arith.muli %and3A_1081, %mul3A_1090 : vector<16xi32>
        %add3A_1092 = arith.addi %mul3A_1091, %select_n3A_101 : vector<16xi32>
        %gather3A_1093 = tpu.vector_load_idx %arg13[%add3A_1088, %add3A_1092] : memref<16x24xf32, #tpu.memory_space<vmem>>[vector<16xi32>, vector<16xi32>], vector<16xf32>,
        %mul3A_1094 = arith.constant 10000 : i32
        %mul3A_1095 = vector.broadcast %mul3A_1094 : i32 to vector<16xi32>
        %mul3A_1096 = arith.muli %and3A_1081, %mul3A_1095 : vector<16xi32>
        %add3A_1097 = arith.addi %mul3A_1096, %get3A_1073 : vector<16xi32>
        %swap3A_1098 = arith.constant 16 : index
        %swap3A_1099 = tpu.vector_load %arg15[%swap3A_1098] {strides = array<i32>} : memref<128xi32, #tpu.memory_space<vmem>>, vector<16xi32>,
        tpu.vector_store %arg15[%swap3A_1098], %add3A_1097 {strides = array<i32>} : memref<128xi32, #tpu.memory_space<vmem>>, vector<16xi32>,
        %swap3A_1100 = arith.constant 16 : index
        %swap3A_1101 = tpu.vector_load %arg17[%swap3A_1100] {strides = array<i32>} : memref<128xi32, #tpu.memory_space<vmem>>, vector<16xi32>,
        tpu.vector_store %arg17[%swap3A_1100], %get3A_1077 {strides = array<i32>} : memref<128xi32, #tpu.memory_space<vmem>>, vector<16xi32>,
        %add3A_1102 = arith.addf %bitcast3A_1085, %gather3A_1093 : vector<16xf32>
        %swap3A_1103 = arith.constant 16 : index
        %swap3A_1104 = tpu.vector_load %arg19[%swap3A_1103] {strides = array<i32>} : memref<128xf32, #tpu.memory_space<vmem>>, vector<16xf32>,
        tpu.vector_store %arg19[%swap3A_1103], %add3A_1102 {strides = array<i32>} : memref<128xf32, #tpu.memory_space<vmem>>, vector<16xf32>,
        %get3A_1105 = arith.constant 0 : i32
        %get3A_1106 = arith.index_cast %get3A_1105 : i32 to index
        %get3A_1107 = arith.constant 32 : index
        %get3A_1108 = tpu.vector_load %arg11[%get3A_1106, %get3A_1107] {strides = array<i32>} : memref<2x128xi32, #tpu.memory_space<vmem>>, vector<16xi32>,
        %get3A_1109 = arith.constant 1 : i32
        %get3A_1110 = arith.index_cast %get3A_1109 : i32 to index
        %get3A_1111 = arith.constant 32 : index
        %get3A_1112 = tpu.vector_load %arg11[%get3A_1110, %get3A_1111] {strides = array<i32>} : memref<2x128xi32, #tpu.memory_space<vmem>>, vector<16xi32>,
        %gather3A_1113 = tpu.vector_load_idx %arg10[%get3A_1112] : memref<10000xi32, #tpu.memory_space<vmem>>[vector<16xi32>], vector<16xi32>,
        %and3A_1114 = arith.constant 3 : i32
        %and3A_1115 = vector.broadcast %and3A_1114 : i32 to vector<16xi32>
        %and3A_1116 = arith.andi %gather3A_1113, %and3A_1115 : vector<16xi32>
        %and3A_1117 = arith.constant -4 : i32
        %and3A_1118 = vector.broadcast %and3A_1117 : i32 to vector<16xi32>
        %and3A_1119 = arith.andi %gather3A_1113, %and3A_1118 : vector<16xi32>
        %bitcast3A_1120 = vector.bitcast %and3A_1119 : vector<16xi32> to vector<16xf32>
        %add3A_1121 = arith.constant 4 : i32
        %add3A_1122 = vector.broadcast %add3A_1121 : i32 to vector<16xi32>
        %add3A_1123 = arith.addi %select_n3A_130, %add3A_1122 : vector<16xi32>
        %mul3A_1124 = arith.constant 8 : i32
        %mul3A_1125 = vector.broadcast %mul3A_1124 : i32 to vector<16xi32>
        %mul3A_1126 = arith.muli %and3A_1116, %mul3A_1125 : vector<16xi32>
        %add3A_1127 = arith.addi %mul3A_1126, %select_n3A_101 : vector<16xi32>
        %gather3A_1128 = tpu.vector_load_idx %arg13[%add3A_1123, %add3A_1127] : memref<16x24xf32, #tpu.memory_space<vmem>>[vector<16xi32>, vector<16xi32>], vector<16xf32>,
        %mul3A_1129 = arith.constant 10000 : i32
        %mul3A_1130 = vector.broadcast %mul3A_1129 : i32 to vector<16xi32>
        %mul3A_1131 = arith.muli %and3A_1116, %mul3A_1130 : vector<16xi32>
        %add3A_1132 = arith.addi %mul3A_1131, %get3A_1108 : vector<16xi32>
        %swap3A_1133 = arith.constant 32 : index
        %swap3A_1134 = tpu.vector_load %arg15[%swap3A_1133] {strides = array<i32>} : memref<128xi32, #tpu.memory_space<vmem>>, vector<16xi32>,
        tpu.vector_store %arg15[%swap3A_1133], %add3A_1132 {strides = array<i32>} : memref<128xi32, #tpu.memory_space<vmem>>, vector<16xi32>,
        %swap3A_1135 = arith.constant 32 : index
        %swap3A_1136 = tpu.vector_load %arg17[%swap3A_1135] {strides = array<i32>} : memref<128xi32, #tpu.memory_space<vmem>>, vector<16xi32>,
        tpu.vector_store %arg17[%swap3A_1135], %get3A_1112 {strides = array<i32>} : memref<128xi32, #tpu.memory_space<vmem>>, vector<16xi32>,
        %add3A_1137 = arith.addf %bitcast3A_1120, %gather3A_1128 : vector<16xf32>
        %swap3A_1138 = arith.constant 32 : index
        %swap3A_1139 = tpu.vector_load %arg19[%swap3A_1138] {strides = array<i32>} : memref<128xf32, #tpu.memory_space<vmem>>, vector<16xf32>,
        tpu.vector_store %arg19[%swap3A_1138], %add3A_1137 {strides = array<i32>} : memref<128xf32, #tpu.memory_space<vmem>>, vector<16xf32>,
        %get3A_1140 = arith.constant 0 : i32
        %get3A_1141 = arith.index_cast %get3A_1140 : i32 to index
        %get3A_1142 = arith.constant 48 : index
        %get3A_1143 = tpu.vector_load %arg11[%get3A_1141, %get3A_1142] {strides = array<i32>} : memref<2x128xi32, #tpu.memory_space<vmem>>, vector<16xi32>,
        %get3A_1144 = arith.constant 1 : i32
        %get3A_1145 = arith.index_cast %get3A_1144 : i32 to index
        %get3A_1146 = arith.constant 48 : index
        %get3A_1147 = tpu.vector_load %arg11[%get3A_1145, %get3A_1146] {strides = array<i32>} : memref<2x128xi32, #tpu.memory_space<vmem>>, vector<16xi32>,
        %gather3A_1148 = tpu.vector_load_idx %arg10[%get3A_1147] : memref<10000xi32, #tpu.memory_space<vmem>>[vector<16xi32>], vector<16xi32>,
        %and3A_1149 = arith.constant 3 : i32
        %and3A_1150 = vector.broadcast %and3A_1149 : i32 to vector<16xi32>
        %and3A_1151 = arith.andi %gather3A_1148, %and3A_1150 : vector<16xi32>
        %and3A_1152 = arith.constant -4 : i32
        %and3A_1153 = vector.broadcast %and3A_1152 : i32 to vector<16xi32>
        %and3A_1154 = arith.andi %gather3A_1148, %and3A_1153 : vector<16xi32>
        %bitcast3A_1155 = vector.bitcast %and3A_1154 : vector<16xi32> to vector<16xf32>
        %add3A_1156 = arith.constant 6 : i32
        %add3A_1157 = vector.broadcast %add3A_1156 : i32 to vector<16xi32>
        %add3A_1158 = arith.addi %select_n3A_130, %add3A_1157 : vector<16xi32>
        %mul3A_1159 = arith.constant 8 : i32
        %mul3A_1160 = vector.broadcast %mul3A_1159 : i32 to vector<16xi32>
        %mul3A_1161 = arith.muli %and3A_1151, %mul3A_1160 : vector<16xi32>
        %add3A_1162 = arith.addi %mul3A_1161, %select_n3A_101 : vector<16xi32>
        %gather3A_1163 = tpu.vector_load_idx %arg13[%add3A_1158, %add3A_1162] : memref<16x24xf32, #tpu.memory_space<vmem>>[vector<16xi32>, vector<16xi32>], vector<16xf32>,
        %mul3A_1164 = arith.constant 10000 : i32
        %mul3A_1165 = vector.broadcast %mul3A_1164 : i32 to vector<16xi32>
        %mul3A_1166 = arith.muli %and3A_1151, %mul3A_1165 : vector<16xi32>
        %add3A_1167 = arith.addi %mul3A_1166, %get3A_1143 : vector<16xi32>
        %swap3A_1168 = arith.constant 48 : index
        %swap3A_1169 = tpu.vector_load %arg15[%swap3A_1168] {strides = array<i32>} : memref<128xi32, #tpu.memory_space<vmem>>, vector<16xi32>,
        tpu.vector_store %arg15[%swap3A_1168], %add3A_1167 {strides = array<i32>} : memref<128xi32, #tpu.memory_space<vmem>>, vector<16xi32>,
        %swap3A_1170 = arith.constant 48 : index
        %swap3A_1171 = tpu.vector_load %arg17[%swap3A_1170] {strides = array<i32>} : memref<128xi32, #tpu.memory_space<vmem>>, vector<16xi32>,
        tpu.vector_store %arg17[%swap3A_1170], %get3A_1147 {strides = array<i32>} : memref<128xi32, #tpu.memory_space<vmem>>, vector<16xi32>,
        %add3A_1172 = arith.addf %bitcast3A_1155, %gather3A_1163 : vector<16xf32>
        %swap3A_1173 = arith.constant 48 : index
        %swap3A_1174 = tpu.vector_load %arg19[%swap3A_1173] {strides = array<i32>} : memref<128xf32, #tpu.memory_space<vmem>>, vector<16xf32>,
        tpu.vector_store %arg19[%swap3A_1173], %add3A_1172 {strides = array<i32>} : memref<128xf32, #tpu.memory_space<vmem>>, vector<16xf32>,
        %get3A_1175 = arith.constant 0 : i32
        %get3A_1176 = arith.index_cast %get3A_1175 : i32 to index
        %get3A_1177 = arith.constant 64 : index
        %get3A_1178 = tpu.vector_load %arg11[%get3A_1176, %get3A_1177] {strides = array<i32>} : memref<2x128xi32, #tpu.memory_space<vmem>>, vector<16xi32>,
        %get3A_1179 = arith.constant 1 : i32
        %get3A_1180 = arith.index_cast %get3A_1179 : i32 to index
        %get3A_1181 = arith.constant 64 : index
        %get3A_1182 = tpu.vector_load %arg11[%get3A_1180, %get3A_1181] {strides = array<i32>} : memref<2x128xi32, #tpu.memory_space<vmem>>, vector<16xi32>,
        %gather3A_1183 = tpu.vector_load_idx %arg10[%get3A_1182] : memref<10000xi32, #tpu.memory_space<vmem>>[vector<16xi32>], vector<16xi32>,
        %and3A_1184 = arith.constant 3 : i32
        %and3A_1185 = vector.broadcast %and3A_1184 : i32 to vector<16xi32>
        %and3A_1186 = arith.andi %gather3A_1183, %and3A_1185 : vector<16xi32>
        %and3A_1187 = arith.constant -4 : i32
        %and3A_1188 = vector.broadcast %and3A_1187 : i32 to vector<16xi32>
        %and3A_1189 = arith.andi %gather3A_1183, %and3A_1188 : vector<16xi32>
        %bitcast3A_1190 = vector.bitcast %and3A_1189 : vector<16xi32> to vector<16xf32>
        %add3A_1191 = arith.constant 8 : i32
        %add3A_1192 = vector.broadcast %add3A_1191 : i32 to vector<16xi32>
        %add3A_1193 = arith.addi %select_n3A_130, %add3A_1192 : vector<16xi32>
        %mul3A_1194 = arith.constant 8 : i32
        %mul3A_1195 = vector.broadcast %mul3A_1194 : i32 to vector<16xi32>
        %mul3A_1196 = arith.muli %and3A_1186, %mul3A_1195 : vector<16xi32>
        %add3A_1197 = arith.addi %mul3A_1196, %select_n3A_101 : vector<16xi32>
        %gather3A_1198 = tpu.vector_load_idx %arg13[%add3A_1193, %add3A_1197] : memref<16x24xf32, #tpu.memory_space<vmem>>[vector<16xi32>, vector<16xi32>], vector<16xf32>,
        %mul3A_1199 = arith.constant 10000 : i32
        %mul3A_1200 = vector.broadcast %mul3A_1199 : i32 to vector<16xi32>
        %mul3A_1201 = arith.muli %and3A_1186, %mul3A_1200 : vector<16xi32>
        %add3A_1202 = arith.addi %mul3A_1201, %get3A_1178 : vector<16xi32>
        %swap3A_1203 = arith.constant 64 : index
        %swap3A_1204 = tpu.vector_load %arg15[%swap3A_1203] {strides = array<i32>} : memref<128xi32, #tpu.memory_space<vmem>>, vector<16xi32>,
        tpu.vector_store %arg15[%swap3A_1203], %add3A_1202 {strides = array<i32>} : memref<128xi32, #tpu.memory_space<vmem>>, vector<16xi32>,
        %swap3A_1205 = arith.constant 64 : index
        %swap3A_1206 = tpu.vector_load %arg17[%swap3A_1205] {strides = array<i32>} : memref<128xi32, #tpu.memory_space<vmem>>, vector<16xi32>,
        tpu.vector_store %arg17[%swap3A_1205], %get3A_1182 {strides = array<i32>} : memref<128xi32, #tpu.memory_space<vmem>>, vector<16xi32>,
        %add3A_1207 = arith.addf %bitcast3A_1190, %gather3A_1198 : vector<16xf32>
        %swap3A_1208 = arith.constant 64 : index
        %swap3A_1209 = tpu.vector_load %arg19[%swap3A_1208] {strides = array<i32>} : memref<128xf32, #tpu.memory_space<vmem>>, vector<16xf32>,
        tpu.vector_store %arg19[%swap3A_1208], %add3A_1207 {strides = array<i32>} : memref<128xf32, #tpu.memory_space<vmem>>, vector<16xf32>,
        %get3A_1210 = arith.constant 0 : i32
        %get3A_1211 = arith.index_cast %get3A_1210 : i32 to index
        %get3A_1212 = arith.constant 80 : index
        %get3A_1213 = tpu.vector_load %arg11[%get3A_1211, %get3A_1212] {strides = array<i32>} : memref<2x128xi32, #tpu.memory_space<vmem>>, vector<16xi32>,
        %get3A_1214 = arith.constant 1 : i32
        %get3A_1215 = arith.index_cast %get3A_1214 : i32 to index
        %get3A_1216 = arith.constant 80 : index
        %get3A_1217 = tpu.vector_load %arg11[%get3A_1215, %get3A_1216] {strides = array<i32>} : memref<2x128xi32, #tpu.memory_space<vmem>>, vector<16xi32>,
        %gather3A_1218 = tpu.vector_load_idx %arg10[%get3A_1217] : memref<10000xi32, #tpu.memory_space<vmem>>[vector<16xi32>], vector<16xi32>,
        %and3A_1219 = arith.constant 3 : i32
        %and3A_1220 = vector.broadcast %and3A_1219 : i32 to vector<16xi32>
        %and3A_1221 = arith.andi %gather3A_1218, %and3A_1220 : vector<16xi32>
        %and3A_1222 = arith.constant -4 : i32
        %and3A_1223 = vector.broadcast %and3A_1222 : i32 to vector<16xi32>
        %and3A_1224 = arith.andi %gather3A_1218, %and3A_1223 : vector<16xi32>
        %bitcast3A_1225 = vector.bitcast %and3A_1224 : vector<16xi32> to vector<16xf32>
        %add3A_1226 = arith.constant 10 : i32
        %add3A_1227 = vector.broadcast %add3A_1226 : i32 to vector<16xi32>
        %add3A_1228 = arith.addi %select_n3A_130, %add3A_1227 : vector<16xi32>
        %mul3A_1229 = arith.constant 8 : i32
        %mul3A_1230 = vector.broadcast %mul3A_1229 : i32 to vector<16xi32>
        %mul3A_1231 = arith.muli %and3A_1221, %mul3A_1230 : vector<16xi32>
        %add3A_1232 = arith.addi %mul3A_1231, %select_n3A_101 : vector<16xi32>
        %gather3A_1233 = tpu.vector_load_idx %arg13[%add3A_1228, %add3A_1232] : memref<16x24xf32, #tpu.memory_space<vmem>>[vector<16xi32>, vector<16xi32>], vector<16xf32>,
        %mul3A_1234 = arith.constant 10000 : i32
        %mul3A_1235 = vector.broadcast %mul3A_1234 : i32 to vector<16xi32>
        %mul3A_1236 = arith.muli %and3A_1221, %mul3A_1235 : vector<16xi32>
        %add3A_1237 = arith.addi %mul3A_1236, %get3A_1213 : vector<16xi32>
        %swap3A_1238 = arith.constant 80 : index
        %swap3A_1239 = tpu.vector_load %arg15[%swap3A_1238] {strides = array<i32>} : memref<128xi32, #tpu.memory_space<vmem>>, vector<16xi32>,
        tpu.vector_store %arg15[%swap3A_1238], %add3A_1237 {strides = array<i32>} : memref<128xi32, #tpu.memory_space<vmem>>, vector<16xi32>,
        %swap3A_1240 = arith.constant 80 : index
        %swap3A_1241 = tpu.vector_load %arg17[%swap3A_1240] {strides = array<i32>} : memref<128xi32, #tpu.memory_space<vmem>>, vector<16xi32>,
        tpu.vector_store %arg17[%swap3A_1240], %get3A_1217 {strides = array<i32>} : memref<128xi32, #tpu.memory_space<vmem>>, vector<16xi32>,
        %add3A_1242 = arith.addf %bitcast3A_1225, %gather3A_1233 : vector<16xf32>
        %swap3A_1243 = arith.constant 80 : index
        %swap3A_1244 = tpu.vector_load %arg19[%swap3A_1243] {strides = array<i32>} : memref<128xf32, #tpu.memory_space<vmem>>, vector<16xf32>,
        tpu.vector_store %arg19[%swap3A_1243], %add3A_1242 {strides = array<i32>} : memref<128xf32, #tpu.memory_space<vmem>>, vector<16xf32>,
        %get3A_1245 = arith.constant 0 : i32
        %get3A_1246 = arith.index_cast %get3A_1245 : i32 to index
        %get3A_1247 = arith.constant 96 : index
        %get3A_1248 = tpu.vector_load %arg11[%get3A_1246, %get3A_1247] {strides = array<i32>} : memref<2x128xi32, #tpu.memory_space<vmem>>, vector<16xi32>,
        %get3A_1249 = arith.constant 1 : i32
        %get3A_1250 = arith.index_cast %get3A_1249 : i32 to index
        %get3A_1251 = arith.constant 96 : index
        %get3A_1252 = tpu.vector_load %arg11[%get3A_1250, %get3A_1251] {strides = array<i32>} : memref<2x128xi32, #tpu.memory_space<vmem>>, vector<16xi32>,
        %gather3A_1253 = tpu.vector_load_idx %arg10[%get3A_1252] : memref<10000xi32, #tpu.memory_space<vmem>>[vector<16xi32>], vector<16xi32>,
        %and3A_1254 = arith.constant 3 : i32
        %and3A_1255 = vector.broadcast %and3A_1254 : i32 to vector<16xi32>
        %and3A_1256 = arith.andi %gather3A_1253, %and3A_1255 : vector<16xi32>
        %and3A_1257 = arith.constant -4 : i32
        %and3A_1258 = vector.broadcast %and3A_1257 : i32 to vector<16xi32>
        %and3A_1259 = arith.andi %gather3A_1253, %and3A_1258 : vector<16xi32>
        %bitcast3A_1260 = vector.bitcast %and3A_1259 : vector<16xi32> to vector<16xf32>
        %add3A_1261 = arith.constant 12 : i32
        %add3A_1262 = vector.broadcast %add3A_1261 : i32 to vector<16xi32>
        %add3A_1263 = arith.addi %select_n3A_130, %add3A_1262 : vector<16xi32>
        %mul3A_1264 = arith.constant 8 : i32
        %mul3A_1265 = vector.broadcast %mul3A_1264 : i32 to vector<16xi32>
        %mul3A_1266 = arith.muli %and3A_1256, %mul3A_1265 : vector<16xi32>
        %add3A_1267 = arith.addi %mul3A_1266, %select_n3A_101 : vector<16xi32>
        %gather3A_1268 = tpu.vector_load_idx %arg13[%add3A_1263, %add3A_1267] : memref<16x24xf32, #tpu.memory_space<vmem>>[vector<16xi32>, vector<16xi32>], vector<16xf32>,
        %mul3A_1269 = arith.constant 10000 : i32
        %mul3A_1270 = vector.broadcast %mul3A_1269 : i32 to vector<16xi32>
        %mul3A_1271 = arith.muli %and3A_1256, %mul3A_1270 : vector<16xi32>
        %add3A_1272 = arith.addi %mul3A_1271, %get3A_1248 : vector<16xi32>
        %swap3A_1273 = arith.constant 96 : index
        %swap3A_1274 = tpu.vector_load %arg15[%swap3A_1273] {strides = array<i32>} : memref<128xi32, #tpu.memory_space<vmem>>, vector<16xi32>,
        tpu.vector_store %arg15[%swap3A_1273], %add3A_1272 {strides = array<i32>} : memref<128xi32, #tpu.memory_space<vmem>>, vector<16xi32>,
        %swap3A_1275 = arith.constant 96 : index
        %swap3A_1276 = tpu.vector_load %arg17[%swap3A_1275] {strides = array<i32>} : memref<128xi32, #tpu.memory_space<vmem>>, vector<16xi32>,
        tpu.vector_store %arg17[%swap3A_1275], %get3A_1252 {strides = array<i32>} : memref<128xi32, #tpu.memory_space<vmem>>, vector<16xi32>,
        %add3A_1277 = arith.addf %bitcast3A_1260, %gather3A_1268 : vector<16xf32>
        %swap3A_1278 = arith.constant 96 : index
        %swap3A_1279 = tpu.vector_load %arg19[%swap3A_1278] {strides = array<i32>} : memref<128xf32, #tpu.memory_space<vmem>>, vector<16xf32>,
        tpu.vector_store %arg19[%swap3A_1278], %add3A_1277 {strides = array<i32>} : memref<128xf32, #tpu.memory_space<vmem>>, vector<16xf32>,
        %get3A_1280 = arith.constant 0 : i32
        %get3A_1281 = arith.index_cast %get3A_1280 : i32 to index
        %get3A_1282 = arith.constant 112 : index
        %get3A_1283 = tpu.vector_load %arg11[%get3A_1281, %get3A_1282] {strides = array<i32>} : memref<2x128xi32, #tpu.memory_space<vmem>>, vector<16xi32>,
        %get3A_1284 = arith.constant 1 : i32
        %get3A_1285 = arith.index_cast %get3A_1284 : i32 to index
        %get3A_1286 = arith.constant 112 : index
        %get3A_1287 = tpu.vector_load %arg11[%get3A_1285, %get3A_1286] {strides = array<i32>} : memref<2x128xi32, #tpu.memory_space<vmem>>, vector<16xi32>,
        %gather3A_1288 = tpu.vector_load_idx %arg10[%get3A_1287] : memref<10000xi32, #tpu.memory_space<vmem>>[vector<16xi32>], vector<16xi32>,
        %and3A_1289 = arith.constant 3 : i32
        %and3A_1290 = vector.broadcast %and3A_1289 : i32 to vector<16xi32>
        %and3A_1291 = arith.andi %gather3A_1288, %and3A_1290 : vector<16xi32>
        %and3A_1292 = arith.constant -4 : i32
        %and3A_1293 = vector.broadcast %and3A_1292 : i32 to vector<16xi32>
        %and3A_1294 = arith.andi %gather3A_1288, %and3A_1293 : vector<16xi32>
        %bitcast3A_1295 = vector.bitcast %and3A_1294 : vector<16xi32> to vector<16xf32>
        %add3A_1296 = arith.constant 14 : i32
        %add3A_1297 = vector.broadcast %add3A_1296 : i32 to vector<16xi32>
        %add3A_1298 = arith.addi %select_n3A_130, %add3A_1297 : vector<16xi32>
        %mul3A_1299 = arith.constant 8 : i32
        %mul3A_1300 = vector.broadcast %mul3A_1299 : i32 to vector<16xi32>
        %mul3A_1301 = arith.muli %and3A_1291, %mul3A_1300 : vector<16xi32>
        %add3A_1302 = arith.addi %mul3A_1301, %select_n3A_101 : vector<16xi32>
        %gather3A_1303 = tpu.vector_load_idx %arg13[%add3A_1298, %add3A_1302] : memref<16x24xf32, #tpu.memory_space<vmem>>[vector<16xi32>, vector<16xi32>], vector<16xf32>,
        %mul3A_1304 = arith.constant 10000 : i32
        %mul3A_1305 = vector.broadcast %mul3A_1304 : i32 to vector<16xi32>
        %mul3A_1306 = arith.muli %and3A_1291, %mul3A_1305 : vector<16xi32>
        %add3A_1307 = arith.addi %mul3A_1306, %get3A_1283 : vector<16xi32>
        %swap3A_1308 = arith.constant 112 : index
        %swap3A_1309 = tpu.vector_load %arg15[%swap3A_1308] {strides = array<i32>} : memref<128xi32, #tpu.memory_space<vmem>>, vector<16xi32>,
        tpu.vector_store %arg15[%swap3A_1308], %add3A_1307 {strides = array<i32>} : memref<128xi32, #tpu.memory_space<vmem>>, vector<16xi32>,
        %swap3A_1310 = arith.constant 112 : index
        %swap3A_1311 = tpu.vector_load %arg17[%swap3A_1310] {strides = array<i32>} : memref<128xi32, #tpu.memory_space<vmem>>, vector<16xi32>,
        tpu.vector_store %arg17[%swap3A_1310], %get3A_1287 {strides = array<i32>} : memref<128xi32, #tpu.memory_space<vmem>>, vector<16xi32>,
        %add3A_1312 = arith.addf %bitcast3A_1295, %gather3A_1303 : vector<16xf32>
        %swap3A_1313 = arith.constant 112 : index
        %swap3A_1314 = tpu.vector_load %arg19[%swap3A_1313] {strides = array<i32>} : memref<128xf32, #tpu.memory_space<vmem>>, vector<16xf32>,
        tpu.vector_store %arg19[%swap3A_1313], %add3A_1312 {strides = array<i32>} : memref<128xf32, #tpu.memory_space<vmem>>, vector<16xf32>,
        %sub3A_1315 = arith.constant 2 : i32
        %sub3A_1316 = arith.subi %select_n3A, %sub3A_1315 : i32
        %lt3A_1317 = arith.cmpi slt, %add3A_749, %sub3A_1316 : i32
        %convert_element_type3A_1318 = arith.extui %lt3A_1317 : i1 to i32
        %cond3A_1319 = arith.constant 0 : i32
        %cond3A_1320 = arith.cmpi ne, %convert_element_type3A_1318, %cond3A_1319 : i32
        scf.if %cond3A_1320 {
          %add3A_1321 = arith.constant 256 : i32
          %add3A_1322 = arith.addi %add3A_752, %add3A_1321 : i32
          %dma_start3A_1323 = arith.constant 0 : i32
          %dma_start3A_1324 = tpu.memref_slice %arg3[%dma_start3A_1323, %add3A_1322] : memref<2x327680xi32, #tpu.memory_space<hbm>> -> memref<2x128xi32, #tpu.memory_space<hbm>>
          %dma_start3A_1325 = arith.constant 0 : i32
          %dma_start3A_1326 = tpu.memref_slice %arg3[%dma_start3A_1325, %add3A_1322] : memref<2x327680xi32, #tpu.memory_space<hbm>> -> memref<2x128xi32, #tpu.memory_space<hbm>>
          tpu.enqueue_dma source(%dma_start3A_1326 : memref<2x128xi32, #tpu.memory_space<hbm>>) target(%arg12 : memref<2x128xi32, #tpu.memory_space<vmem>>) target_semaphore(%arg31 : memref<!tpu.dma_semaphore, #tpu.memory_space<semaphore_mem>>)
          %add3A_1327 = arith.constant 32 : i32
          %add3A_1328 = arith.addi %add3A_755, %add3A_1327 : i32
          %dma_start3A_1329 = arith.constant 0 : i32
          %dma_start3A_1330 = tpu.memref_slice %arg4[%add3A_1328, %dma_start3A_1329] : memref<40960x24xf32, #tpu.memory_space<hbm>> -> memref<16x24xf32, #tpu.memory_space<hbm>>
          %dma_start3A_1331 = arith.constant 0 : i32
          %dma_start3A_1332 = tpu.memref_slice %arg4[%add3A_1328, %dma_start3A_1331] : memref<40960x24xf32, #tpu.memory_space<hbm>> -> memref<16x24xf32, #tpu.memory_space<hbm>>
          tpu.enqueue_dma source(%dma_start3A_1332 : memref<16x24xf32, #tpu.memory_space<hbm>>) target(%arg14 : memref<16x24xf32, #tpu.memory_space<vmem>>) target_semaphore(%arg31 : memref<!tpu.dma_semaphore, #tpu.memory_space<semaphore_mem>>)
        } else {
        }
      } else {
      }
      %dma_wait3A_762 = arith.constant 0 : i32
      %dma_wait3A_763 = tpu.memref_slice %arg5[%dma_wait3A_762] : memref<30000xf32, #tpu.memory_space<hbm>> -> memref<30000xf32, #tpu.memory_space<hbm>>
      tpu.wait_indirect_dma semaphore(%arg35 : memref<!tpu.dma_semaphore, #tpu.memory_space<semaphore_mem>>) src(%dma_wait3A_763 : memref<30000xf32, #tpu.memory_space<hbm>>) dst(%arg22 : memref<128xf32, #tpu.memory_space<vmem>>)
      %dma_wait3A_764 = arith.constant 0 : i32
      %dma_wait3A_765 = arith.constant 0 : i32
      %dma_wait3A_766 = tpu.memref_slice %arg2[%dma_wait3A_764, %dma_wait3A_765] : memref<30000x128xf32, #tpu.memory_space<hbm>> -> memref<30000x128xf32, #tpu.memory_space<hbm>>
      tpu.wait_indirect_dma semaphore(%arg33 : memref<!tpu.dma_semaphore, #tpu.memory_space<semaphore_mem>>) src(%dma_wait3A_766 : memref<30000x128xf32, #tpu.memory_space<hbm>>) dst(%arg28 : memref<128x128xf32, #tpu.memory_space<vmem>>)
      %ge3A_767 = arith.constant 1 : i32
      %ge3A_768 = arith.cmpi sge, %add3A_749, %ge3A_767 : i32
      %convert_element_type3A_769 = arith.extui %ge3A_768 : i1 to i32
      %cond3A_770 = arith.constant 0 : i32
      %cond3A_771 = arith.cmpi ne, %convert_element_type3A_769, %cond3A_770 : i32
      scf.if %cond3A_771 {
        %dma_wait3A_1021 = arith.constant 0 : i32
        %dma_wait3A_1022 = arith.constant 0 : i32
        %dma_wait3A_1023 = tpu.memref_slice %arg29[%dma_wait3A_1021, %dma_wait3A_1022] : memref<10112x128xf32, #tpu.memory_space<vmem_shared>> -> memref<10112x128xf32, #tpu.memory_space<vmem_shared>>
        tpu.wait_indirect_dma semaphore(%arg36 : memref<!tpu.dma_semaphore, #tpu.memory_space<semaphore_mem>>) src(%arg27 : memref<128x128xf32, #tpu.memory_space<vmem>>) dst(%dma_wait3A_1023 : memref<10112x128xf32, #tpu.memory_space<vmem_shared>>)
        %dma_wait3A_1024 = arith.constant 0 : i32
        %dma_wait3A_1025 = tpu.memref_slice %arg30[%dma_wait3A_1024] : memref<10240xf32, #tpu.memory_space<vmem_shared>> -> memref<10240xf32, #tpu.memory_space<vmem_shared>>
        tpu.wait_indirect_dma semaphore(%arg38 : memref<!tpu.dma_semaphore, #tpu.memory_space<semaphore_mem>>) src(%arg23 : memref<128xf32, #tpu.memory_space<vmem>>) dst(%dma_wait3A_1025 : memref<10240xf32, #tpu.memory_space<vmem_shared>>)
      } else {
      }
      %sub3A_772 = arith.constant 1 : i32
      %sub3A_773 = arith.subi %select_n3A, %sub3A_772 : i32
      %lt3A_774 = arith.cmpi slt, %add3A_749, %sub3A_773 : i32
      %convert_element_type3A_775 = arith.extui %lt3A_774 : i1 to i32
      %cond3A_776 = arith.constant 0 : i32
      %cond3A_777 = arith.cmpi ne, %convert_element_type3A_775, %cond3A_776 : i32
      scf.if %cond3A_777 {
        %dma_start3A_1021 = arith.constant 0 : i32
        %dma_start3A_1022 = arith.constant 0 : i32
        %dma_start3A_1023 = tpu.memref_slice %arg2[%dma_start3A_1021, %dma_start3A_1022] : memref<30000x128xf32, #tpu.memory_space<hbm>> -> memref<30000x128xf32, #tpu.memory_space<hbm>>
        tpu.enqueue_indirect_dma source(%dma_start3A_1023 : memref<30000x128xf32, #tpu.memory_space<hbm>>) target(%arg27 : memref<128x128xf32, #tpu.memory_space<vmem>>) offsets(%arg15 : memref<128xi32, #tpu.memory_space<vmem>>) semaphore(%arg32 : memref<!tpu.dma_semaphore, #tpu.memory_space<semaphore_mem>>)
        %dma_start3A_1024 = arith.constant 0 : i32
        %dma_start3A_1025 = tpu.memref_slice %arg5[%dma_start3A_1024] : memref<30000xf32, #tpu.memory_space<hbm>> -> memref<30000xf32, #tpu.memory_space<hbm>>
        tpu.enqueue_indirect_dma source(%dma_start3A_1025 : memref<30000xf32, #tpu.memory_space<hbm>>) target(%arg21 : memref<128xf32, #tpu.memory_space<vmem>>) offsets(%arg15 : memref<128xi32, #tpu.memory_space<vmem>>) semaphore(%arg34 : memref<!tpu.dma_semaphore, #tpu.memory_space<semaphore_mem>>)
      } else {
      }
      %get3A_778 = arith.constant 0 : index
      %get3A_779 = tpu.vector_load %arg20[%get3A_778] {strides = array<i32>} : memref<128xf32, #tpu.memory_space<vmem>>, vector<16xf32>,
      %get3A_780 = arith.constant 0 : index
      %get3A_781 = tpu.vector_load %arg22[%get3A_780] {strides = array<i32>} : memref<128xf32, #tpu.memory_space<vmem>>, vector<16xf32>,
      %add3A_782 = arith.addf %get3A_779, %get3A_781 : vector<16xf32>
      %ge3A_783 = arith.constant 0.000000e+00 : f32
      %ge3A_784 = vector.broadcast %ge3A_783 : f32 to vector<16xf32>
      %ge3A_785 = arith.cmpf oge, %add3A_782, %ge3A_784 : vector<16xf32>
      %mul3A_786 = arith.constant 2.000000e-01 : f32
      %mul3A_787 = vector.broadcast %mul3A_786 : f32 to vector<16xf32>
      %mul3A_788 = arith.mulf %mul3A_787, %add3A_782 : vector<16xf32>
      %select_n3A_789 = arith.select %ge3A_785, %add3A_782, %mul3A_788 : vector<16xi1>, vector<16xf32>
      %exp3A_790 = math.exp %select_n3A_789 : vector<16xf32>
      %add3A_791 = arith.constant 0 : i32
      %add3A_792 = arith.addi %add3A_752, %add3A_791 : i32
      %add3A_793 = vector.broadcast %add3A_792 : i32 to vector<16xi32>
      %add3A_794 = arith.addi %add3A_793, %iota3A : vector<16xi32>
      %lt3A_795 = arith.constant 320000 : i32
      %lt3A_796 = vector.broadcast %lt3A_795 : i32 to vector<16xi32>
      %lt3A_797 = arith.cmpi slt, %add3A_794, %lt3A_796 : vector<16xi32>
      %jit3A_798 = arith.constant 0.000000e+00 : f32
      %broadcast_in_dim3A_799 = vector.broadcast %jit3A_798 : f32 to vector<16xf32>
      %select_n3A_800 = arith.select %lt3A_797, %exp3A_790, %broadcast_in_dim3A_799 : vector<16xi1>, vector<16xf32>
      %swap3A_801 = arith.constant 0 : index
      %swap3A_802 = tpu.vector_load %arg24[%swap3A_801] {strides = array<i32>} : memref<128xf32, #tpu.memory_space<vmem>>, vector<16xf32>,
      tpu.vector_store %arg24[%swap3A_801], %select_n3A_800 {strides = array<i32>} : memref<128xf32, #tpu.memory_space<vmem>>, vector<16xf32>,
      %get3A_803 = arith.constant 0 : index
      %get3A_804 = tpu.vector_load %arg18[%get3A_803] {strides = array<i32>} : memref<128xi32, #tpu.memory_space<vmem>>, vector<16xi32>,
      %swap3A_805 = arith.constant 0 : index
      %swap3A_806 = tpu.vector_load %arg26[%swap3A_805] {strides = array<i32>} : memref<128xi32, #tpu.memory_space<vmem>>, vector<16xi32>,
      tpu.vector_store %arg26[%swap3A_805], %get3A_804 {strides = array<i32>} : memref<128xi32, #tpu.memory_space<vmem>>, vector<16xi32>,
      %get3A_807 = arith.constant 16 : index
      %get3A_808 = tpu.vector_load %arg20[%get3A_807] {strides = array<i32>} : memref<128xf32, #tpu.memory_space<vmem>>, vector<16xf32>,
      %get3A_809 = arith.constant 16 : index
      %get3A_810 = tpu.vector_load %arg22[%get3A_809] {strides = array<i32>} : memref<128xf32, #tpu.memory_space<vmem>>, vector<16xf32>,
      %add3A_811 = arith.addf %get3A_808, %get3A_810 : vector<16xf32>
      %ge3A_812 = arith.constant 0.000000e+00 : f32
      %ge3A_813 = vector.broadcast %ge3A_812 : f32 to vector<16xf32>
      %ge3A_814 = arith.cmpf oge, %add3A_811, %ge3A_813 : vector<16xf32>
      %mul3A_815 = arith.constant 2.000000e-01 : f32
      %mul3A_816 = vector.broadcast %mul3A_815 : f32 to vector<16xf32>
      %mul3A_817 = arith.mulf %mul3A_816, %add3A_811 : vector<16xf32>
      %select_n3A_818 = arith.select %ge3A_814, %add3A_811, %mul3A_817 : vector<16xi1>, vector<16xf32>
      %exp3A_819 = math.exp %select_n3A_818 : vector<16xf32>
      %add3A_820 = arith.constant 16 : i32
      %add3A_821 = arith.addi %add3A_752, %add3A_820 : i32
      %add3A_822 = vector.broadcast %add3A_821 : i32 to vector<16xi32>
      %add3A_823 = arith.addi %add3A_822, %iota3A : vector<16xi32>
      %lt3A_824 = arith.constant 320000 : i32
      %lt3A_825 = vector.broadcast %lt3A_824 : i32 to vector<16xi32>
      %lt3A_826 = arith.cmpi slt, %add3A_823, %lt3A_825 : vector<16xi32>
      %jit3A_827 = arith.constant 0.000000e+00 : f32
      %broadcast_in_dim3A_828 = vector.broadcast %jit3A_827 : f32 to vector<16xf32>
      %select_n3A_829 = arith.select %lt3A_826, %exp3A_819, %broadcast_in_dim3A_828 : vector<16xi1>, vector<16xf32>
      %swap3A_830 = arith.constant 16 : index
      %swap3A_831 = tpu.vector_load %arg24[%swap3A_830] {strides = array<i32>} : memref<128xf32, #tpu.memory_space<vmem>>, vector<16xf32>,
      tpu.vector_store %arg24[%swap3A_830], %select_n3A_829 {strides = array<i32>} : memref<128xf32, #tpu.memory_space<vmem>>, vector<16xf32>,
      %get3A_832 = arith.constant 16 : index
      %get3A_833 = tpu.vector_load %arg18[%get3A_832] {strides = array<i32>} : memref<128xi32, #tpu.memory_space<vmem>>, vector<16xi32>,
      %swap3A_834 = arith.constant 16 : index
      %swap3A_835 = tpu.vector_load %arg26[%swap3A_834] {strides = array<i32>} : memref<128xi32, #tpu.memory_space<vmem>>, vector<16xi32>,
      tpu.vector_store %arg26[%swap3A_834], %get3A_833 {strides = array<i32>} : memref<128xi32, #tpu.memory_space<vmem>>, vector<16xi32>,
      %get3A_836 = arith.constant 32 : index
      %get3A_837 = tpu.vector_load %arg20[%get3A_836] {strides = array<i32>} : memref<128xf32, #tpu.memory_space<vmem>>, vector<16xf32>,
      %get3A_838 = arith.constant 32 : index
      %get3A_839 = tpu.vector_load %arg22[%get3A_838] {strides = array<i32>} : memref<128xf32, #tpu.memory_space<vmem>>, vector<16xf32>,
      %add3A_840 = arith.addf %get3A_837, %get3A_839 : vector<16xf32>
      %ge3A_841 = arith.constant 0.000000e+00 : f32
      %ge3A_842 = vector.broadcast %ge3A_841 : f32 to vector<16xf32>
      %ge3A_843 = arith.cmpf oge, %add3A_840, %ge3A_842 : vector<16xf32>
      %mul3A_844 = arith.constant 2.000000e-01 : f32
      %mul3A_845 = vector.broadcast %mul3A_844 : f32 to vector<16xf32>
      %mul3A_846 = arith.mulf %mul3A_845, %add3A_840 : vector<16xf32>
      %select_n3A_847 = arith.select %ge3A_843, %add3A_840, %mul3A_846 : vector<16xi1>, vector<16xf32>
      %exp3A_848 = math.exp %select_n3A_847 : vector<16xf32>
      %add3A_849 = arith.constant 32 : i32
      %add3A_850 = arith.addi %add3A_752, %add3A_849 : i32
      %add3A_851 = vector.broadcast %add3A_850 : i32 to vector<16xi32>
      %add3A_852 = arith.addi %add3A_851, %iota3A : vector<16xi32>
      %lt3A_853 = arith.constant 320000 : i32
      %lt3A_854 = vector.broadcast %lt3A_853 : i32 to vector<16xi32>
      %lt3A_855 = arith.cmpi slt, %add3A_852, %lt3A_854 : vector<16xi32>
      %jit3A_856 = arith.constant 0.000000e+00 : f32
      %broadcast_in_dim3A_857 = vector.broadcast %jit3A_856 : f32 to vector<16xf32>
      %select_n3A_858 = arith.select %lt3A_855, %exp3A_848, %broadcast_in_dim3A_857 : vector<16xi1>, vector<16xf32>
      %swap3A_859 = arith.constant 32 : index
      %swap3A_860 = tpu.vector_load %arg24[%swap3A_859] {strides = array<i32>} : memref<128xf32, #tpu.memory_space<vmem>>, vector<16xf32>,
      tpu.vector_store %arg24[%swap3A_859], %select_n3A_858 {strides = array<i32>} : memref<128xf32, #tpu.memory_space<vmem>>, vector<16xf32>,
      %get3A_861 = arith.constant 32 : index
      %get3A_862 = tpu.vector_load %arg18[%get3A_861] {strides = array<i32>} : memref<128xi32, #tpu.memory_space<vmem>>, vector<16xi32>,
      %swap3A_863 = arith.constant 32 : index
      %swap3A_864 = tpu.vector_load %arg26[%swap3A_863] {strides = array<i32>} : memref<128xi32, #tpu.memory_space<vmem>>, vector<16xi32>,
      tpu.vector_store %arg26[%swap3A_863], %get3A_862 {strides = array<i32>} : memref<128xi32, #tpu.memory_space<vmem>>, vector<16xi32>,
      %get3A_865 = arith.constant 48 : index
      %get3A_866 = tpu.vector_load %arg20[%get3A_865] {strides = array<i32>} : memref<128xf32, #tpu.memory_space<vmem>>, vector<16xf32>,
      %get3A_867 = arith.constant 48 : index
      %get3A_868 = tpu.vector_load %arg22[%get3A_867] {strides = array<i32>} : memref<128xf32, #tpu.memory_space<vmem>>, vector<16xf32>,
      %add3A_869 = arith.addf %get3A_866, %get3A_868 : vector<16xf32>
      %ge3A_870 = arith.constant 0.000000e+00 : f32
      %ge3A_871 = vector.broadcast %ge3A_870 : f32 to vector<16xf32>
      %ge3A_872 = arith.cmpf oge, %add3A_869, %ge3A_871 : vector<16xf32>
      %mul3A_873 = arith.constant 2.000000e-01 : f32
      %mul3A_874 = vector.broadcast %mul3A_873 : f32 to vector<16xf32>
      %mul3A_875 = arith.mulf %mul3A_874, %add3A_869 : vector<16xf32>
      %select_n3A_876 = arith.select %ge3A_872, %add3A_869, %mul3A_875 : vector<16xi1>, vector<16xf32>
      %exp3A_877 = math.exp %select_n3A_876 : vector<16xf32>
      %add3A_878 = arith.constant 48 : i32
      %add3A_879 = arith.addi %add3A_752, %add3A_878 : i32
      %add3A_880 = vector.broadcast %add3A_879 : i32 to vector<16xi32>
      %add3A_881 = arith.addi %add3A_880, %iota3A : vector<16xi32>
      %lt3A_882 = arith.constant 320000 : i32
      %lt3A_883 = vector.broadcast %lt3A_882 : i32 to vector<16xi32>
      %lt3A_884 = arith.cmpi slt, %add3A_881, %lt3A_883 : vector<16xi32>
      %jit3A_885 = arith.constant 0.000000e+00 : f32
      %broadcast_in_dim3A_886 = vector.broadcast %jit3A_885 : f32 to vector<16xf32>
      %select_n3A_887 = arith.select %lt3A_884, %exp3A_877, %broadcast_in_dim3A_886 : vector<16xi1>, vector<16xf32>
      %swap3A_888 = arith.constant 48 : index
      %swap3A_889 = tpu.vector_load %arg24[%swap3A_888] {strides = array<i32>} : memref<128xf32, #tpu.memory_space<vmem>>, vector<16xf32>,
      tpu.vector_store %arg24[%swap3A_888], %select_n3A_887 {strides = array<i32>} : memref<128xf32, #tpu.memory_space<vmem>>, vector<16xf32>,
      %get3A_890 = arith.constant 48 : index
      %get3A_891 = tpu.vector_load %arg18[%get3A_890] {strides = array<i32>} : memref<128xi32, #tpu.memory_space<vmem>>, vector<16xi32>,
      %swap3A_892 = arith.constant 48 : index
      %swap3A_893 = tpu.vector_load %arg26[%swap3A_892] {strides = array<i32>} : memref<128xi32, #tpu.memory_space<vmem>>, vector<16xi32>,
      tpu.vector_store %arg26[%swap3A_892], %get3A_891 {strides = array<i32>} : memref<128xi32, #tpu.memory_space<vmem>>, vector<16xi32>,
      %get3A_894 = arith.constant 64 : index
      %get3A_895 = tpu.vector_load %arg20[%get3A_894] {strides = array<i32>} : memref<128xf32, #tpu.memory_space<vmem>>, vector<16xf32>,
      %get3A_896 = arith.constant 64 : index
      %get3A_897 = tpu.vector_load %arg22[%get3A_896] {strides = array<i32>} : memref<128xf32, #tpu.memory_space<vmem>>, vector<16xf32>,
      %add3A_898 = arith.addf %get3A_895, %get3A_897 : vector<16xf32>
      %ge3A_899 = arith.constant 0.000000e+00 : f32
      %ge3A_900 = vector.broadcast %ge3A_899 : f32 to vector<16xf32>
      %ge3A_901 = arith.cmpf oge, %add3A_898, %ge3A_900 : vector<16xf32>
      %mul3A_902 = arith.constant 2.000000e-01 : f32
      %mul3A_903 = vector.broadcast %mul3A_902 : f32 to vector<16xf32>
      %mul3A_904 = arith.mulf %mul3A_903, %add3A_898 : vector<16xf32>
      %select_n3A_905 = arith.select %ge3A_901, %add3A_898, %mul3A_904 : vector<16xi1>, vector<16xf32>
      %exp3A_906 = math.exp %select_n3A_905 : vector<16xf32>
      %add3A_907 = arith.constant 64 : i32
      %add3A_908 = arith.addi %add3A_752, %add3A_907 : i32
      %add3A_909 = vector.broadcast %add3A_908 : i32 to vector<16xi32>
      %add3A_910 = arith.addi %add3A_909, %iota3A : vector<16xi32>
      %lt3A_911 = arith.constant 320000 : i32
      %lt3A_912 = vector.broadcast %lt3A_911 : i32 to vector<16xi32>
      %lt3A_913 = arith.cmpi slt, %add3A_910, %lt3A_912 : vector<16xi32>
      %jit3A_914 = arith.constant 0.000000e+00 : f32
      %broadcast_in_dim3A_915 = vector.broadcast %jit3A_914 : f32 to vector<16xf32>
      %select_n3A_916 = arith.select %lt3A_913, %exp3A_906, %broadcast_in_dim3A_915 : vector<16xi1>, vector<16xf32>
      %swap3A_917 = arith.constant 64 : index
      %swap3A_918 = tpu.vector_load %arg24[%swap3A_917] {strides = array<i32>} : memref<128xf32, #tpu.memory_space<vmem>>, vector<16xf32>,
      tpu.vector_store %arg24[%swap3A_917], %select_n3A_916 {strides = array<i32>} : memref<128xf32, #tpu.memory_space<vmem>>, vector<16xf32>,
      %get3A_919 = arith.constant 64 : index
      %get3A_920 = tpu.vector_load %arg18[%get3A_919] {strides = array<i32>} : memref<128xi32, #tpu.memory_space<vmem>>, vector<16xi32>,
      %swap3A_921 = arith.constant 64 : index
      %swap3A_922 = tpu.vector_load %arg26[%swap3A_921] {strides = array<i32>} : memref<128xi32, #tpu.memory_space<vmem>>, vector<16xi32>,
      tpu.vector_store %arg26[%swap3A_921], %get3A_920 {strides = array<i32>} : memref<128xi32, #tpu.memory_space<vmem>>, vector<16xi32>,
      %get3A_923 = arith.constant 80 : index
      %get3A_924 = tpu.vector_load %arg20[%get3A_923] {strides = array<i32>} : memref<128xf32, #tpu.memory_space<vmem>>, vector<16xf32>,
      %get3A_925 = arith.constant 80 : index
      %get3A_926 = tpu.vector_load %arg22[%get3A_925] {strides = array<i32>} : memref<128xf32, #tpu.memory_space<vmem>>, vector<16xf32>,
      %add3A_927 = arith.addf %get3A_924, %get3A_926 : vector<16xf32>
      %ge3A_928 = arith.constant 0.000000e+00 : f32
      %ge3A_929 = vector.broadcast %ge3A_928 : f32 to vector<16xf32>
      %ge3A_930 = arith.cmpf oge, %add3A_927, %ge3A_929 : vector<16xf32>
      %mul3A_931 = arith.constant 2.000000e-01 : f32
      %mul3A_932 = vector.broadcast %mul3A_931 : f32 to vector<16xf32>
      %mul3A_933 = arith.mulf %mul3A_932, %add3A_927 : vector<16xf32>
      %select_n3A_934 = arith.select %ge3A_930, %add3A_927, %mul3A_933 : vector<16xi1>, vector<16xf32>
      %exp3A_935 = math.exp %select_n3A_934 : vector<16xf32>
      %add3A_936 = arith.constant 80 : i32
      %add3A_937 = arith.addi %add3A_752, %add3A_936 : i32
      %add3A_938 = vector.broadcast %add3A_937 : i32 to vector<16xi32>
      %add3A_939 = arith.addi %add3A_938, %iota3A : vector<16xi32>
      %lt3A_940 = arith.constant 320000 : i32
      %lt3A_941 = vector.broadcast %lt3A_940 : i32 to vector<16xi32>
      %lt3A_942 = arith.cmpi slt, %add3A_939, %lt3A_941 : vector<16xi32>
      %jit3A_943 = arith.constant 0.000000e+00 : f32
      %broadcast_in_dim3A_944 = vector.broadcast %jit3A_943 : f32 to vector<16xf32>
      %select_n3A_945 = arith.select %lt3A_942, %exp3A_935, %broadcast_in_dim3A_944 : vector<16xi1>, vector<16xf32>
      %swap3A_946 = arith.constant 80 : index
      %swap3A_947 = tpu.vector_load %arg24[%swap3A_946] {strides = array<i32>} : memref<128xf32, #tpu.memory_space<vmem>>, vector<16xf32>,
      tpu.vector_store %arg24[%swap3A_946], %select_n3A_945 {strides = array<i32>} : memref<128xf32, #tpu.memory_space<vmem>>, vector<16xf32>,
      %get3A_948 = arith.constant 80 : index
      %get3A_949 = tpu.vector_load %arg18[%get3A_948] {strides = array<i32>} : memref<128xi32, #tpu.memory_space<vmem>>, vector<16xi32>,
      %swap3A_950 = arith.constant 80 : index
      %swap3A_951 = tpu.vector_load %arg26[%swap3A_950] {strides = array<i32>} : memref<128xi32, #tpu.memory_space<vmem>>, vector<16xi32>,
      tpu.vector_store %arg26[%swap3A_950], %get3A_949 {strides = array<i32>} : memref<128xi32, #tpu.memory_space<vmem>>, vector<16xi32>,
      %get3A_952 = arith.constant 96 : index
      %get3A_953 = tpu.vector_load %arg20[%get3A_952] {strides = array<i32>} : memref<128xf32, #tpu.memory_space<vmem>>, vector<16xf32>,
      %get3A_954 = arith.constant 96 : index
      %get3A_955 = tpu.vector_load %arg22[%get3A_954] {strides = array<i32>} : memref<128xf32, #tpu.memory_space<vmem>>, vector<16xf32>,
      %add3A_956 = arith.addf %get3A_953, %get3A_955 : vector<16xf32>
      %ge3A_957 = arith.constant 0.000000e+00 : f32
      %ge3A_958 = vector.broadcast %ge3A_957 : f32 to vector<16xf32>
      %ge3A_959 = arith.cmpf oge, %add3A_956, %ge3A_958 : vector<16xf32>
      %mul3A_960 = arith.constant 2.000000e-01 : f32
      %mul3A_961 = vector.broadcast %mul3A_960 : f32 to vector<16xf32>
      %mul3A_962 = arith.mulf %mul3A_961, %add3A_956 : vector<16xf32>
      %select_n3A_963 = arith.select %ge3A_959, %add3A_956, %mul3A_962 : vector<16xi1>, vector<16xf32>
      %exp3A_964 = math.exp %select_n3A_963 : vector<16xf32>
      %add3A_965 = arith.constant 96 : i32
      %add3A_966 = arith.addi %add3A_752, %add3A_965 : i32
      %add3A_967 = vector.broadcast %add3A_966 : i32 to vector<16xi32>
      %add3A_968 = arith.addi %add3A_967, %iota3A : vector<16xi32>
      %lt3A_969 = arith.constant 320000 : i32
      %lt3A_970 = vector.broadcast %lt3A_969 : i32 to vector<16xi32>
      %lt3A_971 = arith.cmpi slt, %add3A_968, %lt3A_970 : vector<16xi32>
      %jit3A_972 = arith.constant 0.000000e+00 : f32
      %broadcast_in_dim3A_973 = vector.broadcast %jit3A_972 : f32 to vector<16xf32>
      %select_n3A_974 = arith.select %lt3A_971, %exp3A_964, %broadcast_in_dim3A_973 : vector<16xi1>, vector<16xf32>
      %swap3A_975 = arith.constant 96 : index
      %swap3A_976 = tpu.vector_load %arg24[%swap3A_975] {strides = array<i32>} : memref<128xf32, #tpu.memory_space<vmem>>, vector<16xf32>,
      tpu.vector_store %arg24[%swap3A_975], %select_n3A_974 {strides = array<i32>} : memref<128xf32, #tpu.memory_space<vmem>>, vector<16xf32>,
      %get3A_977 = arith.constant 96 : index
      %get3A_978 = tpu.vector_load %arg18[%get3A_977] {strides = array<i32>} : memref<128xi32, #tpu.memory_space<vmem>>, vector<16xi32>,
      %swap3A_979 = arith.constant 96 : index
      %swap3A_980 = tpu.vector_load %arg26[%swap3A_979] {strides = array<i32>} : memref<128xi32, #tpu.memory_space<vmem>>, vector<16xi32>,
      tpu.vector_store %arg26[%swap3A_979], %get3A_978 {strides = array<i32>} : memref<128xi32, #tpu.memory_space<vmem>>, vector<16xi32>,
      %get3A_981 = arith.constant 112 : index
      %get3A_982 = tpu.vector_load %arg20[%get3A_981] {strides = array<i32>} : memref<128xf32, #tpu.memory_space<vmem>>, vector<16xf32>,
      %get3A_983 = arith.constant 112 : index
      %get3A_984 = tpu.vector_load %arg22[%get3A_983] {strides = array<i32>} : memref<128xf32, #tpu.memory_space<vmem>>, vector<16xf32>,
      %add3A_985 = arith.addf %get3A_982, %get3A_984 : vector<16xf32>
      %ge3A_986 = arith.constant 0.000000e+00 : f32
      %ge3A_987 = vector.broadcast %ge3A_986 : f32 to vector<16xf32>
      %ge3A_988 = arith.cmpf oge, %add3A_985, %ge3A_987 : vector<16xf32>
      %mul3A_989 = arith.constant 2.000000e-01 : f32
      %mul3A_990 = vector.broadcast %mul3A_989 : f32 to vector<16xf32>
      %mul3A_991 = arith.mulf %mul3A_990, %add3A_985 : vector<16xf32>
      %select_n3A_992 = arith.select %ge3A_988, %add3A_985, %mul3A_991 : vector<16xi1>, vector<16xf32>
      %exp3A_993 = math.exp %select_n3A_992 : vector<16xf32>
      %add3A_994 = arith.constant 112 : i32
      %add3A_995 = arith.addi %add3A_752, %add3A_994 : i32
      %add3A_996 = vector.broadcast %add3A_995 : i32 to vector<16xi32>
      %add3A_997 = arith.addi %add3A_996, %iota3A : vector<16xi32>
      %lt3A_998 = arith.constant 320000 : i32
      %lt3A_999 = vector.broadcast %lt3A_998 : i32 to vector<16xi32>
      %lt3A_1000 = arith.cmpi slt, %add3A_997, %lt3A_999 : vector<16xi32>
      %jit3A_1001 = arith.constant 0.000000e+00 : f32
      %broadcast_in_dim3A_1002 = vector.broadcast %jit3A_1001 : f32 to vector<16xf32>
      %select_n3A_1003 = arith.select %lt3A_1000, %exp3A_993, %broadcast_in_dim3A_1002 : vector<16xi1>, vector<16xf32>
      %swap3A_1004 = arith.constant 112 : index
      %swap3A_1005 = tpu.vector_load %arg24[%swap3A_1004] {strides = array<i32>} : memref<128xf32, #tpu.memory_space<vmem>>, vector<16xf32>,
      tpu.vector_store %arg24[%swap3A_1004], %select_n3A_1003 {strides = array<i32>} : memref<128xf32, #tpu.memory_space<vmem>>, vector<16xf32>,
      %get3A_1006 = arith.constant 112 : index
      %get3A_1007 = tpu.vector_load %arg18[%get3A_1006] {strides = array<i32>} : memref<128xi32, #tpu.memory_space<vmem>>, vector<16xi32>,
      %swap3A_1008 = arith.constant 112 : index
      %swap3A_1009 = tpu.vector_load %arg26[%swap3A_1008] {strides = array<i32>} : memref<128xi32, #tpu.memory_space<vmem>>, vector<16xi32>,
      tpu.vector_store %arg26[%swap3A_1008], %get3A_1007 {strides = array<i32>} : memref<128xi32, #tpu.memory_space<vmem>>, vector<16xi32>,
      %scan3A_1010 = arith.constant 0 : i32
      %scan3A_1011 = arith.constant 0 : i32
      %scan3A_1012 = arith.constant 64 : i32
      %scan3A_1013 = arith.addi %scan3A_1011, %scan3A_1012 : i32
      %scan3A_1014 = arith.constant 1 : i32
      scf.for %scan3A_1021 = %scan3A_1011 to %scan3A_1013 step %scan3A_1014  : i32 {
        %mul3A_1022 = arith.constant 2 : i32
        %mul3A_1023 = arith.muli %scan3A_1021, %mul3A_1022 : i32
        %add3A_1024 = arith.constant 0 : i32
        %add3A_1025 = arith.addi %mul3A_1023, %add3A_1024 : i32
        %broadcast_in_dim3A_1026 = vector.broadcast %add3A_1025 : i32 to vector<16xi32>
        %gather3A_1027 = tpu.vector_load_idx %arg24[%broadcast_in_dim3A_1026] : memref<128xf32, #tpu.memory_space<vmem>>[vector<16xi32>], vector<16xf32>,
        %get3A_1028 = arith.index_cast %add3A_1025 : i32 to index
        %get3A_1029 = arith.constant 0 : index
        %get3A_1030 = tpu.vector_load %arg28[%get3A_1028, %get3A_1029] {strides = array<i32>} : memref<128x128xf32, #tpu.memory_space<vmem>>, vector<16xf32>,
        %mul3A_1031 = arith.mulf %get3A_1030, %gather3A_1027 : vector<16xf32>
        %swap3A_1032 = arith.index_cast %add3A_1025 : i32 to index
        %swap3A_1033 = arith.constant 0 : index
        %swap3A_1034 = tpu.vector_load %arg28[%swap3A_1032, %swap3A_1033] {strides = array<i32>} : memref<128x128xf32, #tpu.memory_space<vmem>>, vector<16xf32>,
        tpu.vector_store %arg28[%swap3A_1032, %swap3A_1033], %mul3A_1031 {strides = array<i32>} : memref<128x128xf32, #tpu.memory_space<vmem>>, vector<16xf32>,
        %get3A_1035 = arith.index_cast %add3A_1025 : i32 to index
        %get3A_1036 = arith.constant 16 : index
        %get3A_1037 = tpu.vector_load %arg28[%get3A_1035, %get3A_1036] {strides = array<i32>} : memref<128x128xf32, #tpu.memory_space<vmem>>, vector<16xf32>,
        %mul3A_1038 = arith.mulf %get3A_1037, %gather3A_1027 : vector<16xf32>
        %swap3A_1039 = arith.index_cast %add3A_1025 : i32 to index
        %swap3A_1040 = arith.constant 16 : index
        %swap3A_1041 = tpu.vector_load %arg28[%swap3A_1039, %swap3A_1040] {strides = array<i32>} : memref<128x128xf32, #tpu.memory_space<vmem>>, vector<16xf32>,
        tpu.vector_store %arg28[%swap3A_1039, %swap3A_1040], %mul3A_1038 {strides = array<i32>} : memref<128x128xf32, #tpu.memory_space<vmem>>, vector<16xf32>,
        %get3A_1042 = arith.index_cast %add3A_1025 : i32 to index
        %get3A_1043 = arith.constant 32 : index
        %get3A_1044 = tpu.vector_load %arg28[%get3A_1042, %get3A_1043] {strides = array<i32>} : memref<128x128xf32, #tpu.memory_space<vmem>>, vector<16xf32>,
        %mul3A_1045 = arith.mulf %get3A_1044, %gather3A_1027 : vector<16xf32>
        %swap3A_1046 = arith.index_cast %add3A_1025 : i32 to index
        %swap3A_1047 = arith.constant 32 : index
        %swap3A_1048 = tpu.vector_load %arg28[%swap3A_1046, %swap3A_1047] {strides = array<i32>} : memref<128x128xf32, #tpu.memory_space<vmem>>, vector<16xf32>,
        tpu.vector_store %arg28[%swap3A_1046, %swap3A_1047], %mul3A_1045 {strides = array<i32>} : memref<128x128xf32, #tpu.memory_space<vmem>>, vector<16xf32>,
        %get3A_1049 = arith.index_cast %add3A_1025 : i32 to index
        %get3A_1050 = arith.constant 48 : index
        %get3A_1051 = tpu.vector_load %arg28[%get3A_1049, %get3A_1050] {strides = array<i32>} : memref<128x128xf32, #tpu.memory_space<vmem>>, vector<16xf32>,
        %mul3A_1052 = arith.mulf %get3A_1051, %gather3A_1027 : vector<16xf32>
        %swap3A_1053 = arith.index_cast %add3A_1025 : i32 to index
        %swap3A_1054 = arith.constant 48 : index
        %swap3A_1055 = tpu.vector_load %arg28[%swap3A_1053, %swap3A_1054] {strides = array<i32>} : memref<128x128xf32, #tpu.memory_space<vmem>>, vector<16xf32>,
        tpu.vector_store %arg28[%swap3A_1053, %swap3A_1054], %mul3A_1052 {strides = array<i32>} : memref<128x128xf32, #tpu.memory_space<vmem>>, vector<16xf32>,
        %get3A_1056 = arith.index_cast %add3A_1025 : i32 to index
        %get3A_1057 = arith.constant 64 : index
        %get3A_1058 = tpu.vector_load %arg28[%get3A_1056, %get3A_1057] {strides = array<i32>} : memref<128x128xf32, #tpu.memory_space<vmem>>, vector<16xf32>,
        %mul3A_1059 = arith.mulf %get3A_1058, %gather3A_1027 : vector<16xf32>
        %swap3A_1060 = arith.index_cast %add3A_1025 : i32 to index
        %swap3A_1061 = arith.constant 64 : index
        %swap3A_1062 = tpu.vector_load %arg28[%swap3A_1060, %swap3A_1061] {strides = array<i32>} : memref<128x128xf32, #tpu.memory_space<vmem>>, vector<16xf32>,
        tpu.vector_store %arg28[%swap3A_1060, %swap3A_1061], %mul3A_1059 {strides = array<i32>} : memref<128x128xf32, #tpu.memory_space<vmem>>, vector<16xf32>,
        %get3A_1063 = arith.index_cast %add3A_1025 : i32 to index
        %get3A_1064 = arith.constant 80 : index
        %get3A_1065 = tpu.vector_load %arg28[%get3A_1063, %get3A_1064] {strides = array<i32>} : memref<128x128xf32, #tpu.memory_space<vmem>>, vector<16xf32>,
        %mul3A_1066 = arith.mulf %get3A_1065, %gather3A_1027 : vector<16xf32>
        %swap3A_1067 = arith.index_cast %add3A_1025 : i32 to index
        %swap3A_1068 = arith.constant 80 : index
        %swap3A_1069 = tpu.vector_load %arg28[%swap3A_1067, %swap3A_1068] {strides = array<i32>} : memref<128x128xf32, #tpu.memory_space<vmem>>, vector<16xf32>,
        tpu.vector_store %arg28[%swap3A_1067, %swap3A_1068], %mul3A_1066 {strides = array<i32>} : memref<128x128xf32, #tpu.memory_space<vmem>>, vector<16xf32>,
        %get3A_1070 = arith.index_cast %add3A_1025 : i32 to index
        %get3A_1071 = arith.constant 96 : index
        %get3A_1072 = tpu.vector_load %arg28[%get3A_1070, %get3A_1071] {strides = array<i32>} : memref<128x128xf32, #tpu.memory_space<vmem>>, vector<16xf32>,
        %mul3A_1073 = arith.mulf %get3A_1072, %gather3A_1027 : vector<16xf32>
        %swap3A_1074 = arith.index_cast %add3A_1025 : i32 to index
        %swap3A_1075 = arith.constant 96 : index
        %swap3A_1076 = tpu.vector_load %arg28[%swap3A_1074, %swap3A_1075] {strides = array<i32>} : memref<128x128xf32, #tpu.memory_space<vmem>>, vector<16xf32>,
        tpu.vector_store %arg28[%swap3A_1074, %swap3A_1075], %mul3A_1073 {strides = array<i32>} : memref<128x128xf32, #tpu.memory_space<vmem>>, vector<16xf32>,
        %get3A_1077 = arith.index_cast %add3A_1025 : i32 to index
        %get3A_1078 = arith.constant 112 : index
        %get3A_1079 = tpu.vector_load %arg28[%get3A_1077, %get3A_1078] {strides = array<i32>} : memref<128x128xf32, #tpu.memory_space<vmem>>, vector<16xf32>,
        %mul3A_1080 = arith.mulf %get3A_1079, %gather3A_1027 : vector<16xf32>
        %swap3A_1081 = arith.index_cast %add3A_1025 : i32 to index
        %swap3A_1082 = arith.constant 112 : index
        %swap3A_1083 = tpu.vector_load %arg28[%swap3A_1081, %swap3A_1082] {strides = array<i32>} : memref<128x128xf32, #tpu.memory_space<vmem>>, vector<16xf32>,
        tpu.vector_store %arg28[%swap3A_1081, %swap3A_1082], %mul3A_1080 {strides = array<i32>} : memref<128x128xf32, #tpu.memory_space<vmem>>, vector<16xf32>,
        %mul3A_1084 = arith.constant 2 : i32
        %mul3A_1085 = arith.muli %scan3A_1021, %mul3A_1084 : i32
        %add3A_1086 = arith.constant 1 : i32
        %add3A_1087 = arith.addi %mul3A_1085, %add3A_1086 : i32
        %broadcast_in_dim3A_1088 = vector.broadcast %add3A_1087 : i32 to vector<16xi32>
        %gather3A_1089 = tpu.vector_load_idx %arg24[%broadcast_in_dim3A_1088] : memref<128xf32, #tpu.memory_space<vmem>>[vector<16xi32>], vector<16xf32>,
        %get3A_1090 = arith.index_cast %add3A_1087 : i32 to index
        %get3A_1091 = arith.constant 0 : index
        %get3A_1092 = tpu.vector_load %arg28[%get3A_1090, %get3A_1091] {strides = array<i32>} : memref<128x128xf32, #tpu.memory_space<vmem>>, vector<16xf32>,
        %mul3A_1093 = arith.mulf %get3A_1092, %gather3A_1089 : vector<16xf32>
        %swap3A_1094 = arith.index_cast %add3A_1087 : i32 to index
        %swap3A_1095 = arith.constant 0 : index
        %swap3A_1096 = tpu.vector_load %arg28[%swap3A_1094, %swap3A_1095] {strides = array<i32>} : memref<128x128xf32, #tpu.memory_space<vmem>>, vector<16xf32>,
        tpu.vector_store %arg28[%swap3A_1094, %swap3A_1095], %mul3A_1093 {strides = array<i32>} : memref<128x128xf32, #tpu.memory_space<vmem>>, vector<16xf32>,
        %get3A_1097 = arith.index_cast %add3A_1087 : i32 to index
        %get3A_1098 = arith.constant 16 : index
        %get3A_1099 = tpu.vector_load %arg28[%get3A_1097, %get3A_1098] {strides = array<i32>} : memref<128x128xf32, #tpu.memory_space<vmem>>, vector<16xf32>,
        %mul3A_1100 = arith.mulf %get3A_1099, %gather3A_1089 : vector<16xf32>
        %swap3A_1101 = arith.index_cast %add3A_1087 : i32 to index
        %swap3A_1102 = arith.constant 16 : index
        %swap3A_1103 = tpu.vector_load %arg28[%swap3A_1101, %swap3A_1102] {strides = array<i32>} : memref<128x128xf32, #tpu.memory_space<vmem>>, vector<16xf32>,
        tpu.vector_store %arg28[%swap3A_1101, %swap3A_1102], %mul3A_1100 {strides = array<i32>} : memref<128x128xf32, #tpu.memory_space<vmem>>, vector<16xf32>,
        %get3A_1104 = arith.index_cast %add3A_1087 : i32 to index
        %get3A_1105 = arith.constant 32 : index
        %get3A_1106 = tpu.vector_load %arg28[%get3A_1104, %get3A_1105] {strides = array<i32>} : memref<128x128xf32, #tpu.memory_space<vmem>>, vector<16xf32>,
        %mul3A_1107 = arith.mulf %get3A_1106, %gather3A_1089 : vector<16xf32>
        %swap3A_1108 = arith.index_cast %add3A_1087 : i32 to index
        %swap3A_1109 = arith.constant 32 : index
        %swap3A_1110 = tpu.vector_load %arg28[%swap3A_1108, %swap3A_1109] {strides = array<i32>} : memref<128x128xf32, #tpu.memory_space<vmem>>, vector<16xf32>,
        tpu.vector_store %arg28[%swap3A_1108, %swap3A_1109], %mul3A_1107 {strides = array<i32>} : memref<128x128xf32, #tpu.memory_space<vmem>>, vector<16xf32>,
        %get3A_1111 = arith.index_cast %add3A_1087 : i32 to index
        %get3A_1112 = arith.constant 48 : index
        %get3A_1113 = tpu.vector_load %arg28[%get3A_1111, %get3A_1112] {strides = array<i32>} : memref<128x128xf32, #tpu.memory_space<vmem>>, vector<16xf32>,
        %mul3A_1114 = arith.mulf %get3A_1113, %gather3A_1089 : vector<16xf32>
        %swap3A_1115 = arith.index_cast %add3A_1087 : i32 to index
        %swap3A_1116 = arith.constant 48 : index
        %swap3A_1117 = tpu.vector_load %arg28[%swap3A_1115, %swap3A_1116] {strides = array<i32>} : memref<128x128xf32, #tpu.memory_space<vmem>>, vector<16xf32>,
        tpu.vector_store %arg28[%swap3A_1115, %swap3A_1116], %mul3A_1114 {strides = array<i32>} : memref<128x128xf32, #tpu.memory_space<vmem>>, vector<16xf32>,
        %get3A_1118 = arith.index_cast %add3A_1087 : i32 to index
        %get3A_1119 = arith.constant 64 : index
        %get3A_1120 = tpu.vector_load %arg28[%get3A_1118, %get3A_1119] {strides = array<i32>} : memref<128x128xf32, #tpu.memory_space<vmem>>, vector<16xf32>,
        %mul3A_1121 = arith.mulf %get3A_1120, %gather3A_1089 : vector<16xf32>
        %swap3A_1122 = arith.index_cast %add3A_1087 : i32 to index
        %swap3A_1123 = arith.constant 64 : index
        %swap3A_1124 = tpu.vector_load %arg28[%swap3A_1122, %swap3A_1123] {strides = array<i32>} : memref<128x128xf32, #tpu.memory_space<vmem>>, vector<16xf32>,
        tpu.vector_store %arg28[%swap3A_1122, %swap3A_1123], %mul3A_1121 {strides = array<i32>} : memref<128x128xf32, #tpu.memory_space<vmem>>, vector<16xf32>,
        %get3A_1125 = arith.index_cast %add3A_1087 : i32 to index
        %get3A_1126 = arith.constant 80 : index
        %get3A_1127 = tpu.vector_load %arg28[%get3A_1125, %get3A_1126] {strides = array<i32>} : memref<128x128xf32, #tpu.memory_space<vmem>>, vector<16xf32>,
        %mul3A_1128 = arith.mulf %get3A_1127, %gather3A_1089 : vector<16xf32>
        %swap3A_1129 = arith.index_cast %add3A_1087 : i32 to index
        %swap3A_1130 = arith.constant 80 : index
        %swap3A_1131 = tpu.vector_load %arg28[%swap3A_1129, %swap3A_1130] {strides = array<i32>} : memref<128x128xf32, #tpu.memory_space<vmem>>, vector<16xf32>,
        tpu.vector_store %arg28[%swap3A_1129, %swap3A_1130], %mul3A_1128 {strides = array<i32>} : memref<128x128xf32, #tpu.memory_space<vmem>>, vector<16xf32>,
        %get3A_1132 = arith.index_cast %add3A_1087 : i32 to index
        %get3A_1133 = arith.constant 96 : index
        %get3A_1134 = tpu.vector_load %arg28[%get3A_1132, %get3A_1133] {strides = array<i32>} : memref<128x128xf32, #tpu.memory_space<vmem>>, vector<16xf32>,
        %mul3A_1135 = arith.mulf %get3A_1134, %gather3A_1089 : vector<16xf32>
        %swap3A_1136 = arith.index_cast %add3A_1087 : i32 to index
        %swap3A_1137 = arith.constant 96 : index
        %swap3A_1138 = tpu.vector_load %arg28[%swap3A_1136, %swap3A_1137] {strides = array<i32>} : memref<128x128xf32, #tpu.memory_space<vmem>>, vector<16xf32>,
        tpu.vector_store %arg28[%swap3A_1136, %swap3A_1137], %mul3A_1135 {strides = array<i32>} : memref<128x128xf32, #tpu.memory_space<vmem>>, vector<16xf32>,
        %get3A_1139 = arith.index_cast %add3A_1087 : i32 to index
        %get3A_1140 = arith.constant 112 : index
        %get3A_1141 = tpu.vector_load %arg28[%get3A_1139, %get3A_1140] {strides = array<i32>} : memref<128x128xf32, #tpu.memory_space<vmem>>, vector<16xf32>,
        %mul3A_1142 = arith.mulf %get3A_1141, %gather3A_1089 : vector<16xf32>
        %swap3A_1143 = arith.index_cast %add3A_1087 : i32 to index
        %swap3A_1144 = arith.constant 112 : index
        %swap3A_1145 = tpu.vector_load %arg28[%swap3A_1143, %swap3A_1144] {strides = array<i32>} : memref<128x128xf32, #tpu.memory_space<vmem>>, vector<16xf32>,
        tpu.vector_store %arg28[%swap3A_1143, %swap3A_1144], %mul3A_1142 {strides = array<i32>} : memref<128x128xf32, #tpu.memory_space<vmem>>, vector<16xf32>,
      }
      %scan3A_1015 = arith.constant 64 : i32
      %dma_start3A_1016 = arith.constant 0 : i32
      %dma_start3A_1017 = arith.constant 0 : i32
      %dma_start3A_1018 = tpu.memref_slice %arg29[%dma_start3A_1016, %dma_start3A_1017] : memref<10112x128xf32, #tpu.memory_space<vmem_shared>> -> memref<10112x128xf32, #tpu.memory_space<vmem_shared>>
      tpu.enqueue_indirect_dma source(%arg28 : memref<128x128xf32, #tpu.memory_space<vmem>>) target(%dma_start3A_1018 : memref<10112x128xf32, #tpu.memory_space<vmem_shared>>) offsets(%arg26 : memref<128xi32, #tpu.memory_space<vmem>>) semaphore(%arg37 : memref<!tpu.dma_semaphore, #tpu.memory_space<semaphore_mem>>) {add = true}
      %dma_start3A_1019 = arith.constant 0 : i32
      %dma_start3A_1020 = tpu.memref_slice %arg30[%dma_start3A_1019] : memref<10240xf32, #tpu.memory_space<vmem_shared>> -> memref<10240xf32, #tpu.memory_space<vmem_shared>>
      tpu.enqueue_indirect_dma source(%arg24 : memref<128xf32, #tpu.memory_space<vmem>>) target(%dma_start3A_1020 : memref<10240xf32, #tpu.memory_space<vmem_shared>>) offsets(%arg26 : memref<128xi32, #tpu.memory_space<vmem>>) semaphore(%arg39 : memref<!tpu.dma_semaphore, #tpu.memory_space<semaphore_mem>>) {add = true}
    }
    %dma_wait3A = arith.constant 0 : i32
    %dma_wait3A_457 = arith.constant 0 : i32
    %dma_wait3A_458 = tpu.memref_slice %arg29[%dma_wait3A, %dma_wait3A_457] : memref<10112x128xf32, #tpu.memory_space<vmem_shared>> -> memref<10112x128xf32, #tpu.memory_space<vmem_shared>>
    tpu.wait_indirect_dma semaphore(%arg37 : memref<!tpu.dma_semaphore, #tpu.memory_space<semaphore_mem>>) src(%arg28 : memref<128x128xf32, #tpu.memory_space<vmem>>) dst(%dma_wait3A_458 : memref<10112x128xf32, #tpu.memory_space<vmem_shared>>)
    %dma_wait3A_459 = arith.constant 0 : i32
    %dma_wait3A_460 = tpu.memref_slice %arg30[%dma_wait3A_459] : memref<10240xf32, #tpu.memory_space<vmem_shared>> -> memref<10240xf32, #tpu.memory_space<vmem_shared>>
    tpu.wait_indirect_dma semaphore(%arg39 : memref<!tpu.dma_semaphore, #tpu.memory_space<semaphore_mem>>) src(%arg24 : memref<128xf32, #tpu.memory_space<vmem>>) dst(%dma_wait3A_460 : memref<10240xf32, #tpu.memory_space<vmem_shared>>)
    %barrier3A_461 = arith.constant 0 : index
    tpu.barrier barrier_id(%barrier3A_461)
    %mul3A_462 = arith.constant 632 : i32
    %mul3A_463 = arith.muli %arg1, %mul3A_462 : i32
    %mul3A_464 = arith.constant 632 : i32
    %mul3A_465 = arith.muli %arg1, %mul3A_464 : i32
    "tpu.region"() ({
      %run_scoped3A = tpu.sem_alloc : memref<!tpu.dma_semaphore, #tpu.memory_space<semaphore_mem>>
      %dma_start3A_474 = arith.constant 0 : i32
      %dma_start3A_475 = tpu.memref_slice %arg7[%arg0, %mul3A_465, %dma_start3A_474] : memref<2x10112x128xf32, #tpu.memory_space<hbm>> -> memref<1x632x128xf32, #tpu.memory_space<hbm>>
      %dma_start3A_476 = tpu.memref_squeeze %dma_start3A_475 : memref<1x632x128xf32, #tpu.memory_space<hbm>> -> memref<632x128xf32, #tpu.memory_space<hbm>>
      %dma_start3A_477 = arith.constant 0 : i32
      %dma_start3A_478 = tpu.memref_slice %arg29[%mul3A_463, %dma_start3A_477] : memref<10112x128xf32, #tpu.memory_space<vmem_shared>> -> memref<632x128xf32, #tpu.memory_space<vmem_shared>>
      tpu.enqueue_dma source(%dma_start3A_478 : memref<632x128xf32, #tpu.memory_space<vmem_shared>>) target(%dma_start3A_476 : memref<632x128xf32, #tpu.memory_space<hbm>>) target_semaphore(%run_scoped3A : memref<!tpu.dma_semaphore, #tpu.memory_space<semaphore_mem>>)
      %dma_wait3A_479 = arith.constant 0 : i32
      %dma_wait3A_480 = tpu.memref_slice %arg7[%arg0, %mul3A_465, %dma_wait3A_479] : memref<2x10112x128xf32, #tpu.memory_space<hbm>> -> memref<1x632x128xf32, #tpu.memory_space<hbm>>
      %dma_wait3A_481 = tpu.memref_squeeze %dma_wait3A_480 : memref<1x632x128xf32, #tpu.memory_space<hbm>> -> memref<632x128xf32, #tpu.memory_space<hbm>>
      %dma_wait3A_482 = arith.constant 0 : i32
      %dma_wait3A_483 = tpu.memref_slice %arg29[%mul3A_463, %dma_wait3A_482] : memref<10112x128xf32, #tpu.memory_space<vmem_shared>> -> memref<632x128xf32, #tpu.memory_space<vmem_shared>>
      tpu.wait_dma2 semaphore(%run_scoped3A : memref<!tpu.dma_semaphore, #tpu.memory_space<semaphore_mem>>) src(%dma_wait3A_483 : memref<632x128xf32, #tpu.memory_space<vmem_shared>>) dst(%dma_wait3A_481 : memref<632x128xf32, #tpu.memory_space<hbm>>)
      tpu.yield
    }) : () -> ()
    %eq3A_466 = arith.constant 0 : i32
    %eq3A_467 = arith.cmpi eq, %arg0, %eq3A_466 : i32
    %convert_element_type3A = arith.extui %eq3A_467 : i1 to i32
    %cond3A = arith.constant 0 : i32
    %cond3A_468 = arith.cmpi ne, %convert_element_type3A, %cond3A : i32
    scf.if %cond3A_468 {
      %mul3A_474 = arith.constant 640 : i32
      %mul3A_475 = arith.muli %arg1, %mul3A_474 : i32
      %mul3A_476 = arith.constant 640 : i32
      %mul3A_477 = arith.muli %arg1, %mul3A_476 : i32
      "tpu.region"() ({
        %run_scoped3A = tpu.sem_alloc : memref<!tpu.dma_semaphore, #tpu.memory_space<semaphore_mem>>
        %dma_start3A_478 = tpu.memref_slice %arg8[%mul3A_477] : memref<10240xf32, #tpu.memory_space<hbm>> -> memref<640xf32, #tpu.memory_space<hbm>>
        %dma_start3A_479 = tpu.memref_slice %arg30[%mul3A_475] : memref<10240xf32, #tpu.memory_space<vmem_shared>> -> memref<640xf32, #tpu.memory_space<vmem_shared>>
        tpu.enqueue_dma source(%dma_start3A_479 : memref<640xf32, #tpu.memory_space<vmem_shared>>) target(%dma_start3A_478 : memref<640xf32, #tpu.memory_space<hbm>>) target_semaphore(%run_scoped3A : memref<!tpu.dma_semaphore, #tpu.memory_space<semaphore_mem>>)
        %dma_wait3A_480 = tpu.memref_slice %arg8[%mul3A_477] : memref<10240xf32, #tpu.memory_space<hbm>> -> memref<640xf32, #tpu.memory_space<hbm>>
        %dma_wait3A_481 = tpu.memref_slice %arg30[%mul3A_475] : memref<10240xf32, #tpu.memory_space<vmem_shared>> -> memref<640xf32, #tpu.memory_space<vmem_shared>>
        tpu.wait_dma2 semaphore(%run_scoped3A : memref<!tpu.dma_semaphore, #tpu.memory_space<semaphore_mem>>) src(%dma_wait3A_481 : memref<640xf32, #tpu.memory_space<vmem_shared>>) dst(%dma_wait3A_480 : memref<640xf32, #tpu.memory_space<hbm>>)
        tpu.yield
      }) : () -> ()
    } else {
    }
    %eq3A_469 = arith.constant 1 : i32
    %eq3A_470 = arith.cmpi eq, %arg0, %eq3A_469 : i32
    %convert_element_type3A_471 = arith.extui %eq3A_470 : i1 to i32
    %cond3A_472 = arith.constant 0 : i32
    %cond3A_473 = arith.cmpi ne, %convert_element_type3A_471, %cond3A_472 : i32
    scf.if %cond3A_473 {
      %mul3A_474 = arith.constant 640 : i32
      %mul3A_475 = arith.muli %arg1, %mul3A_474 : i32
      %mul3A_476 = arith.constant 640 : i32
      %mul3A_477 = arith.muli %arg1, %mul3A_476 : i32
      "tpu.region"() ({
        %run_scoped3A = tpu.sem_alloc : memref<!tpu.dma_semaphore, #tpu.memory_space<semaphore_mem>>
        %dma_start3A_478 = tpu.memref_slice %arg9[%mul3A_477] : memref<10240xf32, #tpu.memory_space<hbm>> -> memref<640xf32, #tpu.memory_space<hbm>>
        %dma_start3A_479 = tpu.memref_slice %arg30[%mul3A_475] : memref<10240xf32, #tpu.memory_space<vmem_shared>> -> memref<640xf32, #tpu.memory_space<vmem_shared>>
        tpu.enqueue_dma source(%dma_start3A_479 : memref<640xf32, #tpu.memory_space<vmem_shared>>) target(%dma_start3A_478 : memref<640xf32, #tpu.memory_space<hbm>>) target_semaphore(%run_scoped3A : memref<!tpu.dma_semaphore, #tpu.memory_space<semaphore_mem>>)
        %dma_wait3A_480 = tpu.memref_slice %arg9[%mul3A_477] : memref<10240xf32, #tpu.memory_space<hbm>> -> memref<640xf32, #tpu.memory_space<hbm>>
        %dma_wait3A_481 = tpu.memref_slice %arg30[%mul3A_475] : memref<10240xf32, #tpu.memory_space<vmem_shared>> -> memref<640xf32, #tpu.memory_space<vmem_shared>>
        tpu.wait_dma2 semaphore(%run_scoped3A : memref<!tpu.dma_semaphore, #tpu.memory_space<semaphore_mem>>) src(%dma_wait3A_481 : memref<640xf32, #tpu.memory_space<vmem_shared>>) dst(%dma_wait3A_480 : memref<640xf32, #tpu.memory_space<hbm>>)
        tpu.yield
      }) : () -> ()
    } else {
    }
    return
  }
}

module attributes {stable_mosaic.version = 14 : i64} {
  func.func @_proj_body(%arg0: i32, %arg1: memref<2048x128xf32, #tpu.memory_space<vmem>>, %arg2: memref<2048x1xf32, #tpu.memory_space<vmem>>, %arg3: memref<3x128x128xf32, #tpu.memory_space<vmem>>, %arg4: memref<3x128xf32, #tpu.memory_space<vmem>>, %arg5: memref<3x128xf32, #tpu.memory_space<vmem>>, %arg6: memref<3x128x128xf32, #tpu.memory_space<vmem>>, %arg7: memref<3x128xf32, #tpu.memory_space<vmem>>, %arg8: memref<3x2048x128xf32, #tpu.memory_space<vmem>>, %arg9: memref<3x2048xf32, #tpu.memory_space<vmem>>, %arg10: memref<2048x1xi32, #tpu.memory_space<vmem>>, %arg11: memref<2048x128xf32, #tpu.memory_space<vmem>>) attributes {dimension_semantics = [#tpu.dimension_semantics<arbitrary>], iteration_bounds = array<i64: 5>, scalar_prefetch = 0 : i64, scratch_operands = 0 : i64, tpu.core_type = #tpu.core_type<tc>, window_params = [{transform_indices = @transform_0, window_bounds = array<i64: 2048, 128>}, {transform_indices = @transform_1, window_bounds = array<i64: 2048, 1>}, {pipeline_mode = #tpu.pipeline_mode<synchronous>, transform_indices = @transform_2, window_bounds = array<i64: 3, 128, 128>}, {pipeline_mode = #tpu.pipeline_mode<synchronous>, transform_indices = @transform_3, window_bounds = array<i64: 3, 128>}, {pipeline_mode = #tpu.pipeline_mode<synchronous>, transform_indices = @transform_4, window_bounds = array<i64: 3, 128>}, {pipeline_mode = #tpu.pipeline_mode<synchronous>, transform_indices = @transform_5, window_bounds = array<i64: 3, 128, 128>}, {pipeline_mode = #tpu.pipeline_mode<synchronous>, transform_indices = @transform_6, window_bounds = array<i64: 3, 128>}, {transform_indices = @transform_7, window_bounds = array<i64: 3, 2048, 128>}, {transform_indices = @transform_8, window_bounds = array<i64: 3, 2048>}, {transform_indices = @transform_9, window_bounds = array<i64: 2048, 1>}, {transform_indices = @transform_10, window_bounds = array<i64: 2048, 128>}]} {
    %get3A = arith.constant 0 : index
    %get3A_0 = arith.constant 0 : index
    %get3A_1 = vector.load %arg1[%get3A, %get3A_0] : memref<2048x128xf32, #tpu.memory_space<vmem>>, vector<2048x128xf32>
    %get3A_2 = arith.constant 0 : index
    %get3A_3 = arith.constant 0 : index
    %get3A_4 = vector.load %arg2[%get3A_2, %get3A_3] : memref<2048x1xf32, #tpu.memory_space<vmem>>, vector<2048x1xf32>
    %get3A_5 = arith.constant 0 : index
    %get3A_6 = arith.constant 0 : index
    %get3A_7 = arith.constant 0 : index
    %get3A_8 = vector.load %arg3[%get3A_5, %get3A_6, %get3A_7] : memref<3x128x128xf32, #tpu.memory_space<vmem>>, vector<1x128x128xf32>
    %get3A_9 = vector.shape_cast %get3A_8 : vector<1x128x128xf32> to vector<128x128xf32>
    %dot_general3A = arith.constant dense<0.000000e+00> : vector<2048x128xf32>
    %dot_general3A_10 = tpu.matmul %get3A_1, %get3A_9, %dot_general3A {dimension_numbers = #tpu.dot_dimension_numbers<[1], [0], [0], [1], [0, 0, 1, 1], [], []>, transpose_lhs_hint = false} : vector<2048x128xf32>, vector<128x128xf32>, vector<2048x128xf32> -> vector<2048x128xf32>
    %swap3A = arith.constant 0 : index
    %swap3A_11 = arith.constant 0 : index
    %swap3A_12 = arith.constant 0 : index
    %swap3A_13 = vector.load %arg8[%swap3A, %swap3A_11, %swap3A_12] : memref<3x2048x128xf32, #tpu.memory_space<vmem>>, vector<1x2048x128xf32>
    %swap3A_14 = vector.shape_cast %swap3A_13 : vector<1x2048x128xf32> to vector<2048x128xf32>
    %swap3A_15 = vector.shape_cast %dot_general3A_10 : vector<2048x128xf32> to vector<1x2048x128xf32>
    tpu.vector_store %arg8[%swap3A, %swap3A_11, %swap3A_12], %swap3A_15 {strides = array<i32>} : memref<3x2048x128xf32, #tpu.memory_space<vmem>>, vector<1x2048x128xf32>,
    %get3A_16 = arith.constant 0 : index
    %get3A_17 = arith.constant 0 : index
    %get3A_18 = vector.load %arg4[%get3A_16, %get3A_17] : memref<3x128xf32, #tpu.memory_space<vmem>>, vector<1x128xf32>
    %get3A_19 = vector.shape_cast %get3A_18 : vector<1x128xf32> to vector<128xf32>
    %broadcast_in_dim3A = vector.shape_cast %get3A_19 : vector<128xf32> to vector<1x128xf32>
    %mul3A = vector.broadcast %broadcast_in_dim3A : vector<1x128xf32> to vector<2048x128xf32>
    %mul3A_20 = arith.mulf %dot_general3A_10, %mul3A : vector<2048x128xf32>
    %reduce_sum3A = arith.constant dense<0.000000e+00> : vector<2048xf32>
    %reduce_sum3A_21 = vector.multi_reduction <add>, %mul3A_20, %reduce_sum3A [1] : vector<2048x128xf32> to vector<2048xf32>
    %swap3A_22 = arith.constant 0 : index
    %swap3A_23 = arith.constant 0 : index
    %swap3A_24 = vector.load %arg9[%swap3A_22, %swap3A_23] : memref<3x2048xf32, #tpu.memory_space<vmem>>, vector<1x2048xf32>
    %swap3A_25 = vector.shape_cast %swap3A_24 : vector<1x2048xf32> to vector<2048xf32>
    %swap3A_26 = vector.shape_cast %reduce_sum3A_21 : vector<2048xf32> to vector<1x2048xf32>
    tpu.vector_store %arg9[%swap3A_22, %swap3A_23], %swap3A_26 {strides = array<i32>} : memref<3x2048xf32, #tpu.memory_space<vmem>>, vector<1x2048xf32>,
    %get3A_27 = arith.constant 0 : index
    %get3A_28 = arith.constant 0 : index
    %get3A_29 = vector.load %arg5[%get3A_27, %get3A_28] : memref<3x128xf32, #tpu.memory_space<vmem>>, vector<1x128xf32>
    %get3A_30 = vector.shape_cast %get3A_29 : vector<1x128xf32> to vector<128xf32>
    %broadcast_in_dim3A_31 = vector.shape_cast %get3A_30 : vector<128xf32> to vector<1x128xf32>
    %mul3A_32 = vector.broadcast %broadcast_in_dim3A_31 : vector<1x128xf32> to vector<2048x128xf32>
    %mul3A_33 = arith.mulf %dot_general3A_10, %mul3A_32 : vector<2048x128xf32>
    %reduce_sum3A_34 = arith.constant dense<0.000000e+00> : vector<2048xf32>
    %reduce_sum3A_35 = vector.multi_reduction <add>, %mul3A_33, %reduce_sum3A_34 [1] : vector<2048x128xf32> to vector<2048xf32>
    %get3A_36 = arith.constant 0 : index
    %get3A_37 = arith.constant 0 : index
    %get3A_38 = arith.constant 0 : index
    %get3A_39 = vector.load %arg6[%get3A_36, %get3A_37, %get3A_38] : memref<3x128x128xf32, #tpu.memory_space<vmem>>, vector<1x128x128xf32>
    %get3A_40 = vector.shape_cast %get3A_39 : vector<1x128x128xf32> to vector<128x128xf32>
    %dot_general3A_41 = arith.constant dense<0.000000e+00> : vector<2048x128xf32>
    %dot_general3A_42 = tpu.matmul %get3A_1, %get3A_40, %dot_general3A_41 {dimension_numbers = #tpu.dot_dimension_numbers<[1], [0], [0], [1], [0, 0, 1, 1], [], []>, transpose_lhs_hint = false} : vector<2048x128xf32>, vector<128x128xf32>, vector<2048x128xf32> -> vector<2048x128xf32>
    %get3A_43 = arith.constant 0 : index
    %get3A_44 = arith.constant 0 : index
    %get3A_45 = vector.load %arg7[%get3A_43, %get3A_44] : memref<3x128xf32, #tpu.memory_space<vmem>>, vector<1x128xf32>
    %get3A_46 = vector.shape_cast %get3A_45 : vector<1x128xf32> to vector<128xf32>
    %broadcast_in_dim3A_47 = vector.shape_cast %get3A_46 : vector<128xf32> to vector<1x128xf32>
    %add3A = vector.broadcast %broadcast_in_dim3A_47 : vector<1x128xf32> to vector<2048x128xf32>
    %add3A_48 = arith.addf %dot_general3A_42, %add3A : vector<2048x128xf32>
    %get3A_49 = arith.constant 1 : index
    %get3A_50 = arith.constant 0 : index
    %get3A_51 = arith.constant 0 : index
    %get3A_52 = vector.load %arg3[%get3A_49, %get3A_50, %get3A_51] : memref<3x128x128xf32, #tpu.memory_space<vmem>>, vector<1x128x128xf32>
    %get3A_53 = vector.shape_cast %get3A_52 : vector<1x128x128xf32> to vector<128x128xf32>
    %dot_general3A_54 = arith.constant dense<0.000000e+00> : vector<2048x128xf32>
    %dot_general3A_55 = tpu.matmul %get3A_1, %get3A_53, %dot_general3A_54 {dimension_numbers = #tpu.dot_dimension_numbers<[1], [0], [0], [1], [0, 0, 1, 1], [], []>, transpose_lhs_hint = false} : vector<2048x128xf32>, vector<128x128xf32>, vector<2048x128xf32> -> vector<2048x128xf32>
    %swap3A_56 = arith.constant 1 : index
    %swap3A_57 = arith.constant 0 : index
    %swap3A_58 = arith.constant 0 : index
    %swap3A_59 = vector.load %arg8[%swap3A_56, %swap3A_57, %swap3A_58] : memref<3x2048x128xf32, #tpu.memory_space<vmem>>, vector<1x2048x128xf32>
    %swap3A_60 = vector.shape_cast %swap3A_59 : vector<1x2048x128xf32> to vector<2048x128xf32>
    %swap3A_61 = vector.shape_cast %dot_general3A_55 : vector<2048x128xf32> to vector<1x2048x128xf32>
    tpu.vector_store %arg8[%swap3A_56, %swap3A_57, %swap3A_58], %swap3A_61 {strides = array<i32>} : memref<3x2048x128xf32, #tpu.memory_space<vmem>>, vector<1x2048x128xf32>,
    %get3A_62 = arith.constant 1 : index
    %get3A_63 = arith.constant 0 : index
    %get3A_64 = vector.load %arg4[%get3A_62, %get3A_63] : memref<3x128xf32, #tpu.memory_space<vmem>>, vector<1x128xf32>
    %get3A_65 = vector.shape_cast %get3A_64 : vector<1x128xf32> to vector<128xf32>
    %broadcast_in_dim3A_66 = vector.shape_cast %get3A_65 : vector<128xf32> to vector<1x128xf32>
    %mul3A_67 = vector.broadcast %broadcast_in_dim3A_66 : vector<1x128xf32> to vector<2048x128xf32>
    %mul3A_68 = arith.mulf %dot_general3A_55, %mul3A_67 : vector<2048x128xf32>
    %reduce_sum3A_69 = arith.constant dense<0.000000e+00> : vector<2048xf32>
    %reduce_sum3A_70 = vector.multi_reduction <add>, %mul3A_68, %reduce_sum3A_69 [1] : vector<2048x128xf32> to vector<2048xf32>
    %swap3A_71 = arith.constant 1 : index
    %swap3A_72 = arith.constant 0 : index
    %swap3A_73 = vector.load %arg9[%swap3A_71, %swap3A_72] : memref<3x2048xf32, #tpu.memory_space<vmem>>, vector<1x2048xf32>
    %swap3A_74 = vector.shape_cast %swap3A_73 : vector<1x2048xf32> to vector<2048xf32>
    %swap3A_75 = vector.shape_cast %reduce_sum3A_70 : vector<2048xf32> to vector<1x2048xf32>
    tpu.vector_store %arg9[%swap3A_71, %swap3A_72], %swap3A_75 {strides = array<i32>} : memref<3x2048xf32, #tpu.memory_space<vmem>>, vector<1x2048xf32>,
    %get3A_76 = arith.constant 1 : index
    %get3A_77 = arith.constant 0 : index
    %get3A_78 = vector.load %arg5[%get3A_76, %get3A_77] : memref<3x128xf32, #tpu.memory_space<vmem>>, vector<1x128xf32>
    %get3A_79 = vector.shape_cast %get3A_78 : vector<1x128xf32> to vector<128xf32>
    %broadcast_in_dim3A_80 = vector.shape_cast %get3A_79 : vector<128xf32> to vector<1x128xf32>
    %mul3A_81 = vector.broadcast %broadcast_in_dim3A_80 : vector<1x128xf32> to vector<2048x128xf32>
    %mul3A_82 = arith.mulf %dot_general3A_55, %mul3A_81 : vector<2048x128xf32>
    %reduce_sum3A_83 = arith.constant dense<0.000000e+00> : vector<2048xf32>
    %reduce_sum3A_84 = vector.multi_reduction <add>, %mul3A_82, %reduce_sum3A_83 [1] : vector<2048x128xf32> to vector<2048xf32>
    %get3A_85 = arith.constant 1 : index
    %get3A_86 = arith.constant 0 : index
    %get3A_87 = arith.constant 0 : index
    %get3A_88 = vector.load %arg6[%get3A_85, %get3A_86, %get3A_87] : memref<3x128x128xf32, #tpu.memory_space<vmem>>, vector<1x128x128xf32>
    %get3A_89 = vector.shape_cast %get3A_88 : vector<1x128x128xf32> to vector<128x128xf32>
    %dot_general3A_90 = arith.constant dense<0.000000e+00> : vector<2048x128xf32>
    %dot_general3A_91 = tpu.matmul %get3A_1, %get3A_89, %dot_general3A_90 {dimension_numbers = #tpu.dot_dimension_numbers<[1], [0], [0], [1], [0, 0, 1, 1], [], []>, transpose_lhs_hint = false} : vector<2048x128xf32>, vector<128x128xf32>, vector<2048x128xf32> -> vector<2048x128xf32>
    %get3A_92 = arith.constant 1 : index
    %get3A_93 = arith.constant 0 : index
    %get3A_94 = vector.load %arg7[%get3A_92, %get3A_93] : memref<3x128xf32, #tpu.memory_space<vmem>>, vector<1x128xf32>
    %get3A_95 = vector.shape_cast %get3A_94 : vector<1x128xf32> to vector<128xf32>
    %broadcast_in_dim3A_96 = vector.shape_cast %get3A_95 : vector<128xf32> to vector<1x128xf32>
    %add3A_97 = vector.broadcast %broadcast_in_dim3A_96 : vector<1x128xf32> to vector<2048x128xf32>
    %add3A_98 = arith.addf %dot_general3A_91, %add3A_97 : vector<2048x128xf32>
    %get3A_99 = arith.constant 2 : index
    %get3A_100 = arith.constant 0 : index
    %get3A_101 = arith.constant 0 : index
    %get3A_102 = vector.load %arg3[%get3A_99, %get3A_100, %get3A_101] : memref<3x128x128xf32, #tpu.memory_space<vmem>>, vector<1x128x128xf32>
    %get3A_103 = vector.shape_cast %get3A_102 : vector<1x128x128xf32> to vector<128x128xf32>
    %dot_general3A_104 = arith.constant dense<0.000000e+00> : vector<2048x128xf32>
    %dot_general3A_105 = tpu.matmul %get3A_1, %get3A_103, %dot_general3A_104 {dimension_numbers = #tpu.dot_dimension_numbers<[1], [0], [0], [1], [0, 0, 1, 1], [], []>, transpose_lhs_hint = false} : vector<2048x128xf32>, vector<128x128xf32>, vector<2048x128xf32> -> vector<2048x128xf32>
    %swap3A_106 = arith.constant 2 : index
    %swap3A_107 = arith.constant 0 : index
    %swap3A_108 = arith.constant 0 : index
    %swap3A_109 = vector.load %arg8[%swap3A_106, %swap3A_107, %swap3A_108] : memref<3x2048x128xf32, #tpu.memory_space<vmem>>, vector<1x2048x128xf32>
    %swap3A_110 = vector.shape_cast %swap3A_109 : vector<1x2048x128xf32> to vector<2048x128xf32>
    %swap3A_111 = vector.shape_cast %dot_general3A_105 : vector<2048x128xf32> to vector<1x2048x128xf32>
    tpu.vector_store %arg8[%swap3A_106, %swap3A_107, %swap3A_108], %swap3A_111 {strides = array<i32>} : memref<3x2048x128xf32, #tpu.memory_space<vmem>>, vector<1x2048x128xf32>,
    %get3A_112 = arith.constant 2 : index
    %get3A_113 = arith.constant 0 : index
    %get3A_114 = vector.load %arg4[%get3A_112, %get3A_113] : memref<3x128xf32, #tpu.memory_space<vmem>>, vector<1x128xf32>
    %get3A_115 = vector.shape_cast %get3A_114 : vector<1x128xf32> to vector<128xf32>
    %broadcast_in_dim3A_116 = vector.shape_cast %get3A_115 : vector<128xf32> to vector<1x128xf32>
    %mul3A_117 = vector.broadcast %broadcast_in_dim3A_116 : vector<1x128xf32> to vector<2048x128xf32>
    %mul3A_118 = arith.mulf %dot_general3A_105, %mul3A_117 : vector<2048x128xf32>
    %reduce_sum3A_119 = arith.constant dense<0.000000e+00> : vector<2048xf32>
    %reduce_sum3A_120 = vector.multi_reduction <add>, %mul3A_118, %reduce_sum3A_119 [1] : vector<2048x128xf32> to vector<2048xf32>
    %swap3A_121 = arith.constant 2 : index
    %swap3A_122 = arith.constant 0 : index
    %swap3A_123 = vector.load %arg9[%swap3A_121, %swap3A_122] : memref<3x2048xf32, #tpu.memory_space<vmem>>, vector<1x2048xf32>
    %swap3A_124 = vector.shape_cast %swap3A_123 : vector<1x2048xf32> to vector<2048xf32>
    %swap3A_125 = vector.shape_cast %reduce_sum3A_120 : vector<2048xf32> to vector<1x2048xf32>
    tpu.vector_store %arg9[%swap3A_121, %swap3A_122], %swap3A_125 {strides = array<i32>} : memref<3x2048xf32, #tpu.memory_space<vmem>>, vector<1x2048xf32>,
    %get3A_126 = arith.constant 2 : index
    %get3A_127 = arith.constant 0 : index
    %get3A_128 = vector.load %arg5[%get3A_126, %get3A_127] : memref<3x128xf32, #tpu.memory_space<vmem>>, vector<1x128xf32>
    %get3A_129 = vector.shape_cast %get3A_128 : vector<1x128xf32> to vector<128xf32>
    %broadcast_in_dim3A_130 = vector.shape_cast %get3A_129 : vector<128xf32> to vector<1x128xf32>
    %mul3A_131 = vector.broadcast %broadcast_in_dim3A_130 : vector<1x128xf32> to vector<2048x128xf32>
    %mul3A_132 = arith.mulf %dot_general3A_105, %mul3A_131 : vector<2048x128xf32>
    %reduce_sum3A_133 = arith.constant dense<0.000000e+00> : vector<2048xf32>
    %reduce_sum3A_134 = vector.multi_reduction <add>, %mul3A_132, %reduce_sum3A_133 [1] : vector<2048x128xf32> to vector<2048xf32>
    %get3A_135 = arith.constant 2 : index
    %get3A_136 = arith.constant 0 : index
    %get3A_137 = arith.constant 0 : index
    %get3A_138 = vector.load %arg6[%get3A_135, %get3A_136, %get3A_137] : memref<3x128x128xf32, #tpu.memory_space<vmem>>, vector<1x128x128xf32>
    %get3A_139 = vector.shape_cast %get3A_138 : vector<1x128x128xf32> to vector<128x128xf32>
    %dot_general3A_140 = arith.constant dense<0.000000e+00> : vector<2048x128xf32>
    %dot_general3A_141 = tpu.matmul %get3A_1, %get3A_139, %dot_general3A_140 {dimension_numbers = #tpu.dot_dimension_numbers<[1], [0], [0], [1], [0, 0, 1, 1], [], []>, transpose_lhs_hint = false} : vector<2048x128xf32>, vector<128x128xf32>, vector<2048x128xf32> -> vector<2048x128xf32>
    %get3A_142 = arith.constant 2 : index
    %get3A_143 = arith.constant 0 : index
    %get3A_144 = vector.load %arg7[%get3A_142, %get3A_143] : memref<3x128xf32, #tpu.memory_space<vmem>>, vector<1x128xf32>
    %get3A_145 = vector.shape_cast %get3A_144 : vector<1x128xf32> to vector<128xf32>
    %broadcast_in_dim3A_146 = vector.shape_cast %get3A_145 : vector<128xf32> to vector<1x128xf32>
    %add3A_147 = vector.broadcast %broadcast_in_dim3A_146 : vector<1x128xf32> to vector<2048x128xf32>
    %add3A_148 = arith.addf %dot_general3A_141, %add3A_147 : vector<2048x128xf32>
    %squeeze3A = vector.shape_cast %get3A_4 : vector<2048x1xf32> to vector<2048xf32>
    %eq3A = arith.constant 0.000000e+00 : f32
    %eq3A_149 = vector.broadcast %eq3A : f32 to vector<2048xf32>
    %eq3A_150 = arith.cmpf oeq, %squeeze3A, %eq3A_149 : vector<2048xf32>
    %eq3A_151 = arith.constant 1.000000e+00 : f32
    %eq3A_152 = vector.broadcast %eq3A_151 : f32 to vector<2048xf32>
    %eq3A_153 = arith.cmpf oeq, %squeeze3A, %eq3A_152 : vector<2048xf32>
    %select_n3A = arith.select %eq3A_153, %reduce_sum3A_84, %reduce_sum3A_134 : vector<2048xi1>, vector<2048xf32>
    %select_n3A_154 = arith.select %eq3A_150, %reduce_sum3A_35, %select_n3A : vector<2048xi1>, vector<2048xf32>
    %bitcast_convert_type3A = tpu.bitcast %select_n3A_154 : vector<2048xf32> -> vector<2048xi32>
    %and3A = arith.constant -4 : i32
    %and3A_155 = vector.broadcast %and3A : i32 to vector<2048xi32>
    %and3A_156 = arith.andi %bitcast_convert_type3A, %and3A_155 : vector<2048xi32>
    %convert_element_type3A = arith.fptosi %squeeze3A : vector<2048xf32> to vector<2048xi32>
    %or3A = arith.ori %and3A_156, %convert_element_type3A : vector<2048xi32>
    %broadcast_in_dim3A_157 = vector.shape_cast %or3A : vector<2048xi32> to vector<2048x1xi32>
    %swap3A_158 = arith.constant 0 : index
    %swap3A_159 = arith.constant 0 : index
    %swap3A_160 = vector.load %arg10[%swap3A_158, %swap3A_159] : memref<2048x1xi32, #tpu.memory_space<vmem>>, vector<2048x1xi32>
    tpu.vector_store %arg10[%swap3A_158, %swap3A_159], %broadcast_in_dim3A_157 {strides = array<i32>} : memref<2048x1xi32, #tpu.memory_space<vmem>>, vector<2048x1xi32>,
    %eq3A_161 = arith.constant 0.000000e+00 : f32
    %eq3A_162 = vector.broadcast %eq3A_161 : f32 to vector<2048x1xf32>
    %eq3A_163 = arith.cmpf oeq, %get3A_4, %eq3A_162 : vector<2048x1xf32>
    %eq3A_164 = arith.constant 1.000000e+00 : f32
    %eq3A_165 = vector.broadcast %eq3A_164 : f32 to vector<2048x1xf32>
    %eq3A_166 = arith.cmpf oeq, %get3A_4, %eq3A_165 : vector<2048x1xf32>
    %broadcast_in_dim3A_167 = vector.shape_cast %eq3A_166 : vector<2048x1xi1> to vector<2048x1xi1>
    %broadcast_in_dim3A_168 = vector.broadcast %broadcast_in_dim3A_167 : vector<2048x1xi1> to vector<2048x128xi1>
    %select_n3A_169 = arith.select %broadcast_in_dim3A_168, %add3A_98, %add3A_148 : vector<2048x128xi1>, vector<2048x128xf32>
    %broadcast_in_dim3A_170 = vector.shape_cast %eq3A_163 : vector<2048x1xi1> to vector<2048x1xi1>
    %broadcast_in_dim3A_171 = vector.broadcast %broadcast_in_dim3A_170 : vector<2048x1xi1> to vector<2048x128xi1>
    %select_n3A_172 = arith.select %broadcast_in_dim3A_171, %add3A_48, %select_n3A_169 : vector<2048x128xi1>, vector<2048x128xf32>
    %swap3A_173 = arith.constant 0 : index
    %swap3A_174 = arith.constant 0 : index
    %swap3A_175 = vector.load %arg11[%swap3A_173, %swap3A_174] : memref<2048x128xf32, #tpu.memory_space<vmem>>, vector<2048x128xf32>
    tpu.vector_store %arg11[%swap3A_173, %swap3A_174], %select_n3A_172 {strides = array<i32>} : memref<2048x128xf32, #tpu.memory_space<vmem>>, vector<2048x128xf32>,
    return
  }
  func.func @transform_0(%arg0: i32) -> (i32, i32) {
    %c0_i32 = arith.constant 0 : i32
    %c0_i32_0 = arith.constant 0 : i32
    return %arg0, %c0_i32 : i32, i32
  }
  func.func @transform_1(%arg0: i32) -> (i32, i32) {
    %c0_i32 = arith.constant 0 : i32
    %c0_i32_0 = arith.constant 0 : i32
    return %arg0, %c0_i32 : i32, i32
  }
  func.func @transform_2(%arg0: i32) -> (i32, i32, i32) {
    %c0_i32 = arith.constant 0 : i32
    %c0_i32_0 = arith.constant 0 : i32
    %c0_i32_1 = arith.constant 0 : i32
    %c0_i32_2 = arith.constant 0 : i32
    return %c0_i32, %c0_i32_0, %c0_i32_1 : i32, i32, i32
  }
  func.func @transform_3(%arg0: i32) -> (i32, i32) {
    %c0_i32 = arith.constant 0 : i32
    %c0_i32_0 = arith.constant 0 : i32
    %c0_i32_1 = arith.constant 0 : i32
    return %c0_i32, %c0_i32_0 : i32, i32
  }
  func.func @transform_4(%arg0: i32) -> (i32, i32) {
    %c0_i32 = arith.constant 0 : i32
    %c0_i32_0 = arith.constant 0 : i32
    %c0_i32_1 = arith.constant 0 : i32
    return %c0_i32, %c0_i32_0 : i32, i32
  }
  func.func @transform_5(%arg0: i32) -> (i32, i32, i32) {
    %c0_i32 = arith.constant 0 : i32
    %c0_i32_0 = arith.constant 0 : i32
    %c0_i32_1 = arith.constant 0 : i32
    %c0_i32_2 = arith.constant 0 : i32
    return %c0_i32, %c0_i32_0, %c0_i32_1 : i32, i32, i32
  }
  func.func @transform_6(%arg0: i32) -> (i32, i32) {
    %c0_i32 = arith.constant 0 : i32
    %c0_i32_0 = arith.constant 0 : i32
    %c0_i32_1 = arith.constant 0 : i32
    return %c0_i32, %c0_i32_0 : i32, i32
  }
  func.func @transform_7(%arg0: i32) -> (i32, i32, i32) {
    %c0_i32 = arith.constant 0 : i32
    %c0_i32_0 = arith.constant 0 : i32
    %c0_i32_1 = arith.constant 0 : i32
    return %c0_i32, %arg0, %c0_i32_0 : i32, i32, i32
  }
  func.func @transform_8(%arg0: i32) -> (i32, i32) {
    %c0_i32 = arith.constant 0 : i32
    %c0_i32_0 = arith.constant 0 : i32
    return %c0_i32, %arg0 : i32, i32
  }
  func.func @transform_9(%arg0: i32) -> (i32, i32) {
    %c0_i32 = arith.constant 0 : i32
    %c0_i32_0 = arith.constant 0 : i32
    return %arg0, %c0_i32 : i32, i32
  }
  func.func @transform_10(%arg0: i32) -> (i32, i32) {
    %c0_i32 = arith.constant 0 : i32
    %c0_i32_0 = arith.constant 0 : i32
    return %arg0, %c0_i32 : i32, i32
  }
}

module attributes {stable_mosaic.version = 14 : i64} {
  func.func @_alphae_body(%arg0: i32, %arg1: memref<4096x128xf32, #tpu.memory_space<vmem>>, %arg2: memref<3x16x128xf32, #tpu.memory_space<vmem>>, %arg3: memref<3x128xf32, #tpu.memory_space<vmem>>, %arg4: memref<4096x24xf32, #tpu.memory_space<vmem>>) attributes {dimension_semantics = [#tpu.dimension_semantics<arbitrary>], iteration_bounds = array<i64: 10>, scalar_prefetch = 0 : i64, scratch_operands = 0 : i64, tpu.core_type = #tpu.core_type<tc>, window_params = [{transform_indices = @transform_0, window_bounds = array<i64: 4096, 128>}, {pipeline_mode = #tpu.pipeline_mode<synchronous>, transform_indices = @transform_1, window_bounds = array<i64: 3, 16, 128>}, {pipeline_mode = #tpu.pipeline_mode<synchronous>, transform_indices = @transform_2, window_bounds = array<i64: 3, 128>}, {transform_indices = @transform_3, window_bounds = array<i64: 4096, 24>}]} {
    %get3A = arith.constant 0 : index
    %get3A_0 = arith.constant 0 : index
    %get3A_1 = vector.load %arg1[%get3A, %get3A_0] : memref<4096x128xf32, #tpu.memory_space<vmem>>, vector<4096x128xf32>
    %get3A_2 = arith.constant 0 : index
    %get3A_3 = arith.constant 0 : index
    %get3A_4 = arith.constant 0 : index
    %get3A_5 = vector.load %arg2[%get3A_2, %get3A_3, %get3A_4] : memref<3x16x128xf32, #tpu.memory_space<vmem>>, vector<1x16x128xf32>
    %get3A_6 = vector.shape_cast %get3A_5 : vector<1x16x128xf32> to vector<16x128xf32>
    %get3A_7 = arith.constant 0 : index
    %get3A_8 = arith.constant 0 : index
    %get3A_9 = vector.load %arg3[%get3A_7, %get3A_8] : memref<3x128xf32, #tpu.memory_space<vmem>>, vector<1x128xf32>
    %get3A_10 = vector.shape_cast %get3A_9 : vector<1x128xf32> to vector<128xf32>
    %broadcast_in_dim3A = vector.shape_cast %get3A_10 : vector<128xf32> to vector<1x128xf32>
    %mul3A = vector.broadcast %broadcast_in_dim3A : vector<1x128xf32> to vector<16x128xf32>
    %mul3A_11 = arith.mulf %get3A_6, %mul3A : vector<16x128xf32>
    %reduce_sum3A = arith.constant dense<0.000000e+00> : vector<16xf32>
    %reduce_sum3A_12 = vector.multi_reduction <add>, %mul3A_11, %reduce_sum3A [1] : vector<16x128xf32> to vector<16xf32>
    %get3A_13 = arith.constant 1 : index
    %get3A_14 = arith.constant 0 : index
    %get3A_15 = arith.constant 0 : index
    %get3A_16 = vector.load %arg2[%get3A_13, %get3A_14, %get3A_15] : memref<3x16x128xf32, #tpu.memory_space<vmem>>, vector<1x16x128xf32>
    %get3A_17 = vector.shape_cast %get3A_16 : vector<1x16x128xf32> to vector<16x128xf32>
    %get3A_18 = arith.constant 1 : index
    %get3A_19 = arith.constant 0 : index
    %get3A_20 = vector.load %arg3[%get3A_18, %get3A_19] : memref<3x128xf32, #tpu.memory_space<vmem>>, vector<1x128xf32>
    %get3A_21 = vector.shape_cast %get3A_20 : vector<1x128xf32> to vector<128xf32>
    %broadcast_in_dim3A_22 = vector.shape_cast %get3A_21 : vector<128xf32> to vector<1x128xf32>
    %mul3A_23 = vector.broadcast %broadcast_in_dim3A_22 : vector<1x128xf32> to vector<16x128xf32>
    %mul3A_24 = arith.mulf %get3A_17, %mul3A_23 : vector<16x128xf32>
    %reduce_sum3A_25 = arith.constant dense<0.000000e+00> : vector<16xf32>
    %reduce_sum3A_26 = vector.multi_reduction <add>, %mul3A_24, %reduce_sum3A_25 [1] : vector<16x128xf32> to vector<16xf32>
    %get3A_27 = arith.constant 2 : index
    %get3A_28 = arith.constant 0 : index
    %get3A_29 = arith.constant 0 : index
    %get3A_30 = vector.load %arg2[%get3A_27, %get3A_28, %get3A_29] : memref<3x16x128xf32, #tpu.memory_space<vmem>>, vector<1x16x128xf32>
    %get3A_31 = vector.shape_cast %get3A_30 : vector<1x16x128xf32> to vector<16x128xf32>
    %get3A_32 = arith.constant 2 : index
    %get3A_33 = arith.constant 0 : index
    %get3A_34 = vector.load %arg3[%get3A_32, %get3A_33] : memref<3x128xf32, #tpu.memory_space<vmem>>, vector<1x128xf32>
    %get3A_35 = vector.shape_cast %get3A_34 : vector<1x128xf32> to vector<128xf32>
    %broadcast_in_dim3A_36 = vector.shape_cast %get3A_35 : vector<128xf32> to vector<1x128xf32>
    %mul3A_37 = vector.broadcast %broadcast_in_dim3A_36 : vector<1x128xf32> to vector<16x128xf32>
    %mul3A_38 = arith.mulf %get3A_31, %mul3A_37 : vector<16x128xf32>
    %reduce_sum3A_39 = arith.constant dense<0.000000e+00> : vector<16xf32>
    %reduce_sum3A_40 = vector.multi_reduction <add>, %mul3A_38, %reduce_sum3A_39 [1] : vector<16x128xf32> to vector<16xf32>
    %stack3A = vector.shape_cast %reduce_sum3A_12 : vector<16xf32> to vector<16x1xf32>
    %stack3A_41 = vector.shape_cast %reduce_sum3A_26 : vector<16xf32> to vector<16x1xf32>
    %stack3A_42 = vector.shape_cast %reduce_sum3A_40 : vector<16xf32> to vector<16x1xf32>
    %stack3A_43 = tpu.concatenate %stack3A, %stack3A_41, %stack3A_42 in 1 : vector<16x1xf32>, vector<16x1xf32>, vector<16x1xf32> -> vector<16x3xf32>
    %iota3A = tpu.iota {dimensions = array<i32: 0>} : vector<128x16xi32>
    %iota3A_44 = tpu.iota {dimensions = array<i32: 1>} : vector<128x16xi32>
    %jit3A = arith.constant 16 : i32
    %eq3A = arith.constant 0 : i32
    %eq3A_45 = arith.cmpi eq, %jit3A, %eq3A : i32
    %jit3A_46 = arith.constant 1 : i32
    %select_n3A = arith.select %eq3A_45, %jit3A_46, %jit3A : i32
    %rem3A = vector.broadcast %select_n3A : i32 to vector<128x16xi32>
    %rem3A_47 = arith.remsi %iota3A, %rem3A : vector<128x16xi32>
    %ne3A = arith.constant 0 : i32
    %ne3A_48 = vector.broadcast %ne3A : i32 to vector<128x16xi32>
    %ne3A_49 = arith.cmpi ne, %rem3A_47, %ne3A_48 : vector<128x16xi32>
    %lt3A = arith.constant 0 : i32
    %lt3A_50 = vector.broadcast %lt3A : i32 to vector<128x16xi32>
    %lt3A_51 = arith.cmpi slt, %rem3A_47, %lt3A_50 : vector<128x16xi32>
    %lt3A_52 = arith.constant 0 : i32
    %lt3A_53 = arith.cmpi slt, %select_n3A, %lt3A_52 : i32
    %ne3A_54 = vector.broadcast %lt3A_53 : i1 to vector<128x16xi1>
    %ne3A_55 = vector.broadcast %ne3A_54 : vector<128x16xi1> to vector<128x16xi1>
    %ne3A_56 = arith.xori %lt3A_51, %ne3A_55 : vector<128x16xi1>
    %and3A = arith.andi %ne3A_56, %ne3A_49 : vector<128x16xi1>
    %add3A = vector.broadcast %select_n3A : i32 to vector<128x16xi32>
    %add3A_57 = arith.addi %rem3A_47, %add3A : vector<128x16xi32>
    %select_n3A_58 = arith.select %and3A, %add3A_57, %rem3A_47 : vector<128x16xi1>, vector<128x16xi32>
    %eq3A_59 = arith.cmpi eq, %select_n3A_58, %iota3A_44 : vector<128x16xi32>
    %jit3A_60 = arith.constant 1.000000e+00 : f32
    %jit3A_61 = arith.constant 0.000000e+00 : f32
    %broadcast_in_dim3A_62 = vector.broadcast %jit3A_60 : f32 to vector<128x16xf32>
    %broadcast_in_dim3A_63 = vector.broadcast %jit3A_61 : f32 to vector<128x16xf32>
    %select_n3A_64 = arith.select %eq3A_59, %broadcast_in_dim3A_62, %broadcast_in_dim3A_63 : vector<128x16xi1>, vector<128x16xf32>
    %iota3A_65 = tpu.iota {dimensions = array<i32: 0>} : vector<3x24xi32>
    %iota3A_66 = tpu.iota {dimensions = array<i32: 1>} : vector<3x24xi32>
    %jit3A_67 = arith.constant 8 : i32
    %div3A = vector.broadcast %jit3A_67 : i32 to vector<3x24xi32>
    %div3A_68 = arith.divsi %iota3A_66, %div3A : vector<3x24xi32>
    %sign3A = arith.constant 0 : i32
    %sign3A_69 = vector.broadcast %sign3A : i32 to vector<3x24xi32>
    %sign3A_70 = arith.cmpi sgt, %iota3A_66, %sign3A_69 : vector<3x24xi32>
    %sign3A_71 = arith.extui %sign3A_70 : vector<3x24xi1> to vector<3x24xi32>
    %sign3A_72 = arith.constant 0 : i32
    %sign3A_73 = vector.broadcast %sign3A_72 : i32 to vector<3x24xi32>
    %sign3A_74 = arith.cmpi slt, %iota3A_66, %sign3A_73 : vector<3x24xi32>
    %sign3A_75 = arith.extui %sign3A_74 : vector<3x24xi1> to vector<3x24xi32>
    %sign3A_76 = arith.subi %sign3A_71, %sign3A_75 : vector<3x24xi32>
    %sign3A_77 = arith.constant 0 : i32
    %sign3A_78 = arith.cmpi sgt, %jit3A_67, %sign3A_77 : i32
    %sign3A_79 = arith.extui %sign3A_78 : i1 to i32
    %sign3A_80 = arith.constant 0 : i32
    %sign3A_81 = arith.cmpi slt, %jit3A_67, %sign3A_80 : i32
    %sign3A_82 = arith.extui %sign3A_81 : i1 to i32
    %sign3A_83 = arith.subi %sign3A_79, %sign3A_82 : i32
    %ne3A_84 = vector.broadcast %sign3A_83 : i32 to vector<3x24xi32>
    %ne3A_85 = arith.cmpi ne, %sign3A_76, %ne3A_84 : vector<3x24xi32>
    %rem3A_86 = vector.broadcast %jit3A_67 : i32 to vector<3x24xi32>
    %rem3A_87 = arith.remsi %iota3A_66, %rem3A_86 : vector<3x24xi32>
    %ne3A_88 = arith.constant 0 : i32
    %ne3A_89 = vector.broadcast %ne3A_88 : i32 to vector<3x24xi32>
    %ne3A_90 = arith.cmpi ne, %rem3A_87, %ne3A_89 : vector<3x24xi32>
    %and3A_91 = arith.andi %ne3A_85, %ne3A_90 : vector<3x24xi1>
    %sub3A = arith.constant 1 : i32
    %sub3A_92 = vector.broadcast %sub3A : i32 to vector<3x24xi32>
    %sub3A_93 = arith.subi %div3A_68, %sub3A_92 : vector<3x24xi32>
    %select_n3A_94 = arith.select %and3A_91, %sub3A_93, %div3A_68 : vector<3x24xi1>, vector<3x24xi32>
    %eq3A_95 = arith.cmpi eq, %select_n3A_94, %iota3A_65 : vector<3x24xi32>
    %jit3A_96 = arith.constant 1.000000e+00 : f32
    %jit3A_97 = arith.constant 0.000000e+00 : f32
    %broadcast_in_dim3A_98 = vector.broadcast %jit3A_96 : f32 to vector<3x24xf32>
    %broadcast_in_dim3A_99 = vector.broadcast %jit3A_97 : f32 to vector<3x24xf32>
    %select_n3A_100 = arith.select %eq3A_95, %broadcast_in_dim3A_98, %broadcast_in_dim3A_99 : vector<3x24xi1>, vector<3x24xf32>
    %iota3A_101 = tpu.iota {dimensions = array<i32: 0>} : vector<128x24xi32>
    %iota3A_102 = tpu.iota {dimensions = array<i32: 1>} : vector<128x24xi32>
    %jit3A_103 = arith.constant 16 : i32
    %div3A_104 = vector.broadcast %jit3A_103 : i32 to vector<128x24xi32>
    %div3A_105 = arith.divsi %iota3A_101, %div3A_104 : vector<128x24xi32>
    %sign3A_106 = arith.constant 0 : i32
    %sign3A_107 = vector.broadcast %sign3A_106 : i32 to vector<128x24xi32>
    %sign3A_108 = arith.cmpi sgt, %iota3A_101, %sign3A_107 : vector<128x24xi32>
    %sign3A_109 = arith.extui %sign3A_108 : vector<128x24xi1> to vector<128x24xi32>
    %sign3A_110 = arith.constant 0 : i32
    %sign3A_111 = vector.broadcast %sign3A_110 : i32 to vector<128x24xi32>
    %sign3A_112 = arith.cmpi slt, %iota3A_101, %sign3A_111 : vector<128x24xi32>
    %sign3A_113 = arith.extui %sign3A_112 : vector<128x24xi1> to vector<128x24xi32>
    %sign3A_114 = arith.subi %sign3A_109, %sign3A_113 : vector<128x24xi32>
    %sign3A_115 = arith.constant 0 : i32
    %sign3A_116 = arith.cmpi sgt, %jit3A_103, %sign3A_115 : i32
    %sign3A_117 = arith.extui %sign3A_116 : i1 to i32
    %sign3A_118 = arith.constant 0 : i32
    %sign3A_119 = arith.cmpi slt, %jit3A_103, %sign3A_118 : i32
    %sign3A_120 = arith.extui %sign3A_119 : i1 to i32
    %sign3A_121 = arith.subi %sign3A_117, %sign3A_120 : i32
    %ne3A_122 = vector.broadcast %sign3A_121 : i32 to vector<128x24xi32>
    %ne3A_123 = arith.cmpi ne, %sign3A_114, %ne3A_122 : vector<128x24xi32>
    %rem3A_124 = vector.broadcast %jit3A_103 : i32 to vector<128x24xi32>
    %rem3A_125 = arith.remsi %iota3A_101, %rem3A_124 : vector<128x24xi32>
    %ne3A_126 = arith.constant 0 : i32
    %ne3A_127 = vector.broadcast %ne3A_126 : i32 to vector<128x24xi32>
    %ne3A_128 = arith.cmpi ne, %rem3A_125, %ne3A_127 : vector<128x24xi32>
    %and3A_129 = arith.andi %ne3A_123, %ne3A_128 : vector<128x24xi1>
    %sub3A_130 = arith.constant 1 : i32
    %sub3A_131 = vector.broadcast %sub3A_130 : i32 to vector<128x24xi32>
    %sub3A_132 = arith.subi %div3A_105, %sub3A_131 : vector<128x24xi32>
    %select_n3A_133 = arith.select %and3A_129, %sub3A_132, %div3A_105 : vector<128x24xi1>, vector<128x24xi32>
    %jit3A_134 = arith.constant 8 : i32
    %eq3A_135 = arith.constant 0 : i32
    %eq3A_136 = arith.cmpi eq, %jit3A_134, %eq3A_135 : i32
    %jit3A_137 = arith.constant 1 : i32
    %select_n3A_138 = arith.select %eq3A_136, %jit3A_137, %jit3A_134 : i32
    %rem3A_139 = vector.broadcast %select_n3A_138 : i32 to vector<128x24xi32>
    %rem3A_140 = arith.remsi %iota3A_102, %rem3A_139 : vector<128x24xi32>
    %ne3A_141 = arith.constant 0 : i32
    %ne3A_142 = vector.broadcast %ne3A_141 : i32 to vector<128x24xi32>
    %ne3A_143 = arith.cmpi ne, %rem3A_140, %ne3A_142 : vector<128x24xi32>
    %lt3A_144 = arith.constant 0 : i32
    %lt3A_145 = vector.broadcast %lt3A_144 : i32 to vector<128x24xi32>
    %lt3A_146 = arith.cmpi slt, %rem3A_140, %lt3A_145 : vector<128x24xi32>
    %lt3A_147 = arith.constant 0 : i32
    %lt3A_148 = arith.cmpi slt, %select_n3A_138, %lt3A_147 : i32
    %ne3A_149 = vector.broadcast %lt3A_148 : i1 to vector<128x24xi1>
    %ne3A_150 = vector.broadcast %ne3A_149 : vector<128x24xi1> to vector<128x24xi1>
    %ne3A_151 = arith.xori %lt3A_146, %ne3A_150 : vector<128x24xi1>
    %and3A_152 = arith.andi %ne3A_151, %ne3A_143 : vector<128x24xi1>
    %add3A_153 = vector.broadcast %select_n3A_138 : i32 to vector<128x24xi32>
    %add3A_154 = arith.addi %rem3A_140, %add3A_153 : vector<128x24xi32>
    %select_n3A_155 = arith.select %and3A_152, %add3A_154, %rem3A_140 : vector<128x24xi1>, vector<128x24xi32>
    %eq3A_156 = arith.cmpi eq, %select_n3A_133, %select_n3A_155 : vector<128x24xi32>
    %jit3A_157 = arith.constant 1.000000e+00 : f32
    %jit3A_158 = arith.constant 0.000000e+00 : f32
    %broadcast_in_dim3A_159 = vector.broadcast %jit3A_157 : f32 to vector<128x24xf32>
    %broadcast_in_dim3A_160 = vector.broadcast %jit3A_158 : f32 to vector<128x24xf32>
    %select_n3A_161 = arith.select %eq3A_156, %broadcast_in_dim3A_159, %broadcast_in_dim3A_160 : vector<128x24xi1>, vector<128x24xf32>
    %dot_general3A = arith.constant dense<0.000000e+00> : vector<128x3xf32>
    %dot_general3A_162 = tpu.matmul %select_n3A_64, %stack3A_43, %dot_general3A {dimension_numbers = #tpu.dot_dimension_numbers<[1], [0], [0], [1], [0, 0, 1, 1], [], []>, transpose_lhs_hint = false} : vector<128x16xf32>, vector<16x3xf32>, vector<128x3xf32> -> vector<128x3xf32>
    %dot_general3A_163 = arith.constant dense<0.000000e+00> : vector<128x24xf32>
    %dot_general3A_164 = tpu.matmul %dot_general3A_162, %select_n3A_100, %dot_general3A_163 {dimension_numbers = #tpu.dot_dimension_numbers<[1], [0], [0], [1], [0, 0, 1, 1], [], []>, transpose_lhs_hint = false} : vector<128x3xf32>, vector<3x24xf32>, vector<128x24xf32> -> vector<128x24xf32>
    %mul3A_165 = arith.mulf %dot_general3A_164, %select_n3A_161 : vector<128x24xf32>
    %dot_general3A_166 = arith.constant dense<0.000000e+00> : vector<4096x24xf32>
    %dot_general3A_167 = tpu.matmul %get3A_1, %mul3A_165, %dot_general3A_166 {dimension_numbers = #tpu.dot_dimension_numbers<[1], [0], [0], [1], [0, 0, 1, 1], [], []>, transpose_lhs_hint = false} : vector<4096x128xf32>, vector<128x24xf32>, vector<4096x24xf32> -> vector<4096x24xf32>
    %swap3A = arith.constant 0 : index
    %swap3A_168 = arith.constant 0 : index
    %swap3A_169 = vector.load %arg4[%swap3A, %swap3A_168] : memref<4096x24xf32, #tpu.memory_space<vmem>>, vector<4096x24xf32>
    tpu.vector_store %arg4[%swap3A, %swap3A_168], %dot_general3A_167 {strides = array<i32>} : memref<4096x24xf32, #tpu.memory_space<vmem>>, vector<4096x24xf32>,
    return
  }
  func.func @transform_0(%arg0: i32) -> (i32, i32) {
    %c0_i32 = arith.constant 0 : i32
    %c0_i32_0 = arith.constant 0 : i32
    return %arg0, %c0_i32 : i32, i32
  }
  func.func @transform_1(%arg0: i32) -> (i32, i32, i32) {
    %c0_i32 = arith.constant 0 : i32
    %c0_i32_0 = arith.constant 0 : i32
    %c0_i32_1 = arith.constant 0 : i32
    %c0_i32_2 = arith.constant 0 : i32
    return %c0_i32, %c0_i32_0, %c0_i32_1 : i32, i32, i32
  }
  func.func @transform_2(%arg0: i32) -> (i32, i32) {
    %c0_i32 = arith.constant 0 : i32
    %c0_i32_0 = arith.constant 0 : i32
    %c0_i32_1 = arith.constant 0 : i32
    return %c0_i32, %c0_i32_0 : i32, i32
  }
  func.func @transform_3(%arg0: i32) -> (i32, i32) {
    %c0_i32 = arith.constant 0 : i32
    %c0_i32_0 = arith.constant 0 : i32
    return %arg0, %c0_i32 : i32, i32
  }
}

module attributes {stable_mosaic.version = 14 : i64} {
  func.func @_combine_body(%arg0: i32, %arg1: memref<2x2048x128xf32, #tpu.memory_space<vmem>>, %arg2: memref<2x2048x1xf32, #tpu.memory_space<vmem>>, %arg3: memref<2048x128xf32, #tpu.memory_space<vmem>>, %arg4: memref<2048x128xf32, #tpu.memory_space<vmem>>) attributes {dimension_semantics = [#tpu.dimension_semantics<arbitrary>], iteration_bounds = array<i64: 5>, scalar_prefetch = 0 : i64, scratch_operands = 0 : i64, tpu.core_type = #tpu.core_type<tc>, window_params = [{transform_indices = @transform_0, window_bounds = array<i64: 2, 2048, 128>}, {transform_indices = @transform_1, window_bounds = array<i64: 2, 2048, 1>}, {transform_indices = @transform_2, window_bounds = array<i64: 2048, 128>}, {transform_indices = @transform_3, window_bounds = array<i64: 2048, 128>}]} {
    %get3A = arith.constant 0 : index
    %get3A_0 = arith.constant 0 : index
    %get3A_1 = arith.constant 0 : index
    %get3A_2 = vector.load %arg1[%get3A, %get3A_0, %get3A_1] : memref<2x2048x128xf32, #tpu.memory_space<vmem>>, vector<1x2048x128xf32>
    %get3A_3 = vector.shape_cast %get3A_2 : vector<1x2048x128xf32> to vector<2048x128xf32>
    %get3A_4 = arith.constant 1 : index
    %get3A_5 = arith.constant 0 : index
    %get3A_6 = arith.constant 0 : index
    %get3A_7 = vector.load %arg1[%get3A_4, %get3A_5, %get3A_6] : memref<2x2048x128xf32, #tpu.memory_space<vmem>>, vector<1x2048x128xf32>
    %get3A_8 = vector.shape_cast %get3A_7 : vector<1x2048x128xf32> to vector<2048x128xf32>
    %add3A = arith.addf %get3A_3, %get3A_8 : vector<2048x128xf32>
    %get3A_9 = arith.constant 0 : index
    %get3A_10 = arith.constant 0 : index
    %get3A_11 = arith.constant 0 : index
    %get3A_12 = vector.load %arg2[%get3A_9, %get3A_10, %get3A_11] : memref<2x2048x1xf32, #tpu.memory_space<vmem>>, vector<1x2048x1xf32>
    %get3A_13 = vector.shape_cast %get3A_12 : vector<1x2048x1xf32> to vector<2048xf32>
    %get3A_14 = arith.constant 1 : index
    %get3A_15 = arith.constant 0 : index
    %get3A_16 = arith.constant 0 : index
    %get3A_17 = vector.load %arg2[%get3A_14, %get3A_15, %get3A_16] : memref<2x2048x1xf32, #tpu.memory_space<vmem>>, vector<1x2048x1xf32>
    %get3A_18 = vector.shape_cast %get3A_17 : vector<1x2048x1xf32> to vector<2048xf32>
    %add3A_19 = arith.addf %get3A_13, %get3A_18 : vector<2048xf32>
    %add3A_20 = arith.constant 1.000000e-16 : f32
    %add3A_21 = vector.broadcast %add3A_20 : f32 to vector<2048xf32>
    %add3A_22 = arith.addf %add3A_19, %add3A_21 : vector<2048xf32>
    %div3A = arith.constant 1.000000e+00 : f32
    %div3A_23 = vector.broadcast %div3A : f32 to vector<2048xf32>
    %div3A_24 = arith.divf %div3A_23, %add3A_22 : vector<2048xf32>
    %broadcast_in_dim3A = vector.shape_cast %div3A_24 : vector<2048xf32> to vector<2048x1xf32>
    %mul3A = vector.broadcast %broadcast_in_dim3A : vector<2048x1xf32> to vector<2048x128xf32>
    %mul3A_25 = arith.mulf %add3A, %mul3A : vector<2048x128xf32>
    %get3A_26 = arith.constant 0 : index
    %get3A_27 = arith.constant 0 : index
    %get3A_28 = vector.load %arg3[%get3A_26, %get3A_27] : memref<2048x128xf32, #tpu.memory_space<vmem>>, vector<2048x128xf32>
    %add3A_29 = arith.addf %mul3A_25, %get3A_28 : vector<2048x128xf32>
    %max3A = arith.constant 0.000000e+00 : f32
    %max3A_30 = vector.broadcast %max3A : f32 to vector<2048x128xf32>
    %max3A_31 = arith.maximumf %add3A_29, %max3A_30 : vector<2048x128xf32>
    %swap3A = arith.constant 0 : index
    %swap3A_32 = arith.constant 0 : index
    %swap3A_33 = vector.load %arg4[%swap3A, %swap3A_32] : memref<2048x128xf32, #tpu.memory_space<vmem>>, vector<2048x128xf32>
    tpu.vector_store %arg4[%swap3A, %swap3A_32], %max3A_31 {strides = array<i32>} : memref<2048x128xf32, #tpu.memory_space<vmem>>, vector<2048x128xf32>,
    return
  }
  func.func @transform_0(%arg0: i32) -> (i32, i32, i32) {
    %c0_i32 = arith.constant 0 : i32
    %c0_i32_0 = arith.constant 0 : i32
    %c0_i32_1 = arith.constant 0 : i32
    return %c0_i32, %arg0, %c0_i32_0 : i32, i32, i32
  }
  func.func @transform_1(%arg0: i32) -> (i32, i32, i32) {
    %c0_i32 = arith.constant 0 : i32
    %c0_i32_0 = arith.constant 0 : i32
    %c0_i32_1 = arith.constant 0 : i32
    return %c0_i32, %arg0, %c0_i32_0 : i32, i32, i32
  }
  func.func @transform_2(%arg0: i32) -> (i32, i32) {
    %c0_i32 = arith.constant 0 : i32
    %c0_i32_0 = arith.constant 0 : i32
    return %arg0, %c0_i32 : i32, i32
  }
  func.func @transform_3(%arg0: i32) -> (i32, i32) {
    %c0_i32 = arith.constant 0 : i32
    %c0_i32_0 = arith.constant 0 : i32
    return %arg0, %c0_i32 : i32, i32
  }
}

</mosaic_0001>

<sc_bundles>
// kernel: kernel.6.cloned.1.call-start
scs
__scs_entry_jumppad:
0x0: {  	(pc) =	sbr.rel $0x88, $3  }
0x1: {  	(tag) =	ssettag $0x0;
	lr =	simm.s32 $0x1  }
0x2: {  	[smem:$0x3F88] =	sst lr;
	_ =	strace $0xD0000000  }
0x3: {  	_ = 	snop  }
0x4: {  	_ = 	snop  }
0x5: {  	_ = 	snop  }
0x6: {  	_ = 	snop  }
0x7: {  	_ = 	snop  }
__scs_overlays_trampoline_lowered:
0x8: {  	[smem:$0x3F97] =	sst s0  }
0x9: {  	[smem:$0x3F98] =	sst s1  }
0xa: {  	[smem:$0x3F99] =	sst s2  }
0xb: {  	[smem:$0x3F9A] =	sst s3  }
0xc: {  	[smem:$0x3F9B] =	sst s4  }
0xd: {  	[smem:$0x3F9C] =	sst s5  }
0xe: {  	[smem:$0x3F9D] =	sst s6  }
0xf: {  	[smem:$0x3F9E] =	sst s7  }
0x10: {  	[smem:$0x3F9F] =	sst s8  }
0x11: {  	[smem:$0x3FA0] =	sst s9;
	s0 =	simm.s32 @!p0 $0x0  }
0x12: {  	s1 =	sld [smem:$0x3F86];
	s0 =	simm.s32 @p0 $0x1  }
0x13: {  	[smem:$0x3FA1] =	sst s0;
	s0 =	simm.s32 @!p1 $0x0  }
0x14: {  	s2 =	sld [smem:$0x3F85];
	s0 =	simm.s32 @p1 $0x1  }
0x15: {  	[smem:$0x3FA2] =	sst s0;
	s0 =	simm.s32 @!p2 $0x0  }
0x16: {  	s3 =	sld [smem:$0x3FDB];
	s0 =	simm.s32 @p2 $0x1  }
0x17: {  	s4 =	simm.s32 $0x1BF5;
	[smem:$0x3FA4] =	sst s0  }
0x18: {  	s0 =	sld [smem:$0x3F87];
	_ =	swait.ge [sflag:s4], $0x0  }
0x19: {  	s7 =	sld [smem:$0x3F88]  }
0x1a: {  	s8 =	sadd.s32 $0xFFFFE003, lr  }
0x1b: {  	s9 =	sadd.s32 $0xFFFFFEF7, lr;
	s5 =	simm.s32 $0xFFFFFFFF;
	p2 =	slt.u32 s8, $0xFFFFF086  }
0x1c: {  	p1 =	slt.u32 s9, $0xF7A;
	s5 =	simm.s32 @!p2 $0x0  }
0x1d: {  	s5 =	simm.s32 @p1 $0x1;
	p0 =	seq.s32 s7, s2  }
0x1e: {  	s7 =	smul.u32 @!p0 $0xF7A, s2;
	p2 =	seq.s32 @!p0 s5, $0x0  }
0x1f: {  	s9 =	smul.u32 $0xF7A, s1;
	s8 =	simm.s32 @!p0 $0x1BF5;
	p2 =	por !p2, p0  }
0x20: {  	[sflag:s8] =	ssyncset.s32 @!p0 $0xFFFFF086;
	s6 =	sadd.s32 @!p0 s3, s7;
	s7 =	simm.s32 @!p0 $0x108  }
0x21: {  	s3 =	sadd.s32 s3, s9;
	s6 =	sadd.s32 @!p0 $0x88, s6;
	s7 =	simm.s32 @p2 $0x1082  }
0x22: {  	[simem:s7], [sflag:s8] =	dma.local @!p0 [hbm:s6], $0xF7A  }
0x23: {  	s9 =	sor.u32 $0xD0000000, s2;
	s6 =	simm.s32 $0x108;
	_ =	swait.ge @!p0 [sflag:s8], $0x0  }
0x24: {  	s3 =	sadd.s32 $0x88, s3;
	s6 =	simm.s32 @!p1 $0x1082;
	[sflag:s4] =	ssyncset.s32 $0xFFFFF086  }
0x25: {  	[simem:s6], [sflag:s4] =	dma.local [hbm:s3], $0xF7A  }
0x26: {  	[smem:$0x3F88] =	sst s1;
	(tag) =	ssettag s2;
	_ =	strace s9  }
0x27: {  	s1 =	sld [smem:$0x3F98]  }
0x28: {  	s2 =	sld [smem:$0x3F99]  }
0x29: {  	s4 =	sld [smem:$0x3F9B]  }
0x2a: {  	p0 =	seq.s32 s5, $0x0;
	s5 =	sld [smem:$0x3F9C]  }
0x2b: {  	s6 =	sld [smem:$0x3F9D]  }
0x2c: {  	s7 =	sld [smem:$0x3F9E]  }
0x2d: {  	s3 =	simm.s32 $0x108;
	s8 =	sld [smem:$0x3F9F]  }
0x2e: {  	s3 =	simm.s32 @!p0 $0x1082;
	s9 =	sld [smem:$0x3FA0]  }
0x2f: {  	lr =	sadd.s32 s0, s3;
	s0 =	sld [smem:$0x3F97]  }
0x30: {  	s3 =	sld [smem:$0x3F9A]  }
0x31: {  	[smem:$0x3FA3] =	sst s10  }
0x32: {  	s10 =	sld [smem:$0x3FA1];
	_ =	sdelay $0x3  }
0x33: {  	p0 =	seq.s32 s10, $0x1;
	s10 =	sld [smem:$0x3FA3];
	_ =	sdelay $0x3  }
0x34: {  	[smem:$0x3FA3] =	sst s10  }
0x35: {  	s10 =	sld [smem:$0x3FA2];
	_ =	sdelay $0x3  }
0x36: {  	p1 =	seq.s32 s10, $0x1;
	s10 =	sld [smem:$0x3FA3];
	_ =	sdelay $0x3  }
0x37: {  	[smem:$0x3FA3] =	sst s10  }
0x38: {  	s10 =	sld [smem:$0x3FA4]  }
0x39: {  	_ = 	snop;
	(pc) =	sbr.ind lr, $3  }
0x3a: {  	_ = 	snop  }
0x3b: {  	_ = 	snop  }
0x3c: {  	p2 =	seq.s32 s10, $0x1;
	s10 =	sld [smem:$0x3FA3]  }
0x3d: {  	_ =	shalt  }
0x3e: {  	_ =	shalt  }
0x3f: {  	_ =	shalt  }
0x40: {  	_ =	shalt  }
0x41: {  	_ =	shalt  }
0x42: {  	_ =	shalt  }
0x43: {  	_ =	shalt  }
0x44: {  	_ =	shalt  }
0x45: {  	_ =	shalt  }
0x46: {  	_ =	shalt  }
0x47: {  	_ =	shalt  }
0x48: {  	_ =	shalt  }
0x49: {  	_ =	shalt  }
0x4a: {  	_ =	shalt  }
0x4b: {  	_ =	shalt  }
0x4c: {  	_ =	shalt  }
0x4d: {  	_ =	shalt  }
0x4e: {  	_ =	shalt  }
0x4f: {  	_ =	shalt  }
0x50: {  	_ =	shalt  }
0x51: {  	_ =	shalt  }
0x52: {  	_ =	shalt  }
0x53: {  	_ =	shalt  }
0x54: {  	_ =	shalt  }
0x55: {  	_ =	shalt  }
0x56: {  	_ =	shalt  }
0x57: {  	_ =	shalt  }
0x58: {  	_ =	shalt  }
0x59: {  	_ =	shalt  }
0x5a: {  	_ =	shalt  }
0x5b: {  	_ =	shalt  }
0x5c: {  	_ =	shalt  }
0x5d: {  	_ =	shalt  }
0x5e: {  	_ =	shalt  }
0x5f: {  	_ =	shalt  }
0x60: {  	_ =	shalt  }
0x61: {  	_ =	shalt  }
0x62: {  	_ =	shalt  }
0x63: {  	_ =	shalt  }
0x64: {  	_ =	shalt  }
0x65: {  	_ =	shalt  }
0x66: {  	_ =	shalt  }
0x67: {  	_ =	shalt  }
0x68: {  	_ =	shalt  }
0x69: {  	_ =	shalt  }
0x6a: {  	_ =	shalt  }
0x6b: {  	_ =	shalt  }
0x6c: {  	_ =	shalt  }
0x6d: {  	_ =	shalt  }
0x6e: {  	_ =	shalt  }
0x6f: {  	_ =	shalt  }
0x70: {  	_ =	shalt  }
0x71: {  	_ =	shalt  }
0x72: {  	_ =	shalt  }
0x73: {  	_ =	shalt  }
0x74: {  	_ =	shalt  }
0x75: {  	_ =	shalt  }
0x76: {  	_ =	shalt  }
0x77: {  	_ =	shalt  }
0x78: {  	_ =	shalt  }
0x79: {  	_ =	shalt  }
0x7a: {  	_ =	shalt  }
0x7b: {  	_ =	shalt  }
0x7c: {  	_ =	shalt  }
0x7d: {  	_ =	shalt  }
0x7e: {  	_ =	shalt  }
0x7f: {  	_ =	shalt  }
0x80: {  	_ =	shalt  }
0x81: {  	_ =	shalt  }
0x82: {  	_ =	shalt  }
0x83: {  	_ =	shalt  }
0x84: {  	_ =	shalt  }
0x85: {  	_ =	shalt  }
0x86: {  	_ =	shalt  }
0x87: {  	_ =	shalt  }
.Lfunc_end0:
.L_simem_size_0:
called_computation_lowered:
.L_overlay_start_0:
0x88: {  	s2 =	sld [smem:$0x3FD9]  }
0x89: {  	s3 =	sld [smem:$0x3FFE];
	_ =	sdelay $0x1  }
0x8a: {  	s1 =	srdreg.scid  }
0x8b: {  	s0 =	sand.u32 $0x1, s1  }
0x8c: {  	s16 =	sshll.u32 s0, $0xA;
	s2 =	sadd.s32 s3, s2  }
0x8d: {  	s2 =	sadd.s32 s2, s16  }
0x8e: {  	[smem:$0x3FAF] =	sst s2  }
0x8f: {  	_ = 	snop  }
0x90: {  	(tm) =	ssettm $0x1  }
0x91: {  	s17 =	sld [smem:$0x3FFB];
	_ =	sdelay $0x3  }
0x92: {  	_ =	strace s17  }
0x93: {  	s2 =	sld [smem:$0x3FFC];
	_ =	sdelay $0x3  }
0x94: {  	_ =	strace s2  }
0x95: {  	s2 =	sld [smem:$0x3FFD];
	_ =	sdelay $0x3  }
0x96: {  	_ =	strace s2  }
0x97: {  	_ =	strace $0x8FFFFFFF  }
0x98: {  	s18 =	sld [smem:$0x3FDB];
	_ =	sdelay $0x1  }
0x99: {  	s19 =	simm.s32 $_scs_section_size  }
0x9a: {  	s4 =	simm.s32 $_size__tile_overlayer_lowered;
	s5 =	simm.s32 $_tile_overlayer_lowered  }
0x9b: {  	s22 =	simm.s32 $0x1BFF;
	s21 =	sshll.u32 s5, $0x1;
	s2 =	sadd.s32 s19, s18  }
0x9c: {  	s6 =	simm.s32 $0x0;
	s20 =	sshll.u32 s4, $0x1;
	s4 =	sadd.s32 s21, s2  }
0x9d: {  	[timem:s6], [sflag:s22] =	dma.local [hbm:s4], s20  }
0x9e: {  	_ =	swait.ge [sflag:s22], s20  }
0x9f: {  	s3 =	ssub.s32 $0x0, s20;
	[sflag:s22] =	ssyncset.done $0x0  }
0xa0: {  	[sflag:s22] =	ssyncadd.s32 s3;
	_ =	sdelay $0x1  }
0xa1: {  	s23 =	simm.s32 $0x1B8B  }
0xa2: {  	_ =	swait.ge [sflag:s23], $0x1  }
0xa3: {  	[sflag:s23] =	ssyncset.done $0x0  }
0xa4: {  	s25 =	simm.s32 $0x1B8E;
	s24 =	sld [smem:$0x3FFE];
	[sflag:s23] =	ssyncadd.s32 $0xFFFFFFFF  }
0xa5: {  	s26 =	simm.s32 $execute0_lowered;
	[smem:$0x3FD2] =	sst s25  }
0xa6: {  	s4 =	sshll.u32 s26, $0x1;
	_ =	strace $0x80000046;
	[dreg:$0x1] =	wrdreg $0xFFFFFFFF  }
0xa7: {  	s28 =	simm.s32 $_size_execute0_lowered;
	s2 =	sadd.s32 s2, s4;
	[dreg:$0x0] =	wrdreg $0x0  }
0xa8: {  	s4 =	sshll.u32 s28, $0x1;
	[dreg:$0x2] =	wrdreg s2  }
0xa9: {  	[dreg:$0x3] =	wrdreg s4  }
0xaa: {  	[dreg:$0x4] =	wrdreg $0xC0  }
0xab: {  	_ =	task [dreg:s6], $0x5FFFF  }
0xac: {  	[dreg:$0x1] =	wrdreg $0xFFFFFFFF  }
0xad: {  	[dreg:$0x0] =	wrdreg $0x60  }
0xae: {  	[dreg:$0x2] =	wrdreg s24  }
0xaf: {  	[dreg:$0x3] =	wrdreg $0xBF800  }
0xb0: {  	[dreg:$0x4] =	wrdreg $0x1FB800  }
0xb1: {  	[dreg:$0x5] =	wrdreg $0x9  }
0xb2: {  	_ =	task.clear_ibuf [dreg:s6], $0x6FFFF;
	_ =	strace $0x90000046  }
0xb3: {  	s29 =	simm.s32 $0x9;
	_ =	strace $0x80000048  }
0xb4: {  	_ =	swait.ge [sflag:s29], $0x1  }
0xb5: {  	[sflag:s29] =	ssyncadd.s32 $0xFFFFFFFF  }
0xb6: {  	_ =	strace $0x90000048  }
0xb7: {  	_ =	sfence  }
0xb8: {  	s30 =	sld [smem:$0x0];
	_ =	sdelay $0x2  }
0xb9: {  	s31 =	sshll.u32 s1, $0xD;
	s1 =	sshrl.u32 s1, $0x2  }
0xba: {  	s3 =	sand.u32 $0x4000, s31;
	s1 =	sadd.s32 s1, s30  }
0xbb: {  	s0 =	sor.u32 s3, s0;
	s1 =	sshll.u32 s1, $0x11  }
0xbc: {  	s0 =	sor.u32 s1, s0  }
0xbd: {  	s0 =	sadd.s32 $0x8F2B, s0  }
0xbe: {  	[sflag:s0] =	ssyncadd.remote.s32 $0x1  }
0xbf: {  	_ =	sfence.sel $0xFFFF  }
0xc0: {  	[dreg:$0x0] =	wrdreg $0xFFFFFFFF;
	(pc) =	sbr.abs _section_cstart, $3  }
0xc1: {  	[dreg:$0x1] =	wrdreg $0xFFFFFFFF  }
0xc2: {  	_ =	task.clear_ibuf [dreg:s6], $0x2FFFF;
	_ =	strace $0x9FFFFFFF  }
0xc3: {  	(tm) =	ssettm $0x7FFFFFFF  }
tec
execute0_lowered:
.L_overlay_start_1:
0x0: {  	(tag) =	ssettag $0x1  }
0x1: {  	v0 =	vimm.s32 $0x187  }
0x2: {  	vm14 =	vcmask $0x300;
	vm13 =	vcmask $0x704;
	vm12 =	vcmask $0xB08  }
0x3: {  	v2 =	vimm.s32 $0x83828180;
	vm11 =	vcmask $0xF0C;
	vm10 =	vcmask $0x1310  }
0x4: {  	v3 =	vimm.s32 $0x87868584;
	vm9 =	vcmask $0x1714;
	vm8 =	vcmask $0x1B18  }
0x5: {  	v4 =	vimm.s32 $0x76543210;
	vm7 =	vcmask $0x1F1C;
	vm6 =	vcmask $0x2320  }
0x6: {  	vm0 =	vcmask $0x1F10;
	vm5 =	vcmask $0x2724;
	vm4 =	vcmask $0x2B28  }
0x7: {  	vm3 =	vcmask $0x2F2C;
	vm2 =	vcmask $0x3330;
	vm1 =	vcmask $0x3734  }
0x8: {  	vm15 =	vcmask $0x3B38;
	v5 =	vimm.s32 $0x487;
	v6 =	vimm.s32 $0x587  }
0x9: {  	v7 =	vimm.s32 $0x687;
	v8 =	vimm.s32 $0x787;
	v9 =	vlaneseq.u32  }
0xa: {  	v1 =	vsel vm14, $0x100, v0;
	v0 =	vimm.f32 $0.0e+00;
	v2 =	vunpack.c.0.s8.s32 v2  }
0xb: {  	v3 =	vunpack.c.0.s8.s32 v3;
	v4 =	vunpack.c.l.s4.s8 v4;
	v5 =	vsel vm14, $0x400, v5  }
0xc: {  	v6 =	vsel vm14, $0x500, v6;
	v7 =	vsel vm14, $0x600, v7;
	v8 =	vsel vm14, $0x700, v8  }
0xd: {  	v9 =	vmul.u32 $0xFFFFFFFF, v9;
	v1 =	vsel vm13, $0x101, v1;
	v5 =	vsel vm13, $0x401, v5  }
0xe: {  	s0 =	rddreg [dreg:$0x0];
	v6 =	vsel vm13, $0x501, v6;
	v7 =	vsel vm13, $0x601, v7;
	v8 =	vsel vm13, $0x701, v8  }
0xf: {  	s2 =	rddreg [dreg:$0x1];
	v1 =	vsel vm12, $0x102, v1;
	v4 =	vunpack.c.0.s8.s32 v4;
	v2 =	vsel vm0, v3, v2  }
0x10: {  	s16 =	rddreg [dreg:$0x2];
	s1 =	srdreg.scid;
	s4 =	simm.s32 $0x0;
	v3 =	vimm.s32 $0x287;
	v5 =	vsel vm12, $0x402, v5;
	v6 =	vsel vm12, $0x502, v6  }
0x11: {  	s6 =	stileid.u32;
	s28 =	simm.s32 $0x3D80;
	s29 =	simm.s32 $0x3E80;
	v7 =	vsel vm12, $0x602, v7;
	v8 =	vsel vm12, $0x702, v8;
	v9 =	vadd.s32 $0x4E200, v9  }
0x12: {  	s30 =	simm.s32 $0x3;
	s31 =	simm.s32 $0x8;
	s7 =	smul.u32 $0x13C00, s6;
	v1 =	vsel vm11, $0x103, v1;
	v3 =	vsel vm14, $0x200, v3;
	v5 =	vsel vm11, $0x403, v5  }
0x13: {  	s3 =	sand.u32 $0x1, s1;
	[smem:$0x7FF] =	sst s4;
	s9 =	smul.u32 $0x4F000, s6;
	v6 =	vsel vm11, $0x503, v6;
	v7 =	vsel vm11, $0x603, v7;
	v8 =	vsel vm11, $0x703, v8  }
0x14: {  	s5 =	sadd.s32 $0x2600, s0;
	s17 =	sadd.s32 $0x79000, s0;
	s21 =	smul.u32 $0x2A, s6;
	v1 =	vsel vm10, $0x104, v1;
	v2 =	vcombine.low v4, v2;
	v3 =	vsel vm13, $0x201, v3  }
0x15: {  	s18 =	sadd.s32 $0x8D000, s0;
	s8 =	sadd.s32 $0x77A00, s0;
	s13 =	smul.u32 $0x760, s6;
	v5 =	vsel vm10, $0x404, v5;
	v6 =	vsel vm10, $0x504, v6;
	v7 =	vsel vm10, $0x604, v7  }
0x16: {  	s19 =	sadd.s32 $0x78A00, s0;
	s10 =	sadd.s32 $0x12D000, s0;
	s15 =	smul.u32 $0x280, s6;
	v8 =	vsel vm10, $0x704, v8;
	v1 =	vsel vm9, $0x105, v1;
	v3 =	vsel vm12, $0x202, v3  }
0x17: {  	s1 =	smul.u32 $0x13C000, s3;
	_ =	strace $0x80000047;
	s11 =	ssub.s32 $0x2, s3;
	v5 =	vsel vm9, $0x405, v5;
	v6 =	vsel vm9, $0x505, v6;
	v7 =	vsel vm9, $0x605, v7  }
0x18: {  	[dreg:$0x4] =	wrdreg s19;
	p0 =	seq.s32 s3, $0x0;
	s12 =	sshrl.u32 s11, $0x1;
	v8 =	vsel vm9, $0x705, v8;
	v1 =	vsel vm8, $0x106, v1;
	v3 =	vsel vm11, $0x203, v3  }
0x19: {  	s20 =	sshrl.u32 s9, $0x2;
	s9 =	simm.s32 $0x76;
	s3 =	sadd.s32 $0x760, s21;
	v5 =	vsel vm8, $0x406, v5;
	v6 =	vsel vm8, $0x506, v6;
	v7 =	vsel vm8, $0x606, v7  }
0x1a: {  	s26 =	sshrl.u32 s15, $0x3;
	s1 =	sadd.s32 s7, s1;
	s2 =	sadd.s32 s20, s2;
	v8 =	vsel vm8, $0x706, v8;
	v1 =	vsel vm7, $0x107, v1;
	v3 =	vsel vm10, $0x204, v3  }
0x1b: {  	s11 =	ssub.s32 s11, s12;
	s9 =	simm.s32 @!p0 $0x2A;
	s12 =	smul.u32 $0x3B00, s6;
	v5 =	vsel vm7, $0x407, v5;
	v6 =	vsel vm7, $0x507, v6;
	v1 =	vsel vm6, $0x180, v1  }
0x1c: {  	s14 =	sshll.u32 s3, $0x7;
	s3 =	sshll.u32 s3, $0x4;
	s6 =	smov.u32 s16;
	v7 =	vsel vm7, $0x607, v7;
	v8 =	vsel vm7, $0x707, v8;
	v1 =	vsel vm5, $0x181, v1  }
0x1d: {  	s16 =	sadd.s32 s15, s16;
	s7 =	smov.u32 s17;
	s1 =	sshrl.u32 s1, $0x3;
	v3 =	vsel vm9, $0x205, v3;
	v5 =	vsel vm6, $0x480, v5;
	v1 =	vsel vm4, $0x182, v1  }
0x1e: {  	s22 =	sadd.s32 $0x4000, s2;
	s23 =	sadd.s32 $0x8000, s2;
	[dreg:$0x5] =	wrdreg s2;
	v6 =	vsel vm6, $0x580, v6;
	v7 =	vsel vm6, $0x680, v7;
	v1 =	vsel vm3, $0x183, v1  }
0x1f: {  	s24 =	sadd.s32 $0xC000, s2;
	s2 =	sadd.s32 $0x10000, s2;
	[dreg:$0xa] =	wrdreg s16;
	v8 =	vsel vm6, $0x780, v8;
	v3 =	vsel vm8, $0x206, v3;
	v1 =	vsel vm2, $0x184, v1  }
0x20: {  	s3 =	smov.u32 @p0 s13;
	s19 =	sshrl.u32 s9, $0x1;
	[dreg:$0x6] =	wrdreg s22;
	v5 =	vsel vm5, $0x481, v5;
	v6 =	vsel vm5, $0x581, v6;
	v4 =	vsel vm1, $0x185, v1  }
0x21: {  	s21 =	sadd.s32 $0xFFFFFFFF, s9;
	s15 =	sadd.s32 $0x80, s16;
	[dreg:$0x7] =	wrdreg s23;
	v1 =	vand.u32 $0xFF, v2;
	v2 =	vsel vm15, $0x186, v4;
	v4 =	vimm.s32 $0x387  }
0x22: {  	s20 =	sadd.s32 $0x180, s16;
	s1 =	sadd.s32 s1, s0;
	[dreg:$0x8] =	wrdreg s24;
	v7 =	vsel vm5, $0x681, v7;
	v8 =	vsel vm5, $0x781, v8;
	v4 =	vsel vm14, $0x300, v4  }
0x23: {  	s0 =	sadd.s32 $0x12D600, s0;
	s14 =	smov.u32 @p0 s12;
	[dreg:$0x9] =	wrdreg s2;
	v3 =	vsel vm7, $0x207, v3;
	v5 =	vsel vm4, $0x482, v5;
	v4 =	vsel vm13, $0x301, v4  }
0x24: {  	s25 =	sshll.u32 s3, $0x4;
	s2 =	smov.u32 s18;
	[dreg:$0x10] =	wrdreg s15;
	v6 =	vsel vm4, $0x582, v6;
	v7 =	vsel vm4, $0x682, v7;
	v4 =	vsel vm12, $0x302, v4  }
0x25: {  	s3 =	sshll.u32 s3, $0x7;
	s22 =	sadd.s32 $0xFFFFFFFE, s9;
	[dreg:$0x12] =	wrdreg s20;
	v8 =	vsel vm4, $0x782, v8;
	v3 =	vsel vm6, $0x280, v3;
	v4 =	vsel vm11, $0x303, v4  }
0x26: {  	s24 =	sadd.s32 $0x200, s16;
	s20 =	simm.s32 $0x3180;
	s15 =	simm.s32 $0x5;
	v5 =	vsel vm3, $0x483, v5;
	v6 =	vsel vm3, $0x583, v6;
	v4 =	vsel vm10, $0x304, v4  }
0x27: {  	s0 =	smov.u32 @p0 s10;
	s10 =	sadd.s32 $0x12DC00, s1;
	[dreg:$0x13] =	wrdreg s24;
	v7 =	vsel vm3, $0x683, v7;
	v8 =	vsel vm3, $0x783, v8;
	v4 =	vsel vm9, $0x305, v4  }
0x28: {  	s12 =	sshrl.u32 s14, $0x2;
	s0 =	sadd.s32 s0, s26;
	[dreg:$0xe] =	wrdreg s10;
	v3 =	vsel vm5, $0x281, v3;
	v5 =	vsel vm2, $0x484, v5;
	v4 =	vsel vm8, $0x306, v4  }
0x29: {  	s13 =	sadd.s32 s17, s12;
	s12 =	smax.u32 s11, $0x1;
	[dreg:$0xd] =	wrdreg s0;
	v6 =	vsel vm2, $0x584, v6;
	v7 =	vsel vm2, $0x684, v7;
	v4 =	vsel vm7, $0x307, v4  }
0x2a: {  	s17 =	sadd.s32 s18, s25;
	s18 =	sadd.s32 $0x100, s16;
	[dreg:$0xf] =	wrdreg s12;
	v8 =	vsel vm2, $0x784, v8;
	v3 =	vsel vm4, $0x282, v3;
	v4 =	vsel vm6, $0x380, v4  }
0x2b: {  	s23 =	sadd.s32 $0x1000, s3;
	s24 =	simm.s32 $0x1;
	[dreg:$0x11] =	wrdreg s18;
	v5 =	vsel vm1, $0x485, v5;
	v6 =	vsel vm1, $0x585, v6;
	v4 =	vsel vm5, $0x381, v4  }
0x2c: {  	s1 =	simm.s32 $0x3E00;
	s3 =	simm.s32 $0x0;
	[dreg:$0xb] =	wrdreg s13;
	v7 =	vsel vm1, $0x685, v7;
	v8 =	vsel vm1, $0x785, v8;
	v4 =	vsel vm4, $0x382, v4  }
0x2d: {  	s10 =	simm.s32 $0xA;
	s25 =	sadd.s32 $0x20, s13;
	[dreg:$0xc] =	wrdreg s17;
	v3 =	vsel vm3, $0x283, v3;
	v5 =	vsel vm15, $0x486, v5;
	v4 =	vsel vm3, $0x383, v4  }
0x2e: {  	s26 =	sadd.s32 $0x100, s17;
	s12 =	simm.s32 $0x2980;
	s13 =	simm.s32 $0x80;
	v6 =	vsel vm15, $0x586, v6;
	v3 =	vsel vm2, $0x284, v3;
	v4 =	vsel vm2, $0x384, v4  }
0x2f: {  	s17 =	simm.s32 $0x6;
	s18 =	simm.s32 $0x3F00;
	[dreg:$0x14] =	wrdreg s25;
	v7 =	vsel vm15, $0x686, v7;
	v3 =	vsel vm1, $0x285, v3;
	v4 =	vsel vm1, $0x385, v4  }
0x30: {  	[dreg:$0x15] =	wrdreg s26;
	s25 =	simm.s32 $0x4;
	s26 =	simm.s32 $0x2;
	v8 =	vsel vm15, $0x786, v8;
	v3 =	vsel vm15, $0x286, v3;
	v4 =	vsel vm15, $0x386, v4  }
.LBB2_1:
0x31: {  	[dreg:$0x16] =	wrdreg s3;
	s0 =	simm.s32 $0x0;
	s3 =	simm.s32 $0x200  }
.LBB2_2:
0x32: {  	p0 =	sne.s32 s3, $0xFE00;
	[tilespmem:s0+$0x3FF0] =	vst v0  }
0x33: {  	[tilespmem:s0+$0x3F80] =	vst v0  }
0x34: {  	[tilespmem:s0+$0x3F90] =	vst v0  }
.Ltmp0:
0x35: {  	[tilespmem:s0+$0x3FA0] =	vst v0;
	(pc) =	sbr.rel @p0 .LBB2_2-.Ltmp0, $4  }
0x36: {  	[tilespmem:s0+$0x3FB0] =	vst v0  }
0x37: {  	[tilespmem:s0+$0x3FC0] =	vst v0  }
0x38: {  	[tilespmem:s0+$0x3FD0] =	vst v0  }
0x39: {  	[tilespmem:s0+$0x3FE0] =	vst v0;
	s0 =	sshra.s32 s3, $0x2;
	s3 =	sadd.s32 $0x200, s3  }
0x3a: {  	[tilespmem:s0+$0x3FF0] =	vst v0  }
0x3b: {  	[tilespmem:s0+$0x3F80] =	vst v0  }
0x3c: {  	[tilespmem:s0+$0x3F90] =	vst v0  }
0x3d: {  	[tilespmem:s0+$0x3FA0] =	vst v0  }
0x3e: {  	[tilespmem:s0+$0x3FB0] =	vst v0  }
0x3f: {  	[tilespmem:s0+$0x3FC0] =	vst v0  }
0x40: {  	[tilespmem:s0+$0x3FD0] =	vst v0  }
0x41: {  	[tilespmem:s0+$0x3FE0] =	vst v0  }
0x42: {  	[tilespmem:$0x3B80] =	vst v0  }
0x43: {  	[tilespmem:$0x3B90] =	vst v0  }
0x44: {  	[tilespmem:$0x3BA0] =	vst v0  }
0x45: {  	[tilespmem:$0x3BB0] =	vst v0  }
0x46: {  	[tilespmem:$0x3BC0] =	vst v0  }
0x47: {  	[tilespmem:$0x3BD0] =	vst v0  }
0x48: {  	[tilespmem:$0x3BE0] =	vst v0  }
0x49: {  	s11 =	rddreg [dreg:$0x5];
	s3 =	simm.s32 $0x3F80;
	[tilespmem:$0x3BF0] =	vst v0  }
0x4a: {  	[spmem:s11] =	stream.linear.scatter [tilespmem:s3], [sflag:$0xA], $0x4000, $0x38;
	[tilespmem:$0x1FE00] =	vst v63  }
0x4b: {  	_ =	swait.ge [sflag:s10], $0x4000  }
0x4c: {  	[sflag:s10] =	ssyncset.done $0x0  }
0x4d: {  	s9 =	rddreg [dreg:$0x6];
	[sflag:s10] =	ssyncadd.s32 $0xFFFFC000  }
0x4e: {  	[spmem:s9] =	stream.linear.scatter [tilespmem:s3], [sflag:$0xA], $0x4000, $0x38;
	[tilespmem:$0x1FE00] =	vst v63  }
0x4f: {  	_ =	swait.ge [sflag:s10], $0x4000  }
0x50: {  	[sflag:s10] =	ssyncset.done $0x0  }
0x51: {  	s11 =	rddreg [dreg:$0x7];
	[sflag:s10] =	ssyncadd.s32 $0xFFFFC000  }
0x52: {  	[spmem:s11] =	stream.linear.scatter [tilespmem:s3], [sflag:$0xA], $0x4000, $0x38;
	[tilespmem:$0x1FE00] =	vst v63  }
0x53: {  	_ =	swait.ge [sflag:s10], $0x4000  }
0x54: {  	[sflag:s10] =	ssyncset.done $0x0  }
0x55: {  	s9 =	rddreg [dreg:$0x8];
	[sflag:s10] =	ssyncadd.s32 $0xFFFFC000  }
0x56: {  	[spmem:s9] =	stream.linear.scatter [tilespmem:s3], [sflag:$0xA], $0x4000, $0x38;
	[tilespmem:$0x1FE00] =	vst v63  }
0x57: {  	_ =	swait.ge [sflag:s10], $0x4000  }
0x58: {  	[sflag:s10] =	ssyncset.done $0x0  }
0x59: {  	s11 =	rddreg [dreg:$0x9];
	[sflag:s10] =	ssyncadd.s32 $0xFFFFC000  }
0x5a: {  	[spmem:s11] =	stream.linear.scatter [tilespmem:s3], [sflag:$0xA], $0x3C00, $0x38;
	[tilespmem:$0x1FE00] =	vst v63  }
0x5b: {  	_ =	swait.ge [sflag:s10], $0x3C00  }
0x5c: {  	[sflag:s10] =	ssyncset.done $0x0  }
0x5d: {  	s9 =	simm.s32 $0x3B80;
	[sflag:s10] =	ssyncadd.s32 $0xFFFFC400  }
0x5e: {  	[spmem:s16] =	stream.linear.scatter [tilespmem:s9], [sflag:$0xA], $0x80, $0x38;
	[tilespmem:$0x1FE00] =	vst v63  }
0x5f: {  	_ =	swait.ge [sflag:s10], $0x80  }
0x60: {  	[sflag:s10] =	ssyncset.done $0x0  }
0x61: {  	s16 =	rddreg [dreg:$0x10];
	[sflag:s10] =	ssyncadd.s32 $0xFFFFFF80  }
0x62: {  	[spmem:s16] =	stream.linear.scatter [tilespmem:s9], [sflag:$0xA], $0x80, $0x38;
	[tilespmem:$0x1FE00] =	vst v63  }
0x63: {  	_ =	swait.ge [sflag:s10], $0x80  }
0x64: {  	[sflag:s10] =	ssyncset.done $0x0  }
0x65: {  	s11 =	rddreg [dreg:$0x11];
	[sflag:s10] =	ssyncadd.s32 $0xFFFFFF80  }
0x66: {  	[spmem:s11] =	stream.linear.scatter [tilespmem:s9], [sflag:$0xA], $0x80, $0x38;
	[tilespmem:$0x1FE00] =	vst v63  }
0x67: {  	_ =	swait.ge [sflag:s10], $0x80  }
0x68: {  	[sflag:s10] =	ssyncset.done $0x0  }
0x69: {  	s16 =	rddreg [dreg:$0x12];
	[sflag:s10] =	ssyncadd.s32 $0xFFFFFF80  }
0x6a: {  	[spmem:s16] =	stream.linear.scatter [tilespmem:s9], [sflag:$0xA], $0x80, $0x38;
	[tilespmem:$0x1FE00] =	vst v63  }
0x6b: {  	_ =	swait.ge [sflag:s10], $0x80  }
0x6c: {  	[sflag:s10] =	ssyncset.done $0x0  }
0x6d: {  	s11 =	rddreg [dreg:$0x13];
	[sflag:s10] =	ssyncadd.s32 $0xFFFFFF80  }
0x6e: {  	[spmem:s11] =	stream.linear.scatter [tilespmem:s9], [sflag:$0xA], $0x80, $0x38;
	[tilespmem:$0x1FE00] =	vst v63  }
0x6f: {  	_ =	swait.ge [sflag:s10], $0x80  }
0x70: {  	[sflag:s10] =	ssyncset.done $0x0  }
0x71: {  	s11 =	simm.s32 $0x0;
	s16 =	rddreg [dreg:$0x4];
	[sflag:s10] =	ssyncadd.s32 $0xFFFFFF80  }
0x72: {  	[tilespmem:s11], [sflag:$0xA] =	stream.linear.gather [hbm4b:s16+s11], $0x2780, $0x38;
	[tilespmem:$0x1FE00] =	vst v63  }
0x73: {  	_ =	swait.ge [sflag:s10], $0x2780  }
0x74: {  	[sflag:s10] =	ssyncset.done $0x0  }
0x75: {  	[sflag:s10] =	ssyncadd.s32 $0xFFFFD880  }
0x76: {  	[bflag:$0x0] =	sbarrier.arrive $0xFFFF  }
0x77: {  	s16 =	simm.s32 $0x2780;
	s9 =	rddreg [dreg:$0xb]  }
0x78: {  	[tilespmem:s16], [sflag:$0xA] =	stream.linear.gather [hbm4b:s9+s11], $0x100, $0x38;
	[tilespmem:$0x1FE00] =	vst v63  }
0x79: {  	_ =	swait.ge [sflag:s10], $0x100  }
0x7a: {  	[sflag:s10] =	ssyncset.done $0x0  }
0x7b: {  	s9 =	rddreg [dreg:$0xc];
	[sflag:s10] =	ssyncadd.s32 $0xFFFFFF00  }
0x7c: {  	[tilespmem:s12], [sflag:$0xA] =	stream.linear.gather [hbm4b:s9+s11], $0x800, $0x38;
	[tilespmem:$0x1FE00] =	vst v63  }
0x7d: {  	_ =	swait.ge [sflag:s10], $0x800  }
0x7e: {  	[sflag:s10] =	ssyncset.done $0x0  }
0x7f: {  	[sflag:s10] =	ssyncadd.s32 $0xFFFFF800  }
0x80: {  	v10 =	vld [tilespmem:$0x2800];
	_ =	sdelay $0x7  }
0x81: {  	v11 =	vld.idx.msk [tilespmem:v10+s11+$0x0], $0xffff;
	_ =	sdelay $0x4  }
0x82: {  	v12 =	vand.u32 $0x3, v11  }
0x83: {  	v13 =	vshll.u32 v12, $0x3  }
0x84: {  	v13 =	vor.u32 v1, v13;
	_ =	sdelay $0x2  }
0x85: {  	v14 =	vld [tilespmem:$0x2780]  }
0x86: {  	v15 =	vld [tilespmem:$0x2810]  }
0x87: {  	v13 =	vld.idx.msk [tilespmem:v13+s12+$0x0], $0xffff;
	_ =	sdelay $0x1  }
0x88: {  	v12 =	vmul.u32 $0x2710, v12;
	_ =	sdelay $0x1  }
0x89: {  	v11 =	vand.u32 $0xFFFFFFFC, v11;
	v12 =	vadd.s32 v14, v12  }
0x8a: {  	[tilespmem:$0x3980] =	vst v12;
	v11 =	vadd.f32 v11, v13  }
0x8b: {  	[tilespmem:$0x3A80] =	vst v10  }
0x8c: {  	[tilespmem:$0x3B80] =	vst v11  }
0x8d: {  	v10 =	vld.idx.msk [tilespmem:v15+s11+$0x0], $0xffff;
	_ =	sdelay $0x4  }
0x8e: {  	v11 =	vand.u32 $0x3, v10  }
0x8f: {  	v44 =	vshll.u32 v11, $0x3  }
0x90: {  	v12 =	vor.u32 v2, v44;
	_ =	sdelay $0x2  }
0x91: {  	v45 =	vld [tilespmem:$0x2790]  }
0x92: {  	v46 =	vld [tilespmem:$0x2820]  }
0x93: {  	v12 =	vld.idx.msk [tilespmem:v12+s12+$0x0], $0xffff;
	_ =	sdelay $0x1  }
0x94: {  	v11 =	vmul.u32 $0x2710, v11;
	_ =	sdelay $0x1  }
0x95: {  	v10 =	vand.u32 $0xFFFFFFFC, v10;
	v11 =	vadd.s32 v45, v11  }
0x96: {  	[tilespmem:$0x3990] =	vst v11;
	v10 =	vadd.f32 v10, v12  }
0x97: {  	[tilespmem:$0x3A90] =	vst v15  }
0x98: {  	[tilespmem:$0x3B90] =	vst v10  }
0x99: {  	v10 =	vld.idx.msk [tilespmem:v46+s11+$0x0], $0xffff;
	_ =	sdelay $0x4  }
0x9a: {  	v11 =	vand.u32 $0x3, v10  }
0x9b: {  	v47 =	vshll.u32 v11, $0x3  }
0x9c: {  	v12 =	vor.u32 v3, v47;
	_ =	sdelay $0x2  }
0x9d: {  	v48 =	vld [tilespmem:$0x27A0]  }
0x9e: {  	v49 =	vld [tilespmem:$0x2830]  }
0x9f: {  	v12 =	vld.idx.msk [tilespmem:v12+s12+$0x0], $0xffff;
	_ =	sdelay $0x1  }
0xa0: {  	v11 =	vmul.u32 $0x2710, v11;
	_ =	sdelay $0x1  }
0xa1: {  	v10 =	vand.u32 $0xFFFFFFFC, v10;
	v11 =	vadd.s32 v48, v11  }
0xa2: {  	[tilespmem:$0x39A0] =	vst v11;
	v10 =	vadd.f32 v10, v12  }
0xa3: {  	[tilespmem:$0x3AA0] =	vst v46  }
0xa4: {  	[tilespmem:$0x3BA0] =	vst v10  }
0xa5: {  	v10 =	vld.idx.msk [tilespmem:v49+s11+$0x0], $0xffff;
	_ =	sdelay $0x4  }
0xa6: {  	v11 =	vand.u32 $0x3, v10  }
0xa7: {  	v50 =	vshll.u32 v11, $0x3  }
0xa8: {  	v12 =	vor.u32 v4, v50;
	_ =	sdelay $0x2  }
0xa9: {  	v51 =	vld [tilespmem:$0x27B0]  }
0xaa: {  	v52 =	vld [tilespmem:$0x2840]  }
0xab: {  	v12 =	vld.idx.msk [tilespmem:v12+s12+$0x0], $0xffff;
	_ =	sdelay $0x1  }
0xac: {  	v11 =	vmul.u32 $0x2710, v11;
	_ =	sdelay $0x1  }
0xad: {  	v10 =	vand.u32 $0xFFFFFFFC, v10;
	v11 =	vadd.s32 v51, v11  }
0xae: {  	[tilespmem:$0x39B0] =	vst v11;
	v10 =	vadd.f32 v10, v12  }
0xaf: {  	[tilespmem:$0x3AB0] =	vst v49  }
0xb0: {  	[tilespmem:$0x3BB0] =	vst v10  }
0xb1: {  	v10 =	vld.idx.msk [tilespmem:v52+s11+$0x0], $0xffff;
	_ =	sdelay $0x4  }
0xb2: {  	v11 =	vand.u32 $0x3, v10  }
0xb3: {  	v53 =	vshll.u32 v11, $0x3  }
0xb4: {  	v12 =	vor.u32 v5, v53;
	_ =	sdelay $0x2  }
0xb5: {  	v54 =	vld [tilespmem:$0x27C0]  }
0xb6: {  	v55 =	vld [tilespmem:$0x2850]  }
0xb7: {  	v12 =	vld.idx.msk [tilespmem:v12+s12+$0x0], $0xffff;
	_ =	sdelay $0x1  }
0xb8: {  	v11 =	vmul.u32 $0x2710, v11;
	_ =	sdelay $0x1  }
0xb9: {  	v10 =	vand.u32 $0xFFFFFFFC, v10;
	v11 =	vadd.s32 v54, v11  }
0xba: {  	[tilespmem:$0x39C0] =	vst v11;
	v10 =	vadd.f32 v10, v12  }
0xbb: {  	[tilespmem:$0x3AC0] =	vst v52  }
0xbc: {  	[tilespmem:$0x3BC0] =	vst v10  }
0xbd: {  	v10 =	vld.idx.msk [tilespmem:v55+s11+$0x0], $0xffff;
	_ =	sdelay $0x4  }
0xbe: {  	v11 =	vand.u32 $0x3, v10  }
0xbf: {  	v56 =	vshll.u32 v11, $0x3  }
0xc0: {  	v12 =	vor.u32 v6, v56;
	_ =	sdelay $0x2  }
0xc1: {  	v57 =	vld [tilespmem:$0x27D0]  }
0xc2: {  	v58 =	vld [tilespmem:$0x2860]  }
0xc3: {  	v12 =	vld.idx.msk [tilespmem:v12+s12+$0x0], $0xffff;
	_ =	sdelay $0x1  }
0xc4: {  	v11 =	vmul.u32 $0x2710, v11;
	_ =	sdelay $0x1  }
0xc5: {  	v10 =	vand.u32 $0xFFFFFFFC, v10;
	v11 =	vadd.s32 v57, v11  }
0xc6: {  	[tilespmem:$0x39D0] =	vst v11;
	v10 =	vadd.f32 v10, v12  }
0xc7: {  	[tilespmem:$0x3AD0] =	vst v55  }
0xc8: {  	[tilespmem:$0x3BD0] =	vst v10  }
0xc9: {  	v10 =	vld.idx.msk [tilespmem:v58+s11+$0x0], $0xffff;
	_ =	sdelay $0x4  }
0xca: {  	v11 =	vand.u32 $0x3, v10  }
0xcb: {  	v59 =	vshll.u32 v11, $0x3  }
0xcc: {  	v12 =	vor.u32 v7, v59;
	_ =	sdelay $0x2  }
0xcd: {  	v60 =	vld [tilespmem:$0x27E0]  }
0xce: {  	v61 =	vld [tilespmem:$0x2870]  }
0xcf: {  	v12 =	vld.idx.msk [tilespmem:v12+s12+$0x0], $0xffff;
	_ =	sdelay $0x1  }
0xd0: {  	v11 =	vmul.u32 $0x2710, v11;
	_ =	sdelay $0x1  }
0xd1: {  	v10 =	vand.u32 $0xFFFFFFFC, v10;
	v11 =	vadd.s32 v60, v11  }
0xd2: {  	[tilespmem:$0x39E0] =	vst v11;
	v10 =	vadd.f32 v10, v12  }
0xd3: {  	[tilespmem:$0x3AE0] =	vst v58  }
0xd4: {  	[tilespmem:$0x3BE0] =	vst v10  }
0xd5: {  	v10 =	vld.idx.msk [tilespmem:v61+s11+$0x0], $0xffff;
	_ =	sdelay $0x4  }
0xd6: {  	v11 =	vand.u32 $0x3, v10  }
0xd7: {  	v62 =	vshll.u32 v11, $0x3  }
0xd8: {  	v12 =	vor.u32 v8, v62;
	_ =	sdelay $0x3  }
0xd9: {  	v63 =	vld [tilespmem:$0x27F0]  }
0xda: {  	v12 =	vld.idx.msk [tilespmem:v12+s12+$0x0], $0xffff;
	_ =	sdelay $0x1  }
0xdb: {  	v11 =	vmul.u32 $0x2710, v11;
	_ =	sdelay $0x1  }
0xdc: {  	v10 =	vand.u32 $0xFFFFFFFC, v10;
	v11 =	vadd.s32 v63, v11  }
0xdd: {  	[tilespmem:$0x39F0] =	vst v11;
	v10 =	vadd.f32 v10, v12  }
0xde: {  	[tilespmem:$0x3AF0] =	vst v61  }
0xdf: {  	s10 =	simm.s32 $0x3980;
	[tilespmem:$0x3BF0] =	vst v10  }
0xe0: {  	[tilespmem:s3], [sflag:$0x2] =	stream.indirect.gather [hbm4b:s5+s13], $0x80, s10, s13, $0xb8;
	[tilespmem:$0x1FE00] =	vst v63  }
0xe1: {  	s16 =	simm.s32 $0x3C80  }
0xe2: {  	[tilespmem:s16], [sflag:$0x4] =	stream.indirect.gather [hbm4b:s8+s13], $0x1, s10, s13, $0xb8;
	[tilespmem:$0x1FE00] =	vst v63  }
0xe3: {  	s9 =	rddreg [dreg:$0x14];
	s10 =	simm.s32 $0x2880  }
0xe4: {  	[tilespmem:s10], [sflag:$0x1] =	stream.linear.gather [hbm4b:s9+s11], $0x100, $0x38;
	[tilespmem:$0x1FE00] =	vst v63  }
0xe5: {  	s16 =	rddreg [dreg:$0x15]  }
0xe6: {  	[tilespmem:s20], [sflag:$0x1] =	stream.linear.gather [hbm4b:s16+s11], $0x800, $0x38;
	[tilespmem:$0x1FE00] =	vst v63  }
.LBB2_4:
0xe7: {  	s16 =	sshll.u32 s11, $0x1  }
0xe8: {  	p0 =	sge.u32 s16, s21  }
.Ltmp1:
0xe9: {  	_ = 	snop;
	(pc) =	sbr.rel @p0 .LBB2_6-.Ltmp1, $3  }
0xea: {  	_ =	sdelay $0x1  }
0xeb: {  	s0 =	sshll.u32 s11, $0x8  }
0xec: {  	s10 =	sadd.s32 s14, s0  }
0xed: {  	_ =	swait.ge [sflag:s24], $0x100  }
0xee: {  	[sflag:s24] =	ssyncset.done $0x0  }
0xef: {  	[sflag:s24] =	ssyncadd.s32 $0xFFFFFF00  }
0xf0: {  	_ =	swait.ge [sflag:s24], $0x800  }
0xf1: {  	[sflag:s24] =	ssyncset.done $0x0  }
0xf2: {  	[sflag:s24] =	ssyncadd.s32 $0xFFFFF800  }
0xf3: {  	v10 =	vld [tilespmem:$0x2900];
	_ =	sdelay $0x7  }
0xf4: {  	v11 =	vld.idx.msk [tilespmem:v10+s4+$0x0], $0xffff;
	_ =	sdelay $0x4  }
0xf5: {  	v12 =	vand.u32 $0x3, v11  }
0xf6: {  	v13 =	vshll.u32 v12, $0x3  }
0xf7: {  	v13 =	vor.u32 v1, v13;
	_ =	sdelay $0x2  }
0xf8: {  	v14 =	vld [tilespmem:$0x2880]  }
0xf9: {  	v15 =	vld [tilespmem:$0x2910]  }
0xfa: {  	v13 =	vld.idx.msk [tilespmem:v13+s20+$0x0], $0xffff;
	_ =	sdelay $0x1  }
0xfb: {  	v12 =	vmul.u32 $0x2710, v12;
	_ =	sdelay $0x1  }
0xfc: {  	v11 =	vand.u32 $0xFFFFFFFC, v11;
	v12 =	vadd.s32 v14, v12  }
0xfd: {  	[tilespmem:$0x3A00] =	vst v12;
	v11 =	vadd.f32 v11, v13  }
0xfe: {  	[tilespmem:$0x3B00] =	vst v10  }
0xff: {  	[tilespmem:$0x3C00] =	vst v11  }
0x100: {  	v10 =	vld.idx.msk [tilespmem:v15+s4+$0x0], $0xffff;
	_ =	sdelay $0x4  }
0x101: {  	v11 =	vand.u32 $0x3, v10  }
0x102: {  	v44 =	vshll.u32 v11, $0x3  }
0x103: {  	v12 =	vor.u32 v2, v44;
	_ =	sdelay $0x2  }
0x104: {  	v45 =	vld [tilespmem:$0x2890]  }
0x105: {  	v46 =	vld [tilespmem:$0x2920]  }
0x106: {  	v12 =	vld.idx.msk [tilespmem:v12+s20+$0x0], $0xffff;
	_ =	sdelay $0x1  }
0x107: {  	v11 =	vmul.u32 $0x2710, v11;
	_ =	sdelay $0x1  }
0x108: {  	v10 =	vand.u32 $0xFFFFFFFC, v10;
	v11 =	vadd.s32 v45, v11  }
0x109: {  	[tilespmem:$0x3A10] =	vst v11;
	v10 =	vadd.f32 v10, v12  }
0x10a: {  	[tilespmem:$0x3B10] =	vst v15  }
0x10b: {  	[tilespmem:$0x3C10] =	vst v10  }
0x10c: {  	v10 =	vld.idx.msk [tilespmem:v46+s4+$0x0], $0xffff;
	_ =	sdelay $0x4  }
0x10d: {  	v11 =	vand.u32 $0x3, v10  }
0x10e: {  	v47 =	vshll.u32 v11, $0x3  }
0x10f: {  	v12 =	vor.u32 v3, v47;
	_ =	sdelay $0x2  }
0x110: {  	v48 =	vld [tilespmem:$0x28A0]  }
0x111: {  	v49 =	vld [tilespmem:$0x2930]  }
0x112: {  	v12 =	vld.idx.msk [tilespmem:v12+s20+$0x0], $0xffff;
	_ =	sdelay $0x1  }
0x113: {  	v11 =	vmul.u32 $0x2710, v11;
	_ =	sdelay $0x1  }
0x114: {  	v10 =	vand.u32 $0xFFFFFFFC, v10;
	v11 =	vadd.s32 v48, v11  }
0x115: {  	[tilespmem:$0x3A20] =	vst v11;
	v10 =	vadd.f32 v10, v12  }
0x116: {  	[tilespmem:$0x3B20] =	vst v46  }
0x117: {  	[tilespmem:$0x3C20] =	vst v10  }
0x118: {  	v10 =	vld.idx.msk [tilespmem:v49+s4+$0x0], $0xffff;
	_ =	sdelay $0x4  }
0x119: {  	v11 =	vand.u32 $0x3, v10  }
0x11a: {  	v50 =	vshll.u32 v11, $0x3  }
0x11b: {  	v12 =	vor.u32 v4, v50;
	_ =	sdelay $0x2  }
0x11c: {  	v51 =	vld [tilespmem:$0x28B0]  }
0x11d: {  	v52 =	vld [tilespmem:$0x2940]  }
0x11e: {  	v12 =	vld.idx.msk [tilespmem:v12+s20+$0x0], $0xffff;
	_ =	sdelay $0x1  }
0x11f: {  	v11 =	vmul.u32 $0x2710, v11;
	_ =	sdelay $0x1  }
0x120: {  	v10 =	vand.u32 $0xFFFFFFFC, v10;
	v11 =	vadd.s32 v51, v11  }
0x121: {  	[tilespmem:$0x3A30] =	vst v11;
	v10 =	vadd.f32 v10, v12  }
0x122: {  	[tilespmem:$0x3B30] =	vst v49  }
0x123: {  	[tilespmem:$0x3C30] =	vst v10  }
0x124: {  	v10 =	vld.idx.msk [tilespmem:v52+s4+$0x0], $0xffff;
	_ =	sdelay $0x4  }
0x125: {  	v11 =	vand.u32 $0x3, v10  }
0x126: {  	v53 =	vshll.u32 v11, $0x3  }
0x127: {  	v12 =	vor.u32 v5, v53;
	_ =	sdelay $0x2  }
0x128: {  	v54 =	vld [tilespmem:$0x28C0]  }
0x129: {  	v55 =	vld [tilespmem:$0x2950]  }
0x12a: {  	v12 =	vld.idx.msk [tilespmem:v12+s20+$0x0], $0xffff;
	_ =	sdelay $0x1  }
0x12b: {  	v11 =	vmul.u32 $0x2710, v11;
	_ =	sdelay $0x1  }
0x12c: {  	v10 =	vand.u32 $0xFFFFFFFC, v10;
	v11 =	vadd.s32 v54, v11  }
0x12d: {  	[tilespmem:$0x3A40] =	vst v11;
	v10 =	vadd.f32 v10, v12  }
0x12e: {  	[tilespmem:$0x3B40] =	vst v52  }
0x12f: {  	[tilespmem:$0x3C40] =	vst v10  }
0x130: {  	v10 =	vld.idx.msk [tilespmem:v55+s4+$0x0], $0xffff;
	_ =	sdelay $0x4  }
0x131: {  	v11 =	vand.u32 $0x3, v10  }
0x132: {  	v56 =	vshll.u32 v11, $0x3  }
0x133: {  	v12 =	vor.u32 v6, v56;
	_ =	sdelay $0x2  }
0x134: {  	v57 =	vld [tilespmem:$0x28D0]  }
0x135: {  	v58 =	vld [tilespmem:$0x2960]  }
0x136: {  	v12 =	vld.idx.msk [tilespmem:v12+s20+$0x0], $0xffff;
	_ =	sdelay $0x1  }
0x137: {  	v11 =	vmul.u32 $0x2710, v11;
	_ =	sdelay $0x1  }
0x138: {  	v10 =	vand.u32 $0xFFFFFFFC, v10;
	v11 =	vadd.s32 v57, v11  }
0x139: {  	[tilespmem:$0x3A50] =	vst v11;
	v10 =	vadd.f32 v10, v12  }
0x13a: {  	[tilespmem:$0x3B50] =	vst v55  }
0x13b: {  	[tilespmem:$0x3C50] =	vst v10  }
0x13c: {  	v10 =	vld.idx.msk [tilespmem:v58+s4+$0x0], $0xffff;
	_ =	sdelay $0x4  }
0x13d: {  	v11 =	vand.u32 $0x3, v10  }
0x13e: {  	v59 =	vshll.u32 v11, $0x3  }
0x13f: {  	v12 =	vor.u32 v7, v59;
	_ =	sdelay $0x2  }
0x140: {  	v60 =	vld [tilespmem:$0x28E0]  }
0x141: {  	v61 =	vld [tilespmem:$0x2970]  }
0x142: {  	v12 =	vld.idx.msk [tilespmem:v12+s20+$0x0], $0xffff;
	_ =	sdelay $0x1  }
0x143: {  	v11 =	vmul.u32 $0x2710, v11;
	_ =	sdelay $0x1  }
0x144: {  	v10 =	vand.u32 $0xFFFFFFFC, v10;
	v11 =	vadd.s32 v60, v11  }
0x145: {  	[tilespmem:$0x3A60] =	vst v11;
	v10 =	vadd.f32 v10, v12  }
0x146: {  	[tilespmem:$0x3B60] =	vst v58  }
0x147: {  	[tilespmem:$0x3C60] =	vst v10  }
0x148: {  	v10 =	vld.idx.msk [tilespmem:v61+s4+$0x0], $0xffff;
	_ =	sdelay $0x4  }
0x149: {  	v11 =	vand.u32 $0x3, v10  }
0x14a: {  	v62 =	vshll.u32 v11, $0x3  }
0x14b: {  	v12 =	vor.u32 v8, v62;
	_ =	sdelay $0x3  }
0x14c: {  	v63 =	vld [tilespmem:$0x28F0]  }
0x14d: {  	v12 =	vld.idx.msk [tilespmem:v12+s20+$0x0], $0xffff;
	_ =	sdelay $0x1  }
0x14e: {  	v11 =	vmul.u32 $0x2710, v11  }
0x14f: {  	p1 =	sge.u32 s16, s22  }
0x150: {  	s0 =	sshrl.u32 @!p1 s10, $0x2;
	v10 =	vand.u32 $0xFFFFFFFC, v10;
	v11 =	vadd.s32 v63, v11  }
0x151: {  	s0 =	sand.u32 @!p1 $0x1FFFFFFF, s0;
	[tilespmem:$0x3A70] =	vst v11;
	v10 =	vadd.f32 v10, v12  }
0x152: {  	s0 =	sadd.s32 @!p1 s7, s0;
	[tilespmem:$0x3B70] =	vst v61  }
0x153: {  	s3 =	simm.s32 @!p1 $0x0;
	s9 =	simm.s32 @!p1 $0x2780;
	s0 =	sadd.s32 @!p1 $0x40, s0;
	[tilespmem:$0x3C70] =	vst v10  }
0x154: {  	[tilespmem:s9], [sflag:$0x1] =	stream.linear.gather @!p1 [hbm4b:s0+s3], $0x100, $0x38;
	[tilespmem:$0x1FE00] =	vst v63  }
0x155: {  	s0 =	sshll.u32 @!p1 s11, $0xC  }
0x156: {  	s0 =	sadd.s32 @!p1 s0, s23  }
0x157: {  	s0 =	sshrl.u32 @!p1 s0, $0x3  }
0x158: {  	s9 =	simm.s32 @!p1 $0x2980;
	s0 =	sadd.s32 @!p1 s2, s0  }
0x159: {  	[tilespmem:s9], [sflag:$0x1] =	stream.linear.gather @!p1 [hbm4b:s0+s3], $0x800, $0x38;
	[tilespmem:$0x1FE00] =	vst v63  }
.LBB2_6:
0x15a: {  	_ =	swait.ge [sflag:s25], $0x80  }
0x15b: {  	[sflag:s25] =	ssyncset.done $0x0  }
0x15c: {  	[sflag:s25] =	ssyncadd.s32 $0xFFFFFF80  }
0x15d: {  	_ =	swait.ge [sflag:s26], $0x4000  }
0x15e: {  	p1 =	seq.s32 s11, $0x0;
	[sflag:s26] =	ssyncset.done $0x0  }
0x15f: {  	s0 =	simm.s32 @!p1 $0x7;
	[sflag:s26] =	ssyncadd.s32 $0xFFFFC000  }
0x160: {  	_ =	swait.ge @!p1 [sflag:s0], $0x4000  }
0x161: {  	[sflag:s0] =	ssyncset.done @!p1 $0x0  }
0x162: {  	[sflag:s0] =	ssyncadd.s32 @!p1 $0xFFFFC000;
	s0 =	simm.s32 @!p1 $0x9  }
0x163: {  	_ =	swait.ge @!p1 [sflag:s0], $0x80  }
0x164: {  	s3 =	simm.s32 @!p0 $0x3A00;
	[sflag:s0] =	ssyncset.done @!p1 $0x0  }
0x165: {  	s9 =	simm.s32 @!p0 $0x7F80;
	[sflag:s0] =	ssyncadd.s32 @!p1 $0xFFFFFF80;
	s0 =	simm.s32 @!p0 $0x80  }
0x166: {  	[tilespmem:s9], [sflag:$0x3] =	stream.indirect.gather @!p0 [hbm4b:s5+s0], $0x80, s3, s0, $0xb8;
	[tilespmem:$0x1FE00] =	vst v63  }
0x167: {  	s9 =	simm.s32 @!p0 $0x3D00  }
0x168: {  	[tilespmem:s9], [sflag:$0x5] =	stream.indirect.gather @!p0 [hbm4b:s8+s0], $0x1, s3, s0, $0xb8;
	[tilespmem:$0x1FE00] =	vst v63  }
0x169: {  	v10 =	vld [tilespmem:$0x3B80]  }
0x16a: {  	v11 =	vld [tilespmem:$0x3C80];
	_ =	sdelay $0x4  }
0x16b: {  	v10 =	vadd.f32 v11, v10;
	_ =	sdelay $0x1  }
0x16c: {  	v12 =	vld [tilespmem:$0x3B90];
	v11 =	vmul.f32 $2.000000030e-01, v10  }
0x16d: {  	v13 =	vld [tilespmem:$0x3BA0];
	vm0 =	vge.f32 v10, $0.0e+00  }
0x16e: {  	v10 =	vsel vm0, v10, v11;
	v11 =	vld [tilespmem:$0x3C90]  }
0x16f: {  	v14 =	vld [tilespmem:$0x3CA0]  }
0x170: {  	v15 =	vld [tilespmem:$0x3CB0];
	v10 =	vmul.f32 $1.442695020e+00, v10  }
0x171: {  	v17 =	vld [tilespmem:$0x3BD0]  }
0x172: {  	(erf) = vpow2.f32 v10;
	v10 =	vld [tilespmem:$0x3BB0]  }
0x173: {  	v19 =	vld [tilespmem:$0x3BE0];
	v11 =	vadd.f32 v11, v12  }
0x174: {  	v13 =	vadd.f32 v14, v13;
	v14 =	vld [tilespmem:$0x3CC0]  }
0x175: {  	v12 =	vld [tilespmem:$0x3BC0];
	v16 =	vmul.f32 $2.000000030e-01, v11  }
0x176: {  	v52 =	vld [tilespmem:$0x3CE0];
	vm14 =	vge.f32 v11, $0.0e+00  }
0x177: {  	v50 =	vmul.f32 $2.000000030e-01, v13;
	v10 =	vadd.f32 v15, v10;
	v15 =	vld [tilespmem:$0x3CD0];
	v11 =	vsel vm14, v11, v16  }
0x178: {  	v18 =	vmov s10;
	vm15 =	vge.f32 v13, $0.0e+00;
	v11 =	vmul.f32 $1.442695020e+00, v11  }
0x179: {  	vm1 =	vlt.s32 v18, v9;
	v13 =	vsel vm15, v13, v50  }
0x17a: {  	v53 =	vld [tilespmem:$0x3CF0];
	v51 =	vmul.f32 $2.000000030e-01, v10;
	(erf) = vpow2.f32 v11;
	v11 =	vadd.f32 v14, v12  }
0x17b: {  	v56 =	vadd.f32 v52, v19;
	v13 =	vmul.f32 $1.442695020e+00, v13;
	vm4 =	vge.f32 v10, $0.0e+00;
	v12 =	vld [tilespmem:$0x3BF0]  }
0x17c: {  	v10 =	vsel vm4, v10, v51;
	v15 =	vadd.f32 v15, v17;
	v55 =	vmul.f32 $2.000000030e-01, v11  }
0x17d: {  	vm7 =	vge.f32 v56, $0.0e+00;
	v10 =	vmul.f32 $1.442695020e+00, v10;
	vm5 =	vge.f32 v11, $0.0e+00  }
0x17e: {  	(erf) = vpow2.f32 v13;
	v13 =	vmul.f32 $2.000000030e-01, v15;
	v11 =	vsel vm5, v11, v55  }
0x17f: {  	(erf) = vpow2.f32 v10;
	vm6 =	vge.f32 v15, $0.0e+00;
	v10 =	vmul.f32 $1.442695020e+00, v11;
	v11 =	vld [tilespmem:$0x3A80]  }
0x180: {  	v20 =	vpop (erf);
	v13 =	vsel vm6, v15, v13;
	v15 =	vmul.f32 $2.000000030e-01, v56;
	v12 =	vadd.f32 v53, v12  }
0x181: {  	v14 =	vnsel vm1, $0x0, v20;
	(erf) = vpow2.f32 v10;
	v10 =	vmul.f32 $1.442695020e+00, v13  }
0x182: {  	[tilespmem:$0x3D80] =	vst v14;
	v14 =	vld [tilespmem:$0x3AA0];
	v15 =	vsel vm7, v56, v15;
	v16 =	vmul.f32 $2.000000030e-01, v12  }
0x183: {  	s9 =	sor.u32 $0x20, s10;
	v13 =	vld [tilespmem:$0x3A90];
	vm9 =	vge.f32 v12, $0.0e+00;
	(erf) = vpow2.f32 v10;
	v10 =	vmul.f32 $1.442695020e+00, v15  }
0x184: {  	v12 =	vsel vm9, v12, v16;
	[tilespmem:$0x3E80] =	vst v11;
	v11 =	vmov s9  }
0x185: {  	v57 =	vpop (erf);
	(erf) = vpow2.f32 v10;
	v10 =	vmul.f32 $1.442695020e+00, v12;
	vm10 =	vlt.s32 v11, v9;
	v11 =	vld [tilespmem:$0x3AB0]  }
0x186: {  	s3 =	sor.u32 $0x10, s10  }
0x187: {  	v54 =	vmov s3;
	s3 =	sor.u32 $0x30, s10;
	[tilespmem:$0x3EA0] =	vst v14;
	v12 =	vpop (erf)  }
0x188: {  	s9 =	sor.u32 $0x40, s10;
	[tilespmem:$0x3E90] =	vst v13;
	v13 =	vmov s3;
	v12 =	vnsel vm10, $0x0, v12  }
0x189: {  	(erf) = vpow2.f32 v10;
	vm11 =	vlt.s32 v13, v9;
	v13 =	vmov s9;
	[tilespmem:$0x3DA0] =	vst v12;
	v12 =	vld [tilespmem:$0x3AC0];
	v10 =	vpop (erf)  }
0x18a: {  	vm12 =	vlt.s32 v13, v9;
	v10 =	vnsel vm11, $0x0, v10;
	v14 =	vpop (erf);
	[tilespmem:$0x3EB0] =	vst v11  }
0x18b: {  	s3 =	sor.u32 $0x50, s10;
	[tilespmem:$0x3DB0] =	vst v10;
	v10 =	vld [tilespmem:$0x3AD0];
	v11 =	vnsel vm12, $0x0, v14  }
0x18c: {  	v13 =	vmov s3;
	[tilespmem:$0x3DC0] =	vst v11;
	v11 =	vld [tilespmem:$0x3AE0]  }
0x18d: {  	s9 =	sor.u32 $0x60, s10;
	vm13 =	vlt.s32 v13, v9;
	v14 =	vpop (erf)  }
0x18e: {  	s10 =	sor.u32 $0x70, s10;
	v13 =	vmov s9;
	[tilespmem:$0x3EC0] =	vst v12;
	v12 =	vnsel vm13, $0x0, v14  }
0x18f: {  	s3 =	simm.s32 $0x0;
	vm14 =	vlt.s32 v13, v9;
	v13 =	vmov s10;
	[tilespmem:$0x3DD0] =	vst v12  }
0x190: {  	vm15 =	vlt.s32 v13, v9;
	v13 =	vmov s3;
	v14 =	vpop (erf);
	v12 =	vld [tilespmem:$0x3AF0];
	[tilespmem:$0x3ED0] =	vst v10  }
0x191: {  	vm8 =	vlt.s32 v54, v9;
	v10 =	vnsel vm14, $0x0, v14;
	[tilespmem:$0x3EE0] =	vst v11;
	v11 =	vand.u32 $0xFFFFFFFE, v13  }
0x192: {  	v15 =	vnsel vm8, $0x0, v57;
	v11 =	vbroadcast v11, $0x0  }
0x193: {  	[tilespmem:$0x3D90] =	vst v15  }
0x194: {  	[tilespmem:$0x3DE0] =	vst v10;
	v10 =	vpop (erf)  }
0x195: {  	[tilespmem:$0x3EF0] =	vst v12;
	v10 =	vnsel vm15, $0x0, v10  }
0x196: {  	s10 =	simm.s32 $0x4000;
	[tilespmem:$0x3DF0] =	vst v10  }
0x197: {  	v14 =	vld [tilespmem:s10+$0xFFFFFFF0]  }
0x198: {  	v15 =	vld.idx.msk [tilespmem:v11+s28+$0x0], $0xffff  }
0x199: {  	v58 =	vld [tilespmem:s10+$0xFFFFFF80]  }
0x19a: {  	v59 =	vld [tilespmem:s10+$0xFFFFFFA0]  }
0x19b: {  	v13 =	vld [tilespmem:s10+$0xFFFFFFB0]  }
0x19c: {  	v12 =	vld [tilespmem:s10+$0xFFFFFFD0]  }
0x19d: {  	v61 =	vld [tilespmem:s10+$0xFFFFFF90];
	v14 =	vmul.f32 v14, v15  }
0x19e: {  	v60 =	vld [tilespmem:s10+$0xFFFFFFE0];
	v16 =	vmul.f32 v58, v15  }
0x19f: {  	v62 =	vld [tilespmem:s10+$0xFFFFFFC0];
	v17 =	vmul.f32 v59, v15;
	[tilespmem:s10+$0xFFFFFFF0] =	vst v14  }
0x1a0: {  	v13 =	vmul.f32 v13, v15;
	[tilespmem:s10+$0xFFFFFF80] =	vst v16  }
0x1a1: {  	s9 =	simm.s32 $0x1;
	v12 =	vmul.f32 v12, v15;
	[tilespmem:s10+$0xFFFFFFA0] =	vst v17  }
0x1a2: {  	v63 =	vmov s9;
	v14 =	vmul.f32 v61, v15;
	[tilespmem:s10+$0xFFFFFFB0] =	vst v13  }
0x1a3: {  	v10 =	vld [tilespmem:s10+$0x0];
	v13 =	vmul.f32 v60, v15;
	[tilespmem:s10+$0xFFFFFFD0] =	vst v12  }
0x1a4: {  	v11 =	vld [tilespmem:s10+$0x10];
	v12 =	vmul.f32 v62, v15;
	[tilespmem:s10+$0xFFFFFF90] =	vst v14  }
0x1a5: {  	[tilespmem:s10+$0xFFFFFFE0] =	vst v13;
	v14 =	vld [tilespmem:s10+$0x30]  }
0x1a6: {  	[tilespmem:s10+$0xFFFFFFC0] =	vst v12;
	v13 =	vld [tilespmem:s10+$0x70]  }
0x1a7: {  	s9 =	simm.s32 $0x4000;
	s3 =	simm.s32 $0x2;
	v12 =	vld.idx.msk [tilespmem:v63+s28+$0x0], $0xffff  }
.LBB2_7:
0x1a8: {  	p0 =	sne.s32 s3, $0x7E  }
0x1a9: {  	v15 =	vld [tilespmem:s10+$0x20];
	s9 =	sadd.s32 $0x100, s9;
	s0 =	smov.u32 s3;
	s3 =	sadd.s32 $0x2, s3  }
0x1aa: {  	v16 =	vld [tilespmem:s10+$0x40]  }
0x1ab: {  	v17 =	vld [tilespmem:s10+$0x50]  }
0x1ac: {  	v18 =	vld [tilespmem:s10+$0x60];
	_ =	sdelay $0x1  }
0x1ad: {  	v10 =	vmul.f32 v10, v12;
	v11 =	vmul.f32 v11, v12  }
0x1ae: {  	v14 =	vmul.f32 v14, v12;
	v15 =	vmul.f32 v15, v12  }
0x1af: {  	v19 =	vmov s0;
	v16 =	vmul.f32 v16, v12;
	[tilespmem:s10+$0x0] =	vst v10;
	v17 =	vmul.f32 v17, v12  }
0x1b0: {  	v19 =	vand.u32 $0xFFFFFFFE, v19;
	v10 =	vld [tilespmem:s9+$0x0];
	[tilespmem:s10+$0x30] =	vst v14;
	v14 =	vmul.f32 v18, v12;
	v12 =	vmul.f32 v13, v12  }
0x1b1: {  	v13 =	vbroadcast v19, $0x0;
	[tilespmem:s10+$0x10] =	vst v11  }
0x1b2: {  	[tilespmem:s10+$0x70] =	vst v12  }
0x1b3: {  	v12 =	vld [tilespmem:s9+$0xFFFFFFD0];
	[tilespmem:s10+$0x20] =	vst v15  }
0x1b4: {  	v15 =	vld [tilespmem:s9+$0xFFFFFFB0];
	[tilespmem:s10+$0x60] =	vst v14  }
0x1b5: {  	v14 =	vld [tilespmem:s9+$0xFFFFFFE0];
	[tilespmem:s10+$0x40] =	vst v16  }
0x1b6: {  	v16 =	vld [tilespmem:s9+$0xFFFFFFF0];
	[tilespmem:s10+$0x50] =	vst v17;
	s10 =	smov.u32 s9  }
0x1b7: {  	v13 =	vld.idx.msk [tilespmem:v13+s28+$0x0], $0xffff  }
0x1b8: {  	v17 =	vld [tilespmem:s9+$0xFFFFFF80]  }
0x1b9: {  	v18 =	vld [tilespmem:s9+$0xFFFFFFA0]  }
0x1ba: {  	v19 =	vld [tilespmem:s9+$0xFFFFFF90]  }
0x1bb: {  	v20 =	vld [tilespmem:s9+$0xFFFFFFC0]  }
0x1bc: {  	v11 =	vld [tilespmem:s9+$0x10]  }
0x1bd: {  	v16 =	vmul.f32 v16, v13;
	v17 =	vmul.f32 v17, v13  }
0x1be: {  	v14 =	vmul.f32 v14, v13;
	v18 =	vmul.f32 v18, v13  }
0x1bf: {  	v15 =	vmul.f32 v15, v13;
	v19 =	vmul.f32 v19, v13;
	[tilespmem:s9+$0xFFFFFFF0] =	vst v16  }
0x1c0: {  	v12 =	vmul.f32 v12, v13;
	[tilespmem:s9+$0xFFFFFF80] =	vst v17;
	v16 =	vmul.f32 v20, v13  }
0x1c1: {  	s0 =	sadd.s32 $0x1, s0;
	[tilespmem:s9+$0xFFFFFFA0] =	vst v18  }
0x1c2: {  	[tilespmem:s9+$0xFFFFFFB0] =	vst v15;
	v15 =	vmov s0  }
.Ltmp2:
0x1c3: {  	[tilespmem:s9+$0xFFFFFFD0] =	vst v12;
	(pc) =	sbr.rel @p0 .LBB2_7-.Ltmp2, $4  }
0x1c4: {  	[tilespmem:s9+$0xFFFFFF90] =	vst v19  }
0x1c5: {  	[tilespmem:s9+$0xFFFFFFE0] =	vst v14;
	v14 =	vld [tilespmem:s9+$0x30]  }
0x1c6: {  	[tilespmem:s9+$0xFFFFFFC0] =	vst v16;
	v13 =	vld [tilespmem:s9+$0x70]  }
0x1c7: {  	v12 =	vld.idx.msk [tilespmem:v15+s28+$0x0], $0xffff  }
0x1c8: {  	_ =	sdelay $0x1  }
0x1c9: {  	v15 =	vld [tilespmem:s10+$0x20]  }
0x1ca: {  	v18 =	vld [tilespmem:s10+$0x50]  }
0x1cb: {  	v10 =	vmul.f32 v10, v12  }
0x1cc: {  	v16 =	vld [tilespmem:s10+$0x60];
	v14 =	vmul.f32 v14, v12  }
0x1cd: {  	v17 =	vld [tilespmem:s10+$0x40];
	v11 =	vmul.f32 v11, v12;
	[tilespmem:s10+$0x0] =	vst v10  }
0x1ce: {  	v62 =	vmul.f32 v15, v12;
	[tilespmem:s10+$0x30] =	vst v14  }
0x1cf: {  	v63 =	vmul.f32 v18, v12;
	[tilespmem:s10+$0x10] =	vst v11  }
0x1d0: {  	v10 =	vmul.f32 v13, v12;
	[tilespmem:s10+$0x20] =	vst v62  }
0x1d1: {  	s16 =	sor.u32 $0x1, s16;
	v11 =	vmul.f32 v16, v12;
	[tilespmem:s10+$0x50] =	vst v63  }
0x1d2: {  	p0 =	sge.u32 s16, s21;
	[tilespmem:s10+$0x70] =	vst v10;
	v10 =	vmul.f32 v17, v12  }
.Ltmp3:
0x1d3: {  	[tilespmem:s10+$0x60] =	vst v11;
	(pc) =	sbr.rel @p0 .LBB2_10-.Ltmp3, $4  }
0x1d4: {  	s0 =	rddreg [dreg:$0x1];
	s3 =	simm.s32 $0x3F80;
	[tilespmem:s10+$0x40] =	vst v10;
	s10 =	sshll.u32 s16, $0x7  }
0x1d5: {  	[spmem:s0] =	stream.indirect.scatter.add.f32 [tilespmem:s3], [sflag:$0x6], $0x80, s29, s13, $0xb8;
	[tilespmem:$0x1FE00] =	vst v63  }
0x1d6: {  	s10 =	sadd.s32 s14, s10  }
0x1d7: {  	[spmem:s6] =	stream.indirect.scatter.add.f32 [tilespmem:s28], [sflag:$0x8], $0x1, s29, s13, $0xb8;
	[tilespmem:$0x1FE00] =	vst v63  }
0x1d8: {  	_ =	swait.ge [sflag:s24], $0x100  }
0x1d9: {  	[sflag:s24] =	ssyncset.done $0x0  }
0x1da: {  	[sflag:s24] =	ssyncadd.s32 $0xFFFFFF00  }
0x1db: {  	_ =	swait.ge [sflag:s24], $0x800  }
0x1dc: {  	[sflag:s24] =	ssyncset.done $0x0  }
0x1dd: {  	[sflag:s24] =	ssyncadd.s32 $0xFFFFF800  }
0x1de: {  	v10 =	vld [tilespmem:$0x2800];
	_ =	sdelay $0x7  }
0x1df: {  	v11 =	vld.idx.msk [tilespmem:v10+s4+$0x0], $0xffff;
	_ =	sdelay $0x4  }
0x1e0: {  	v12 =	vand.u32 $0x3, v11  }
0x1e1: {  	v13 =	vshll.u32 v12, $0x3  }
0x1e2: {  	v13 =	vor.u32 v1, v13;
	_ =	sdelay $0x2  }
0x1e3: {  	v14 =	vld [tilespmem:$0x2780]  }
0x1e4: {  	v15 =	vld [tilespmem:$0x2810]  }
0x1e5: {  	v13 =	vld.idx.msk [tilespmem:v13+s12+$0x0], $0xffff;
	_ =	sdelay $0x1  }
0x1e6: {  	v12 =	vmul.u32 $0x2710, v12;
	_ =	sdelay $0x1  }
0x1e7: {  	v11 =	vand.u32 $0xFFFFFFFC, v11;
	v12 =	vadd.s32 v14, v12  }
0x1e8: {  	[tilespmem:$0x3980] =	vst v12;
	v11 =	vadd.f32 v11, v13  }
0x1e9: {  	[tilespmem:$0x3A80] =	vst v10  }
0x1ea: {  	[tilespmem:$0x3B80] =	vst v11  }
0x1eb: {  	v10 =	vld.idx.msk [tilespmem:v15+s4+$0x0], $0xffff;
	_ =	sdelay $0x4  }
0x1ec: {  	v11 =	vand.u32 $0x3, v10  }
0x1ed: {  	v44 =	vshll.u32 v11, $0x3  }
0x1ee: {  	v12 =	vor.u32 v2, v44;
	_ =	sdelay $0x2  }
0x1ef: {  	v45 =	vld [tilespmem:$0x2790]  }
0x1f0: {  	v46 =	vld [tilespmem:$0x2820]  }
0x1f1: {  	v12 =	vld.idx.msk [tilespmem:v12+s12+$0x0], $0xffff;
	_ =	sdelay $0x1  }
0x1f2: {  	v11 =	vmul.u32 $0x2710, v11;
	_ =	sdelay $0x1  }
0x1f3: {  	v10 =	vand.u32 $0xFFFFFFFC, v10;
	v11 =	vadd.s32 v45, v11  }
0x1f4: {  	[tilespmem:$0x3990] =	vst v11;
	v10 =	vadd.f32 v10, v12  }
0x1f5: {  	[tilespmem:$0x3A90] =	vst v15  }
0x1f6: {  	[tilespmem:$0x3B90] =	vst v10  }
0x1f7: {  	v10 =	vld.idx.msk [tilespmem:v46+s4+$0x0], $0xffff;
	_ =	sdelay $0x4  }
0x1f8: {  	v11 =	vand.u32 $0x3, v10  }
0x1f9: {  	v47 =	vshll.u32 v11, $0x3  }
0x1fa: {  	v12 =	vor.u32 v3, v47;
	_ =	sdelay $0x2  }
0x1fb: {  	v48 =	vld [tilespmem:$0x27A0]  }
0x1fc: {  	v49 =	vld [tilespmem:$0x2830]  }
0x1fd: {  	v12 =	vld.idx.msk [tilespmem:v12+s12+$0x0], $0xffff;
	_ =	sdelay $0x1  }
0x1fe: {  	v11 =	vmul.u32 $0x2710, v11;
	_ =	sdelay $0x1  }
0x1ff: {  	v10 =	vand.u32 $0xFFFFFFFC, v10;
	v11 =	vadd.s32 v48, v11  }
0x200: {  	[tilespmem:$0x39A0] =	vst v11;
	v10 =	vadd.f32 v10, v12  }
0x201: {  	[tilespmem:$0x3AA0] =	vst v46  }
0x202: {  	[tilespmem:$0x3BA0] =	vst v10  }
0x203: {  	v10 =	vld.idx.msk [tilespmem:v49+s4+$0x0], $0xffff;
	_ =	sdelay $0x4  }
0x204: {  	v11 =	vand.u32 $0x3, v10  }
0x205: {  	v50 =	vshll.u32 v11, $0x3  }
0x206: {  	v12 =	vor.u32 v4, v50;
	_ =	sdelay $0x2  }
0x207: {  	v51 =	vld [tilespmem:$0x27B0]  }
0x208: {  	v52 =	vld [tilespmem:$0x2840]  }
0x209: {  	v12 =	vld.idx.msk [tilespmem:v12+s12+$0x0], $0xffff;
	_ =	sdelay $0x1  }
0x20a: {  	v11 =	vmul.u32 $0x2710, v11;
	_ =	sdelay $0x1  }
0x20b: {  	v10 =	vand.u32 $0xFFFFFFFC, v10;
	v11 =	vadd.s32 v51, v11  }
0x20c: {  	[tilespmem:$0x39B0] =	vst v11;
	v10 =	vadd.f32 v10, v12  }
0x20d: {  	[tilespmem:$0x3AB0] =	vst v49  }
0x20e: {  	[tilespmem:$0x3BB0] =	vst v10  }
0x20f: {  	v10 =	vld.idx.msk [tilespmem:v52+s4+$0x0], $0xffff;
	_ =	sdelay $0x4  }
0x210: {  	v11 =	vand.u32 $0x3, v10  }
0x211: {  	v53 =	vshll.u32 v11, $0x3  }
0x212: {  	v12 =	vor.u32 v5, v53;
	_ =	sdelay $0x2  }
0x213: {  	v54 =	vld [tilespmem:$0x27C0]  }
0x214: {  	v55 =	vld [tilespmem:$0x2850]  }
0x215: {  	v12 =	vld.idx.msk [tilespmem:v12+s12+$0x0], $0xffff;
	_ =	sdelay $0x1  }
0x216: {  	v11 =	vmul.u32 $0x2710, v11;
	_ =	sdelay $0x1  }
0x217: {  	v10 =	vand.u32 $0xFFFFFFFC, v10;
	v11 =	vadd.s32 v54, v11  }
0x218: {  	[tilespmem:$0x39C0] =	vst v11;
	v10 =	vadd.f32 v10, v12  }
0x219: {  	[tilespmem:$0x3AC0] =	vst v52  }
0x21a: {  	[tilespmem:$0x3BC0] =	vst v10  }
0x21b: {  	v10 =	vld.idx.msk [tilespmem:v55+s4+$0x0], $0xffff;
	_ =	sdelay $0x4  }
0x21c: {  	v11 =	vand.u32 $0x3, v10  }
0x21d: {  	v56 =	vshll.u32 v11, $0x3  }
0x21e: {  	v12 =	vor.u32 v6, v56;
	_ =	sdelay $0x2  }
0x21f: {  	v57 =	vld [tilespmem:$0x27D0]  }
0x220: {  	v58 =	vld [tilespmem:$0x2860]  }
0x221: {  	v12 =	vld.idx.msk [tilespmem:v12+s12+$0x0], $0xffff;
	_ =	sdelay $0x1  }
0x222: {  	v11 =	vmul.u32 $0x2710, v11;
	_ =	sdelay $0x1  }
0x223: {  	v10 =	vand.u32 $0xFFFFFFFC, v10;
	v11 =	vadd.s32 v57, v11  }
0x224: {  	[tilespmem:$0x39D0] =	vst v11;
	v10 =	vadd.f32 v10, v12  }
0x225: {  	[tilespmem:$0x3AD0] =	vst v55  }
0x226: {  	[tilespmem:$0x3BD0] =	vst v10  }
0x227: {  	v10 =	vld.idx.msk [tilespmem:v58+s4+$0x0], $0xffff;
	_ =	sdelay $0x4  }
0x228: {  	v11 =	vand.u32 $0x3, v10  }
0x229: {  	v59 =	vshll.u32 v11, $0x3  }
0x22a: {  	v12 =	vor.u32 v7, v59;
	_ =	sdelay $0x2  }
0x22b: {  	v60 =	vld [tilespmem:$0x27E0]  }
0x22c: {  	v61 =	vld [tilespmem:$0x2870]  }
0x22d: {  	v12 =	vld.idx.msk [tilespmem:v12+s12+$0x0], $0xffff;
	_ =	sdelay $0x1  }
0x22e: {  	v11 =	vmul.u32 $0x2710, v11;
	_ =	sdelay $0x1  }
0x22f: {  	v10 =	vand.u32 $0xFFFFFFFC, v10;
	v11 =	vadd.s32 v60, v11  }
0x230: {  	[tilespmem:$0x39E0] =	vst v11;
	v10 =	vadd.f32 v10, v12  }
0x231: {  	[tilespmem:$0x3AE0] =	vst v58  }
0x232: {  	[tilespmem:$0x3BE0] =	vst v10  }
0x233: {  	v10 =	vld.idx.msk [tilespmem:v61+s4+$0x0], $0xffff;
	_ =	sdelay $0x4  }
0x234: {  	v11 =	vand.u32 $0x3, v10  }
0x235: {  	v62 =	vshll.u32 v11, $0x3  }
0x236: {  	v12 =	vor.u32 v8, v62;
	_ =	sdelay $0x3  }
0x237: {  	v63 =	vld [tilespmem:$0x27F0]  }
0x238: {  	v12 =	vld.idx.msk [tilespmem:v12+s12+$0x0], $0xffff;
	_ =	sdelay $0x1  }
0x239: {  	v11 =	vmul.u32 $0x2710, v11  }
0x23a: {  	p1 =	sge.u32 s16, s22  }
0x23b: {  	s0 =	sshrl.u32 @!p1 s10, $0x2;
	v10 =	vand.u32 $0xFFFFFFFC, v10;
	v11 =	vadd.s32 v63, v11  }
0x23c: {  	s0 =	sand.u32 @!p1 $0x1FFFFFFF, s0;
	[tilespmem:$0x39F0] =	vst v11;
	v10 =	vadd.f32 v10, v12  }
0x23d: {  	s0 =	sadd.s32 @!p1 s7, s0;
	[tilespmem:$0x3AF0] =	vst v61  }
0x23e: {  	s3 =	simm.s32 @!p1 $0x0;
	s9 =	simm.s32 @!p1 $0x2880;
	s0 =	sadd.s32 @!p1 $0x40, s0;
	[tilespmem:$0x3BF0] =	vst v10  }
0x23f: {  	[tilespmem:s9], [sflag:$0x1] =	stream.linear.gather @!p1 [hbm4b:s0+s3], $0x100, $0x38;
	[tilespmem:$0x1FE00] =	vst v63  }
0x240: {  	s0 =	sshll.u32 @!p1 s16, $0xB  }
0x241: {  	s0 =	sadd.s32 @!p1 s0, s23  }
0x242: {  	s0 =	sshrl.u32 @!p1 s0, $0x3  }
0x243: {  	s9 =	simm.s32 @!p1 $0x3180;
	s0 =	sadd.s32 @!p1 s2, s0  }
0x244: {  	[tilespmem:s9], [sflag:$0x1] =	stream.linear.gather @!p1 [hbm4b:s0+s3], $0x800, $0x38;
	[tilespmem:$0x1FE00] =	vst v63  }
.LBB2_10:
0x245: {  	_ =	swait.ge [sflag:s15], $0x80  }
0x246: {  	[sflag:s15] =	ssyncset.done $0x0  }
0x247: {  	[sflag:s15] =	ssyncadd.s32 $0xFFFFFF80  }
0x248: {  	_ =	swait.ge [sflag:s30], $0x4000  }
0x249: {  	[sflag:s30] =	ssyncset.done $0x0  }
0x24a: {  	[sflag:s30] =	ssyncadd.s32 $0xFFFFC000  }
0x24b: {  	_ =	swait.ge [sflag:s17], $0x4000  }
0x24c: {  	[sflag:s17] =	ssyncset.done $0x0  }
0x24d: {  	[sflag:s17] =	ssyncadd.s32 $0xFFFFC000  }
0x24e: {  	_ =	swait.ge [sflag:s31], $0x80  }
0x24f: {  	s0 =	simm.s32 @!p0 $0x80;
	[sflag:s31] =	ssyncset.done $0x0  }
0x250: {  	s3 =	simm.s32 @!p0 $0x3980;
	s9 =	simm.s32 @!p0 $0x3F80;
	[sflag:s31] =	ssyncadd.s32 $0xFFFFFF80  }
0x251: {  	[tilespmem:s9], [sflag:$0x2] =	stream.indirect.gather @!p0 [hbm4b:s5+s0], $0x80, s3, s0, $0xb8;
	[tilespmem:$0x1FE00] =	vst v63  }
0x252: {  	s9 =	simm.s32 @!p0 $0x3C80  }
0x253: {  	[tilespmem:s9], [sflag:$0x4] =	stream.indirect.gather @!p0 [hbm4b:s8+s0], $0x1, s3, s0, $0xb8;
	[tilespmem:$0x1FE00] =	vst v63  }
0x254: {  	v10 =	vld [tilespmem:$0x3C00]  }
0x255: {  	v11 =	vld [tilespmem:$0x3D00];
	_ =	sdelay $0x4  }
0x256: {  	v10 =	vadd.f32 v11, v10;
	_ =	sdelay $0x1  }
0x257: {  	v12 =	vld [tilespmem:$0x3C10];
	v11 =	vmul.f32 $2.000000030e-01, v10  }
0x258: {  	v13 =	vld [tilespmem:$0x3C20];
	vm0 =	vge.f32 v10, $0.0e+00  }
0x259: {  	v10 =	vsel vm0, v10, v11;
	v11 =	vld [tilespmem:$0x3D10]  }
0x25a: {  	v14 =	vld [tilespmem:$0x3D20]  }
0x25b: {  	v15 =	vld [tilespmem:$0x3D30];
	v10 =	vmul.f32 $1.442695020e+00, v10  }
0x25c: {  	v17 =	vld [tilespmem:$0x3C50]  }
0x25d: {  	(erf) = vpow2.f32 v10;
	v10 =	vld [tilespmem:$0x3C30]  }
0x25e: {  	v19 =	vld [tilespmem:$0x3C60];
	v11 =	vadd.f32 v11, v12  }
0x25f: {  	v13 =	vadd.f32 v14, v13;
	v14 =	vld [tilespmem:$0x3D40]  }
0x260: {  	v12 =	vld [tilespmem:$0x3C40];
	v16 =	vmul.f32 $2.000000030e-01, v11  }
0x261: {  	v52 =	vld [tilespmem:$0x3D60];
	vm14 =	vge.f32 v11, $0.0e+00  }
0x262: {  	v50 =	vmul.f32 $2.000000030e-01, v13;
	v10 =	vadd.f32 v15, v10;
	v15 =	vld [tilespmem:$0x3D50];
	v11 =	vsel vm14, v11, v16  }
0x263: {  	v18 =	vmov s10;
	vm15 =	vge.f32 v13, $0.0e+00;
	v11 =	vmul.f32 $1.442695020e+00, v11  }
0x264: {  	vm1 =	vlt.s32 v18, v9;
	v13 =	vsel vm15, v13, v50  }
0x265: {  	v53 =	vld [tilespmem:$0x3D70];
	v51 =	vmul.f32 $2.000000030e-01, v10;
	(erf) = vpow2.f32 v11;
	v11 =	vadd.f32 v14, v12  }
0x266: {  	v56 =	vadd.f32 v52, v19;
	v13 =	vmul.f32 $1.442695020e+00, v13;
	vm4 =	vge.f32 v10, $0.0e+00;
	v12 =	vld [tilespmem:$0x3C70]  }
0x267: {  	v10 =	vsel vm4, v10, v51;
	v15 =	vadd.f32 v15, v17;
	v55 =	vmul.f32 $2.000000030e-01, v11  }
0x268: {  	vm7 =	vge.f32 v56, $0.0e+00;
	v10 =	vmul.f32 $1.442695020e+00, v10;
	vm5 =	vge.f32 v11, $0.0e+00  }
0x269: {  	(erf) = vpow2.f32 v13;
	v13 =	vmul.f32 $2.000000030e-01, v15;
	v11 =	vsel vm5, v11, v55  }
0x26a: {  	(erf) = vpow2.f32 v10;
	vm6 =	vge.f32 v15, $0.0e+00;
	v10 =	vmul.f32 $1.442695020e+00, v11;
	v11 =	vld [tilespmem:$0x3B00]  }
0x26b: {  	v20 =	vpop (erf);
	v13 =	vsel vm6, v15, v13;
	v15 =	vmul.f32 $2.000000030e-01, v56;
	v12 =	vadd.f32 v53, v12  }
0x26c: {  	v14 =	vnsel vm1, $0x0, v20;
	(erf) = vpow2.f32 v10;
	v10 =	vmul.f32 $1.442695020e+00, v13  }
0x26d: {  	[tilespmem:$0x3E00] =	vst v14;
	v14 =	vld [tilespmem:$0x3B20];
	v15 =	vsel vm7, v56, v15;
	v16 =	vmul.f32 $2.000000030e-01, v12  }
0x26e: {  	s16 =	sor.u32 $0x20, s10;
	v13 =	vld [tilespmem:$0x3B10];
	vm9 =	vge.f32 v12, $0.0e+00;
	(erf) = vpow2.f32 v10;
	v10 =	vmul.f32 $1.442695020e+00, v15  }
0x26f: {  	v12 =	vsel vm9, v12, v16;
	[tilespmem:$0x3F00] =	vst v11;
	v11 =	vmov s16  }
0x270: {  	v57 =	vpop (erf);
	(erf) = vpow2.f32 v10;
	v10 =	vmul.f32 $1.442695020e+00, v12;
	vm10 =	vlt.s32 v11, v9;
	v11 =	vld [tilespmem:$0x3B30];
	_ =	sdelay $0x1  }
0x271: {  	s9 =	sor.u32 $0x10, s10;
	s3 =	sor.u32 $0x30, s10;
	[tilespmem:$0x3F20] =	vst v14;
	v12 =	vpop (erf)  }
0x272: {  	v54 =	vmov s9;
	s9 =	sor.u32 $0x40, s10;
	[tilespmem:$0x3F10] =	vst v13;
	v13 =	vmov s3;
	v12 =	vnsel vm10, $0x0, v12  }
0x273: {  	(erf) = vpow2.f32 v10;
	vm11 =	vlt.s32 v13, v9;
	v13 =	vmov s9;
	[tilespmem:$0x3E20] =	vst v12;
	v12 =	vld [tilespmem:$0x3B40];
	v10 =	vpop (erf)  }
0x274: {  	vm12 =	vlt.s32 v13, v9;
	v10 =	vnsel vm11, $0x0, v10;
	v14 =	vpop (erf);
	[tilespmem:$0x3F30] =	vst v11  }
0x275: {  	s16 =	sor.u32 $0x50, s10;
	[tilespmem:$0x3E30] =	vst v10;
	v10 =	vld [tilespmem:$0x3B50];
	v11 =	vnsel vm12, $0x0, v14  }
0x276: {  	v13 =	vmov s16;
	[tilespmem:$0x3E40] =	vst v11;
	v11 =	vld [tilespmem:$0x3B60]  }
0x277: {  	s3 =	sor.u32 $0x60, s10;
	vm13 =	vlt.s32 v13, v9;
	v14 =	vpop (erf)  }
0x278: {  	s9 =	sor.u32 $0x70, s10;
	v13 =	vmov s3;
	[tilespmem:$0x3F40] =	vst v12;
	v12 =	vnsel vm13, $0x0, v14  }
0x279: {  	s10 =	simm.s32 $0x0;
	vm14 =	vlt.s32 v13, v9;
	v13 =	vmov s9;
	[tilespmem:$0x3E50] =	vst v12  }
0x27a: {  	vm15 =	vlt.s32 v13, v9;
	v13 =	vmov s10;
	v14 =	vpop (erf);
	v12 =	vld [tilespmem:$0x3B70];
	[tilespmem:$0x3F50] =	vst v10  }
0x27b: {  	vm8 =	vlt.s32 v54, v9;
	v10 =	vnsel vm14, $0x0, v14;
	[tilespmem:$0x3F60] =	vst v11;
	v11 =	vand.u32 $0xFFFFFFFE, v13  }
0x27c: {  	v15 =	vnsel vm8, $0x0, v57;
	v11 =	vbroadcast v11, $0x0  }
0x27d: {  	[tilespmem:$0x3E10] =	vst v15  }
0x27e: {  	[tilespmem:$0x3E60] =	vst v10;
	v10 =	vpop (erf)  }
0x27f: {  	[tilespmem:$0x3F70] =	vst v12;
	v10 =	vnsel vm15, $0x0, v10  }
0x280: {  	s10 =	simm.s32 $0x8000;
	[tilespmem:$0x3E70] =	vst v10  }
0x281: {  	v14 =	vld [tilespmem:s10+$0xFFFFFFF0]  }
0x282: {  	v15 =	vld.idx.msk [tilespmem:v11+s1+$0x0], $0xffff  }
0x283: {  	v58 =	vld [tilespmem:s10+$0xFFFFFF80]  }
0x284: {  	v59 =	vld [tilespmem:s10+$0xFFFFFFA0]  }
0x285: {  	v13 =	vld [tilespmem:s10+$0xFFFFFFB0]  }
0x286: {  	v12 =	vld [tilespmem:s10+$0xFFFFFFD0]  }
0x287: {  	v61 =	vld [tilespmem:s10+$0xFFFFFF90];
	v14 =	vmul.f32 v14, v15  }
0x288: {  	v60 =	vld [tilespmem:s10+$0xFFFFFFE0];
	v16 =	vmul.f32 v58, v15  }
0x289: {  	v62 =	vld [tilespmem:s10+$0xFFFFFFC0];
	v17 =	vmul.f32 v59, v15;
	[tilespmem:s10+$0xFFFFFFF0] =	vst v14  }
0x28a: {  	v13 =	vmul.f32 v13, v15;
	[tilespmem:s10+$0xFFFFFF80] =	vst v16  }
0x28b: {  	s16 =	simm.s32 $0x1;
	v12 =	vmul.f32 v12, v15;
	[tilespmem:s10+$0xFFFFFFA0] =	vst v17  }
0x28c: {  	v63 =	vmov s16;
	v14 =	vmul.f32 v61, v15;
	[tilespmem:s10+$0xFFFFFFB0] =	vst v13  }
0x28d: {  	v10 =	vld [tilespmem:s10+$0x0];
	v13 =	vmul.f32 v60, v15;
	[tilespmem:s10+$0xFFFFFFD0] =	vst v12  }
0x28e: {  	v11 =	vld [tilespmem:s10+$0x10];
	v12 =	vmul.f32 v62, v15;
	[tilespmem:s10+$0xFFFFFF90] =	vst v14  }
0x28f: {  	[tilespmem:s10+$0xFFFFFFE0] =	vst v13;
	v14 =	vld [tilespmem:s10+$0x30]  }
0x290: {  	[tilespmem:s10+$0xFFFFFFC0] =	vst v12;
	v13 =	vld [tilespmem:s10+$0x70]  }
0x291: {  	s3 =	simm.s32 $0x2;
	s9 =	simm.s32 $0x8000;
	v12 =	vld.idx.msk [tilespmem:v63+s1+$0x0], $0xffff  }
.LBB2_11:
0x292: {  	p0 =	sne.s32 s3, $0x7E  }
0x293: {  	v15 =	vld [tilespmem:s10+$0x20];
	s9 =	sadd.s32 $0x100, s9;
	s0 =	smov.u32 s3;
	s3 =	sadd.s32 $0x2, s3  }
0x294: {  	v16 =	vld [tilespmem:s10+$0x40]  }
0x295: {  	v17 =	vld [tilespmem:s10+$0x50]  }
0x296: {  	v18 =	vld [tilespmem:s10+$0x60];
	_ =	sdelay $0x1  }
0x297: {  	v10 =	vmul.f32 v10, v12;
	v11 =	vmul.f32 v11, v12  }
0x298: {  	v14 =	vmul.f32 v14, v12;
	v15 =	vmul.f32 v15, v12  }
0x299: {  	v19 =	vmov s0;
	v16 =	vmul.f32 v16, v12;
	[tilespmem:s10+$0x0] =	vst v10;
	v17 =	vmul.f32 v17, v12  }
0x29a: {  	v19 =	vand.u32 $0xFFFFFFFE, v19;
	v10 =	vld [tilespmem:s9+$0x0];
	[tilespmem:s10+$0x30] =	vst v14;
	v14 =	vmul.f32 v18, v12;
	v12 =	vmul.f32 v13, v12  }
0x29b: {  	v13 =	vbroadcast v19, $0x0;
	[tilespmem:s10+$0x10] =	vst v11  }
0x29c: {  	[tilespmem:s10+$0x70] =	vst v12  }
0x29d: {  	v12 =	vld [tilespmem:s9+$0xFFFFFFD0];
	[tilespmem:s10+$0x20] =	vst v15  }
0x29e: {  	v15 =	vld [tilespmem:s9+$0xFFFFFFB0];
	[tilespmem:s10+$0x60] =	vst v14  }
0x29f: {  	v14 =	vld [tilespmem:s9+$0xFFFFFFE0];
	[tilespmem:s10+$0x40] =	vst v16  }
0x2a0: {  	v16 =	vld [tilespmem:s9+$0xFFFFFFF0];
	[tilespmem:s10+$0x50] =	vst v17;
	s10 =	smov.u32 s9  }
0x2a1: {  	v13 =	vld.idx.msk [tilespmem:v13+s1+$0x0], $0xffff  }
0x2a2: {  	v17 =	vld [tilespmem:s9+$0xFFFFFF80]  }
0x2a3: {  	v18 =	vld [tilespmem:s9+$0xFFFFFFA0]  }
0x2a4: {  	v19 =	vld [tilespmem:s9+$0xFFFFFF90]  }
0x2a5: {  	v20 =	vld [tilespmem:s9+$0xFFFFFFC0]  }
0x2a6: {  	v11 =	vld [tilespmem:s9+$0x10]  }
0x2a7: {  	v16 =	vmul.f32 v16, v13;
	v17 =	vmul.f32 v17, v13  }
0x2a8: {  	v14 =	vmul.f32 v14, v13;
	v18 =	vmul.f32 v18, v13  }
0x2a9: {  	v15 =	vmul.f32 v15, v13;
	v19 =	vmul.f32 v19, v13;
	[tilespmem:s9+$0xFFFFFFF0] =	vst v16  }
0x2aa: {  	v12 =	vmul.f32 v12, v13;
	[tilespmem:s9+$0xFFFFFF80] =	vst v17;
	v16 =	vmul.f32 v20, v13  }
0x2ab: {  	s0 =	sadd.s32 $0x1, s0;
	[tilespmem:s9+$0xFFFFFFA0] =	vst v18  }
0x2ac: {  	[tilespmem:s9+$0xFFFFFFB0] =	vst v15;
	v15 =	vmov s0  }
.Ltmp4:
0x2ad: {  	[tilespmem:s9+$0xFFFFFFD0] =	vst v12;
	(pc) =	sbr.rel @p0 .LBB2_11-.Ltmp4, $4  }
0x2ae: {  	[tilespmem:s9+$0xFFFFFF90] =	vst v19  }
0x2af: {  	[tilespmem:s9+$0xFFFFFFE0] =	vst v14;
	v14 =	vld [tilespmem:s9+$0x30]  }
0x2b0: {  	[tilespmem:s9+$0xFFFFFFC0] =	vst v16;
	v13 =	vld [tilespmem:s9+$0x70]  }
0x2b1: {  	v12 =	vld.idx.msk [tilespmem:v15+s1+$0x0], $0xffff  }
0x2b2: {  	_ =	sdelay $0x1  }
0x2b3: {  	v15 =	vld [tilespmem:s10+$0x20]  }
0x2b4: {  	v18 =	vld [tilespmem:s10+$0x50]  }
0x2b5: {  	v10 =	vmul.f32 v10, v12  }
0x2b6: {  	v16 =	vld [tilespmem:s10+$0x60];
	v14 =	vmul.f32 v14, v12  }
0x2b7: {  	v17 =	vld [tilespmem:s10+$0x40];
	v11 =	vmul.f32 v11, v12;
	[tilespmem:s10+$0x0] =	vst v10  }
0x2b8: {  	v62 =	vmul.f32 v15, v12;
	[tilespmem:s10+$0x30] =	vst v14  }
0x2b9: {  	v63 =	vmul.f32 v18, v12;
	[tilespmem:s10+$0x10] =	vst v11  }
0x2ba: {  	v10 =	vmul.f32 v13, v12;
	[tilespmem:s10+$0x20] =	vst v62  }
0x2bb: {  	s11 =	sadd.s32 $0x1, s11;
	v11 =	vmul.f32 v16, v12;
	[tilespmem:s10+$0x50] =	vst v63  }
0x2bc: {  	p0 =	sne.s32 s11, s19;
	[tilespmem:s10+$0x70] =	vst v10;
	v10 =	vmul.f32 v17, v12  }
.Ltmp5:
0x2bd: {  	[tilespmem:s10+$0x60] =	vst v11;
	(pc) =	sbr.rel @p0 .LBB2_4-.Ltmp5, $4  }
0x2be: {  	s0 =	rddreg [dreg:$0x1];
	s3 =	simm.s32 $0x7F80;
	[tilespmem:s10+$0x40] =	vst v10  }
0x2bf: {  	[spmem:s0] =	stream.indirect.scatter.add.f32 [tilespmem:s3], [sflag:$0x7], $0x80, s18, s13, $0xb8;
	[tilespmem:$0x1FE00] =	vst v63  }
0x2c0: {  	_ = 	snop  }
0x2c1: {  	[spmem:s6] =	stream.indirect.scatter.add.f32 [tilespmem:s1], [sflag:$0x9], $0x1, s18, s13, $0xb8;
	[tilespmem:$0x1FE00] =	vst v63  }
0x2c2: {  	s0 =	simm.s32 $0x7  }
0x2c3: {  	_ =	swait.ge [sflag:s0], $0x4000  }
0x2c4: {  	[sflag:s0] =	ssyncset.done $0x0  }
0x2c5: {  	s16 =	simm.s32 $0x9;
	[sflag:s0] =	ssyncadd.s32 $0xFFFFC000  }
0x2c6: {  	_ =	swait.ge [sflag:s16], $0x80  }
0x2c7: {  	[sflag:s16] =	ssyncset.done $0x0  }
0x2c8: {  	[sflag:s16] =	ssyncadd.s32 $0xFFFFFF80  }
0x2c9: {  	s3 =	stileid.u32;
	[bflag:$0x0] =	sbarrier.arrive $0xFFFF  }
0x2ca: {  	s10 =	simm.s32 $0xA;
	s0 =	sshll.u32 s3, $0x6;
	s3 =	rddreg [dreg:$0x5]  }
0x2cb: {  	s0 =	sor.u32 $0x1C0A, s0;
	s9 =	rddreg [dreg:$0xe];
	s3 =	sshrl.u32 s3, $0x3  }
0x2cc: {  	[hbm:s9], [sflag:s0] =	dma.local [spmem:s3], $0x2780  }
0x2cd: {  	_ =	swait.ge [sflag:s10], $0x2780  }
0x2ce: {  	[sflag:s10] =	ssyncset.done $0x0;
	s16 =	rddreg [dreg:$0xa]  }
0x2cf: {  	s11 =	rddreg [dreg:$0xd];
	[sflag:s10] =	ssyncadd.s32 $0xFFFFD880;
	s9 =	sshrl.u32 s16, $0x3  }
0x2d0: {  	[hbm:s11], [sflag:s0] =	dma.local [spmem:s9], $0x50  }
0x2d1: {  	_ =	swait.ge [sflag:s10], $0x50  }
0x2d2: {  	s9 =	rddreg [dreg:$0x16]  }
0x2d3: {  	s11 =	rddreg [dreg:$0xf];
	s3 =	sadd.s32 $0x1, s9  }
0x2d4: {  	p0 =	sne.s32 s3, s11  }
.Ltmp6:
0x2d5: {  	_ = 	snop;
	(pc) =	sbr.rel @p0 .LBB2_1-.Ltmp6, $3  }
0x2d6: {  	_ =	sdelay $0x1  }
0x2d7: {  	[sflag:s10] =	ssyncset.done $0x0  }
0x2d8: {  	[sflag:s10] =	ssyncadd.s32 $0xFFFFFFB0  }
0x2d9: {  	_ =	sfence.sel $0x180000  }
0x2da: {  	[bflag:$0x0] =	sbarrier.arrive $0xFFFF  }
0x2db: {  	_ =	strace $0x90000047  }
0x2dc: {  	s0 =	stileid.u32;
	[bflag:$0x2] =	sbarrier.arrive $0xFFFF  }
0x2dd: {  	p0 =	sne.s32 s0, $0x0;
	s0 =	rddreg [dreg:$0x3]  }
0x2de: {  	s0 =	sadd.s32 @!p0 $0x100000, s0  }
0x2df: {  	[sflag:s0] =	ssyncadd.tile.s32 @!p0 $0x1;
	_ =	shalt  }
.Lfunc_end2:
_tile_overlayer_lowered:
.L_overlay_start_2:
0x2e0: {  	(tag) =	ssettag $0x2  }
0x2e1: {  	s0 =	rddreg [dreg:$0x0];
	s2 =	stileid.u32  }
0x2e2: {  	s1 =	rddreg [dreg:$0x1];
	p0 =	sne.s32 s2, $0x0  }
0x2e3: {  	s3 =	rddreg [dreg:$0x2];
	[bflag:$0x3] =	sbarrier.arrive $0xFFFF;
	s2 =	simm.s32 @!p0 $0x1C0A  }
0x2e4: {  	[timem:s3], [sflag:s2] =	dma.local @!p0 [hbm:s0], s1  }
0x2e5: {  	s0 =	simm.s32 @!p0 $0xA  }
0x2e6: {  	_ =	swait.ge @!p0 [sflag:s0], s1  }
0x2e7: {  	s1 =	ssub.s32 @!p0 $0x0, s1;
	[sflag:s0] =	ssyncset.done @!p0 $0x0  }
0x2e8: {  	[sflag:s0] =	ssyncadd.s32 @!p0 s1  }
0x2e9: {  	[bflag:$0x3] =	sbarrier.arrive $0xFFFF  }
0x2ea: {  	_ =	shalt  }

</sc_bundles>
